<compile_context>
chip_gen: v7x
topology: tpu7x:2x2x1
jax: 0.10.2.dev20260603
libtpu: 0.0.44.dev20260713+nightly
codegen_flags: <defaults>
</compile_context>

<pallas_src>
import functools

import jax
import jax.numpy as jnp
from jax import lax
from jax.experimental import pallas as pl
from jax.experimental.pallas import tpu as pltpu
from jax.experimental.pallas import tpu_sc as plsc

P = 100000
B = 4096
T = 200
C = 32

NC = 2
NS = 16
NW = NC * NS
BPW = B // NW
TC_ = 10
NCHUNK = T // TC_
TILE_W = C * BPW

_mesh = plsc.VectorSubcoreMesh(core_axis_name="c", subcore_axis_name="s")


@functools.partial(
    pl.kernel,
    mesh=_mesh,
    out_type=[
        jax.ShapeDtypeStruct((T, B * C), jnp.float32),
        jax.ShapeDtypeStruct((TILE_W,), jnp.float32),
    ],
    scratch_types=[
        pltpu.VMEM((BPW,), jnp.int32),
        pltpu.VMEM((16,), jnp.int32),
        pltpu.SMEM((BPW,), jnp.int32),
        [pltpu.VMEM((BPW * TC_ * C,), jnp.float32) for _ in range(2)],
        [pltpu.VMEM((TILE_W,), jnp.float32) for _ in range(2)],
        [pltpu.SemaphoreType.DMA for _ in range(2)],
        [pltpu.SemaphoreType.DMA for _ in range(2)],
    ],
    compiler_params=pltpu.CompilerParams(
        needs_layout_passes=False, use_tc_tiling_on_sc=False
    ),
)
def _sc_gather(idx_hbm, shift_hbm, data_hbm, out_hbm, dummy_hbm,
               idx_v, shift_v, idx_s, stages, tiles, rsems, wsems):
    wid = lax.axis_index("s") * NC + lax.axis_index("c")
    base_b = wid * BPW

    pltpu.sync_copy(idx_hbm.at[pl.ds(base_b, BPW)], idx_v)
    pltpu.sync_copy(shift_hbm, shift_v)
    shift_vec = shift_v[...]

    for g in range(BPW // 16):
        v = idx_v[pl.ds(g * 16, 16)] + shift_vec
        v = jnp.where(v >= P, v - P, v)
        v = jnp.where(v < 0, v + P, v)
        for k in range(16):
            idx_s[g * 16 + k] = v[k]

    iota = lax.iota(jnp.int32, 16)
    rbase = [((iota + d) % 16) * (TC_ * C) + iota for d in range(16)]
    wbase = [iota * BPW + (iota + d) % 16 for d in range(16)]

    def fire_reads(g, sb):
        t0 = jnp.minimum(g, NCHUNK - 1) * TC_

        def one(l, carry):
            start = (idx_s[l] + t0) * C
            pltpu.async_copy(
                data_hbm.at[pl.ds(start, TC_ * C)],
                stages[sb].at[pl.ds(l * TC_ * C, TC_ * C)],
                rsems[sb],
            )
            return carry

        lax.fori_loop(0, BPW, one, 0)

    def wait_reads(sb):
        pltpu.make_async_copy(
            data_hbm.at[pl.ds(0, BPW * TC_ * C)], stages[sb], rsems[sb]
        ).wait()

    def wait_tile(tb):
        pltpu.make_async_copy(dummy_hbm, tiles[tb], wsems[tb]).wait()

    def fire_writes(t, tb):
        for ct in range(4):
            pltpu.async_copy(
                tiles[tb].at[pl.ds(ct * 8 * BPW, 8 * BPW)],
                out_hbm.at[t, pl.ds((ct * NW + wid) * 8 * BPW, 8 * BPW)],
                wsems[tb],
            )

    def transpose_t(stage, tile, trel):
        def per_lb(lb, carry):
            groups = []
            for cb in range(2):
                rs = lb * 16 * TC_ * C + trel * C + cb * 16
                ws = cb * 16 * BPW + lb * 16
                for h in range(2):
                    groups.append((rs, ws, h * 8))
            rs0, ws0, d00 = groups[0]
            prev = [
                plsc.load_gather(stage, [rbase[d00 + k] + rs0])
                for k in range(8)
            ]
            prev_ws, prev_d0 = ws0, d00
            for rs, ws, d0 in groups[1:]:
                cur = []
                for k in range(8):
                    cur.append(
                        plsc.load_gather(stage, [rbase[d0 + k] + rs])
                    )
                    plsc.store_scatter(
                        tile, [wbase[prev_d0 + k] + prev_ws], prev[k]
                    )
                prev, prev_ws, prev_d0 = cur, ws, d0
            for k in range(8):
                plsc.store_scatter(
                    tile, [wbase[prev_d0 + k] + prev_ws], prev[k]
                )
            return carry

        lax.fori_loop(0, BPW // 16, per_lb, 0)

    pltpu.async_copy(tiles[0], dummy_hbm, wsems[0])
    pltpu.async_copy(tiles[1], dummy_hbm, wsems[1])

    fire_reads(0, 0)
    fire_reads(1, 1)

    def chunk_pair(gp, carry):
        for sb in range(2):
            g = 2 * gp + sb
            wait_reads(sb)

            def tpair(j, carry2):
                for tb in range(2):
                    trel = 2 * j + tb
                    wait_tile(tb)
                    transpose_t(stages[sb], tiles[tb], trel)
                    fire_writes(g * TC_ + trel, tb)
                return carry2

            lax.fori_loop(0, TC_ // 2, tpair, 0)
            fire_reads(g + 2, sb)
        return carry

    lax.fori_loop(0, NCHUNK // 2, chunk_pair, 0)

    wait_reads(0)
    wait_reads(1)
    wait_tile(0)
    wait_tile(1)


def kernel(index, length, data):
    shift = jnp.broadcast_to(
        (jnp.asarray(length, jnp.int32) - T).reshape(()), (16,)
    ).astype(jnp.int32)
    data_wide = data.reshape(P * C // 128, 128)
    wrap_wide = data[:T].reshape(T * C // 128, 128)
    data_ext = jnp.concatenate([data_wide, wrap_wide]).reshape(-1)
    out, _ = _sc_gather(index.astype(jnp.int32), shift, data_ext)
    out5 = out.reshape(T, 4, NW, 8, BPW)
    return jnp.transpose(out5, (2, 4, 0, 1, 3)).reshape(B, T, C)

# --- scband reference (transcript-rebuilt; emitter-appended) ---
"""Pipeline reference for scband-recurrent-pattern-1039382086438 (READ-ONLY COPY).

The authoritative reference and input builder live on the scoring server;
editing this copy changes nothing except your own understanding.
"""

import jax, jax.numpy as jnp
import numpy as np

PATTERN_LEN = 100000
CHANNEL_SIZE = 32
BATCH = 4096
LENGTH = 200

def setup_inputs(seed: int = 0) -> dict:
    key = jax.random.key(seed)
    k_idx, k_data = jax.random.split(key)
    index = jax.random.randint(k_idx, (BATCH,), 0, PATTERN_LEN, dtype=jnp.int64 if jax.config.jax_enable_x64 else jnp.int32)
    data = jax.random.normal(k_data, (PATTERN_LEN, CHANNEL_SIZE), dtype=jnp.float32)
    return {"index": index, "length": LENGTH, "data": data}

def reference(index, length, data):
    # gather_index = (index[:, None] + arange(length)) % pattern_len
    offsets = jnp.arange(LENGTH, dtype=index.dtype) + (jnp.asarray(length, dtype=index.dtype) - LENGTH)
    gather_index = (index.reshape(-1, 1) + offsets.reshape(1, -1)) % PATTERN_LEN
    # embedding-style gather: data[gather_index] -> [B, length, channel_size]
    return jnp.take(data, gather_index, axis=0)

if __name__ == "__main__":
    import jax
    _d = setup_inputs()
    print(jax.jit(kernel)(*tuple(_d.values())))

</pallas_src>

<mosaic_0001>
#map = affine_map<(d0, d1) -> (0)>
#map1 = affine_map<(d0, d1) -> (0, 0)>
module attributes {stable_mosaic.version = 14 : i64} {
  func.func @_sc_gather(%arg0: i32, %arg1: i32, %arg2: memref<4096xi32, #tpu.memory_space<hbm>>, %arg3: memref<16xi32, #tpu.memory_space<hbm>>, %arg4: memref<3206400xf32, #tpu.memory_space<hbm>>, %arg5: memref<200x131072xf32, #tpu.memory_space<hbm>>, %arg6: memref<4096xf32, #tpu.memory_space<hbm>>, %arg7: memref<128xi32, #tpu.memory_space<vmem>>, %arg8: memref<16xi32, #tpu.memory_space<vmem>>, %arg9: memref<128xi32, #tpu.memory_space<smem>>, %arg10: memref<40960xf32, #tpu.memory_space<vmem>>, %arg11: memref<40960xf32, #tpu.memory_space<vmem>>, %arg12: memref<4096xf32, #tpu.memory_space<vmem>>, %arg13: memref<4096xf32, #tpu.memory_space<vmem>>, %arg14: memref<!tpu.dma_semaphore, #tpu.memory_space<semaphore_mem>>, %arg15: memref<!tpu.dma_semaphore, #tpu.memory_space<semaphore_mem>>, %arg16: memref<!tpu.dma_semaphore, #tpu.memory_space<semaphore_mem>>, %arg17: memref<!tpu.dma_semaphore, #tpu.memory_space<semaphore_mem>>) attributes {dimension_semantics = [#tpu.dimension_semantics<core_parallel>, #tpu.dimension_semantics<subcore_parallel>], iteration_bounds = array<i64: 2, 16>, scalar_prefetch = 0 : i64, scratch_operands = 11 : i64, tpu.core_type = #tpu.core_type<sc_vector_subcore>, window_params = [{transform_indices = #map}, {transform_indices = #map}, {transform_indices = #map}, {transform_indices = #map1}, {transform_indices = #map}]} {
    %mul3A = arith.constant 2 : i32
    %mul3A_0 = arith.muli %arg1, %mul3A : i32
    %add3A = arith.addi %mul3A_0, %arg0 : i32
    %mul3A_1 = arith.constant 128 : i32
    %mul3A_2 = arith.muli %add3A, %mul3A_1 : i32
    "tpu.region"() ({
      %run_scoped3A = tpu.sem_alloc : memref<!tpu.dma_semaphore, #tpu.memory_space<semaphore_mem>>
      %dma_start3A = tpu.memref_slice %arg2[%mul3A_2] : memref<4096xi32, #tpu.memory_space<hbm>> -> memref<128xi32, #tpu.memory_space<hbm>>
      %dma_start3A_1729 = tpu.memref_slice %arg2[%mul3A_2] : memref<4096xi32, #tpu.memory_space<hbm>> -> memref<128xi32, #tpu.memory_space<hbm>>
      tpu.enqueue_dma source(%dma_start3A_1729 : memref<128xi32, #tpu.memory_space<hbm>>) target(%arg7 : memref<128xi32, #tpu.memory_space<vmem>>) target_semaphore(%run_scoped3A : memref<!tpu.dma_semaphore, #tpu.memory_space<semaphore_mem>>)
      %dma_wait3A_1730 = tpu.memref_slice %arg2[%mul3A_2] : memref<4096xi32, #tpu.memory_space<hbm>> -> memref<128xi32, #tpu.memory_space<hbm>>
      %dma_wait3A_1731 = tpu.memref_slice %arg2[%mul3A_2] : memref<4096xi32, #tpu.memory_space<hbm>> -> memref<128xi32, #tpu.memory_space<hbm>>
      tpu.wait_dma2 semaphore(%run_scoped3A : memref<!tpu.dma_semaphore, #tpu.memory_space<semaphore_mem>>) src(%dma_wait3A_1731 : memref<128xi32, #tpu.memory_space<hbm>>) dst(%arg7 : memref<128xi32, #tpu.memory_space<vmem>>)
      tpu.yield
    }) : () -> ()
    "tpu.region"() ({
      %run_scoped3A = tpu.sem_alloc : memref<!tpu.dma_semaphore, #tpu.memory_space<semaphore_mem>>
      tpu.enqueue_dma source(%arg3 : memref<16xi32, #tpu.memory_space<hbm>>) target(%arg8 : memref<16xi32, #tpu.memory_space<vmem>>) target_semaphore(%run_scoped3A : memref<!tpu.dma_semaphore, #tpu.memory_space<semaphore_mem>>)
      tpu.wait_dma2 semaphore(%run_scoped3A : memref<!tpu.dma_semaphore, #tpu.memory_space<semaphore_mem>>) src(%arg3 : memref<16xi32, #tpu.memory_space<hbm>>) dst(%arg8 : memref<16xi32, #tpu.memory_space<vmem>>)
      tpu.yield
    }) : () -> ()
    %get3A = arith.constant 0 : index
    %get3A_3 = tpu.vector_load %arg8[%get3A] {strides = array<i32>} : memref<16xi32, #tpu.memory_space<vmem>>, vector<16xi32>,
    %get3A_4 = arith.constant 0 : index
    %get3A_5 = tpu.vector_load %arg7[%get3A_4] {strides = array<i32>} : memref<128xi32, #tpu.memory_space<vmem>>, vector<16xi32>,
    %add3A_6 = arith.addi %get3A_5, %get3A_3 : vector<16xi32>
    %ge3A = arith.constant 100000 : i32
    %ge3A_7 = vector.broadcast %ge3A : i32 to vector<16xi32>
    %ge3A_8 = arith.cmpi sge, %add3A_6, %ge3A_7 : vector<16xi32>
    %sub3A = arith.constant 100000 : i32
    %sub3A_9 = vector.broadcast %sub3A : i32 to vector<16xi32>
    %sub3A_10 = arith.subi %add3A_6, %sub3A_9 : vector<16xi32>
    %select_n3A = arith.select %ge3A_8, %sub3A_10, %add3A_6 : vector<16xi1>, vector<16xi32>
    %lt3A = arith.constant 0 : i32
    %lt3A_11 = vector.broadcast %lt3A : i32 to vector<16xi32>
    %lt3A_12 = arith.cmpi slt, %select_n3A, %lt3A_11 : vector<16xi32>
    %add3A_13 = arith.constant 100000 : i32
    %add3A_14 = vector.broadcast %add3A_13 : i32 to vector<16xi32>
    %add3A_15 = arith.addi %select_n3A, %add3A_14 : vector<16xi32>
    %select_n3A_16 = arith.select %lt3A_12, %add3A_15, %select_n3A : vector<16xi1>, vector<16xi32>
    %slice3A = vector.extract_strided_slice %select_n3A_16 {offsets = [0], sizes = [1], strides = [1]} : vector<16xi32> to vector<1xi32>
    %squeeze3A = vector.extract %slice3A[0] : i32 from vector<1xi32>
    %swap3A = arith.constant 0 : i32
    %swap3A_17 = arith.index_cast %swap3A : i32 to index
    %swap3A_18 = memref.load %arg9[%swap3A_17] : memref<128xi32, #tpu.memory_space<smem>>
    memref.store %squeeze3A, %arg9[%swap3A_17] : memref<128xi32, #tpu.memory_space<smem>>
    %slice3A_19 = vector.extract_strided_slice %select_n3A_16 {offsets = [1], sizes = [1], strides = [1]} : vector<16xi32> to vector<1xi32>
    %squeeze3A_20 = vector.extract %slice3A_19[0] : i32 from vector<1xi32>
    %swap3A_21 = arith.constant 1 : i32
    %swap3A_22 = arith.index_cast %swap3A_21 : i32 to index
    %swap3A_23 = memref.load %arg9[%swap3A_22] : memref<128xi32, #tpu.memory_space<smem>>
    memref.store %squeeze3A_20, %arg9[%swap3A_22] : memref<128xi32, #tpu.memory_space<smem>>
    %slice3A_24 = vector.extract_strided_slice %select_n3A_16 {offsets = [2], sizes = [1], strides = [1]} : vector<16xi32> to vector<1xi32>
    %squeeze3A_25 = vector.extract %slice3A_24[0] : i32 from vector<1xi32>
    %swap3A_26 = arith.constant 2 : i32
    %swap3A_27 = arith.index_cast %swap3A_26 : i32 to index
    %swap3A_28 = memref.load %arg9[%swap3A_27] : memref<128xi32, #tpu.memory_space<smem>>
    memref.store %squeeze3A_25, %arg9[%swap3A_27] : memref<128xi32, #tpu.memory_space<smem>>
    %slice3A_29 = vector.extract_strided_slice %select_n3A_16 {offsets = [3], sizes = [1], strides = [1]} : vector<16xi32> to vector<1xi32>
    %squeeze3A_30 = vector.extract %slice3A_29[0] : i32 from vector<1xi32>
    %swap3A_31 = arith.constant 3 : i32
    %swap3A_32 = arith.index_cast %swap3A_31 : i32 to index
    %swap3A_33 = memref.load %arg9[%swap3A_32] : memref<128xi32, #tpu.memory_space<smem>>
    memref.store %squeeze3A_30, %arg9[%swap3A_32] : memref<128xi32, #tpu.memory_space<smem>>
    %slice3A_34 = vector.extract_strided_slice %select_n3A_16 {offsets = [4], sizes = [1], strides = [1]} : vector<16xi32> to vector<1xi32>
    %squeeze3A_35 = vector.extract %slice3A_34[0] : i32 from vector<1xi32>
    %swap3A_36 = arith.constant 4 : i32
    %swap3A_37 = arith.index_cast %swap3A_36 : i32 to index
    %swap3A_38 = memref.load %arg9[%swap3A_37] : memref<128xi32, #tpu.memory_space<smem>>
    memref.store %squeeze3A_35, %arg9[%swap3A_37] : memref<128xi32, #tpu.memory_space<smem>>
    %slice3A_39 = vector.extract_strided_slice %select_n3A_16 {offsets = [5], sizes = [1], strides = [1]} : vector<16xi32> to vector<1xi32>
    %squeeze3A_40 = vector.extract %slice3A_39[0] : i32 from vector<1xi32>
    %swap3A_41 = arith.constant 5 : i32
    %swap3A_42 = arith.index_cast %swap3A_41 : i32 to index
    %swap3A_43 = memref.load %arg9[%swap3A_42] : memref<128xi32, #tpu.memory_space<smem>>
    memref.store %squeeze3A_40, %arg9[%swap3A_42] : memref<128xi32, #tpu.memory_space<smem>>
    %slice3A_44 = vector.extract_strided_slice %select_n3A_16 {offsets = [6], sizes = [1], strides = [1]} : vector<16xi32> to vector<1xi32>
    %squeeze3A_45 = vector.extract %slice3A_44[0] : i32 from vector<1xi32>
    %swap3A_46 = arith.constant 6 : i32
    %swap3A_47 = arith.index_cast %swap3A_46 : i32 to index
    %swap3A_48 = memref.load %arg9[%swap3A_47] : memref<128xi32, #tpu.memory_space<smem>>
    memref.store %squeeze3A_45, %arg9[%swap3A_47] : memref<128xi32, #tpu.memory_space<smem>>
    %slice3A_49 = vector.extract_strided_slice %select_n3A_16 {offsets = [7], sizes = [1], strides = [1]} : vector<16xi32> to vector<1xi32>
    %squeeze3A_50 = vector.extract %slice3A_49[0] : i32 from vector<1xi32>
    %swap3A_51 = arith.constant 7 : i32
    %swap3A_52 = arith.index_cast %swap3A_51 : i32 to index
    %swap3A_53 = memref.load %arg9[%swap3A_52] : memref<128xi32, #tpu.memory_space<smem>>
    memref.store %squeeze3A_50, %arg9[%swap3A_52] : memref<128xi32, #tpu.memory_space<smem>>
    %slice3A_54 = vector.extract_strided_slice %select_n3A_16 {offsets = [8], sizes = [1], strides = [1]} : vector<16xi32> to vector<1xi32>
    %squeeze3A_55 = vector.extract %slice3A_54[0] : i32 from vector<1xi32>
    %swap3A_56 = arith.constant 8 : i32
    %swap3A_57 = arith.index_cast %swap3A_56 : i32 to index
    %swap3A_58 = memref.load %arg9[%swap3A_57] : memref<128xi32, #tpu.memory_space<smem>>
    memref.store %squeeze3A_55, %arg9[%swap3A_57] : memref<128xi32, #tpu.memory_space<smem>>
    %slice3A_59 = vector.extract_strided_slice %select_n3A_16 {offsets = [9], sizes = [1], strides = [1]} : vector<16xi32> to vector<1xi32>
    %squeeze3A_60 = vector.extract %slice3A_59[0] : i32 from vector<1xi32>
    %swap3A_61 = arith.constant 9 : i32
    %swap3A_62 = arith.index_cast %swap3A_61 : i32 to index
    %swap3A_63 = memref.load %arg9[%swap3A_62] : memref<128xi32, #tpu.memory_space<smem>>
    memref.store %squeeze3A_60, %arg9[%swap3A_62] : memref<128xi32, #tpu.memory_space<smem>>
    %slice3A_64 = vector.extract_strided_slice %select_n3A_16 {offsets = [10], sizes = [1], strides = [1]} : vector<16xi32> to vector<1xi32>
    %squeeze3A_65 = vector.extract %slice3A_64[0] : i32 from vector<1xi32>
    %swap3A_66 = arith.constant 10 : i32
    %swap3A_67 = arith.index_cast %swap3A_66 : i32 to index
    %swap3A_68 = memref.load %arg9[%swap3A_67] : memref<128xi32, #tpu.memory_space<smem>>
    memref.store %squeeze3A_65, %arg9[%swap3A_67] : memref<128xi32, #tpu.memory_space<smem>>
    %slice3A_69 = vector.extract_strided_slice %select_n3A_16 {offsets = [11], sizes = [1], strides = [1]} : vector<16xi32> to vector<1xi32>
    %squeeze3A_70 = vector.extract %slice3A_69[0] : i32 from vector<1xi32>
    %swap3A_71 = arith.constant 11 : i32
    %swap3A_72 = arith.index_cast %swap3A_71 : i32 to index
    %swap3A_73 = memref.load %arg9[%swap3A_72] : memref<128xi32, #tpu.memory_space<smem>>
    memref.store %squeeze3A_70, %arg9[%swap3A_72] : memref<128xi32, #tpu.memory_space<smem>>
    %slice3A_74 = vector.extract_strided_slice %select_n3A_16 {offsets = [12], sizes = [1], strides = [1]} : vector<16xi32> to vector<1xi32>
    %squeeze3A_75 = vector.extract %slice3A_74[0] : i32 from vector<1xi32>
    %swap3A_76 = arith.constant 12 : i32
    %swap3A_77 = arith.index_cast %swap3A_76 : i32 to index
    %swap3A_78 = memref.load %arg9[%swap3A_77] : memref<128xi32, #tpu.memory_space<smem>>
    memref.store %squeeze3A_75, %arg9[%swap3A_77] : memref<128xi32, #tpu.memory_space<smem>>
    %slice3A_79 = vector.extract_strided_slice %select_n3A_16 {offsets = [13], sizes = [1], strides = [1]} : vector<16xi32> to vector<1xi32>
    %squeeze3A_80 = vector.extract %slice3A_79[0] : i32 from vector<1xi32>
    %swap3A_81 = arith.constant 13 : i32
    %swap3A_82 = arith.index_cast %swap3A_81 : i32 to index
    %swap3A_83 = memref.load %arg9[%swap3A_82] : memref<128xi32, #tpu.memory_space<smem>>
    memref.store %squeeze3A_80, %arg9[%swap3A_82] : memref<128xi32, #tpu.memory_space<smem>>
    %slice3A_84 = vector.extract_strided_slice %select_n3A_16 {offsets = [14], sizes = [1], strides = [1]} : vector<16xi32> to vector<1xi32>
    %squeeze3A_85 = vector.extract %slice3A_84[0] : i32 from vector<1xi32>
    %swap3A_86 = arith.constant 14 : i32
    %swap3A_87 = arith.index_cast %swap3A_86 : i32 to index
    %swap3A_88 = memref.load %arg9[%swap3A_87] : memref<128xi32, #tpu.memory_space<smem>>
    memref.store %squeeze3A_85, %arg9[%swap3A_87] : memref<128xi32, #tpu.memory_space<smem>>
    %slice3A_89 = vector.extract_strided_slice %select_n3A_16 {offsets = [15], sizes = [1], strides = [1]} : vector<16xi32> to vector<1xi32>
    %squeeze3A_90 = vector.extract %slice3A_89[0] : i32 from vector<1xi32>
    %swap3A_91 = arith.constant 15 : i32
    %swap3A_92 = arith.index_cast %swap3A_91 : i32 to index
    %swap3A_93 = memref.load %arg9[%swap3A_92] : memref<128xi32, #tpu.memory_space<smem>>
    memref.store %squeeze3A_90, %arg9[%swap3A_92] : memref<128xi32, #tpu.memory_space<smem>>
    %get3A_94 = arith.constant 16 : index
    %get3A_95 = tpu.vector_load %arg7[%get3A_94] {strides = array<i32>} : memref<128xi32, #tpu.memory_space<vmem>>, vector<16xi32>,
    %add3A_96 = arith.addi %get3A_95, %get3A_3 : vector<16xi32>
    %ge3A_97 = arith.constant 100000 : i32
    %ge3A_98 = vector.broadcast %ge3A_97 : i32 to vector<16xi32>
    %ge3A_99 = arith.cmpi sge, %add3A_96, %ge3A_98 : vector<16xi32>
    %sub3A_100 = arith.constant 100000 : i32
    %sub3A_101 = vector.broadcast %sub3A_100 : i32 to vector<16xi32>
    %sub3A_102 = arith.subi %add3A_96, %sub3A_101 : vector<16xi32>
    %select_n3A_103 = arith.select %ge3A_99, %sub3A_102, %add3A_96 : vector<16xi1>, vector<16xi32>
    %lt3A_104 = arith.constant 0 : i32
    %lt3A_105 = vector.broadcast %lt3A_104 : i32 to vector<16xi32>
    %lt3A_106 = arith.cmpi slt, %select_n3A_103, %lt3A_105 : vector<16xi32>
    %add3A_107 = arith.constant 100000 : i32
    %add3A_108 = vector.broadcast %add3A_107 : i32 to vector<16xi32>
    %add3A_109 = arith.addi %select_n3A_103, %add3A_108 : vector<16xi32>
    %select_n3A_110 = arith.select %lt3A_106, %add3A_109, %select_n3A_103 : vector<16xi1>, vector<16xi32>
    %slice3A_111 = vector.extract_strided_slice %select_n3A_110 {offsets = [0], sizes = [1], strides = [1]} : vector<16xi32> to vector<1xi32>
    %squeeze3A_112 = vector.extract %slice3A_111[0] : i32 from vector<1xi32>
    %swap3A_113 = arith.constant 16 : i32
    %swap3A_114 = arith.index_cast %swap3A_113 : i32 to index
    %swap3A_115 = memref.load %arg9[%swap3A_114] : memref<128xi32, #tpu.memory_space<smem>>
    memref.store %squeeze3A_112, %arg9[%swap3A_114] : memref<128xi32, #tpu.memory_space<smem>>
    %slice3A_116 = vector.extract_strided_slice %select_n3A_110 {offsets = [1], sizes = [1], strides = [1]} : vector<16xi32> to vector<1xi32>
    %squeeze3A_117 = vector.extract %slice3A_116[0] : i32 from vector<1xi32>
    %swap3A_118 = arith.constant 17 : i32
    %swap3A_119 = arith.index_cast %swap3A_118 : i32 to index
    %swap3A_120 = memref.load %arg9[%swap3A_119] : memref<128xi32, #tpu.memory_space<smem>>
    memref.store %squeeze3A_117, %arg9[%swap3A_119] : memref<128xi32, #tpu.memory_space<smem>>
    %slice3A_121 = vector.extract_strided_slice %select_n3A_110 {offsets = [2], sizes = [1], strides = [1]} : vector<16xi32> to vector<1xi32>
    %squeeze3A_122 = vector.extract %slice3A_121[0] : i32 from vector<1xi32>
    %swap3A_123 = arith.constant 18 : i32
    %swap3A_124 = arith.index_cast %swap3A_123 : i32 to index
    %swap3A_125 = memref.load %arg9[%swap3A_124] : memref<128xi32, #tpu.memory_space<smem>>
    memref.store %squeeze3A_122, %arg9[%swap3A_124] : memref<128xi32, #tpu.memory_space<smem>>
    %slice3A_126 = vector.extract_strided_slice %select_n3A_110 {offsets = [3], sizes = [1], strides = [1]} : vector<16xi32> to vector<1xi32>
    %squeeze3A_127 = vector.extract %slice3A_126[0] : i32 from vector<1xi32>
    %swap3A_128 = arith.constant 19 : i32
    %swap3A_129 = arith.index_cast %swap3A_128 : i32 to index
    %swap3A_130 = memref.load %arg9[%swap3A_129] : memref<128xi32, #tpu.memory_space<smem>>
    memref.store %squeeze3A_127, %arg9[%swap3A_129] : memref<128xi32, #tpu.memory_space<smem>>
    %slice3A_131 = vector.extract_strided_slice %select_n3A_110 {offsets = [4], sizes = [1], strides = [1]} : vector<16xi32> to vector<1xi32>
    %squeeze3A_132 = vector.extract %slice3A_131[0] : i32 from vector<1xi32>
    %swap3A_133 = arith.constant 20 : i32
    %swap3A_134 = arith.index_cast %swap3A_133 : i32 to index
    %swap3A_135 = memref.load %arg9[%swap3A_134] : memref<128xi32, #tpu.memory_space<smem>>
    memref.store %squeeze3A_132, %arg9[%swap3A_134] : memref<128xi32, #tpu.memory_space<smem>>
    %slice3A_136 = vector.extract_strided_slice %select_n3A_110 {offsets = [5], sizes = [1], strides = [1]} : vector<16xi32> to vector<1xi32>
    %squeeze3A_137 = vector.extract %slice3A_136[0] : i32 from vector<1xi32>
    %swap3A_138 = arith.constant 21 : i32
    %swap3A_139 = arith.index_cast %swap3A_138 : i32 to index
    %swap3A_140 = memref.load %arg9[%swap3A_139] : memref<128xi32, #tpu.memory_space<smem>>
    memref.store %squeeze3A_137, %arg9[%swap3A_139] : memref<128xi32, #tpu.memory_space<smem>>
    %slice3A_141 = vector.extract_strided_slice %select_n3A_110 {offsets = [6], sizes = [1], strides = [1]} : vector<16xi32> to vector<1xi32>
    %squeeze3A_142 = vector.extract %slice3A_141[0] : i32 from vector<1xi32>
    %swap3A_143 = arith.constant 22 : i32
    %swap3A_144 = arith.index_cast %swap3A_143 : i32 to index
    %swap3A_145 = memref.load %arg9[%swap3A_144] : memref<128xi32, #tpu.memory_space<smem>>
    memref.store %squeeze3A_142, %arg9[%swap3A_144] : memref<128xi32, #tpu.memory_space<smem>>
    %slice3A_146 = vector.extract_strided_slice %select_n3A_110 {offsets = [7], sizes = [1], strides = [1]} : vector<16xi32> to vector<1xi32>
    %squeeze3A_147 = vector.extract %slice3A_146[0] : i32 from vector<1xi32>
    %swap3A_148 = arith.constant 23 : i32
    %swap3A_149 = arith.index_cast %swap3A_148 : i32 to index
    %swap3A_150 = memref.load %arg9[%swap3A_149] : memref<128xi32, #tpu.memory_space<smem>>
    memref.store %squeeze3A_147, %arg9[%swap3A_149] : memref<128xi32, #tpu.memory_space<smem>>
    %slice3A_151 = vector.extract_strided_slice %select_n3A_110 {offsets = [8], sizes = [1], strides = [1]} : vector<16xi32> to vector<1xi32>
    %squeeze3A_152 = vector.extract %slice3A_151[0] : i32 from vector<1xi32>
    %swap3A_153 = arith.constant 24 : i32
    %swap3A_154 = arith.index_cast %swap3A_153 : i32 to index
    %swap3A_155 = memref.load %arg9[%swap3A_154] : memref<128xi32, #tpu.memory_space<smem>>
    memref.store %squeeze3A_152, %arg9[%swap3A_154] : memref<128xi32, #tpu.memory_space<smem>>
    %slice3A_156 = vector.extract_strided_slice %select_n3A_110 {offsets = [9], sizes = [1], strides = [1]} : vector<16xi32> to vector<1xi32>
    %squeeze3A_157 = vector.extract %slice3A_156[0] : i32 from vector<1xi32>
    %swap3A_158 = arith.constant 25 : i32
    %swap3A_159 = arith.index_cast %swap3A_158 : i32 to index
    %swap3A_160 = memref.load %arg9[%swap3A_159] : memref<128xi32, #tpu.memory_space<smem>>
    memref.store %squeeze3A_157, %arg9[%swap3A_159] : memref<128xi32, #tpu.memory_space<smem>>
    %slice3A_161 = vector.extract_strided_slice %select_n3A_110 {offsets = [10], sizes = [1], strides = [1]} : vector<16xi32> to vector<1xi32>
    %squeeze3A_162 = vector.extract %slice3A_161[0] : i32 from vector<1xi32>
    %swap3A_163 = arith.constant 26 : i32
    %swap3A_164 = arith.index_cast %swap3A_163 : i32 to index
    %swap3A_165 = memref.load %arg9[%swap3A_164] : memref<128xi32, #tpu.memory_space<smem>>
    memref.store %squeeze3A_162, %arg9[%swap3A_164] : memref<128xi32, #tpu.memory_space<smem>>
    %slice3A_166 = vector.extract_strided_slice %select_n3A_110 {offsets = [11], sizes = [1], strides = [1]} : vector<16xi32> to vector<1xi32>
    %squeeze3A_167 = vector.extract %slice3A_166[0] : i32 from vector<1xi32>
    %swap3A_168 = arith.constant 27 : i32
    %swap3A_169 = arith.index_cast %swap3A_168 : i32 to index
    %swap3A_170 = memref.load %arg9[%swap3A_169] : memref<128xi32, #tpu.memory_space<smem>>
    memref.store %squeeze3A_167, %arg9[%swap3A_169] : memref<128xi32, #tpu.memory_space<smem>>
    %slice3A_171 = vector.extract_strided_slice %select_n3A_110 {offsets = [12], sizes = [1], strides = [1]} : vector<16xi32> to vector<1xi32>
    %squeeze3A_172 = vector.extract %slice3A_171[0] : i32 from vector<1xi32>
    %swap3A_173 = arith.constant 28 : i32
    %swap3A_174 = arith.index_cast %swap3A_173 : i32 to index
    %swap3A_175 = memref.load %arg9[%swap3A_174] : memref<128xi32, #tpu.memory_space<smem>>
    memref.store %squeeze3A_172, %arg9[%swap3A_174] : memref<128xi32, #tpu.memory_space<smem>>
    %slice3A_176 = vector.extract_strided_slice %select_n3A_110 {offsets = [13], sizes = [1], strides = [1]} : vector<16xi32> to vector<1xi32>
    %squeeze3A_177 = vector.extract %slice3A_176[0] : i32 from vector<1xi32>
    %swap3A_178 = arith.constant 29 : i32
    %swap3A_179 = arith.index_cast %swap3A_178 : i32 to index
    %swap3A_180 = memref.load %arg9[%swap3A_179] : memref<128xi32, #tpu.memory_space<smem>>
    memref.store %squeeze3A_177, %arg9[%swap3A_179] : memref<128xi32, #tpu.memory_space<smem>>
    %slice3A_181 = vector.extract_strided_slice %select_n3A_110 {offsets = [14], sizes = [1], strides = [1]} : vector<16xi32> to vector<1xi32>
    %squeeze3A_182 = vector.extract %slice3A_181[0] : i32 from vector<1xi32>
    %swap3A_183 = arith.constant 30 : i32
    %swap3A_184 = arith.index_cast %swap3A_183 : i32 to index
    %swap3A_185 = memref.load %arg9[%swap3A_184] : memref<128xi32, #tpu.memory_space<smem>>
    memref.store %squeeze3A_182, %arg9[%swap3A_184] : memref<128xi32, #tpu.memory_space<smem>>
    %slice3A_186 = vector.extract_strided_slice %select_n3A_110 {offsets = [15], sizes = [1], strides = [1]} : vector<16xi32> to vector<1xi32>
    %squeeze3A_187 = vector.extract %slice3A_186[0] : i32 from vector<1xi32>
    %swap3A_188 = arith.constant 31 : i32
    %swap3A_189 = arith.index_cast %swap3A_188 : i32 to index
    %swap3A_190 = memref.load %arg9[%swap3A_189] : memref<128xi32, #tpu.memory_space<smem>>
    memref.store %squeeze3A_187, %arg9[%swap3A_189] : memref<128xi32, #tpu.memory_space<smem>>
    %get3A_191 = arith.constant 32 : index
    %get3A_192 = tpu.vector_load %arg7[%get3A_191] {strides = array<i32>} : memref<128xi32, #tpu.memory_space<vmem>>, vector<16xi32>,
    %add3A_193 = arith.addi %get3A_192, %get3A_3 : vector<16xi32>
    %ge3A_194 = arith.constant 100000 : i32
    %ge3A_195 = vector.broadcast %ge3A_194 : i32 to vector<16xi32>
    %ge3A_196 = arith.cmpi sge, %add3A_193, %ge3A_195 : vector<16xi32>
    %sub3A_197 = arith.constant 100000 : i32
    %sub3A_198 = vector.broadcast %sub3A_197 : i32 to vector<16xi32>
    %sub3A_199 = arith.subi %add3A_193, %sub3A_198 : vector<16xi32>
    %select_n3A_200 = arith.select %ge3A_196, %sub3A_199, %add3A_193 : vector<16xi1>, vector<16xi32>
    %lt3A_201 = arith.constant 0 : i32
    %lt3A_202 = vector.broadcast %lt3A_201 : i32 to vector<16xi32>
    %lt3A_203 = arith.cmpi slt, %select_n3A_200, %lt3A_202 : vector<16xi32>
    %add3A_204 = arith.constant 100000 : i32
    %add3A_205 = vector.broadcast %add3A_204 : i32 to vector<16xi32>
    %add3A_206 = arith.addi %select_n3A_200, %add3A_205 : vector<16xi32>
    %select_n3A_207 = arith.select %lt3A_203, %add3A_206, %select_n3A_200 : vector<16xi1>, vector<16xi32>
    %slice3A_208 = vector.extract_strided_slice %select_n3A_207 {offsets = [0], sizes = [1], strides = [1]} : vector<16xi32> to vector<1xi32>
    %squeeze3A_209 = vector.extract %slice3A_208[0] : i32 from vector<1xi32>
    %swap3A_210 = arith.constant 32 : i32
    %swap3A_211 = arith.index_cast %swap3A_210 : i32 to index
    %swap3A_212 = memref.load %arg9[%swap3A_211] : memref<128xi32, #tpu.memory_space<smem>>
    memref.store %squeeze3A_209, %arg9[%swap3A_211] : memref<128xi32, #tpu.memory_space<smem>>
    %slice3A_213 = vector.extract_strided_slice %select_n3A_207 {offsets = [1], sizes = [1], strides = [1]} : vector<16xi32> to vector<1xi32>
    %squeeze3A_214 = vector.extract %slice3A_213[0] : i32 from vector<1xi32>
    %swap3A_215 = arith.constant 33 : i32
    %swap3A_216 = arith.index_cast %swap3A_215 : i32 to index
    %swap3A_217 = memref.load %arg9[%swap3A_216] : memref<128xi32, #tpu.memory_space<smem>>
    memref.store %squeeze3A_214, %arg9[%swap3A_216] : memref<128xi32, #tpu.memory_space<smem>>
    %slice3A_218 = vector.extract_strided_slice %select_n3A_207 {offsets = [2], sizes = [1], strides = [1]} : vector<16xi32> to vector<1xi32>
    %squeeze3A_219 = vector.extract %slice3A_218[0] : i32 from vector<1xi32>
    %swap3A_220 = arith.constant 34 : i32
    %swap3A_221 = arith.index_cast %swap3A_220 : i32 to index
    %swap3A_222 = memref.load %arg9[%swap3A_221] : memref<128xi32, #tpu.memory_space<smem>>
    memref.store %squeeze3A_219, %arg9[%swap3A_221] : memref<128xi32, #tpu.memory_space<smem>>
    %slice3A_223 = vector.extract_strided_slice %select_n3A_207 {offsets = [3], sizes = [1], strides = [1]} : vector<16xi32> to vector<1xi32>
    %squeeze3A_224 = vector.extract %slice3A_223[0] : i32 from vector<1xi32>
    %swap3A_225 = arith.constant 35 : i32
    %swap3A_226 = arith.index_cast %swap3A_225 : i32 to index
    %swap3A_227 = memref.load %arg9[%swap3A_226] : memref<128xi32, #tpu.memory_space<smem>>
    memref.store %squeeze3A_224, %arg9[%swap3A_226] : memref<128xi32, #tpu.memory_space<smem>>
    %slice3A_228 = vector.extract_strided_slice %select_n3A_207 {offsets = [4], sizes = [1], strides = [1]} : vector<16xi32> to vector<1xi32>
    %squeeze3A_229 = vector.extract %slice3A_228[0] : i32 from vector<1xi32>
    %swap3A_230 = arith.constant 36 : i32
    %swap3A_231 = arith.index_cast %swap3A_230 : i32 to index
    %swap3A_232 = memref.load %arg9[%swap3A_231] : memref<128xi32, #tpu.memory_space<smem>>
    memref.store %squeeze3A_229, %arg9[%swap3A_231] : memref<128xi32, #tpu.memory_space<smem>>
    %slice3A_233 = vector.extract_strided_slice %select_n3A_207 {offsets = [5], sizes = [1], strides = [1]} : vector<16xi32> to vector<1xi32>
    %squeeze3A_234 = vector.extract %slice3A_233[0] : i32 from vector<1xi32>
    %swap3A_235 = arith.constant 37 : i32
    %swap3A_236 = arith.index_cast %swap3A_235 : i32 to index
    %swap3A_237 = memref.load %arg9[%swap3A_236] : memref<128xi32, #tpu.memory_space<smem>>
    memref.store %squeeze3A_234, %arg9[%swap3A_236] : memref<128xi32, #tpu.memory_space<smem>>
    %slice3A_238 = vector.extract_strided_slice %select_n3A_207 {offsets = [6], sizes = [1], strides = [1]} : vector<16xi32> to vector<1xi32>
    %squeeze3A_239 = vector.extract %slice3A_238[0] : i32 from vector<1xi32>
    %swap3A_240 = arith.constant 38 : i32
    %swap3A_241 = arith.index_cast %swap3A_240 : i32 to index
    %swap3A_242 = memref.load %arg9[%swap3A_241] : memref<128xi32, #tpu.memory_space<smem>>
    memref.store %squeeze3A_239, %arg9[%swap3A_241] : memref<128xi32, #tpu.memory_space<smem>>
    %slice3A_243 = vector.extract_strided_slice %select_n3A_207 {offsets = [7], sizes = [1], strides = [1]} : vector<16xi32> to vector<1xi32>
    %squeeze3A_244 = vector.extract %slice3A_243[0] : i32 from vector<1xi32>
    %swap3A_245 = arith.constant 39 : i32
    %swap3A_246 = arith.index_cast %swap3A_245 : i32 to index
    %swap3A_247 = memref.load %arg9[%swap3A_246] : memref<128xi32, #tpu.memory_space<smem>>
    memref.store %squeeze3A_244, %arg9[%swap3A_246] : memref<128xi32, #tpu.memory_space<smem>>
    %slice3A_248 = vector.extract_strided_slice %select_n3A_207 {offsets = [8], sizes = [1], strides = [1]} : vector<16xi32> to vector<1xi32>
    %squeeze3A_249 = vector.extract %slice3A_248[0] : i32 from vector<1xi32>
    %swap3A_250 = arith.constant 40 : i32
    %swap3A_251 = arith.index_cast %swap3A_250 : i32 to index
    %swap3A_252 = memref.load %arg9[%swap3A_251] : memref<128xi32, #tpu.memory_space<smem>>
    memref.store %squeeze3A_249, %arg9[%swap3A_251] : memref<128xi32, #tpu.memory_space<smem>>
    %slice3A_253 = vector.extract_strided_slice %select_n3A_207 {offsets = [9], sizes = [1], strides = [1]} : vector<16xi32> to vector<1xi32>
    %squeeze3A_254 = vector.extract %slice3A_253[0] : i32 from vector<1xi32>
    %swap3A_255 = arith.constant 41 : i32
    %swap3A_256 = arith.index_cast %swap3A_255 : i32 to index
    %swap3A_257 = memref.load %arg9[%swap3A_256] : memref<128xi32, #tpu.memory_space<smem>>
    memref.store %squeeze3A_254, %arg9[%swap3A_256] : memref<128xi32, #tpu.memory_space<smem>>
    %slice3A_258 = vector.extract_strided_slice %select_n3A_207 {offsets = [10], sizes = [1], strides = [1]} : vector<16xi32> to vector<1xi32>
    %squeeze3A_259 = vector.extract %slice3A_258[0] : i32 from vector<1xi32>
    %swap3A_260 = arith.constant 42 : i32
    %swap3A_261 = arith.index_cast %swap3A_260 : i32 to index
    %swap3A_262 = memref.load %arg9[%swap3A_261] : memref<128xi32, #tpu.memory_space<smem>>
    memref.store %squeeze3A_259, %arg9[%swap3A_261] : memref<128xi32, #tpu.memory_space<smem>>
    %slice3A_263 = vector.extract_strided_slice %select_n3A_207 {offsets = [11], sizes = [1], strides = [1]} : vector<16xi32> to vector<1xi32>
    %squeeze3A_264 = vector.extract %slice3A_263[0] : i32 from vector<1xi32>
    %swap3A_265 = arith.constant 43 : i32
    %swap3A_266 = arith.index_cast %swap3A_265 : i32 to index
    %swap3A_267 = memref.load %arg9[%swap3A_266] : memref<128xi32, #tpu.memory_space<smem>>
    memref.store %squeeze3A_264, %arg9[%swap3A_266] : memref<128xi32, #tpu.memory_space<smem>>
    %slice3A_268 = vector.extract_strided_slice %select_n3A_207 {offsets = [12], sizes = [1], strides = [1]} : vector<16xi32> to vector<1xi32>
    %squeeze3A_269 = vector.extract %slice3A_268[0] : i32 from vector<1xi32>
    %swap3A_270 = arith.constant 44 : i32
    %swap3A_271 = arith.index_cast %swap3A_270 : i32 to index
    %swap3A_272 = memref.load %arg9[%swap3A_271] : memref<128xi32, #tpu.memory_space<smem>>
    memref.store %squeeze3A_269, %arg9[%swap3A_271] : memref<128xi32, #tpu.memory_space<smem>>
    %slice3A_273 = vector.extract_strided_slice %select_n3A_207 {offsets = [13], sizes = [1], strides = [1]} : vector<16xi32> to vector<1xi32>
    %squeeze3A_274 = vector.extract %slice3A_273[0] : i32 from vector<1xi32>
    %swap3A_275 = arith.constant 45 : i32
    %swap3A_276 = arith.index_cast %swap3A_275 : i32 to index
    %swap3A_277 = memref.load %arg9[%swap3A_276] : memref<128xi32, #tpu.memory_space<smem>>
    memref.store %squeeze3A_274, %arg9[%swap3A_276] : memref<128xi32, #tpu.memory_space<smem>>
    %slice3A_278 = vector.extract_strided_slice %select_n3A_207 {offsets = [14], sizes = [1], strides = [1]} : vector<16xi32> to vector<1xi32>
    %squeeze3A_279 = vector.extract %slice3A_278[0] : i32 from vector<1xi32>
    %swap3A_280 = arith.constant 46 : i32
    %swap3A_281 = arith.index_cast %swap3A_280 : i32 to index
    %swap3A_282 = memref.load %arg9[%swap3A_281] : memref<128xi32, #tpu.memory_space<smem>>
    memref.store %squeeze3A_279, %arg9[%swap3A_281] : memref<128xi32, #tpu.memory_space<smem>>
    %slice3A_283 = vector.extract_strided_slice %select_n3A_207 {offsets = [15], sizes = [1], strides = [1]} : vector<16xi32> to vector<1xi32>
    %squeeze3A_284 = vector.extract %slice3A_283[0] : i32 from vector<1xi32>
    %swap3A_285 = arith.constant 47 : i32
    %swap3A_286 = arith.index_cast %swap3A_285 : i32 to index
    %swap3A_287 = memref.load %arg9[%swap3A_286] : memref<128xi32, #tpu.memory_space<smem>>
    memref.store %squeeze3A_284, %arg9[%swap3A_286] : memref<128xi32, #tpu.memory_space<smem>>
    %get3A_288 = arith.constant 48 : index
    %get3A_289 = tpu.vector_load %arg7[%get3A_288] {strides = array<i32>} : memref<128xi32, #tpu.memory_space<vmem>>, vector<16xi32>,
    %add3A_290 = arith.addi %get3A_289, %get3A_3 : vector<16xi32>
    %ge3A_291 = arith.constant 100000 : i32
    %ge3A_292 = vector.broadcast %ge3A_291 : i32 to vector<16xi32>
    %ge3A_293 = arith.cmpi sge, %add3A_290, %ge3A_292 : vector<16xi32>
    %sub3A_294 = arith.constant 100000 : i32
    %sub3A_295 = vector.broadcast %sub3A_294 : i32 to vector<16xi32>
    %sub3A_296 = arith.subi %add3A_290, %sub3A_295 : vector<16xi32>
    %select_n3A_297 = arith.select %ge3A_293, %sub3A_296, %add3A_290 : vector<16xi1>, vector<16xi32>
    %lt3A_298 = arith.constant 0 : i32
    %lt3A_299 = vector.broadcast %lt3A_298 : i32 to vector<16xi32>
    %lt3A_300 = arith.cmpi slt, %select_n3A_297, %lt3A_299 : vector<16xi32>
    %add3A_301 = arith.constant 100000 : i32
    %add3A_302 = vector.broadcast %add3A_301 : i32 to vector<16xi32>
    %add3A_303 = arith.addi %select_n3A_297, %add3A_302 : vector<16xi32>
    %select_n3A_304 = arith.select %lt3A_300, %add3A_303, %select_n3A_297 : vector<16xi1>, vector<16xi32>
    %slice3A_305 = vector.extract_strided_slice %select_n3A_304 {offsets = [0], sizes = [1], strides = [1]} : vector<16xi32> to vector<1xi32>
    %squeeze3A_306 = vector.extract %slice3A_305[0] : i32 from vector<1xi32>
    %swap3A_307 = arith.constant 48 : i32
    %swap3A_308 = arith.index_cast %swap3A_307 : i32 to index
    %swap3A_309 = memref.load %arg9[%swap3A_308] : memref<128xi32, #tpu.memory_space<smem>>
    memref.store %squeeze3A_306, %arg9[%swap3A_308] : memref<128xi32, #tpu.memory_space<smem>>
    %slice3A_310 = vector.extract_strided_slice %select_n3A_304 {offsets = [1], sizes = [1], strides = [1]} : vector<16xi32> to vector<1xi32>
    %squeeze3A_311 = vector.extract %slice3A_310[0] : i32 from vector<1xi32>
    %swap3A_312 = arith.constant 49 : i32
    %swap3A_313 = arith.index_cast %swap3A_312 : i32 to index
    %swap3A_314 = memref.load %arg9[%swap3A_313] : memref<128xi32, #tpu.memory_space<smem>>
    memref.store %squeeze3A_311, %arg9[%swap3A_313] : memref<128xi32, #tpu.memory_space<smem>>
    %slice3A_315 = vector.extract_strided_slice %select_n3A_304 {offsets = [2], sizes = [1], strides = [1]} : vector<16xi32> to vector<1xi32>
    %squeeze3A_316 = vector.extract %slice3A_315[0] : i32 from vector<1xi32>
    %swap3A_317 = arith.constant 50 : i32
    %swap3A_318 = arith.index_cast %swap3A_317 : i32 to index
    %swap3A_319 = memref.load %arg9[%swap3A_318] : memref<128xi32, #tpu.memory_space<smem>>
    memref.store %squeeze3A_316, %arg9[%swap3A_318] : memref<128xi32, #tpu.memory_space<smem>>
    %slice3A_320 = vector.extract_strided_slice %select_n3A_304 {offsets = [3], sizes = [1], strides = [1]} : vector<16xi32> to vector<1xi32>
    %squeeze3A_321 = vector.extract %slice3A_320[0] : i32 from vector<1xi32>
    %swap3A_322 = arith.constant 51 : i32
    %swap3A_323 = arith.index_cast %swap3A_322 : i32 to index
    %swap3A_324 = memref.load %arg9[%swap3A_323] : memref<128xi32, #tpu.memory_space<smem>>
    memref.store %squeeze3A_321, %arg9[%swap3A_323] : memref<128xi32, #tpu.memory_space<smem>>
    %slice3A_325 = vector.extract_strided_slice %select_n3A_304 {offsets = [4], sizes = [1], strides = [1]} : vector<16xi32> to vector<1xi32>
    %squeeze3A_326 = vector.extract %slice3A_325[0] : i32 from vector<1xi32>
    %swap3A_327 = arith.constant 52 : i32
    %swap3A_328 = arith.index_cast %swap3A_327 : i32 to index
    %swap3A_329 = memref.load %arg9[%swap3A_328] : memref<128xi32, #tpu.memory_space<smem>>
    memref.store %squeeze3A_326, %arg9[%swap3A_328] : memref<128xi32, #tpu.memory_space<smem>>
    %slice3A_330 = vector.extract_strided_slice %select_n3A_304 {offsets = [5], sizes = [1], strides = [1]} : vector<16xi32> to vector<1xi32>
    %squeeze3A_331 = vector.extract %slice3A_330[0] : i32 from vector<1xi32>
    %swap3A_332 = arith.constant 53 : i32
    %swap3A_333 = arith.index_cast %swap3A_332 : i32 to index
    %swap3A_334 = memref.load %arg9[%swap3A_333] : memref<128xi32, #tpu.memory_space<smem>>
    memref.store %squeeze3A_331, %arg9[%swap3A_333] : memref<128xi32, #tpu.memory_space<smem>>
    %slice3A_335 = vector.extract_strided_slice %select_n3A_304 {offsets = [6], sizes = [1], strides = [1]} : vector<16xi32> to vector<1xi32>
    %squeeze3A_336 = vector.extract %slice3A_335[0] : i32 from vector<1xi32>
    %swap3A_337 = arith.constant 54 : i32
    %swap3A_338 = arith.index_cast %swap3A_337 : i32 to index
    %swap3A_339 = memref.load %arg9[%swap3A_338] : memref<128xi32, #tpu.memory_space<smem>>
    memref.store %squeeze3A_336, %arg9[%swap3A_338] : memref<128xi32, #tpu.memory_space<smem>>
    %slice3A_340 = vector.extract_strided_slice %select_n3A_304 {offsets = [7], sizes = [1], strides = [1]} : vector<16xi32> to vector<1xi32>
    %squeeze3A_341 = vector.extract %slice3A_340[0] : i32 from vector<1xi32>
    %swap3A_342 = arith.constant 55 : i32
    %swap3A_343 = arith.index_cast %swap3A_342 : i32 to index
    %swap3A_344 = memref.load %arg9[%swap3A_343] : memref<128xi32, #tpu.memory_space<smem>>
    memref.store %squeeze3A_341, %arg9[%swap3A_343] : memref<128xi32, #tpu.memory_space<smem>>
    %slice3A_345 = vector.extract_strided_slice %select_n3A_304 {offsets = [8], sizes = [1], strides = [1]} : vector<16xi32> to vector<1xi32>
    %squeeze3A_346 = vector.extract %slice3A_345[0] : i32 from vector<1xi32>
    %swap3A_347 = arith.constant 56 : i32
    %swap3A_348 = arith.index_cast %swap3A_347 : i32 to index
    %swap3A_349 = memref.load %arg9[%swap3A_348] : memref<128xi32, #tpu.memory_space<smem>>
    memref.store %squeeze3A_346, %arg9[%swap3A_348] : memref<128xi32, #tpu.memory_space<smem>>
    %slice3A_350 = vector.extract_strided_slice %select_n3A_304 {offsets = [9], sizes = [1], strides = [1]} : vector<16xi32> to vector<1xi32>
    %squeeze3A_351 = vector.extract %slice3A_350[0] : i32 from vector<1xi32>
    %swap3A_352 = arith.constant 57 : i32
    %swap3A_353 = arith.index_cast %swap3A_352 : i32 to index
    %swap3A_354 = memref.load %arg9[%swap3A_353] : memref<128xi32, #tpu.memory_space<smem>>
    memref.store %squeeze3A_351, %arg9[%swap3A_353] : memref<128xi32, #tpu.memory_space<smem>>
    %slice3A_355 = vector.extract_strided_slice %select_n3A_304 {offsets = [10], sizes = [1], strides = [1]} : vector<16xi32> to vector<1xi32>
    %squeeze3A_356 = vector.extract %slice3A_355[0] : i32 from vector<1xi32>
    %swap3A_357 = arith.constant 58 : i32
    %swap3A_358 = arith.index_cast %swap3A_357 : i32 to index
    %swap3A_359 = memref.load %arg9[%swap3A_358] : memref<128xi32, #tpu.memory_space<smem>>
    memref.store %squeeze3A_356, %arg9[%swap3A_358] : memref<128xi32, #tpu.memory_space<smem>>
    %slice3A_360 = vector.extract_strided_slice %select_n3A_304 {offsets = [11], sizes = [1], strides = [1]} : vector<16xi32> to vector<1xi32>
    %squeeze3A_361 = vector.extract %slice3A_360[0] : i32 from vector<1xi32>
    %swap3A_362 = arith.constant 59 : i32
    %swap3A_363 = arith.index_cast %swap3A_362 : i32 to index
    %swap3A_364 = memref.load %arg9[%swap3A_363] : memref<128xi32, #tpu.memory_space<smem>>
    memref.store %squeeze3A_361, %arg9[%swap3A_363] : memref<128xi32, #tpu.memory_space<smem>>
    %slice3A_365 = vector.extract_strided_slice %select_n3A_304 {offsets = [12], sizes = [1], strides = [1]} : vector<16xi32> to vector<1xi32>
    %squeeze3A_366 = vector.extract %slice3A_365[0] : i32 from vector<1xi32>
    %swap3A_367 = arith.constant 60 : i32
    %swap3A_368 = arith.index_cast %swap3A_367 : i32 to index
    %swap3A_369 = memref.load %arg9[%swap3A_368] : memref<128xi32, #tpu.memory_space<smem>>
    memref.store %squeeze3A_366, %arg9[%swap3A_368] : memref<128xi32, #tpu.memory_space<smem>>
    %slice3A_370 = vector.extract_strided_slice %select_n3A_304 {offsets = [13], sizes = [1], strides = [1]} : vector<16xi32> to vector<1xi32>
    %squeeze3A_371 = vector.extract %slice3A_370[0] : i32 from vector<1xi32>
    %swap3A_372 = arith.constant 61 : i32
    %swap3A_373 = arith.index_cast %swap3A_372 : i32 to index
    %swap3A_374 = memref.load %arg9[%swap3A_373] : memref<128xi32, #tpu.memory_space<smem>>
    memref.store %squeeze3A_371, %arg9[%swap3A_373] : memref<128xi32, #tpu.memory_space<smem>>
    %slice3A_375 = vector.extract_strided_slice %select_n3A_304 {offsets = [14], sizes = [1], strides = [1]} : vector<16xi32> to vector<1xi32>
    %squeeze3A_376 = vector.extract %slice3A_375[0] : i32 from vector<1xi32>
    %swap3A_377 = arith.constant 62 : i32
    %swap3A_378 = arith.index_cast %swap3A_377 : i32 to index
    %swap3A_379 = memref.load %arg9[%swap3A_378] : memref<128xi32, #tpu.memory_space<smem>>
    memref.store %squeeze3A_376, %arg9[%swap3A_378] : memref<128xi32, #tpu.memory_space<smem>>
    %slice3A_380 = vector.extract_strided_slice %select_n3A_304 {offsets = [15], sizes = [1], strides = [1]} : vector<16xi32> to vector<1xi32>
    %squeeze3A_381 = vector.extract %slice3A_380[0] : i32 from vector<1xi32>
    %swap3A_382 = arith.constant 63 : i32
    %swap3A_383 = arith.index_cast %swap3A_382 : i32 to index
    %swap3A_384 = memref.load %arg9[%swap3A_383] : memref<128xi32, #tpu.memory_space<smem>>
    memref.store %squeeze3A_381, %arg9[%swap3A_383] : memref<128xi32, #tpu.memory_space<smem>>
    %get3A_385 = arith.constant 64 : index
    %get3A_386 = tpu.vector_load %arg7[%get3A_385] {strides = array<i32>} : memref<128xi32, #tpu.memory_space<vmem>>, vector<16xi32>,
    %add3A_387 = arith.addi %get3A_386, %get3A_3 : vector<16xi32>
    %ge3A_388 = arith.constant 100000 : i32
    %ge3A_389 = vector.broadcast %ge3A_388 : i32 to vector<16xi32>
    %ge3A_390 = arith.cmpi sge, %add3A_387, %ge3A_389 : vector<16xi32>
    %sub3A_391 = arith.constant 100000 : i32
    %sub3A_392 = vector.broadcast %sub3A_391 : i32 to vector<16xi32>
    %sub3A_393 = arith.subi %add3A_387, %sub3A_392 : vector<16xi32>
    %select_n3A_394 = arith.select %ge3A_390, %sub3A_393, %add3A_387 : vector<16xi1>, vector<16xi32>
    %lt3A_395 = arith.constant 0 : i32
    %lt3A_396 = vector.broadcast %lt3A_395 : i32 to vector<16xi32>
    %lt3A_397 = arith.cmpi slt, %select_n3A_394, %lt3A_396 : vector<16xi32>
    %add3A_398 = arith.constant 100000 : i32
    %add3A_399 = vector.broadcast %add3A_398 : i32 to vector<16xi32>
    %add3A_400 = arith.addi %select_n3A_394, %add3A_399 : vector<16xi32>
    %select_n3A_401 = arith.select %lt3A_397, %add3A_400, %select_n3A_394 : vector<16xi1>, vector<16xi32>
    %slice3A_402 = vector.extract_strided_slice %select_n3A_401 {offsets = [0], sizes = [1], strides = [1]} : vector<16xi32> to vector<1xi32>
    %squeeze3A_403 = vector.extract %slice3A_402[0] : i32 from vector<1xi32>
    %swap3A_404 = arith.constant 64 : i32
    %swap3A_405 = arith.index_cast %swap3A_404 : i32 to index
    %swap3A_406 = memref.load %arg9[%swap3A_405] : memref<128xi32, #tpu.memory_space<smem>>
    memref.store %squeeze3A_403, %arg9[%swap3A_405] : memref<128xi32, #tpu.memory_space<smem>>
    %slice3A_407 = vector.extract_strided_slice %select_n3A_401 {offsets = [1], sizes = [1], strides = [1]} : vector<16xi32> to vector<1xi32>
    %squeeze3A_408 = vector.extract %slice3A_407[0] : i32 from vector<1xi32>
    %swap3A_409 = arith.constant 65 : i32
    %swap3A_410 = arith.index_cast %swap3A_409 : i32 to index
    %swap3A_411 = memref.load %arg9[%swap3A_410] : memref<128xi32, #tpu.memory_space<smem>>
    memref.store %squeeze3A_408, %arg9[%swap3A_410] : memref<128xi32, #tpu.memory_space<smem>>
    %slice3A_412 = vector.extract_strided_slice %select_n3A_401 {offsets = [2], sizes = [1], strides = [1]} : vector<16xi32> to vector<1xi32>
    %squeeze3A_413 = vector.extract %slice3A_412[0] : i32 from vector<1xi32>
    %swap3A_414 = arith.constant 66 : i32
    %swap3A_415 = arith.index_cast %swap3A_414 : i32 to index
    %swap3A_416 = memref.load %arg9[%swap3A_415] : memref<128xi32, #tpu.memory_space<smem>>
    memref.store %squeeze3A_413, %arg9[%swap3A_415] : memref<128xi32, #tpu.memory_space<smem>>
    %slice3A_417 = vector.extract_strided_slice %select_n3A_401 {offsets = [3], sizes = [1], strides = [1]} : vector<16xi32> to vector<1xi32>
    %squeeze3A_418 = vector.extract %slice3A_417[0] : i32 from vector<1xi32>
    %swap3A_419 = arith.constant 67 : i32
    %swap3A_420 = arith.index_cast %swap3A_419 : i32 to index
    %swap3A_421 = memref.load %arg9[%swap3A_420] : memref<128xi32, #tpu.memory_space<smem>>
    memref.store %squeeze3A_418, %arg9[%swap3A_420] : memref<128xi32, #tpu.memory_space<smem>>
    %slice3A_422 = vector.extract_strided_slice %select_n3A_401 {offsets = [4], sizes = [1], strides = [1]} : vector<16xi32> to vector<1xi32>
    %squeeze3A_423 = vector.extract %slice3A_422[0] : i32 from vector<1xi32>
    %swap3A_424 = arith.constant 68 : i32
    %swap3A_425 = arith.index_cast %swap3A_424 : i32 to index
    %swap3A_426 = memref.load %arg9[%swap3A_425] : memref<128xi32, #tpu.memory_space<smem>>
    memref.store %squeeze3A_423, %arg9[%swap3A_425] : memref<128xi32, #tpu.memory_space<smem>>
    %slice3A_427 = vector.extract_strided_slice %select_n3A_401 {offsets = [5], sizes = [1], strides = [1]} : vector<16xi32> to vector<1xi32>
    %squeeze3A_428 = vector.extract %slice3A_427[0] : i32 from vector<1xi32>
    %swap3A_429 = arith.constant 69 : i32
    %swap3A_430 = arith.index_cast %swap3A_429 : i32 to index
    %swap3A_431 = memref.load %arg9[%swap3A_430] : memref<128xi32, #tpu.memory_space<smem>>
    memref.store %squeeze3A_428, %arg9[%swap3A_430] : memref<128xi32, #tpu.memory_space<smem>>
    %slice3A_432 = vector.extract_strided_slice %select_n3A_401 {offsets = [6], sizes = [1], strides = [1]} : vector<16xi32> to vector<1xi32>
    %squeeze3A_433 = vector.extract %slice3A_432[0] : i32 from vector<1xi32>
    %swap3A_434 = arith.constant 70 : i32
    %swap3A_435 = arith.index_cast %swap3A_434 : i32 to index
    %swap3A_436 = memref.load %arg9[%swap3A_435] : memref<128xi32, #tpu.memory_space<smem>>
    memref.store %squeeze3A_433, %arg9[%swap3A_435] : memref<128xi32, #tpu.memory_space<smem>>
    %slice3A_437 = vector.extract_strided_slice %select_n3A_401 {offsets = [7], sizes = [1], strides = [1]} : vector<16xi32> to vector<1xi32>
    %squeeze3A_438 = vector.extract %slice3A_437[0] : i32 from vector<1xi32>
    %swap3A_439 = arith.constant 71 : i32
    %swap3A_440 = arith.index_cast %swap3A_439 : i32 to index
    %swap3A_441 = memref.load %arg9[%swap3A_440] : memref<128xi32, #tpu.memory_space<smem>>
    memref.store %squeeze3A_438, %arg9[%swap3A_440] : memref<128xi32, #tpu.memory_space<smem>>
    %slice3A_442 = vector.extract_strided_slice %select_n3A_401 {offsets = [8], sizes = [1], strides = [1]} : vector<16xi32> to vector<1xi32>
    %squeeze3A_443 = vector.extract %slice3A_442[0] : i32 from vector<1xi32>
    %swap3A_444 = arith.constant 72 : i32
    %swap3A_445 = arith.index_cast %swap3A_444 : i32 to index
    %swap3A_446 = memref.load %arg9[%swap3A_445] : memref<128xi32, #tpu.memory_space<smem>>
    memref.store %squeeze3A_443, %arg9[%swap3A_445] : memref<128xi32, #tpu.memory_space<smem>>
    %slice3A_447 = vector.extract_strided_slice %select_n3A_401 {offsets = [9], sizes = [1], strides = [1]} : vector<16xi32> to vector<1xi32>
    %squeeze3A_448 = vector.extract %slice3A_447[0] : i32 from vector<1xi32>
    %swap3A_449 = arith.constant 73 : i32
    %swap3A_450 = arith.index_cast %swap3A_449 : i32 to index
    %swap3A_451 = memref.load %arg9[%swap3A_450] : memref<128xi32, #tpu.memory_space<smem>>
    memref.store %squeeze3A_448, %arg9[%swap3A_450] : memref<128xi32, #tpu.memory_space<smem>>
    %slice3A_452 = vector.extract_strided_slice %select_n3A_401 {offsets = [10], sizes = [1], strides = [1]} : vector<16xi32> to vector<1xi32>
    %squeeze3A_453 = vector.extract %slice3A_452[0] : i32 from vector<1xi32>
    %swap3A_454 = arith.constant 74 : i32
    %swap3A_455 = arith.index_cast %swap3A_454 : i32 to index
    %swap3A_456 = memref.load %arg9[%swap3A_455] : memref<128xi32, #tpu.memory_space<smem>>
    memref.store %squeeze3A_453, %arg9[%swap3A_455] : memref<128xi32, #tpu.memory_space<smem>>
    %slice3A_457 = vector.extract_strided_slice %select_n3A_401 {offsets = [11], sizes = [1], strides = [1]} : vector<16xi32> to vector<1xi32>
    %squeeze3A_458 = vector.extract %slice3A_457[0] : i32 from vector<1xi32>
    %swap3A_459 = arith.constant 75 : i32
    %swap3A_460 = arith.index_cast %swap3A_459 : i32 to index
    %swap3A_461 = memref.load %arg9[%swap3A_460] : memref<128xi32, #tpu.memory_space<smem>>
    memref.store %squeeze3A_458, %arg9[%swap3A_460] : memref<128xi32, #tpu.memory_space<smem>>
    %slice3A_462 = vector.extract_strided_slice %select_n3A_401 {offsets = [12], sizes = [1], strides = [1]} : vector<16xi32> to vector<1xi32>
    %squeeze3A_463 = vector.extract %slice3A_462[0] : i32 from vector<1xi32>
    %swap3A_464 = arith.constant 76 : i32
    %swap3A_465 = arith.index_cast %swap3A_464 : i32 to index
    %swap3A_466 = memref.load %arg9[%swap3A_465] : memref<128xi32, #tpu.memory_space<smem>>
    memref.store %squeeze3A_463, %arg9[%swap3A_465] : memref<128xi32, #tpu.memory_space<smem>>
    %slice3A_467 = vector.extract_strided_slice %select_n3A_401 {offsets = [13], sizes = [1], strides = [1]} : vector<16xi32> to vector<1xi32>
    %squeeze3A_468 = vector.extract %slice3A_467[0] : i32 from vector<1xi32>
    %swap3A_469 = arith.constant 77 : i32
    %swap3A_470 = arith.index_cast %swap3A_469 : i32 to index
    %swap3A_471 = memref.load %arg9[%swap3A_470] : memref<128xi32, #tpu.memory_space<smem>>
    memref.store %squeeze3A_468, %arg9[%swap3A_470] : memref<128xi32, #tpu.memory_space<smem>>
    %slice3A_472 = vector.extract_strided_slice %select_n3A_401 {offsets = [14], sizes = [1], strides = [1]} : vector<16xi32> to vector<1xi32>
    %squeeze3A_473 = vector.extract %slice3A_472[0] : i32 from vector<1xi32>
    %swap3A_474 = arith.constant 78 : i32
    %swap3A_475 = arith.index_cast %swap3A_474 : i32 to index
    %swap3A_476 = memref.load %arg9[%swap3A_475] : memref<128xi32, #tpu.memory_space<smem>>
    memref.store %squeeze3A_473, %arg9[%swap3A_475] : memref<128xi32, #tpu.memory_space<smem>>
    %slice3A_477 = vector.extract_strided_slice %select_n3A_401 {offsets = [15], sizes = [1], strides = [1]} : vector<16xi32> to vector<1xi32>
    %squeeze3A_478 = vector.extract %slice3A_477[0] : i32 from vector<1xi32>
    %swap3A_479 = arith.constant 79 : i32
    %swap3A_480 = arith.index_cast %swap3A_479 : i32 to index
    %swap3A_481 = memref.load %arg9[%swap3A_480] : memref<128xi32, #tpu.memory_space<smem>>
    memref.store %squeeze3A_478, %arg9[%swap3A_480] : memref<128xi32, #tpu.memory_space<smem>>
    %get3A_482 = arith.constant 80 : index
    %get3A_483 = tpu.vector_load %arg7[%get3A_482] {strides = array<i32>} : memref<128xi32, #tpu.memory_space<vmem>>, vector<16xi32>,
    %add3A_484 = arith.addi %get3A_483, %get3A_3 : vector<16xi32>
    %ge3A_485 = arith.constant 100000 : i32
    %ge3A_486 = vector.broadcast %ge3A_485 : i32 to vector<16xi32>
    %ge3A_487 = arith.cmpi sge, %add3A_484, %ge3A_486 : vector<16xi32>
    %sub3A_488 = arith.constant 100000 : i32
    %sub3A_489 = vector.broadcast %sub3A_488 : i32 to vector<16xi32>
    %sub3A_490 = arith.subi %add3A_484, %sub3A_489 : vector<16xi32>
    %select_n3A_491 = arith.select %ge3A_487, %sub3A_490, %add3A_484 : vector<16xi1>, vector<16xi32>
    %lt3A_492 = arith.constant 0 : i32
    %lt3A_493 = vector.broadcast %lt3A_492 : i32 to vector<16xi32>
    %lt3A_494 = arith.cmpi slt, %select_n3A_491, %lt3A_493 : vector<16xi32>
    %add3A_495 = arith.constant 100000 : i32
    %add3A_496 = vector.broadcast %add3A_495 : i32 to vector<16xi32>
    %add3A_497 = arith.addi %select_n3A_491, %add3A_496 : vector<16xi32>
    %select_n3A_498 = arith.select %lt3A_494, %add3A_497, %select_n3A_491 : vector<16xi1>, vector<16xi32>
    %slice3A_499 = vector.extract_strided_slice %select_n3A_498 {offsets = [0], sizes = [1], strides = [1]} : vector<16xi32> to vector<1xi32>
    %squeeze3A_500 = vector.extract %slice3A_499[0] : i32 from vector<1xi32>
    %swap3A_501 = arith.constant 80 : i32
    %swap3A_502 = arith.index_cast %swap3A_501 : i32 to index
    %swap3A_503 = memref.load %arg9[%swap3A_502] : memref<128xi32, #tpu.memory_space<smem>>
    memref.store %squeeze3A_500, %arg9[%swap3A_502] : memref<128xi32, #tpu.memory_space<smem>>
    %slice3A_504 = vector.extract_strided_slice %select_n3A_498 {offsets = [1], sizes = [1], strides = [1]} : vector<16xi32> to vector<1xi32>
    %squeeze3A_505 = vector.extract %slice3A_504[0] : i32 from vector<1xi32>
    %swap3A_506 = arith.constant 81 : i32
    %swap3A_507 = arith.index_cast %swap3A_506 : i32 to index
    %swap3A_508 = memref.load %arg9[%swap3A_507] : memref<128xi32, #tpu.memory_space<smem>>
    memref.store %squeeze3A_505, %arg9[%swap3A_507] : memref<128xi32, #tpu.memory_space<smem>>
    %slice3A_509 = vector.extract_strided_slice %select_n3A_498 {offsets = [2], sizes = [1], strides = [1]} : vector<16xi32> to vector<1xi32>
    %squeeze3A_510 = vector.extract %slice3A_509[0] : i32 from vector<1xi32>
    %swap3A_511 = arith.constant 82 : i32
    %swap3A_512 = arith.index_cast %swap3A_511 : i32 to index
    %swap3A_513 = memref.load %arg9[%swap3A_512] : memref<128xi32, #tpu.memory_space<smem>>
    memref.store %squeeze3A_510, %arg9[%swap3A_512] : memref<128xi32, #tpu.memory_space<smem>>
    %slice3A_514 = vector.extract_strided_slice %select_n3A_498 {offsets = [3], sizes = [1], strides = [1]} : vector<16xi32> to vector<1xi32>
    %squeeze3A_515 = vector.extract %slice3A_514[0] : i32 from vector<1xi32>
    %swap3A_516 = arith.constant 83 : i32
    %swap3A_517 = arith.index_cast %swap3A_516 : i32 to index
    %swap3A_518 = memref.load %arg9[%swap3A_517] : memref<128xi32, #tpu.memory_space<smem>>
    memref.store %squeeze3A_515, %arg9[%swap3A_517] : memref<128xi32, #tpu.memory_space<smem>>
    %slice3A_519 = vector.extract_strided_slice %select_n3A_498 {offsets = [4], sizes = [1], strides = [1]} : vector<16xi32> to vector<1xi32>
    %squeeze3A_520 = vector.extract %slice3A_519[0] : i32 from vector<1xi32>
    %swap3A_521 = arith.constant 84 : i32
    %swap3A_522 = arith.index_cast %swap3A_521 : i32 to index
    %swap3A_523 = memref.load %arg9[%swap3A_522] : memref<128xi32, #tpu.memory_space<smem>>
    memref.store %squeeze3A_520, %arg9[%swap3A_522] : memref<128xi32, #tpu.memory_space<smem>>
    %slice3A_524 = vector.extract_strided_slice %select_n3A_498 {offsets = [5], sizes = [1], strides = [1]} : vector<16xi32> to vector<1xi32>
    %squeeze3A_525 = vector.extract %slice3A_524[0] : i32 from vector<1xi32>
    %swap3A_526 = arith.constant 85 : i32
    %swap3A_527 = arith.index_cast %swap3A_526 : i32 to index
    %swap3A_528 = memref.load %arg9[%swap3A_527] : memref<128xi32, #tpu.memory_space<smem>>
    memref.store %squeeze3A_525, %arg9[%swap3A_527] : memref<128xi32, #tpu.memory_space<smem>>
    %slice3A_529 = vector.extract_strided_slice %select_n3A_498 {offsets = [6], sizes = [1], strides = [1]} : vector<16xi32> to vector<1xi32>
    %squeeze3A_530 = vector.extract %slice3A_529[0] : i32 from vector<1xi32>
    %swap3A_531 = arith.constant 86 : i32
    %swap3A_532 = arith.index_cast %swap3A_531 : i32 to index
    %swap3A_533 = memref.load %arg9[%swap3A_532] : memref<128xi32, #tpu.memory_space<smem>>
    memref.store %squeeze3A_530, %arg9[%swap3A_532] : memref<128xi32, #tpu.memory_space<smem>>
    %slice3A_534 = vector.extract_strided_slice %select_n3A_498 {offsets = [7], sizes = [1], strides = [1]} : vector<16xi32> to vector<1xi32>
    %squeeze3A_535 = vector.extract %slice3A_534[0] : i32 from vector<1xi32>
    %swap3A_536 = arith.constant 87 : i32
    %swap3A_537 = arith.index_cast %swap3A_536 : i32 to index
    %swap3A_538 = memref.load %arg9[%swap3A_537] : memref<128xi32, #tpu.memory_space<smem>>
    memref.store %squeeze3A_535, %arg9[%swap3A_537] : memref<128xi32, #tpu.memory_space<smem>>
    %slice3A_539 = vector.extract_strided_slice %select_n3A_498 {offsets = [8], sizes = [1], strides = [1]} : vector<16xi32> to vector<1xi32>
    %squeeze3A_540 = vector.extract %slice3A_539[0] : i32 from vector<1xi32>
    %swap3A_541 = arith.constant 88 : i32
    %swap3A_542 = arith.index_cast %swap3A_541 : i32 to index
    %swap3A_543 = memref.load %arg9[%swap3A_542] : memref<128xi32, #tpu.memory_space<smem>>
    memref.store %squeeze3A_540, %arg9[%swap3A_542] : memref<128xi32, #tpu.memory_space<smem>>
    %slice3A_544 = vector.extract_strided_slice %select_n3A_498 {offsets = [9], sizes = [1], strides = [1]} : vector<16xi32> to vector<1xi32>
    %squeeze3A_545 = vector.extract %slice3A_544[0] : i32 from vector<1xi32>
    %swap3A_546 = arith.constant 89 : i32
    %swap3A_547 = arith.index_cast %swap3A_546 : i32 to index
    %swap3A_548 = memref.load %arg9[%swap3A_547] : memref<128xi32, #tpu.memory_space<smem>>
    memref.store %squeeze3A_545, %arg9[%swap3A_547] : memref<128xi32, #tpu.memory_space<smem>>
    %slice3A_549 = vector.extract_strided_slice %select_n3A_498 {offsets = [10], sizes = [1], strides = [1]} : vector<16xi32> to vector<1xi32>
    %squeeze3A_550 = vector.extract %slice3A_549[0] : i32 from vector<1xi32>
    %swap3A_551 = arith.constant 90 : i32
    %swap3A_552 = arith.index_cast %swap3A_551 : i32 to index
    %swap3A_553 = memref.load %arg9[%swap3A_552] : memref<128xi32, #tpu.memory_space<smem>>
    memref.store %squeeze3A_550, %arg9[%swap3A_552] : memref<128xi32, #tpu.memory_space<smem>>
    %slice3A_554 = vector.extract_strided_slice %select_n3A_498 {offsets = [11], sizes = [1], strides = [1]} : vector<16xi32> to vector<1xi32>
    %squeeze3A_555 = vector.extract %slice3A_554[0] : i32 from vector<1xi32>
    %swap3A_556 = arith.constant 91 : i32
    %swap3A_557 = arith.index_cast %swap3A_556 : i32 to index
    %swap3A_558 = memref.load %arg9[%swap3A_557] : memref<128xi32, #tpu.memory_space<smem>>
    memref.store %squeeze3A_555, %arg9[%swap3A_557] : memref<128xi32, #tpu.memory_space<smem>>
    %slice3A_559 = vector.extract_strided_slice %select_n3A_498 {offsets = [12], sizes = [1], strides = [1]} : vector<16xi32> to vector<1xi32>
    %squeeze3A_560 = vector.extract %slice3A_559[0] : i32 from vector<1xi32>
    %swap3A_561 = arith.constant 92 : i32
    %swap3A_562 = arith.index_cast %swap3A_561 : i32 to index
    %swap3A_563 = memref.load %arg9[%swap3A_562] : memref<128xi32, #tpu.memory_space<smem>>
    memref.store %squeeze3A_560, %arg9[%swap3A_562] : memref<128xi32, #tpu.memory_space<smem>>
    %slice3A_564 = vector.extract_strided_slice %select_n3A_498 {offsets = [13], sizes = [1], strides = [1]} : vector<16xi32> to vector<1xi32>
    %squeeze3A_565 = vector.extract %slice3A_564[0] : i32 from vector<1xi32>
    %swap3A_566 = arith.constant 93 : i32
    %swap3A_567 = arith.index_cast %swap3A_566 : i32 to index
    %swap3A_568 = memref.load %arg9[%swap3A_567] : memref<128xi32, #tpu.memory_space<smem>>
    memref.store %squeeze3A_565, %arg9[%swap3A_567] : memref<128xi32, #tpu.memory_space<smem>>
    %slice3A_569 = vector.extract_strided_slice %select_n3A_498 {offsets = [14], sizes = [1], strides = [1]} : vector<16xi32> to vector<1xi32>
    %squeeze3A_570 = vector.extract %slice3A_569[0] : i32 from vector<1xi32>
    %swap3A_571 = arith.constant 94 : i32
    %swap3A_572 = arith.index_cast %swap3A_571 : i32 to index
    %swap3A_573 = memref.load %arg9[%swap3A_572] : memref<128xi32, #tpu.memory_space<smem>>
    memref.store %squeeze3A_570, %arg9[%swap3A_572] : memref<128xi32, #tpu.memory_space<smem>>
    %slice3A_574 = vector.extract_strided_slice %select_n3A_498 {offsets = [15], sizes = [1], strides = [1]} : vector<16xi32> to vector<1xi32>
    %squeeze3A_575 = vector.extract %slice3A_574[0] : i32 from vector<1xi32>
    %swap3A_576 = arith.constant 95 : i32
    %swap3A_577 = arith.index_cast %swap3A_576 : i32 to index
    %swap3A_578 = memref.load %arg9[%swap3A_577] : memref<128xi32, #tpu.memory_space<smem>>
    memref.store %squeeze3A_575, %arg9[%swap3A_577] : memref<128xi32, #tpu.memory_space<smem>>
    %get3A_579 = arith.constant 96 : index
    %get3A_580 = tpu.vector_load %arg7[%get3A_579] {strides = array<i32>} : memref<128xi32, #tpu.memory_space<vmem>>, vector<16xi32>,
    %add3A_581 = arith.addi %get3A_580, %get3A_3 : vector<16xi32>
    %ge3A_582 = arith.constant 100000 : i32
    %ge3A_583 = vector.broadcast %ge3A_582 : i32 to vector<16xi32>
    %ge3A_584 = arith.cmpi sge, %add3A_581, %ge3A_583 : vector<16xi32>
    %sub3A_585 = arith.constant 100000 : i32
    %sub3A_586 = vector.broadcast %sub3A_585 : i32 to vector<16xi32>
    %sub3A_587 = arith.subi %add3A_581, %sub3A_586 : vector<16xi32>
    %select_n3A_588 = arith.select %ge3A_584, %sub3A_587, %add3A_581 : vector<16xi1>, vector<16xi32>
    %lt3A_589 = arith.constant 0 : i32
    %lt3A_590 = vector.broadcast %lt3A_589 : i32 to vector<16xi32>
    %lt3A_591 = arith.cmpi slt, %select_n3A_588, %lt3A_590 : vector<16xi32>
    %add3A_592 = arith.constant 100000 : i32
    %add3A_593 = vector.broadcast %add3A_592 : i32 to vector<16xi32>
    %add3A_594 = arith.addi %select_n3A_588, %add3A_593 : vector<16xi32>
    %select_n3A_595 = arith.select %lt3A_591, %add3A_594, %select_n3A_588 : vector<16xi1>, vector<16xi32>
    %slice3A_596 = vector.extract_strided_slice %select_n3A_595 {offsets = [0], sizes = [1], strides = [1]} : vector<16xi32> to vector<1xi32>
    %squeeze3A_597 = vector.extract %slice3A_596[0] : i32 from vector<1xi32>
    %swap3A_598 = arith.constant 96 : i32
    %swap3A_599 = arith.index_cast %swap3A_598 : i32 to index
    %swap3A_600 = memref.load %arg9[%swap3A_599] : memref<128xi32, #tpu.memory_space<smem>>
    memref.store %squeeze3A_597, %arg9[%swap3A_599] : memref<128xi32, #tpu.memory_space<smem>>
    %slice3A_601 = vector.extract_strided_slice %select_n3A_595 {offsets = [1], sizes = [1], strides = [1]} : vector<16xi32> to vector<1xi32>
    %squeeze3A_602 = vector.extract %slice3A_601[0] : i32 from vector<1xi32>
    %swap3A_603 = arith.constant 97 : i32
    %swap3A_604 = arith.index_cast %swap3A_603 : i32 to index
    %swap3A_605 = memref.load %arg9[%swap3A_604] : memref<128xi32, #tpu.memory_space<smem>>
    memref.store %squeeze3A_602, %arg9[%swap3A_604] : memref<128xi32, #tpu.memory_space<smem>>
    %slice3A_606 = vector.extract_strided_slice %select_n3A_595 {offsets = [2], sizes = [1], strides = [1]} : vector<16xi32> to vector<1xi32>
    %squeeze3A_607 = vector.extract %slice3A_606[0] : i32 from vector<1xi32>
    %swap3A_608 = arith.constant 98 : i32
    %swap3A_609 = arith.index_cast %swap3A_608 : i32 to index
    %swap3A_610 = memref.load %arg9[%swap3A_609] : memref<128xi32, #tpu.memory_space<smem>>
    memref.store %squeeze3A_607, %arg9[%swap3A_609] : memref<128xi32, #tpu.memory_space<smem>>
    %slice3A_611 = vector.extract_strided_slice %select_n3A_595 {offsets = [3], sizes = [1], strides = [1]} : vector<16xi32> to vector<1xi32>
    %squeeze3A_612 = vector.extract %slice3A_611[0] : i32 from vector<1xi32>
    %swap3A_613 = arith.constant 99 : i32
    %swap3A_614 = arith.index_cast %swap3A_613 : i32 to index
    %swap3A_615 = memref.load %arg9[%swap3A_614] : memref<128xi32, #tpu.memory_space<smem>>
    memref.store %squeeze3A_612, %arg9[%swap3A_614] : memref<128xi32, #tpu.memory_space<smem>>
    %slice3A_616 = vector.extract_strided_slice %select_n3A_595 {offsets = [4], sizes = [1], strides = [1]} : vector<16xi32> to vector<1xi32>
    %squeeze3A_617 = vector.extract %slice3A_616[0] : i32 from vector<1xi32>
    %swap3A_618 = arith.constant 100 : i32
    %swap3A_619 = arith.index_cast %swap3A_618 : i32 to index
    %swap3A_620 = memref.load %arg9[%swap3A_619] : memref<128xi32, #tpu.memory_space<smem>>
    memref.store %squeeze3A_617, %arg9[%swap3A_619] : memref<128xi32, #tpu.memory_space<smem>>
    %slice3A_621 = vector.extract_strided_slice %select_n3A_595 {offsets = [5], sizes = [1], strides = [1]} : vector<16xi32> to vector<1xi32>
    %squeeze3A_622 = vector.extract %slice3A_621[0] : i32 from vector<1xi32>
    %swap3A_623 = arith.constant 101 : i32
    %swap3A_624 = arith.index_cast %swap3A_623 : i32 to index
    %swap3A_625 = memref.load %arg9[%swap3A_624] : memref<128xi32, #tpu.memory_space<smem>>
    memref.store %squeeze3A_622, %arg9[%swap3A_624] : memref<128xi32, #tpu.memory_space<smem>>
    %slice3A_626 = vector.extract_strided_slice %select_n3A_595 {offsets = [6], sizes = [1], strides = [1]} : vector<16xi32> to vector<1xi32>
    %squeeze3A_627 = vector.extract %slice3A_626[0] : i32 from vector<1xi32>
    %swap3A_628 = arith.constant 102 : i32
    %swap3A_629 = arith.index_cast %swap3A_628 : i32 to index
    %swap3A_630 = memref.load %arg9[%swap3A_629] : memref<128xi32, #tpu.memory_space<smem>>
    memref.store %squeeze3A_627, %arg9[%swap3A_629] : memref<128xi32, #tpu.memory_space<smem>>
    %slice3A_631 = vector.extract_strided_slice %select_n3A_595 {offsets = [7], sizes = [1], strides = [1]} : vector<16xi32> to vector<1xi32>
    %squeeze3A_632 = vector.extract %slice3A_631[0] : i32 from vector<1xi32>
    %swap3A_633 = arith.constant 103 : i32
    %swap3A_634 = arith.index_cast %swap3A_633 : i32 to index
    %swap3A_635 = memref.load %arg9[%swap3A_634] : memref<128xi32, #tpu.memory_space<smem>>
    memref.store %squeeze3A_632, %arg9[%swap3A_634] : memref<128xi32, #tpu.memory_space<smem>>
    %slice3A_636 = vector.extract_strided_slice %select_n3A_595 {offsets = [8], sizes = [1], strides = [1]} : vector<16xi32> to vector<1xi32>
    %squeeze3A_637 = vector.extract %slice3A_636[0] : i32 from vector<1xi32>
    %swap3A_638 = arith.constant 104 : i32
    %swap3A_639 = arith.index_cast %swap3A_638 : i32 to index
    %swap3A_640 = memref.load %arg9[%swap3A_639] : memref<128xi32, #tpu.memory_space<smem>>
    memref.store %squeeze3A_637, %arg9[%swap3A_639] : memref<128xi32, #tpu.memory_space<smem>>
    %slice3A_641 = vector.extract_strided_slice %select_n3A_595 {offsets = [9], sizes = [1], strides = [1]} : vector<16xi32> to vector<1xi32>
    %squeeze3A_642 = vector.extract %slice3A_641[0] : i32 from vector<1xi32>
    %swap3A_643 = arith.constant 105 : i32
    %swap3A_644 = arith.index_cast %swap3A_643 : i32 to index
    %swap3A_645 = memref.load %arg9[%swap3A_644] : memref<128xi32, #tpu.memory_space<smem>>
    memref.store %squeeze3A_642, %arg9[%swap3A_644] : memref<128xi32, #tpu.memory_space<smem>>
    %slice3A_646 = vector.extract_strided_slice %select_n3A_595 {offsets = [10], sizes = [1], strides = [1]} : vector<16xi32> to vector<1xi32>
    %squeeze3A_647 = vector.extract %slice3A_646[0] : i32 from vector<1xi32>
    %swap3A_648 = arith.constant 106 : i32
    %swap3A_649 = arith.index_cast %swap3A_648 : i32 to index
    %swap3A_650 = memref.load %arg9[%swap3A_649] : memref<128xi32, #tpu.memory_space<smem>>
    memref.store %squeeze3A_647, %arg9[%swap3A_649] : memref<128xi32, #tpu.memory_space<smem>>
    %slice3A_651 = vector.extract_strided_slice %select_n3A_595 {offsets = [11], sizes = [1], strides = [1]} : vector<16xi32> to vector<1xi32>
    %squeeze3A_652 = vector.extract %slice3A_651[0] : i32 from vector<1xi32>
    %swap3A_653 = arith.constant 107 : i32
    %swap3A_654 = arith.index_cast %swap3A_653 : i32 to index
    %swap3A_655 = memref.load %arg9[%swap3A_654] : memref<128xi32, #tpu.memory_space<smem>>
    memref.store %squeeze3A_652, %arg9[%swap3A_654] : memref<128xi32, #tpu.memory_space<smem>>
    %slice3A_656 = vector.extract_strided_slice %select_n3A_595 {offsets = [12], sizes = [1], strides = [1]} : vector<16xi32> to vector<1xi32>
    %squeeze3A_657 = vector.extract %slice3A_656[0] : i32 from vector<1xi32>
    %swap3A_658 = arith.constant 108 : i32
    %swap3A_659 = arith.index_cast %swap3A_658 : i32 to index
    %swap3A_660 = memref.load %arg9[%swap3A_659] : memref<128xi32, #tpu.memory_space<smem>>
    memref.store %squeeze3A_657, %arg9[%swap3A_659] : memref<128xi32, #tpu.memory_space<smem>>
    %slice3A_661 = vector.extract_strided_slice %select_n3A_595 {offsets = [13], sizes = [1], strides = [1]} : vector<16xi32> to vector<1xi32>
    %squeeze3A_662 = vector.extract %slice3A_661[0] : i32 from vector<1xi32>
    %swap3A_663 = arith.constant 109 : i32
    %swap3A_664 = arith.index_cast %swap3A_663 : i32 to index
    %swap3A_665 = memref.load %arg9[%swap3A_664] : memref<128xi32, #tpu.memory_space<smem>>
    memref.store %squeeze3A_662, %arg9[%swap3A_664] : memref<128xi32, #tpu.memory_space<smem>>
    %slice3A_666 = vector.extract_strided_slice %select_n3A_595 {offsets = [14], sizes = [1], strides = [1]} : vector<16xi32> to vector<1xi32>
    %squeeze3A_667 = vector.extract %slice3A_666[0] : i32 from vector<1xi32>
    %swap3A_668 = arith.constant 110 : i32
    %swap3A_669 = arith.index_cast %swap3A_668 : i32 to index
    %swap3A_670 = memref.load %arg9[%swap3A_669] : memref<128xi32, #tpu.memory_space<smem>>
    memref.store %squeeze3A_667, %arg9[%swap3A_669] : memref<128xi32, #tpu.memory_space<smem>>
    %slice3A_671 = vector.extract_strided_slice %select_n3A_595 {offsets = [15], sizes = [1], strides = [1]} : vector<16xi32> to vector<1xi32>
    %squeeze3A_672 = vector.extract %slice3A_671[0] : i32 from vector<1xi32>
    %swap3A_673 = arith.constant 111 : i32
    %swap3A_674 = arith.index_cast %swap3A_673 : i32 to index
    %swap3A_675 = memref.load %arg9[%swap3A_674] : memref<128xi32, #tpu.memory_space<smem>>
    memref.store %squeeze3A_672, %arg9[%swap3A_674] : memref<128xi32, #tpu.memory_space<smem>>
    %get3A_676 = arith.constant 112 : index
    %get3A_677 = tpu.vector_load %arg7[%get3A_676] {strides = array<i32>} : memref<128xi32, #tpu.memory_space<vmem>>, vector<16xi32>,
    %add3A_678 = arith.addi %get3A_677, %get3A_3 : vector<16xi32>
    %ge3A_679 = arith.constant 100000 : i32
    %ge3A_680 = vector.broadcast %ge3A_679 : i32 to vector<16xi32>
    %ge3A_681 = arith.cmpi sge, %add3A_678, %ge3A_680 : vector<16xi32>
    %sub3A_682 = arith.constant 100000 : i32
    %sub3A_683 = vector.broadcast %sub3A_682 : i32 to vector<16xi32>
    %sub3A_684 = arith.subi %add3A_678, %sub3A_683 : vector<16xi32>
    %select_n3A_685 = arith.select %ge3A_681, %sub3A_684, %add3A_678 : vector<16xi1>, vector<16xi32>
    %lt3A_686 = arith.constant 0 : i32
    %lt3A_687 = vector.broadcast %lt3A_686 : i32 to vector<16xi32>
    %lt3A_688 = arith.cmpi slt, %select_n3A_685, %lt3A_687 : vector<16xi32>
    %add3A_689 = arith.constant 100000 : i32
    %add3A_690 = vector.broadcast %add3A_689 : i32 to vector<16xi32>
    %add3A_691 = arith.addi %select_n3A_685, %add3A_690 : vector<16xi32>
    %select_n3A_692 = arith.select %lt3A_688, %add3A_691, %select_n3A_685 : vector<16xi1>, vector<16xi32>
    %slice3A_693 = vector.extract_strided_slice %select_n3A_692 {offsets = [0], sizes = [1], strides = [1]} : vector<16xi32> to vector<1xi32>
    %squeeze3A_694 = vector.extract %slice3A_693[0] : i32 from vector<1xi32>
    %swap3A_695 = arith.constant 112 : i32
    %swap3A_696 = arith.index_cast %swap3A_695 : i32 to index
    %swap3A_697 = memref.load %arg9[%swap3A_696] : memref<128xi32, #tpu.memory_space<smem>>
    memref.store %squeeze3A_694, %arg9[%swap3A_696] : memref<128xi32, #tpu.memory_space<smem>>
    %slice3A_698 = vector.extract_strided_slice %select_n3A_692 {offsets = [1], sizes = [1], strides = [1]} : vector<16xi32> to vector<1xi32>
    %squeeze3A_699 = vector.extract %slice3A_698[0] : i32 from vector<1xi32>
    %swap3A_700 = arith.constant 113 : i32
    %swap3A_701 = arith.index_cast %swap3A_700 : i32 to index
    %swap3A_702 = memref.load %arg9[%swap3A_701] : memref<128xi32, #tpu.memory_space<smem>>
    memref.store %squeeze3A_699, %arg9[%swap3A_701] : memref<128xi32, #tpu.memory_space<smem>>
    %slice3A_703 = vector.extract_strided_slice %select_n3A_692 {offsets = [2], sizes = [1], strides = [1]} : vector<16xi32> to vector<1xi32>
    %squeeze3A_704 = vector.extract %slice3A_703[0] : i32 from vector<1xi32>
    %swap3A_705 = arith.constant 114 : i32
    %swap3A_706 = arith.index_cast %swap3A_705 : i32 to index
    %swap3A_707 = memref.load %arg9[%swap3A_706] : memref<128xi32, #tpu.memory_space<smem>>
    memref.store %squeeze3A_704, %arg9[%swap3A_706] : memref<128xi32, #tpu.memory_space<smem>>
    %slice3A_708 = vector.extract_strided_slice %select_n3A_692 {offsets = [3], sizes = [1], strides = [1]} : vector<16xi32> to vector<1xi32>
    %squeeze3A_709 = vector.extract %slice3A_708[0] : i32 from vector<1xi32>
    %swap3A_710 = arith.constant 115 : i32
    %swap3A_711 = arith.index_cast %swap3A_710 : i32 to index
    %swap3A_712 = memref.load %arg9[%swap3A_711] : memref<128xi32, #tpu.memory_space<smem>>
    memref.store %squeeze3A_709, %arg9[%swap3A_711] : memref<128xi32, #tpu.memory_space<smem>>
    %slice3A_713 = vector.extract_strided_slice %select_n3A_692 {offsets = [4], sizes = [1], strides = [1]} : vector<16xi32> to vector<1xi32>
    %squeeze3A_714 = vector.extract %slice3A_713[0] : i32 from vector<1xi32>
    %swap3A_715 = arith.constant 116 : i32
    %swap3A_716 = arith.index_cast %swap3A_715 : i32 to index
    %swap3A_717 = memref.load %arg9[%swap3A_716] : memref<128xi32, #tpu.memory_space<smem>>
    memref.store %squeeze3A_714, %arg9[%swap3A_716] : memref<128xi32, #tpu.memory_space<smem>>
    %slice3A_718 = vector.extract_strided_slice %select_n3A_692 {offsets = [5], sizes = [1], strides = [1]} : vector<16xi32> to vector<1xi32>
    %squeeze3A_719 = vector.extract %slice3A_718[0] : i32 from vector<1xi32>
    %swap3A_720 = arith.constant 117 : i32
    %swap3A_721 = arith.index_cast %swap3A_720 : i32 to index
    %swap3A_722 = memref.load %arg9[%swap3A_721] : memref<128xi32, #tpu.memory_space<smem>>
    memref.store %squeeze3A_719, %arg9[%swap3A_721] : memref<128xi32, #tpu.memory_space<smem>>
    %slice3A_723 = vector.extract_strided_slice %select_n3A_692 {offsets = [6], sizes = [1], strides = [1]} : vector<16xi32> to vector<1xi32>
    %squeeze3A_724 = vector.extract %slice3A_723[0] : i32 from vector<1xi32>
    %swap3A_725 = arith.constant 118 : i32
    %swap3A_726 = arith.index_cast %swap3A_725 : i32 to index
    %swap3A_727 = memref.load %arg9[%swap3A_726] : memref<128xi32, #tpu.memory_space<smem>>
    memref.store %squeeze3A_724, %arg9[%swap3A_726] : memref<128xi32, #tpu.memory_space<smem>>
    %slice3A_728 = vector.extract_strided_slice %select_n3A_692 {offsets = [7], sizes = [1], strides = [1]} : vector<16xi32> to vector<1xi32>
    %squeeze3A_729 = vector.extract %slice3A_728[0] : i32 from vector<1xi32>
    %swap3A_730 = arith.constant 119 : i32
    %swap3A_731 = arith.index_cast %swap3A_730 : i32 to index
    %swap3A_732 = memref.load %arg9[%swap3A_731] : memref<128xi32, #tpu.memory_space<smem>>
    memref.store %squeeze3A_729, %arg9[%swap3A_731] : memref<128xi32, #tpu.memory_space<smem>>
    %slice3A_733 = vector.extract_strided_slice %select_n3A_692 {offsets = [8], sizes = [1], strides = [1]} : vector<16xi32> to vector<1xi32>
    %squeeze3A_734 = vector.extract %slice3A_733[0] : i32 from vector<1xi32>
    %swap3A_735 = arith.constant 120 : i32
    %swap3A_736 = arith.index_cast %swap3A_735 : i32 to index
    %swap3A_737 = memref.load %arg9[%swap3A_736] : memref<128xi32, #tpu.memory_space<smem>>
    memref.store %squeeze3A_734, %arg9[%swap3A_736] : memref<128xi32, #tpu.memory_space<smem>>
    %slice3A_738 = vector.extract_strided_slice %select_n3A_692 {offsets = [9], sizes = [1], strides = [1]} : vector<16xi32> to vector<1xi32>
    %squeeze3A_739 = vector.extract %slice3A_738[0] : i32 from vector<1xi32>
    %swap3A_740 = arith.constant 121 : i32
    %swap3A_741 = arith.index_cast %swap3A_740 : i32 to index
    %swap3A_742 = memref.load %arg9[%swap3A_741] : memref<128xi32, #tpu.memory_space<smem>>
    memref.store %squeeze3A_739, %arg9[%swap3A_741] : memref<128xi32, #tpu.memory_space<smem>>
    %slice3A_743 = vector.extract_strided_slice %select_n3A_692 {offsets = [10], sizes = [1], strides = [1]} : vector<16xi32> to vector<1xi32>
    %squeeze3A_744 = vector.extract %slice3A_743[0] : i32 from vector<1xi32>
    %swap3A_745 = arith.constant 122 : i32
    %swap3A_746 = arith.index_cast %swap3A_745 : i32 to index
    %swap3A_747 = memref.load %arg9[%swap3A_746] : memref<128xi32, #tpu.memory_space<smem>>
    memref.store %squeeze3A_744, %arg9[%swap3A_746] : memref<128xi32, #tpu.memory_space<smem>>
    %slice3A_748 = vector.extract_strided_slice %select_n3A_692 {offsets = [11], sizes = [1], strides = [1]} : vector<16xi32> to vector<1xi32>
    %squeeze3A_749 = vector.extract %slice3A_748[0] : i32 from vector<1xi32>
    %swap3A_750 = arith.constant 123 : i32
    %swap3A_751 = arith.index_cast %swap3A_750 : i32 to index
    %swap3A_752 = memref.load %arg9[%swap3A_751] : memref<128xi32, #tpu.memory_space<smem>>
    memref.store %squeeze3A_749, %arg9[%swap3A_751] : memref<128xi32, #tpu.memory_space<smem>>
    %slice3A_753 = vector.extract_strided_slice %select_n3A_692 {offsets = [12], sizes = [1], strides = [1]} : vector<16xi32> to vector<1xi32>
    %squeeze3A_754 = vector.extract %slice3A_753[0] : i32 from vector<1xi32>
    %swap3A_755 = arith.constant 124 : i32
    %swap3A_756 = arith.index_cast %swap3A_755 : i32 to index
    %swap3A_757 = memref.load %arg9[%swap3A_756] : memref<128xi32, #tpu.memory_space<smem>>
    memref.store %squeeze3A_754, %arg9[%swap3A_756] : memref<128xi32, #tpu.memory_space<smem>>
    %slice3A_758 = vector.extract_strided_slice %select_n3A_692 {offsets = [13], sizes = [1], strides = [1]} : vector<16xi32> to vector<1xi32>
    %squeeze3A_759 = vector.extract %slice3A_758[0] : i32 from vector<1xi32>
    %swap3A_760 = arith.constant 125 : i32
    %swap3A_761 = arith.index_cast %swap3A_760 : i32 to index
    %swap3A_762 = memref.load %arg9[%swap3A_761] : memref<128xi32, #tpu.memory_space<smem>>
    memref.store %squeeze3A_759, %arg9[%swap3A_761] : memref<128xi32, #tpu.memory_space<smem>>
    %slice3A_763 = vector.extract_strided_slice %select_n3A_692 {offsets = [14], sizes = [1], strides = [1]} : vector<16xi32> to vector<1xi32>
    %squeeze3A_764 = vector.extract %slice3A_763[0] : i32 from vector<1xi32>
    %swap3A_765 = arith.constant 126 : i32
    %swap3A_766 = arith.index_cast %swap3A_765 : i32 to index
    %swap3A_767 = memref.load %arg9[%swap3A_766] : memref<128xi32, #tpu.memory_space<smem>>
    memref.store %squeeze3A_764, %arg9[%swap3A_766] : memref<128xi32, #tpu.memory_space<smem>>
    %slice3A_768 = vector.extract_strided_slice %select_n3A_692 {offsets = [15], sizes = [1], strides = [1]} : vector<16xi32> to vector<1xi32>
    %squeeze3A_769 = vector.extract %slice3A_768[0] : i32 from vector<1xi32>
    %swap3A_770 = arith.constant 127 : i32
    %swap3A_771 = arith.index_cast %swap3A_770 : i32 to index
    %swap3A_772 = memref.load %arg9[%swap3A_771] : memref<128xi32, #tpu.memory_space<smem>>
    memref.store %squeeze3A_769, %arg9[%swap3A_771] : memref<128xi32, #tpu.memory_space<smem>>
    %iota3A = tpu.iota {dimensions = array<i32: 0>} : vector<16xi32>
    %add3A_773 = arith.constant 0 : i32
    %add3A_774 = vector.broadcast %add3A_773 : i32 to vector<16xi32>
    %add3A_775 = arith.addi %iota3A, %add3A_774 : vector<16xi32>
    %jit3A = arith.constant 16 : i32
    %eq3A = arith.constant 0 : i32
    %eq3A_776 = arith.cmpi eq, %jit3A, %eq3A : i32
    %jit3A_777 = arith.constant 1 : i32
    %select_n3A_778 = arith.select %eq3A_776, %jit3A_777, %jit3A : i32
    %rem3A = vector.broadcast %select_n3A_778 : i32 to vector<16xi32>
    %rem3A_779 = arith.remsi %add3A_775, %rem3A : vector<16xi32>
    %ne3A = arith.constant 0 : i32
    %ne3A_780 = vector.broadcast %ne3A : i32 to vector<16xi32>
    %ne3A_781 = arith.cmpi ne, %rem3A_779, %ne3A_780 : vector<16xi32>
    %lt3A_782 = arith.constant 0 : i32
    %lt3A_783 = vector.broadcast %lt3A_782 : i32 to vector<16xi32>
    %lt3A_784 = arith.cmpi slt, %rem3A_779, %lt3A_783 : vector<16xi32>
    %lt3A_785 = arith.constant 0 : i32
    %lt3A_786 = arith.cmpi slt, %select_n3A_778, %lt3A_785 : i32
    %ne3A_787 = vector.broadcast %lt3A_786 : i1 to vector<16xi1>
    %ne3A_788 = vector.broadcast %ne3A_787 : vector<16xi1> to vector<16xi1>
    %ne3A_789 = arith.xori %lt3A_784, %ne3A_788 : vector<16xi1>
    %and3A = arith.andi %ne3A_789, %ne3A_781 : vector<16xi1>
    %add3A_790 = vector.broadcast %select_n3A_778 : i32 to vector<16xi32>
    %add3A_791 = arith.addi %rem3A_779, %add3A_790 : vector<16xi32>
    %select_n3A_792 = arith.select %and3A, %add3A_791, %rem3A_779 : vector<16xi1>, vector<16xi32>
    %mul3A_793 = arith.constant 320 : i32
    %mul3A_794 = vector.broadcast %mul3A_793 : i32 to vector<16xi32>
    %mul3A_795 = arith.muli %select_n3A_792, %mul3A_794 : vector<16xi32>
    %add3A_796 = arith.addi %mul3A_795, %iota3A : vector<16xi32>
    %add3A_797 = arith.constant 1 : i32
    %add3A_798 = vector.broadcast %add3A_797 : i32 to vector<16xi32>
    %add3A_799 = arith.addi %iota3A, %add3A_798 : vector<16xi32>
    %jit3A_800 = arith.constant 16 : i32
    %eq3A_801 = arith.constant 0 : i32
    %eq3A_802 = arith.cmpi eq, %jit3A_800, %eq3A_801 : i32
    %jit3A_803 = arith.constant 1 : i32
    %select_n3A_804 = arith.select %eq3A_802, %jit3A_803, %jit3A_800 : i32
    %rem3A_805 = vector.broadcast %select_n3A_804 : i32 to vector<16xi32>
    %rem3A_806 = arith.remsi %add3A_799, %rem3A_805 : vector<16xi32>
    %ne3A_807 = arith.constant 0 : i32
    %ne3A_808 = vector.broadcast %ne3A_807 : i32 to vector<16xi32>
    %ne3A_809 = arith.cmpi ne, %rem3A_806, %ne3A_808 : vector<16xi32>
    %lt3A_810 = arith.constant 0 : i32
    %lt3A_811 = vector.broadcast %lt3A_810 : i32 to vector<16xi32>
    %lt3A_812 = arith.cmpi slt, %rem3A_806, %lt3A_811 : vector<16xi32>
    %lt3A_813 = arith.constant 0 : i32
    %lt3A_814 = arith.cmpi slt, %select_n3A_804, %lt3A_813 : i32
    %ne3A_815 = vector.broadcast %lt3A_814 : i1 to vector<16xi1>
    %ne3A_816 = vector.broadcast %ne3A_815 : vector<16xi1> to vector<16xi1>
    %ne3A_817 = arith.xori %lt3A_812, %ne3A_816 : vector<16xi1>
    %and3A_818 = arith.andi %ne3A_817, %ne3A_809 : vector<16xi1>
    %add3A_819 = vector.broadcast %select_n3A_804 : i32 to vector<16xi32>
    %add3A_820 = arith.addi %rem3A_806, %add3A_819 : vector<16xi32>
    %select_n3A_821 = arith.select %and3A_818, %add3A_820, %rem3A_806 : vector<16xi1>, vector<16xi32>
    %mul3A_822 = arith.constant 320 : i32
    %mul3A_823 = vector.broadcast %mul3A_822 : i32 to vector<16xi32>
    %mul3A_824 = arith.muli %select_n3A_821, %mul3A_823 : vector<16xi32>
    %add3A_825 = arith.addi %mul3A_824, %iota3A : vector<16xi32>
    %add3A_826 = arith.constant 2 : i32
    %add3A_827 = vector.broadcast %add3A_826 : i32 to vector<16xi32>
    %add3A_828 = arith.addi %iota3A, %add3A_827 : vector<16xi32>
    %jit3A_829 = arith.constant 16 : i32
    %eq3A_830 = arith.constant 0 : i32
    %eq3A_831 = arith.cmpi eq, %jit3A_829, %eq3A_830 : i32
    %jit3A_832 = arith.constant 1 : i32
    %select_n3A_833 = arith.select %eq3A_831, %jit3A_832, %jit3A_829 : i32
    %rem3A_834 = vector.broadcast %select_n3A_833 : i32 to vector<16xi32>
    %rem3A_835 = arith.remsi %add3A_828, %rem3A_834 : vector<16xi32>
    %ne3A_836 = arith.constant 0 : i32
    %ne3A_837 = vector.broadcast %ne3A_836 : i32 to vector<16xi32>
    %ne3A_838 = arith.cmpi ne, %rem3A_835, %ne3A_837 : vector<16xi32>
    %lt3A_839 = arith.constant 0 : i32
    %lt3A_840 = vector.broadcast %lt3A_839 : i32 to vector<16xi32>
    %lt3A_841 = arith.cmpi slt, %rem3A_835, %lt3A_840 : vector<16xi32>
    %lt3A_842 = arith.constant 0 : i32
    %lt3A_843 = arith.cmpi slt, %select_n3A_833, %lt3A_842 : i32
    %ne3A_844 = vector.broadcast %lt3A_843 : i1 to vector<16xi1>
    %ne3A_845 = vector.broadcast %ne3A_844 : vector<16xi1> to vector<16xi1>
    %ne3A_846 = arith.xori %lt3A_841, %ne3A_845 : vector<16xi1>
    %and3A_847 = arith.andi %ne3A_846, %ne3A_838 : vector<16xi1>
    %add3A_848 = vector.broadcast %select_n3A_833 : i32 to vector<16xi32>
    %add3A_849 = arith.addi %rem3A_835, %add3A_848 : vector<16xi32>
    %select_n3A_850 = arith.select %and3A_847, %add3A_849, %rem3A_835 : vector<16xi1>, vector<16xi32>
    %mul3A_851 = arith.constant 320 : i32
    %mul3A_852 = vector.broadcast %mul3A_851 : i32 to vector<16xi32>
    %mul3A_853 = arith.muli %select_n3A_850, %mul3A_852 : vector<16xi32>
    %add3A_854 = arith.addi %mul3A_853, %iota3A : vector<16xi32>
    %add3A_855 = arith.constant 3 : i32
    %add3A_856 = vector.broadcast %add3A_855 : i32 to vector<16xi32>
    %add3A_857 = arith.addi %iota3A, %add3A_856 : vector<16xi32>
    %jit3A_858 = arith.constant 16 : i32
    %eq3A_859 = arith.constant 0 : i32
    %eq3A_860 = arith.cmpi eq, %jit3A_858, %eq3A_859 : i32
    %jit3A_861 = arith.constant 1 : i32
    %select_n3A_862 = arith.select %eq3A_860, %jit3A_861, %jit3A_858 : i32
    %rem3A_863 = vector.broadcast %select_n3A_862 : i32 to vector<16xi32>
    %rem3A_864 = arith.remsi %add3A_857, %rem3A_863 : vector<16xi32>
    %ne3A_865 = arith.constant 0 : i32
    %ne3A_866 = vector.broadcast %ne3A_865 : i32 to vector<16xi32>
    %ne3A_867 = arith.cmpi ne, %rem3A_864, %ne3A_866 : vector<16xi32>
    %lt3A_868 = arith.constant 0 : i32
    %lt3A_869 = vector.broadcast %lt3A_868 : i32 to vector<16xi32>
    %lt3A_870 = arith.cmpi slt, %rem3A_864, %lt3A_869 : vector<16xi32>
    %lt3A_871 = arith.constant 0 : i32
    %lt3A_872 = arith.cmpi slt, %select_n3A_862, %lt3A_871 : i32
    %ne3A_873 = vector.broadcast %lt3A_872 : i1 to vector<16xi1>
    %ne3A_874 = vector.broadcast %ne3A_873 : vector<16xi1> to vector<16xi1>
    %ne3A_875 = arith.xori %lt3A_870, %ne3A_874 : vector<16xi1>
    %and3A_876 = arith.andi %ne3A_875, %ne3A_867 : vector<16xi1>
    %add3A_877 = vector.broadcast %select_n3A_862 : i32 to vector<16xi32>
    %add3A_878 = arith.addi %rem3A_864, %add3A_877 : vector<16xi32>
    %select_n3A_879 = arith.select %and3A_876, %add3A_878, %rem3A_864 : vector<16xi1>, vector<16xi32>
    %mul3A_880 = arith.constant 320 : i32
    %mul3A_881 = vector.broadcast %mul3A_880 : i32 to vector<16xi32>
    %mul3A_882 = arith.muli %select_n3A_879, %mul3A_881 : vector<16xi32>
    %add3A_883 = arith.addi %mul3A_882, %iota3A : vector<16xi32>
    %add3A_884 = arith.constant 4 : i32
    %add3A_885 = vector.broadcast %add3A_884 : i32 to vector<16xi32>
    %add3A_886 = arith.addi %iota3A, %add3A_885 : vector<16xi32>
    %jit3A_887 = arith.constant 16 : i32
    %eq3A_888 = arith.constant 0 : i32
    %eq3A_889 = arith.cmpi eq, %jit3A_887, %eq3A_888 : i32
    %jit3A_890 = arith.constant 1 : i32
    %select_n3A_891 = arith.select %eq3A_889, %jit3A_890, %jit3A_887 : i32
    %rem3A_892 = vector.broadcast %select_n3A_891 : i32 to vector<16xi32>
    %rem3A_893 = arith.remsi %add3A_886, %rem3A_892 : vector<16xi32>
    %ne3A_894 = arith.constant 0 : i32
    %ne3A_895 = vector.broadcast %ne3A_894 : i32 to vector<16xi32>
    %ne3A_896 = arith.cmpi ne, %rem3A_893, %ne3A_895 : vector<16xi32>
    %lt3A_897 = arith.constant 0 : i32
    %lt3A_898 = vector.broadcast %lt3A_897 : i32 to vector<16xi32>
    %lt3A_899 = arith.cmpi slt, %rem3A_893, %lt3A_898 : vector<16xi32>
    %lt3A_900 = arith.constant 0 : i32
    %lt3A_901 = arith.cmpi slt, %select_n3A_891, %lt3A_900 : i32
    %ne3A_902 = vector.broadcast %lt3A_901 : i1 to vector<16xi1>
    %ne3A_903 = vector.broadcast %ne3A_902 : vector<16xi1> to vector<16xi1>
    %ne3A_904 = arith.xori %lt3A_899, %ne3A_903 : vector<16xi1>
    %and3A_905 = arith.andi %ne3A_904, %ne3A_896 : vector<16xi1>
    %add3A_906 = vector.broadcast %select_n3A_891 : i32 to vector<16xi32>
    %add3A_907 = arith.addi %rem3A_893, %add3A_906 : vector<16xi32>
    %select_n3A_908 = arith.select %and3A_905, %add3A_907, %rem3A_893 : vector<16xi1>, vector<16xi32>
    %mul3A_909 = arith.constant 320 : i32
    %mul3A_910 = vector.broadcast %mul3A_909 : i32 to vector<16xi32>
    %mul3A_911 = arith.muli %select_n3A_908, %mul3A_910 : vector<16xi32>
    %add3A_912 = arith.addi %mul3A_911, %iota3A : vector<16xi32>
    %add3A_913 = arith.constant 5 : i32
    %add3A_914 = vector.broadcast %add3A_913 : i32 to vector<16xi32>
    %add3A_915 = arith.addi %iota3A, %add3A_914 : vector<16xi32>
    %jit3A_916 = arith.constant 16 : i32
    %eq3A_917 = arith.constant 0 : i32
    %eq3A_918 = arith.cmpi eq, %jit3A_916, %eq3A_917 : i32
    %jit3A_919 = arith.constant 1 : i32
    %select_n3A_920 = arith.select %eq3A_918, %jit3A_919, %jit3A_916 : i32
    %rem3A_921 = vector.broadcast %select_n3A_920 : i32 to vector<16xi32>
    %rem3A_922 = arith.remsi %add3A_915, %rem3A_921 : vector<16xi32>
    %ne3A_923 = arith.constant 0 : i32
    %ne3A_924 = vector.broadcast %ne3A_923 : i32 to vector<16xi32>
    %ne3A_925 = arith.cmpi ne, %rem3A_922, %ne3A_924 : vector<16xi32>
    %lt3A_926 = arith.constant 0 : i32
    %lt3A_927 = vector.broadcast %lt3A_926 : i32 to vector<16xi32>
    %lt3A_928 = arith.cmpi slt, %rem3A_922, %lt3A_927 : vector<16xi32>
    %lt3A_929 = arith.constant 0 : i32
    %lt3A_930 = arith.cmpi slt, %select_n3A_920, %lt3A_929 : i32
    %ne3A_931 = vector.broadcast %lt3A_930 : i1 to vector<16xi1>
    %ne3A_932 = vector.broadcast %ne3A_931 : vector<16xi1> to vector<16xi1>
    %ne3A_933 = arith.xori %lt3A_928, %ne3A_932 : vector<16xi1>
    %and3A_934 = arith.andi %ne3A_933, %ne3A_925 : vector<16xi1>
    %add3A_935 = vector.broadcast %select_n3A_920 : i32 to vector<16xi32>
    %add3A_936 = arith.addi %rem3A_922, %add3A_935 : vector<16xi32>
    %select_n3A_937 = arith.select %and3A_934, %add3A_936, %rem3A_922 : vector<16xi1>, vector<16xi32>
    %mul3A_938 = arith.constant 320 : i32
    %mul3A_939 = vector.broadcast %mul3A_938 : i32 to vector<16xi32>
    %mul3A_940 = arith.muli %select_n3A_937, %mul3A_939 : vector<16xi32>
    %add3A_941 = arith.addi %mul3A_940, %iota3A : vector<16xi32>
    %add3A_942 = arith.constant 6 : i32
    %add3A_943 = vector.broadcast %add3A_942 : i32 to vector<16xi32>
    %add3A_944 = arith.addi %iota3A, %add3A_943 : vector<16xi32>
    %jit3A_945 = arith.constant 16 : i32
    %eq3A_946 = arith.constant 0 : i32
    %eq3A_947 = arith.cmpi eq, %jit3A_945, %eq3A_946 : i32
    %jit3A_948 = arith.constant 1 : i32
    %select_n3A_949 = arith.select %eq3A_947, %jit3A_948, %jit3A_945 : i32
    %rem3A_950 = vector.broadcast %select_n3A_949 : i32 to vector<16xi32>
    %rem3A_951 = arith.remsi %add3A_944, %rem3A_950 : vector<16xi32>
    %ne3A_952 = arith.constant 0 : i32
    %ne3A_953 = vector.broadcast %ne3A_952 : i32 to vector<16xi32>
    %ne3A_954 = arith.cmpi ne, %rem3A_951, %ne3A_953 : vector<16xi32>
    %lt3A_955 = arith.constant 0 : i32
    %lt3A_956 = vector.broadcast %lt3A_955 : i32 to vector<16xi32>
    %lt3A_957 = arith.cmpi slt, %rem3A_951, %lt3A_956 : vector<16xi32>
    %lt3A_958 = arith.constant 0 : i32
    %lt3A_959 = arith.cmpi slt, %select_n3A_949, %lt3A_958 : i32
    %ne3A_960 = vector.broadcast %lt3A_959 : i1 to vector<16xi1>
    %ne3A_961 = vector.broadcast %ne3A_960 : vector<16xi1> to vector<16xi1>
    %ne3A_962 = arith.xori %lt3A_957, %ne3A_961 : vector<16xi1>
    %and3A_963 = arith.andi %ne3A_962, %ne3A_954 : vector<16xi1>
    %add3A_964 = vector.broadcast %select_n3A_949 : i32 to vector<16xi32>
    %add3A_965 = arith.addi %rem3A_951, %add3A_964 : vector<16xi32>
    %select_n3A_966 = arith.select %and3A_963, %add3A_965, %rem3A_951 : vector<16xi1>, vector<16xi32>
    %mul3A_967 = arith.constant 320 : i32
    %mul3A_968 = vector.broadcast %mul3A_967 : i32 to vector<16xi32>
    %mul3A_969 = arith.muli %select_n3A_966, %mul3A_968 : vector<16xi32>
    %add3A_970 = arith.addi %mul3A_969, %iota3A : vector<16xi32>
    %add3A_971 = arith.constant 7 : i32
    %add3A_972 = vector.broadcast %add3A_971 : i32 to vector<16xi32>
    %add3A_973 = arith.addi %iota3A, %add3A_972 : vector<16xi32>
    %jit3A_974 = arith.constant 16 : i32
    %eq3A_975 = arith.constant 0 : i32
    %eq3A_976 = arith.cmpi eq, %jit3A_974, %eq3A_975 : i32
    %jit3A_977 = arith.constant 1 : i32
    %select_n3A_978 = arith.select %eq3A_976, %jit3A_977, %jit3A_974 : i32
    %rem3A_979 = vector.broadcast %select_n3A_978 : i32 to vector<16xi32>
    %rem3A_980 = arith.remsi %add3A_973, %rem3A_979 : vector<16xi32>
    %ne3A_981 = arith.constant 0 : i32
    %ne3A_982 = vector.broadcast %ne3A_981 : i32 to vector<16xi32>
    %ne3A_983 = arith.cmpi ne, %rem3A_980, %ne3A_982 : vector<16xi32>
    %lt3A_984 = arith.constant 0 : i32
    %lt3A_985 = vector.broadcast %lt3A_984 : i32 to vector<16xi32>
    %lt3A_986 = arith.cmpi slt, %rem3A_980, %lt3A_985 : vector<16xi32>
    %lt3A_987 = arith.constant 0 : i32
    %lt3A_988 = arith.cmpi slt, %select_n3A_978, %lt3A_987 : i32
    %ne3A_989 = vector.broadcast %lt3A_988 : i1 to vector<16xi1>
    %ne3A_990 = vector.broadcast %ne3A_989 : vector<16xi1> to vector<16xi1>
    %ne3A_991 = arith.xori %lt3A_986, %ne3A_990 : vector<16xi1>
    %and3A_992 = arith.andi %ne3A_991, %ne3A_983 : vector<16xi1>
    %add3A_993 = vector.broadcast %select_n3A_978 : i32 to vector<16xi32>
    %add3A_994 = arith.addi %rem3A_980, %add3A_993 : vector<16xi32>
    %select_n3A_995 = arith.select %and3A_992, %add3A_994, %rem3A_980 : vector<16xi1>, vector<16xi32>
    %mul3A_996 = arith.constant 320 : i32
    %mul3A_997 = vector.broadcast %mul3A_996 : i32 to vector<16xi32>
    %mul3A_998 = arith.muli %select_n3A_995, %mul3A_997 : vector<16xi32>
    %add3A_999 = arith.addi %mul3A_998, %iota3A : vector<16xi32>
    %add3A_1000 = arith.constant 8 : i32
    %add3A_1001 = vector.broadcast %add3A_1000 : i32 to vector<16xi32>
    %add3A_1002 = arith.addi %iota3A, %add3A_1001 : vector<16xi32>
    %jit3A_1003 = arith.constant 16 : i32
    %eq3A_1004 = arith.constant 0 : i32
    %eq3A_1005 = arith.cmpi eq, %jit3A_1003, %eq3A_1004 : i32
    %jit3A_1006 = arith.constant 1 : i32
    %select_n3A_1007 = arith.select %eq3A_1005, %jit3A_1006, %jit3A_1003 : i32
    %rem3A_1008 = vector.broadcast %select_n3A_1007 : i32 to vector<16xi32>
    %rem3A_1009 = arith.remsi %add3A_1002, %rem3A_1008 : vector<16xi32>
    %ne3A_1010 = arith.constant 0 : i32
    %ne3A_1011 = vector.broadcast %ne3A_1010 : i32 to vector<16xi32>
    %ne3A_1012 = arith.cmpi ne, %rem3A_1009, %ne3A_1011 : vector<16xi32>
    %lt3A_1013 = arith.constant 0 : i32
    %lt3A_1014 = vector.broadcast %lt3A_1013 : i32 to vector<16xi32>
    %lt3A_1015 = arith.cmpi slt, %rem3A_1009, %lt3A_1014 : vector<16xi32>
    %lt3A_1016 = arith.constant 0 : i32
    %lt3A_1017 = arith.cmpi slt, %select_n3A_1007, %lt3A_1016 : i32
    %ne3A_1018 = vector.broadcast %lt3A_1017 : i1 to vector<16xi1>
    %ne3A_1019 = vector.broadcast %ne3A_1018 : vector<16xi1> to vector<16xi1>
    %ne3A_1020 = arith.xori %lt3A_1015, %ne3A_1019 : vector<16xi1>
    %and3A_1021 = arith.andi %ne3A_1020, %ne3A_1012 : vector<16xi1>
    %add3A_1022 = vector.broadcast %select_n3A_1007 : i32 to vector<16xi32>
    %add3A_1023 = arith.addi %rem3A_1009, %add3A_1022 : vector<16xi32>
    %select_n3A_1024 = arith.select %and3A_1021, %add3A_1023, %rem3A_1009 : vector<16xi1>, vector<16xi32>
    %mul3A_1025 = arith.constant 320 : i32
    %mul3A_1026 = vector.broadcast %mul3A_1025 : i32 to vector<16xi32>
    %mul3A_1027 = arith.muli %select_n3A_1024, %mul3A_1026 : vector<16xi32>
    %add3A_1028 = arith.addi %mul3A_1027, %iota3A : vector<16xi32>
    %add3A_1029 = arith.constant 9 : i32
    %add3A_1030 = vector.broadcast %add3A_1029 : i32 to vector<16xi32>
    %add3A_1031 = arith.addi %iota3A, %add3A_1030 : vector<16xi32>
    %jit3A_1032 = arith.constant 16 : i32
    %eq3A_1033 = arith.constant 0 : i32
    %eq3A_1034 = arith.cmpi eq, %jit3A_1032, %eq3A_1033 : i32
    %jit3A_1035 = arith.constant 1 : i32
    %select_n3A_1036 = arith.select %eq3A_1034, %jit3A_1035, %jit3A_1032 : i32
    %rem3A_1037 = vector.broadcast %select_n3A_1036 : i32 to vector<16xi32>
    %rem3A_1038 = arith.remsi %add3A_1031, %rem3A_1037 : vector<16xi32>
    %ne3A_1039 = arith.constant 0 : i32
    %ne3A_1040 = vector.broadcast %ne3A_1039 : i32 to vector<16xi32>
    %ne3A_1041 = arith.cmpi ne, %rem3A_1038, %ne3A_1040 : vector<16xi32>
    %lt3A_1042 = arith.constant 0 : i32
    %lt3A_1043 = vector.broadcast %lt3A_1042 : i32 to vector<16xi32>
    %lt3A_1044 = arith.cmpi slt, %rem3A_1038, %lt3A_1043 : vector<16xi32>
    %lt3A_1045 = arith.constant 0 : i32
    %lt3A_1046 = arith.cmpi slt, %select_n3A_1036, %lt3A_1045 : i32
    %ne3A_1047 = vector.broadcast %lt3A_1046 : i1 to vector<16xi1>
    %ne3A_1048 = vector.broadcast %ne3A_1047 : vector<16xi1> to vector<16xi1>
    %ne3A_1049 = arith.xori %lt3A_1044, %ne3A_1048 : vector<16xi1>
    %and3A_1050 = arith.andi %ne3A_1049, %ne3A_1041 : vector<16xi1>
    %add3A_1051 = vector.broadcast %select_n3A_1036 : i32 to vector<16xi32>
    %add3A_1052 = arith.addi %rem3A_1038, %add3A_1051 : vector<16xi32>
    %select_n3A_1053 = arith.select %and3A_1050, %add3A_1052, %rem3A_1038 : vector<16xi1>, vector<16xi32>
    %mul3A_1054 = arith.constant 320 : i32
    %mul3A_1055 = vector.broadcast %mul3A_1054 : i32 to vector<16xi32>
    %mul3A_1056 = arith.muli %select_n3A_1053, %mul3A_1055 : vector<16xi32>
    %add3A_1057 = arith.addi %mul3A_1056, %iota3A : vector<16xi32>
    %add3A_1058 = arith.constant 10 : i32
    %add3A_1059 = vector.broadcast %add3A_1058 : i32 to vector<16xi32>
    %add3A_1060 = arith.addi %iota3A, %add3A_1059 : vector<16xi32>
    %jit3A_1061 = arith.constant 16 : i32
    %eq3A_1062 = arith.constant 0 : i32
    %eq3A_1063 = arith.cmpi eq, %jit3A_1061, %eq3A_1062 : i32
    %jit3A_1064 = arith.constant 1 : i32
    %select_n3A_1065 = arith.select %eq3A_1063, %jit3A_1064, %jit3A_1061 : i32
    %rem3A_1066 = vector.broadcast %select_n3A_1065 : i32 to vector<16xi32>
    %rem3A_1067 = arith.remsi %add3A_1060, %rem3A_1066 : vector<16xi32>
    %ne3A_1068 = arith.constant 0 : i32
    %ne3A_1069 = vector.broadcast %ne3A_1068 : i32 to vector<16xi32>
    %ne3A_1070 = arith.cmpi ne, %rem3A_1067, %ne3A_1069 : vector<16xi32>
    %lt3A_1071 = arith.constant 0 : i32
    %lt3A_1072 = vector.broadcast %lt3A_1071 : i32 to vector<16xi32>
    %lt3A_1073 = arith.cmpi slt, %rem3A_1067, %lt3A_1072 : vector<16xi32>
    %lt3A_1074 = arith.constant 0 : i32
    %lt3A_1075 = arith.cmpi slt, %select_n3A_1065, %lt3A_1074 : i32
    %ne3A_1076 = vector.broadcast %lt3A_1075 : i1 to vector<16xi1>
    %ne3A_1077 = vector.broadcast %ne3A_1076 : vector<16xi1> to vector<16xi1>
    %ne3A_1078 = arith.xori %lt3A_1073, %ne3A_1077 : vector<16xi1>
    %and3A_1079 = arith.andi %ne3A_1078, %ne3A_1070 : vector<16xi1>
    %add3A_1080 = vector.broadcast %select_n3A_1065 : i32 to vector<16xi32>
    %add3A_1081 = arith.addi %rem3A_1067, %add3A_1080 : vector<16xi32>
    %select_n3A_1082 = arith.select %and3A_1079, %add3A_1081, %rem3A_1067 : vector<16xi1>, vector<16xi32>
    %mul3A_1083 = arith.constant 320 : i32
    %mul3A_1084 = vector.broadcast %mul3A_1083 : i32 to vector<16xi32>
    %mul3A_1085 = arith.muli %select_n3A_1082, %mul3A_1084 : vector<16xi32>
    %add3A_1086 = arith.addi %mul3A_1085, %iota3A : vector<16xi32>
    %add3A_1087 = arith.constant 11 : i32
    %add3A_1088 = vector.broadcast %add3A_1087 : i32 to vector<16xi32>
    %add3A_1089 = arith.addi %iota3A, %add3A_1088 : vector<16xi32>
    %jit3A_1090 = arith.constant 16 : i32
    %eq3A_1091 = arith.constant 0 : i32
    %eq3A_1092 = arith.cmpi eq, %jit3A_1090, %eq3A_1091 : i32
    %jit3A_1093 = arith.constant 1 : i32
    %select_n3A_1094 = arith.select %eq3A_1092, %jit3A_1093, %jit3A_1090 : i32
    %rem3A_1095 = vector.broadcast %select_n3A_1094 : i32 to vector<16xi32>
    %rem3A_1096 = arith.remsi %add3A_1089, %rem3A_1095 : vector<16xi32>
    %ne3A_1097 = arith.constant 0 : i32
    %ne3A_1098 = vector.broadcast %ne3A_1097 : i32 to vector<16xi32>
    %ne3A_1099 = arith.cmpi ne, %rem3A_1096, %ne3A_1098 : vector<16xi32>
    %lt3A_1100 = arith.constant 0 : i32
    %lt3A_1101 = vector.broadcast %lt3A_1100 : i32 to vector<16xi32>
    %lt3A_1102 = arith.cmpi slt, %rem3A_1096, %lt3A_1101 : vector<16xi32>
    %lt3A_1103 = arith.constant 0 : i32
    %lt3A_1104 = arith.cmpi slt, %select_n3A_1094, %lt3A_1103 : i32
    %ne3A_1105 = vector.broadcast %lt3A_1104 : i1 to vector<16xi1>
    %ne3A_1106 = vector.broadcast %ne3A_1105 : vector<16xi1> to vector<16xi1>
    %ne3A_1107 = arith.xori %lt3A_1102, %ne3A_1106 : vector<16xi1>
    %and3A_1108 = arith.andi %ne3A_1107, %ne3A_1099 : vector<16xi1>
    %add3A_1109 = vector.broadcast %select_n3A_1094 : i32 to vector<16xi32>
    %add3A_1110 = arith.addi %rem3A_1096, %add3A_1109 : vector<16xi32>
    %select_n3A_1111 = arith.select %and3A_1108, %add3A_1110, %rem3A_1096 : vector<16xi1>, vector<16xi32>
    %mul3A_1112 = arith.constant 320 : i32
    %mul3A_1113 = vector.broadcast %mul3A_1112 : i32 to vector<16xi32>
    %mul3A_1114 = arith.muli %select_n3A_1111, %mul3A_1113 : vector<16xi32>
    %add3A_1115 = arith.addi %mul3A_1114, %iota3A : vector<16xi32>
    %add3A_1116 = arith.constant 12 : i32
    %add3A_1117 = vector.broadcast %add3A_1116 : i32 to vector<16xi32>
    %add3A_1118 = arith.addi %iota3A, %add3A_1117 : vector<16xi32>
    %jit3A_1119 = arith.constant 16 : i32
    %eq3A_1120 = arith.constant 0 : i32
    %eq3A_1121 = arith.cmpi eq, %jit3A_1119, %eq3A_1120 : i32
    %jit3A_1122 = arith.constant 1 : i32
    %select_n3A_1123 = arith.select %eq3A_1121, %jit3A_1122, %jit3A_1119 : i32
    %rem3A_1124 = vector.broadcast %select_n3A_1123 : i32 to vector<16xi32>
    %rem3A_1125 = arith.remsi %add3A_1118, %rem3A_1124 : vector<16xi32>
    %ne3A_1126 = arith.constant 0 : i32
    %ne3A_1127 = vector.broadcast %ne3A_1126 : i32 to vector<16xi32>
    %ne3A_1128 = arith.cmpi ne, %rem3A_1125, %ne3A_1127 : vector<16xi32>
    %lt3A_1129 = arith.constant 0 : i32
    %lt3A_1130 = vector.broadcast %lt3A_1129 : i32 to vector<16xi32>
    %lt3A_1131 = arith.cmpi slt, %rem3A_1125, %lt3A_1130 : vector<16xi32>
    %lt3A_1132 = arith.constant 0 : i32
    %lt3A_1133 = arith.cmpi slt, %select_n3A_1123, %lt3A_1132 : i32
    %ne3A_1134 = vector.broadcast %lt3A_1133 : i1 to vector<16xi1>
    %ne3A_1135 = vector.broadcast %ne3A_1134 : vector<16xi1> to vector<16xi1>
    %ne3A_1136 = arith.xori %lt3A_1131, %ne3A_1135 : vector<16xi1>
    %and3A_1137 = arith.andi %ne3A_1136, %ne3A_1128 : vector<16xi1>
    %add3A_1138 = vector.broadcast %select_n3A_1123 : i32 to vector<16xi32>
    %add3A_1139 = arith.addi %rem3A_1125, %add3A_1138 : vector<16xi32>
    %select_n3A_1140 = arith.select %and3A_1137, %add3A_1139, %rem3A_1125 : vector<16xi1>, vector<16xi32>
    %mul3A_1141 = arith.constant 320 : i32
    %mul3A_1142 = vector.broadcast %mul3A_1141 : i32 to vector<16xi32>
    %mul3A_1143 = arith.muli %select_n3A_1140, %mul3A_1142 : vector<16xi32>
    %add3A_1144 = arith.addi %mul3A_1143, %iota3A : vector<16xi32>
    %add3A_1145 = arith.constant 13 : i32
    %add3A_1146 = vector.broadcast %add3A_1145 : i32 to vector<16xi32>
    %add3A_1147 = arith.addi %iota3A, %add3A_1146 : vector<16xi32>
    %jit3A_1148 = arith.constant 16 : i32
    %eq3A_1149 = arith.constant 0 : i32
    %eq3A_1150 = arith.cmpi eq, %jit3A_1148, %eq3A_1149 : i32
    %jit3A_1151 = arith.constant 1 : i32
    %select_n3A_1152 = arith.select %eq3A_1150, %jit3A_1151, %jit3A_1148 : i32
    %rem3A_1153 = vector.broadcast %select_n3A_1152 : i32 to vector<16xi32>
    %rem3A_1154 = arith.remsi %add3A_1147, %rem3A_1153 : vector<16xi32>
    %ne3A_1155 = arith.constant 0 : i32
    %ne3A_1156 = vector.broadcast %ne3A_1155 : i32 to vector<16xi32>
    %ne3A_1157 = arith.cmpi ne, %rem3A_1154, %ne3A_1156 : vector<16xi32>
    %lt3A_1158 = arith.constant 0 : i32
    %lt3A_1159 = vector.broadcast %lt3A_1158 : i32 to vector<16xi32>
    %lt3A_1160 = arith.cmpi slt, %rem3A_1154, %lt3A_1159 : vector<16xi32>
    %lt3A_1161 = arith.constant 0 : i32
    %lt3A_1162 = arith.cmpi slt, %select_n3A_1152, %lt3A_1161 : i32
    %ne3A_1163 = vector.broadcast %lt3A_1162 : i1 to vector<16xi1>
    %ne3A_1164 = vector.broadcast %ne3A_1163 : vector<16xi1> to vector<16xi1>
    %ne3A_1165 = arith.xori %lt3A_1160, %ne3A_1164 : vector<16xi1>
    %and3A_1166 = arith.andi %ne3A_1165, %ne3A_1157 : vector<16xi1>
    %add3A_1167 = vector.broadcast %select_n3A_1152 : i32 to vector<16xi32>
    %add3A_1168 = arith.addi %rem3A_1154, %add3A_1167 : vector<16xi32>
    %select_n3A_1169 = arith.select %and3A_1166, %add3A_1168, %rem3A_1154 : vector<16xi1>, vector<16xi32>
    %mul3A_1170 = arith.constant 320 : i32
    %mul3A_1171 = vector.broadcast %mul3A_1170 : i32 to vector<16xi32>
    %mul3A_1172 = arith.muli %select_n3A_1169, %mul3A_1171 : vector<16xi32>
    %add3A_1173 = arith.addi %mul3A_1172, %iota3A : vector<16xi32>
    %add3A_1174 = arith.constant 14 : i32
    %add3A_1175 = vector.broadcast %add3A_1174 : i32 to vector<16xi32>
    %add3A_1176 = arith.addi %iota3A, %add3A_1175 : vector<16xi32>
    %jit3A_1177 = arith.constant 16 : i32
    %eq3A_1178 = arith.constant 0 : i32
    %eq3A_1179 = arith.cmpi eq, %jit3A_1177, %eq3A_1178 : i32
    %jit3A_1180 = arith.constant 1 : i32
    %select_n3A_1181 = arith.select %eq3A_1179, %jit3A_1180, %jit3A_1177 : i32
    %rem3A_1182 = vector.broadcast %select_n3A_1181 : i32 to vector<16xi32>
    %rem3A_1183 = arith.remsi %add3A_1176, %rem3A_1182 : vector<16xi32>
    %ne3A_1184 = arith.constant 0 : i32
    %ne3A_1185 = vector.broadcast %ne3A_1184 : i32 to vector<16xi32>
    %ne3A_1186 = arith.cmpi ne, %rem3A_1183, %ne3A_1185 : vector<16xi32>
    %lt3A_1187 = arith.constant 0 : i32
    %lt3A_1188 = vector.broadcast %lt3A_1187 : i32 to vector<16xi32>
    %lt3A_1189 = arith.cmpi slt, %rem3A_1183, %lt3A_1188 : vector<16xi32>
    %lt3A_1190 = arith.constant 0 : i32
    %lt3A_1191 = arith.cmpi slt, %select_n3A_1181, %lt3A_1190 : i32
    %ne3A_1192 = vector.broadcast %lt3A_1191 : i1 to vector<16xi1>
    %ne3A_1193 = vector.broadcast %ne3A_1192 : vector<16xi1> to vector<16xi1>
    %ne3A_1194 = arith.xori %lt3A_1189, %ne3A_1193 : vector<16xi1>
    %and3A_1195 = arith.andi %ne3A_1194, %ne3A_1186 : vector<16xi1>
    %add3A_1196 = vector.broadcast %select_n3A_1181 : i32 to vector<16xi32>
    %add3A_1197 = arith.addi %rem3A_1183, %add3A_1196 : vector<16xi32>
    %select_n3A_1198 = arith.select %and3A_1195, %add3A_1197, %rem3A_1183 : vector<16xi1>, vector<16xi32>
    %mul3A_1199 = arith.constant 320 : i32
    %mul3A_1200 = vector.broadcast %mul3A_1199 : i32 to vector<16xi32>
    %mul3A_1201 = arith.muli %select_n3A_1198, %mul3A_1200 : vector<16xi32>
    %add3A_1202 = arith.addi %mul3A_1201, %iota3A : vector<16xi32>
    %add3A_1203 = arith.constant 15 : i32
    %add3A_1204 = vector.broadcast %add3A_1203 : i32 to vector<16xi32>
    %add3A_1205 = arith.addi %iota3A, %add3A_1204 : vector<16xi32>
    %jit3A_1206 = arith.constant 16 : i32
    %eq3A_1207 = arith.constant 0 : i32
    %eq3A_1208 = arith.cmpi eq, %jit3A_1206, %eq3A_1207 : i32
    %jit3A_1209 = arith.constant 1 : i32
    %select_n3A_1210 = arith.select %eq3A_1208, %jit3A_1209, %jit3A_1206 : i32
    %rem3A_1211 = vector.broadcast %select_n3A_1210 : i32 to vector<16xi32>
    %rem3A_1212 = arith.remsi %add3A_1205, %rem3A_1211 : vector<16xi32>
    %ne3A_1213 = arith.constant 0 : i32
    %ne3A_1214 = vector.broadcast %ne3A_1213 : i32 to vector<16xi32>
    %ne3A_1215 = arith.cmpi ne, %rem3A_1212, %ne3A_1214 : vector<16xi32>
    %lt3A_1216 = arith.constant 0 : i32
    %lt3A_1217 = vector.broadcast %lt3A_1216 : i32 to vector<16xi32>
    %lt3A_1218 = arith.cmpi slt, %rem3A_1212, %lt3A_1217 : vector<16xi32>
    %lt3A_1219 = arith.constant 0 : i32
    %lt3A_1220 = arith.cmpi slt, %select_n3A_1210, %lt3A_1219 : i32
    %ne3A_1221 = vector.broadcast %lt3A_1220 : i1 to vector<16xi1>
    %ne3A_1222 = vector.broadcast %ne3A_1221 : vector<16xi1> to vector<16xi1>
    %ne3A_1223 = arith.xori %lt3A_1218, %ne3A_1222 : vector<16xi1>
    %and3A_1224 = arith.andi %ne3A_1223, %ne3A_1215 : vector<16xi1>
    %add3A_1225 = vector.broadcast %select_n3A_1210 : i32 to vector<16xi32>
    %add3A_1226 = arith.addi %rem3A_1212, %add3A_1225 : vector<16xi32>
    %select_n3A_1227 = arith.select %and3A_1224, %add3A_1226, %rem3A_1212 : vector<16xi1>, vector<16xi32>
    %mul3A_1228 = arith.constant 320 : i32
    %mul3A_1229 = vector.broadcast %mul3A_1228 : i32 to vector<16xi32>
    %mul3A_1230 = arith.muli %select_n3A_1227, %mul3A_1229 : vector<16xi32>
    %add3A_1231 = arith.addi %mul3A_1230, %iota3A : vector<16xi32>
    %mul3A_1232 = arith.constant 128 : i32
    %mul3A_1233 = vector.broadcast %mul3A_1232 : i32 to vector<16xi32>
    %mul3A_1234 = arith.muli %iota3A, %mul3A_1233 : vector<16xi32>
    %add3A_1235 = arith.constant 0 : i32
    %add3A_1236 = vector.broadcast %add3A_1235 : i32 to vector<16xi32>
    %add3A_1237 = arith.addi %iota3A, %add3A_1236 : vector<16xi32>
    %jit3A_1238 = arith.constant 16 : i32
    %eq3A_1239 = arith.constant 0 : i32
    %eq3A_1240 = arith.cmpi eq, %jit3A_1238, %eq3A_1239 : i32
    %jit3A_1241 = arith.constant 1 : i32
    %select_n3A_1242 = arith.select %eq3A_1240, %jit3A_1241, %jit3A_1238 : i32
    %rem3A_1243 = vector.broadcast %select_n3A_1242 : i32 to vector<16xi32>
    %rem3A_1244 = arith.remsi %add3A_1237, %rem3A_1243 : vector<16xi32>
    %ne3A_1245 = arith.constant 0 : i32
    %ne3A_1246 = vector.broadcast %ne3A_1245 : i32 to vector<16xi32>
    %ne3A_1247 = arith.cmpi ne, %rem3A_1244, %ne3A_1246 : vector<16xi32>
    %lt3A_1248 = arith.constant 0 : i32
    %lt3A_1249 = vector.broadcast %lt3A_1248 : i32 to vector<16xi32>
    %lt3A_1250 = arith.cmpi slt, %rem3A_1244, %lt3A_1249 : vector<16xi32>
    %lt3A_1251 = arith.constant 0 : i32
    %lt3A_1252 = arith.cmpi slt, %select_n3A_1242, %lt3A_1251 : i32
    %ne3A_1253 = vector.broadcast %lt3A_1252 : i1 to vector<16xi1>
    %ne3A_1254 = vector.broadcast %ne3A_1253 : vector<16xi1> to vector<16xi1>
    %ne3A_1255 = arith.xori %lt3A_1250, %ne3A_1254 : vector<16xi1>
    %and3A_1256 = arith.andi %ne3A_1255, %ne3A_1247 : vector<16xi1>
    %add3A_1257 = vector.broadcast %select_n3A_1242 : i32 to vector<16xi32>
    %add3A_1258 = arith.addi %rem3A_1244, %add3A_1257 : vector<16xi32>
    %select_n3A_1259 = arith.select %and3A_1256, %add3A_1258, %rem3A_1244 : vector<16xi1>, vector<16xi32>
    %add3A_1260 = arith.addi %mul3A_1234, %select_n3A_1259 : vector<16xi32>
    %mul3A_1261 = arith.constant 128 : i32
    %mul3A_1262 = vector.broadcast %mul3A_1261 : i32 to vector<16xi32>
    %mul3A_1263 = arith.muli %iota3A, %mul3A_1262 : vector<16xi32>
    %add3A_1264 = arith.constant 1 : i32
    %add3A_1265 = vector.broadcast %add3A_1264 : i32 to vector<16xi32>
    %add3A_1266 = arith.addi %iota3A, %add3A_1265 : vector<16xi32>
    %jit3A_1267 = arith.constant 16 : i32
    %eq3A_1268 = arith.constant 0 : i32
    %eq3A_1269 = arith.cmpi eq, %jit3A_1267, %eq3A_1268 : i32
    %jit3A_1270 = arith.constant 1 : i32
    %select_n3A_1271 = arith.select %eq3A_1269, %jit3A_1270, %jit3A_1267 : i32
    %rem3A_1272 = vector.broadcast %select_n3A_1271 : i32 to vector<16xi32>
    %rem3A_1273 = arith.remsi %add3A_1266, %rem3A_1272 : vector<16xi32>
    %ne3A_1274 = arith.constant 0 : i32
    %ne3A_1275 = vector.broadcast %ne3A_1274 : i32 to vector<16xi32>
    %ne3A_1276 = arith.cmpi ne, %rem3A_1273, %ne3A_1275 : vector<16xi32>
    %lt3A_1277 = arith.constant 0 : i32
    %lt3A_1278 = vector.broadcast %lt3A_1277 : i32 to vector<16xi32>
    %lt3A_1279 = arith.cmpi slt, %rem3A_1273, %lt3A_1278 : vector<16xi32>
    %lt3A_1280 = arith.constant 0 : i32
    %lt3A_1281 = arith.cmpi slt, %select_n3A_1271, %lt3A_1280 : i32
    %ne3A_1282 = vector.broadcast %lt3A_1281 : i1 to vector<16xi1>
    %ne3A_1283 = vector.broadcast %ne3A_1282 : vector<16xi1> to vector<16xi1>
    %ne3A_1284 = arith.xori %lt3A_1279, %ne3A_1283 : vector<16xi1>
    %and3A_1285 = arith.andi %ne3A_1284, %ne3A_1276 : vector<16xi1>
    %add3A_1286 = vector.broadcast %select_n3A_1271 : i32 to vector<16xi32>
    %add3A_1287 = arith.addi %rem3A_1273, %add3A_1286 : vector<16xi32>
    %select_n3A_1288 = arith.select %and3A_1285, %add3A_1287, %rem3A_1273 : vector<16xi1>, vector<16xi32>
    %add3A_1289 = arith.addi %mul3A_1263, %select_n3A_1288 : vector<16xi32>
    %mul3A_1290 = arith.constant 128 : i32
    %mul3A_1291 = vector.broadcast %mul3A_1290 : i32 to vector<16xi32>
    %mul3A_1292 = arith.muli %iota3A, %mul3A_1291 : vector<16xi32>
    %add3A_1293 = arith.constant 2 : i32
    %add3A_1294 = vector.broadcast %add3A_1293 : i32 to vector<16xi32>
    %add3A_1295 = arith.addi %iota3A, %add3A_1294 : vector<16xi32>
    %jit3A_1296 = arith.constant 16 : i32
    %eq3A_1297 = arith.constant 0 : i32
    %eq3A_1298 = arith.cmpi eq, %jit3A_1296, %eq3A_1297 : i32
    %jit3A_1299 = arith.constant 1 : i32
    %select_n3A_1300 = arith.select %eq3A_1298, %jit3A_1299, %jit3A_1296 : i32
    %rem3A_1301 = vector.broadcast %select_n3A_1300 : i32 to vector<16xi32>
    %rem3A_1302 = arith.remsi %add3A_1295, %rem3A_1301 : vector<16xi32>
    %ne3A_1303 = arith.constant 0 : i32
    %ne3A_1304 = vector.broadcast %ne3A_1303 : i32 to vector<16xi32>
    %ne3A_1305 = arith.cmpi ne, %rem3A_1302, %ne3A_1304 : vector<16xi32>
    %lt3A_1306 = arith.constant 0 : i32
    %lt3A_1307 = vector.broadcast %lt3A_1306 : i32 to vector<16xi32>
    %lt3A_1308 = arith.cmpi slt, %rem3A_1302, %lt3A_1307 : vector<16xi32>
    %lt3A_1309 = arith.constant 0 : i32
    %lt3A_1310 = arith.cmpi slt, %select_n3A_1300, %lt3A_1309 : i32
    %ne3A_1311 = vector.broadcast %lt3A_1310 : i1 to vector<16xi1>
    %ne3A_1312 = vector.broadcast %ne3A_1311 : vector<16xi1> to vector<16xi1>
    %ne3A_1313 = arith.xori %lt3A_1308, %ne3A_1312 : vector<16xi1>
    %and3A_1314 = arith.andi %ne3A_1313, %ne3A_1305 : vector<16xi1>
    %add3A_1315 = vector.broadcast %select_n3A_1300 : i32 to vector<16xi32>
    %add3A_1316 = arith.addi %rem3A_1302, %add3A_1315 : vector<16xi32>
    %select_n3A_1317 = arith.select %and3A_1314, %add3A_1316, %rem3A_1302 : vector<16xi1>, vector<16xi32>
    %add3A_1318 = arith.addi %mul3A_1292, %select_n3A_1317 : vector<16xi32>
    %mul3A_1319 = arith.constant 128 : i32
    %mul3A_1320 = vector.broadcast %mul3A_1319 : i32 to vector<16xi32>
    %mul3A_1321 = arith.muli %iota3A, %mul3A_1320 : vector<16xi32>
    %add3A_1322 = arith.constant 3 : i32
    %add3A_1323 = vector.broadcast %add3A_1322 : i32 to vector<16xi32>
    %add3A_1324 = arith.addi %iota3A, %add3A_1323 : vector<16xi32>
    %jit3A_1325 = arith.constant 16 : i32
    %eq3A_1326 = arith.constant 0 : i32
    %eq3A_1327 = arith.cmpi eq, %jit3A_1325, %eq3A_1326 : i32
    %jit3A_1328 = arith.constant 1 : i32
    %select_n3A_1329 = arith.select %eq3A_1327, %jit3A_1328, %jit3A_1325 : i32
    %rem3A_1330 = vector.broadcast %select_n3A_1329 : i32 to vector<16xi32>
    %rem3A_1331 = arith.remsi %add3A_1324, %rem3A_1330 : vector<16xi32>
    %ne3A_1332 = arith.constant 0 : i32
    %ne3A_1333 = vector.broadcast %ne3A_1332 : i32 to vector<16xi32>
    %ne3A_1334 = arith.cmpi ne, %rem3A_1331, %ne3A_1333 : vector<16xi32>
    %lt3A_1335 = arith.constant 0 : i32
    %lt3A_1336 = vector.broadcast %lt3A_1335 : i32 to vector<16xi32>
    %lt3A_1337 = arith.cmpi slt, %rem3A_1331, %lt3A_1336 : vector<16xi32>
    %lt3A_1338 = arith.constant 0 : i32
    %lt3A_1339 = arith.cmpi slt, %select_n3A_1329, %lt3A_1338 : i32
    %ne3A_1340 = vector.broadcast %lt3A_1339 : i1 to vector<16xi1>
    %ne3A_1341 = vector.broadcast %ne3A_1340 : vector<16xi1> to vector<16xi1>
    %ne3A_1342 = arith.xori %lt3A_1337, %ne3A_1341 : vector<16xi1>
    %and3A_1343 = arith.andi %ne3A_1342, %ne3A_1334 : vector<16xi1>
    %add3A_1344 = vector.broadcast %select_n3A_1329 : i32 to vector<16xi32>
    %add3A_1345 = arith.addi %rem3A_1331, %add3A_1344 : vector<16xi32>
    %select_n3A_1346 = arith.select %and3A_1343, %add3A_1345, %rem3A_1331 : vector<16xi1>, vector<16xi32>
    %add3A_1347 = arith.addi %mul3A_1321, %select_n3A_1346 : vector<16xi32>
    %mul3A_1348 = arith.constant 128 : i32
    %mul3A_1349 = vector.broadcast %mul3A_1348 : i32 to vector<16xi32>
    %mul3A_1350 = arith.muli %iota3A, %mul3A_1349 : vector<16xi32>
    %add3A_1351 = arith.constant 4 : i32
    %add3A_1352 = vector.broadcast %add3A_1351 : i32 to vector<16xi32>
    %add3A_1353 = arith.addi %iota3A, %add3A_1352 : vector<16xi32>
    %jit3A_1354 = arith.constant 16 : i32
    %eq3A_1355 = arith.constant 0 : i32
    %eq3A_1356 = arith.cmpi eq, %jit3A_1354, %eq3A_1355 : i32
    %jit3A_1357 = arith.constant 1 : i32
    %select_n3A_1358 = arith.select %eq3A_1356, %jit3A_1357, %jit3A_1354 : i32
    %rem3A_1359 = vector.broadcast %select_n3A_1358 : i32 to vector<16xi32>
    %rem3A_1360 = arith.remsi %add3A_1353, %rem3A_1359 : vector<16xi32>
    %ne3A_1361 = arith.constant 0 : i32
    %ne3A_1362 = vector.broadcast %ne3A_1361 : i32 to vector<16xi32>
    %ne3A_1363 = arith.cmpi ne, %rem3A_1360, %ne3A_1362 : vector<16xi32>
    %lt3A_1364 = arith.constant 0 : i32
    %lt3A_1365 = vector.broadcast %lt3A_1364 : i32 to vector<16xi32>
    %lt3A_1366 = arith.cmpi slt, %rem3A_1360, %lt3A_1365 : vector<16xi32>
    %lt3A_1367 = arith.constant 0 : i32
    %lt3A_1368 = arith.cmpi slt, %select_n3A_1358, %lt3A_1367 : i32
    %ne3A_1369 = vector.broadcast %lt3A_1368 : i1 to vector<16xi1>
    %ne3A_1370 = vector.broadcast %ne3A_1369 : vector<16xi1> to vector<16xi1>
    %ne3A_1371 = arith.xori %lt3A_1366, %ne3A_1370 : vector<16xi1>
    %and3A_1372 = arith.andi %ne3A_1371, %ne3A_1363 : vector<16xi1>
    %add3A_1373 = vector.broadcast %select_n3A_1358 : i32 to vector<16xi32>
    %add3A_1374 = arith.addi %rem3A_1360, %add3A_1373 : vector<16xi32>
    %select_n3A_1375 = arith.select %and3A_1372, %add3A_1374, %rem3A_1360 : vector<16xi1>, vector<16xi32>
    %add3A_1376 = arith.addi %mul3A_1350, %select_n3A_1375 : vector<16xi32>
    %mul3A_1377 = arith.constant 128 : i32
    %mul3A_1378 = vector.broadcast %mul3A_1377 : i32 to vector<16xi32>
    %mul3A_1379 = arith.muli %iota3A, %mul3A_1378 : vector<16xi32>
    %add3A_1380 = arith.constant 5 : i32
    %add3A_1381 = vector.broadcast %add3A_1380 : i32 to vector<16xi32>
    %add3A_1382 = arith.addi %iota3A, %add3A_1381 : vector<16xi32>
    %jit3A_1383 = arith.constant 16 : i32
    %eq3A_1384 = arith.constant 0 : i32
    %eq3A_1385 = arith.cmpi eq, %jit3A_1383, %eq3A_1384 : i32
    %jit3A_1386 = arith.constant 1 : i32
    %select_n3A_1387 = arith.select %eq3A_1385, %jit3A_1386, %jit3A_1383 : i32
    %rem3A_1388 = vector.broadcast %select_n3A_1387 : i32 to vector<16xi32>
    %rem3A_1389 = arith.remsi %add3A_1382, %rem3A_1388 : vector<16xi32>
    %ne3A_1390 = arith.constant 0 : i32
    %ne3A_1391 = vector.broadcast %ne3A_1390 : i32 to vector<16xi32>
    %ne3A_1392 = arith.cmpi ne, %rem3A_1389, %ne3A_1391 : vector<16xi32>
    %lt3A_1393 = arith.constant 0 : i32
    %lt3A_1394 = vector.broadcast %lt3A_1393 : i32 to vector<16xi32>
    %lt3A_1395 = arith.cmpi slt, %rem3A_1389, %lt3A_1394 : vector<16xi32>
    %lt3A_1396 = arith.constant 0 : i32
    %lt3A_1397 = arith.cmpi slt, %select_n3A_1387, %lt3A_1396 : i32
    %ne3A_1398 = vector.broadcast %lt3A_1397 : i1 to vector<16xi1>
    %ne3A_1399 = vector.broadcast %ne3A_1398 : vector<16xi1> to vector<16xi1>
    %ne3A_1400 = arith.xori %lt3A_1395, %ne3A_1399 : vector<16xi1>
    %and3A_1401 = arith.andi %ne3A_1400, %ne3A_1392 : vector<16xi1>
    %add3A_1402 = vector.broadcast %select_n3A_1387 : i32 to vector<16xi32>
    %add3A_1403 = arith.addi %rem3A_1389, %add3A_1402 : vector<16xi32>
    %select_n3A_1404 = arith.select %and3A_1401, %add3A_1403, %rem3A_1389 : vector<16xi1>, vector<16xi32>
    %add3A_1405 = arith.addi %mul3A_1379, %select_n3A_1404 : vector<16xi32>
    %mul3A_1406 = arith.constant 128 : i32
    %mul3A_1407 = vector.broadcast %mul3A_1406 : i32 to vector<16xi32>
    %mul3A_1408 = arith.muli %iota3A, %mul3A_1407 : vector<16xi32>
    %add3A_1409 = arith.constant 6 : i32
    %add3A_1410 = vector.broadcast %add3A_1409 : i32 to vector<16xi32>
    %add3A_1411 = arith.addi %iota3A, %add3A_1410 : vector<16xi32>
    %jit3A_1412 = arith.constant 16 : i32
    %eq3A_1413 = arith.constant 0 : i32
    %eq3A_1414 = arith.cmpi eq, %jit3A_1412, %eq3A_1413 : i32
    %jit3A_1415 = arith.constant 1 : i32
    %select_n3A_1416 = arith.select %eq3A_1414, %jit3A_1415, %jit3A_1412 : i32
    %rem3A_1417 = vector.broadcast %select_n3A_1416 : i32 to vector<16xi32>
    %rem3A_1418 = arith.remsi %add3A_1411, %rem3A_1417 : vector<16xi32>
    %ne3A_1419 = arith.constant 0 : i32
    %ne3A_1420 = vector.broadcast %ne3A_1419 : i32 to vector<16xi32>
    %ne3A_1421 = arith.cmpi ne, %rem3A_1418, %ne3A_1420 : vector<16xi32>
    %lt3A_1422 = arith.constant 0 : i32
    %lt3A_1423 = vector.broadcast %lt3A_1422 : i32 to vector<16xi32>
    %lt3A_1424 = arith.cmpi slt, %rem3A_1418, %lt3A_1423 : vector<16xi32>
    %lt3A_1425 = arith.constant 0 : i32
    %lt3A_1426 = arith.cmpi slt, %select_n3A_1416, %lt3A_1425 : i32
    %ne3A_1427 = vector.broadcast %lt3A_1426 : i1 to vector<16xi1>
    %ne3A_1428 = vector.broadcast %ne3A_1427 : vector<16xi1> to vector<16xi1>
    %ne3A_1429 = arith.xori %lt3A_1424, %ne3A_1428 : vector<16xi1>
    %and3A_1430 = arith.andi %ne3A_1429, %ne3A_1421 : vector<16xi1>
    %add3A_1431 = vector.broadcast %select_n3A_1416 : i32 to vector<16xi32>
    %add3A_1432 = arith.addi %rem3A_1418, %add3A_1431 : vector<16xi32>
    %select_n3A_1433 = arith.select %and3A_1430, %add3A_1432, %rem3A_1418 : vector<16xi1>, vector<16xi32>
    %add3A_1434 = arith.addi %mul3A_1408, %select_n3A_1433 : vector<16xi32>
    %mul3A_1435 = arith.constant 128 : i32
    %mul3A_1436 = vector.broadcast %mul3A_1435 : i32 to vector<16xi32>
    %mul3A_1437 = arith.muli %iota3A, %mul3A_1436 : vector<16xi32>
    %add3A_1438 = arith.constant 7 : i32
    %add3A_1439 = vector.broadcast %add3A_1438 : i32 to vector<16xi32>
    %add3A_1440 = arith.addi %iota3A, %add3A_1439 : vector<16xi32>
    %jit3A_1441 = arith.constant 16 : i32
    %eq3A_1442 = arith.constant 0 : i32
    %eq3A_1443 = arith.cmpi eq, %jit3A_1441, %eq3A_1442 : i32
    %jit3A_1444 = arith.constant 1 : i32
    %select_n3A_1445 = arith.select %eq3A_1443, %jit3A_1444, %jit3A_1441 : i32
    %rem3A_1446 = vector.broadcast %select_n3A_1445 : i32 to vector<16xi32>
    %rem3A_1447 = arith.remsi %add3A_1440, %rem3A_1446 : vector<16xi32>
    %ne3A_1448 = arith.constant 0 : i32
    %ne3A_1449 = vector.broadcast %ne3A_1448 : i32 to vector<16xi32>
    %ne3A_1450 = arith.cmpi ne, %rem3A_1447, %ne3A_1449 : vector<16xi32>
    %lt3A_1451 = arith.constant 0 : i32
    %lt3A_1452 = vector.broadcast %lt3A_1451 : i32 to vector<16xi32>
    %lt3A_1453 = arith.cmpi slt, %rem3A_1447, %lt3A_1452 : vector<16xi32>
    %lt3A_1454 = arith.constant 0 : i32
    %lt3A_1455 = arith.cmpi slt, %select_n3A_1445, %lt3A_1454 : i32
    %ne3A_1456 = vector.broadcast %lt3A_1455 : i1 to vector<16xi1>
    %ne3A_1457 = vector.broadcast %ne3A_1456 : vector<16xi1> to vector<16xi1>
    %ne3A_1458 = arith.xori %lt3A_1453, %ne3A_1457 : vector<16xi1>
    %and3A_1459 = arith.andi %ne3A_1458, %ne3A_1450 : vector<16xi1>
    %add3A_1460 = vector.broadcast %select_n3A_1445 : i32 to vector<16xi32>
    %add3A_1461 = arith.addi %rem3A_1447, %add3A_1460 : vector<16xi32>
    %select_n3A_1462 = arith.select %and3A_1459, %add3A_1461, %rem3A_1447 : vector<16xi1>, vector<16xi32>
    %add3A_1463 = arith.addi %mul3A_1437, %select_n3A_1462 : vector<16xi32>
    %mul3A_1464 = arith.constant 128 : i32
    %mul3A_1465 = vector.broadcast %mul3A_1464 : i32 to vector<16xi32>
    %mul3A_1466 = arith.muli %iota3A, %mul3A_1465 : vector<16xi32>
    %add3A_1467 = arith.constant 8 : i32
    %add3A_1468 = vector.broadcast %add3A_1467 : i32 to vector<16xi32>
    %add3A_1469 = arith.addi %iota3A, %add3A_1468 : vector<16xi32>
    %jit3A_1470 = arith.constant 16 : i32
    %eq3A_1471 = arith.constant 0 : i32
    %eq3A_1472 = arith.cmpi eq, %jit3A_1470, %eq3A_1471 : i32
    %jit3A_1473 = arith.constant 1 : i32
    %select_n3A_1474 = arith.select %eq3A_1472, %jit3A_1473, %jit3A_1470 : i32
    %rem3A_1475 = vector.broadcast %select_n3A_1474 : i32 to vector<16xi32>
    %rem3A_1476 = arith.remsi %add3A_1469, %rem3A_1475 : vector<16xi32>
    %ne3A_1477 = arith.constant 0 : i32
    %ne3A_1478 = vector.broadcast %ne3A_1477 : i32 to vector<16xi32>
    %ne3A_1479 = arith.cmpi ne, %rem3A_1476, %ne3A_1478 : vector<16xi32>
    %lt3A_1480 = arith.constant 0 : i32
    %lt3A_1481 = vector.broadcast %lt3A_1480 : i32 to vector<16xi32>
    %lt3A_1482 = arith.cmpi slt, %rem3A_1476, %lt3A_1481 : vector<16xi32>
    %lt3A_1483 = arith.constant 0 : i32
    %lt3A_1484 = arith.cmpi slt, %select_n3A_1474, %lt3A_1483 : i32
    %ne3A_1485 = vector.broadcast %lt3A_1484 : i1 to vector<16xi1>
    %ne3A_1486 = vector.broadcast %ne3A_1485 : vector<16xi1> to vector<16xi1>
    %ne3A_1487 = arith.xori %lt3A_1482, %ne3A_1486 : vector<16xi1>
    %and3A_1488 = arith.andi %ne3A_1487, %ne3A_1479 : vector<16xi1>
    %add3A_1489 = vector.broadcast %select_n3A_1474 : i32 to vector<16xi32>
    %add3A_1490 = arith.addi %rem3A_1476, %add3A_1489 : vector<16xi32>
    %select_n3A_1491 = arith.select %and3A_1488, %add3A_1490, %rem3A_1476 : vector<16xi1>, vector<16xi32>
    %add3A_1492 = arith.addi %mul3A_1466, %select_n3A_1491 : vector<16xi32>
    %mul3A_1493 = arith.constant 128 : i32
    %mul3A_1494 = vector.broadcast %mul3A_1493 : i32 to vector<16xi32>
    %mul3A_1495 = arith.muli %iota3A, %mul3A_1494 : vector<16xi32>
    %add3A_1496 = arith.constant 9 : i32
    %add3A_1497 = vector.broadcast %add3A_1496 : i32 to vector<16xi32>
    %add3A_1498 = arith.addi %iota3A, %add3A_1497 : vector<16xi32>
    %jit3A_1499 = arith.constant 16 : i32
    %eq3A_1500 = arith.constant 0 : i32
    %eq3A_1501 = arith.cmpi eq, %jit3A_1499, %eq3A_1500 : i32
    %jit3A_1502 = arith.constant 1 : i32
    %select_n3A_1503 = arith.select %eq3A_1501, %jit3A_1502, %jit3A_1499 : i32
    %rem3A_1504 = vector.broadcast %select_n3A_1503 : i32 to vector<16xi32>
    %rem3A_1505 = arith.remsi %add3A_1498, %rem3A_1504 : vector<16xi32>
    %ne3A_1506 = arith.constant 0 : i32
    %ne3A_1507 = vector.broadcast %ne3A_1506 : i32 to vector<16xi32>
    %ne3A_1508 = arith.cmpi ne, %rem3A_1505, %ne3A_1507 : vector<16xi32>
    %lt3A_1509 = arith.constant 0 : i32
    %lt3A_1510 = vector.broadcast %lt3A_1509 : i32 to vector<16xi32>
    %lt3A_1511 = arith.cmpi slt, %rem3A_1505, %lt3A_1510 : vector<16xi32>
    %lt3A_1512 = arith.constant 0 : i32
    %lt3A_1513 = arith.cmpi slt, %select_n3A_1503, %lt3A_1512 : i32
    %ne3A_1514 = vector.broadcast %lt3A_1513 : i1 to vector<16xi1>
    %ne3A_1515 = vector.broadcast %ne3A_1514 : vector<16xi1> to vector<16xi1>
    %ne3A_1516 = arith.xori %lt3A_1511, %ne3A_1515 : vector<16xi1>
    %and3A_1517 = arith.andi %ne3A_1516, %ne3A_1508 : vector<16xi1>
    %add3A_1518 = vector.broadcast %select_n3A_1503 : i32 to vector<16xi32>
    %add3A_1519 = arith.addi %rem3A_1505, %add3A_1518 : vector<16xi32>
    %select_n3A_1520 = arith.select %and3A_1517, %add3A_1519, %rem3A_1505 : vector<16xi1>, vector<16xi32>
    %add3A_1521 = arith.addi %mul3A_1495, %select_n3A_1520 : vector<16xi32>
    %mul3A_1522 = arith.constant 128 : i32
    %mul3A_1523 = vector.broadcast %mul3A_1522 : i32 to vector<16xi32>
    %mul3A_1524 = arith.muli %iota3A, %mul3A_1523 : vector<16xi32>
    %add3A_1525 = arith.constant 10 : i32
    %add3A_1526 = vector.broadcast %add3A_1525 : i32 to vector<16xi32>
    %add3A_1527 = arith.addi %iota3A, %add3A_1526 : vector<16xi32>
    %jit3A_1528 = arith.constant 16 : i32
    %eq3A_1529 = arith.constant 0 : i32
    %eq3A_1530 = arith.cmpi eq, %jit3A_1528, %eq3A_1529 : i32
    %jit3A_1531 = arith.constant 1 : i32
    %select_n3A_1532 = arith.select %eq3A_1530, %jit3A_1531, %jit3A_1528 : i32
    %rem3A_1533 = vector.broadcast %select_n3A_1532 : i32 to vector<16xi32>
    %rem3A_1534 = arith.remsi %add3A_1527, %rem3A_1533 : vector<16xi32>
    %ne3A_1535 = arith.constant 0 : i32
    %ne3A_1536 = vector.broadcast %ne3A_1535 : i32 to vector<16xi32>
    %ne3A_1537 = arith.cmpi ne, %rem3A_1534, %ne3A_1536 : vector<16xi32>
    %lt3A_1538 = arith.constant 0 : i32
    %lt3A_1539 = vector.broadcast %lt3A_1538 : i32 to vector<16xi32>
    %lt3A_1540 = arith.cmpi slt, %rem3A_1534, %lt3A_1539 : vector<16xi32>
    %lt3A_1541 = arith.constant 0 : i32
    %lt3A_1542 = arith.cmpi slt, %select_n3A_1532, %lt3A_1541 : i32
    %ne3A_1543 = vector.broadcast %lt3A_1542 : i1 to vector<16xi1>
    %ne3A_1544 = vector.broadcast %ne3A_1543 : vector<16xi1> to vector<16xi1>
    %ne3A_1545 = arith.xori %lt3A_1540, %ne3A_1544 : vector<16xi1>
    %and3A_1546 = arith.andi %ne3A_1545, %ne3A_1537 : vector<16xi1>
    %add3A_1547 = vector.broadcast %select_n3A_1532 : i32 to vector<16xi32>
    %add3A_1548 = arith.addi %rem3A_1534, %add3A_1547 : vector<16xi32>
    %select_n3A_1549 = arith.select %and3A_1546, %add3A_1548, %rem3A_1534 : vector<16xi1>, vector<16xi32>
    %add3A_1550 = arith.addi %mul3A_1524, %select_n3A_1549 : vector<16xi32>
    %mul3A_1551 = arith.constant 128 : i32
    %mul3A_1552 = vector.broadcast %mul3A_1551 : i32 to vector<16xi32>
    %mul3A_1553 = arith.muli %iota3A, %mul3A_1552 : vector<16xi32>
    %add3A_1554 = arith.constant 11 : i32
    %add3A_1555 = vector.broadcast %add3A_1554 : i32 to vector<16xi32>
    %add3A_1556 = arith.addi %iota3A, %add3A_1555 : vector<16xi32>
    %jit3A_1557 = arith.constant 16 : i32
    %eq3A_1558 = arith.constant 0 : i32
    %eq3A_1559 = arith.cmpi eq, %jit3A_1557, %eq3A_1558 : i32
    %jit3A_1560 = arith.constant 1 : i32
    %select_n3A_1561 = arith.select %eq3A_1559, %jit3A_1560, %jit3A_1557 : i32
    %rem3A_1562 = vector.broadcast %select_n3A_1561 : i32 to vector<16xi32>
    %rem3A_1563 = arith.remsi %add3A_1556, %rem3A_1562 : vector<16xi32>
    %ne3A_1564 = arith.constant 0 : i32
    %ne3A_1565 = vector.broadcast %ne3A_1564 : i32 to vector<16xi32>
    %ne3A_1566 = arith.cmpi ne, %rem3A_1563, %ne3A_1565 : vector<16xi32>
    %lt3A_1567 = arith.constant 0 : i32
    %lt3A_1568 = vector.broadcast %lt3A_1567 : i32 to vector<16xi32>
    %lt3A_1569 = arith.cmpi slt, %rem3A_1563, %lt3A_1568 : vector<16xi32>
    %lt3A_1570 = arith.constant 0 : i32
    %lt3A_1571 = arith.cmpi slt, %select_n3A_1561, %lt3A_1570 : i32
    %ne3A_1572 = vector.broadcast %lt3A_1571 : i1 to vector<16xi1>
    %ne3A_1573 = vector.broadcast %ne3A_1572 : vector<16xi1> to vector<16xi1>
    %ne3A_1574 = arith.xori %lt3A_1569, %ne3A_1573 : vector<16xi1>
    %and3A_1575 = arith.andi %ne3A_1574, %ne3A_1566 : vector<16xi1>
    %add3A_1576 = vector.broadcast %select_n3A_1561 : i32 to vector<16xi32>
    %add3A_1577 = arith.addi %rem3A_1563, %add3A_1576 : vector<16xi32>
    %select_n3A_1578 = arith.select %and3A_1575, %add3A_1577, %rem3A_1563 : vector<16xi1>, vector<16xi32>
    %add3A_1579 = arith.addi %mul3A_1553, %select_n3A_1578 : vector<16xi32>
    %mul3A_1580 = arith.constant 128 : i32
    %mul3A_1581 = vector.broadcast %mul3A_1580 : i32 to vector<16xi32>
    %mul3A_1582 = arith.muli %iota3A, %mul3A_1581 : vector<16xi32>
    %add3A_1583 = arith.constant 12 : i32
    %add3A_1584 = vector.broadcast %add3A_1583 : i32 to vector<16xi32>
    %add3A_1585 = arith.addi %iota3A, %add3A_1584 : vector<16xi32>
    %jit3A_1586 = arith.constant 16 : i32
    %eq3A_1587 = arith.constant 0 : i32
    %eq3A_1588 = arith.cmpi eq, %jit3A_1586, %eq3A_1587 : i32
    %jit3A_1589 = arith.constant 1 : i32
    %select_n3A_1590 = arith.select %eq3A_1588, %jit3A_1589, %jit3A_1586 : i32
    %rem3A_1591 = vector.broadcast %select_n3A_1590 : i32 to vector<16xi32>
    %rem3A_1592 = arith.remsi %add3A_1585, %rem3A_1591 : vector<16xi32>
    %ne3A_1593 = arith.constant 0 : i32
    %ne3A_1594 = vector.broadcast %ne3A_1593 : i32 to vector<16xi32>
    %ne3A_1595 = arith.cmpi ne, %rem3A_1592, %ne3A_1594 : vector<16xi32>
    %lt3A_1596 = arith.constant 0 : i32
    %lt3A_1597 = vector.broadcast %lt3A_1596 : i32 to vector<16xi32>
    %lt3A_1598 = arith.cmpi slt, %rem3A_1592, %lt3A_1597 : vector<16xi32>
    %lt3A_1599 = arith.constant 0 : i32
    %lt3A_1600 = arith.cmpi slt, %select_n3A_1590, %lt3A_1599 : i32
    %ne3A_1601 = vector.broadcast %lt3A_1600 : i1 to vector<16xi1>
    %ne3A_1602 = vector.broadcast %ne3A_1601 : vector<16xi1> to vector<16xi1>
    %ne3A_1603 = arith.xori %lt3A_1598, %ne3A_1602 : vector<16xi1>
    %and3A_1604 = arith.andi %ne3A_1603, %ne3A_1595 : vector<16xi1>
    %add3A_1605 = vector.broadcast %select_n3A_1590 : i32 to vector<16xi32>
    %add3A_1606 = arith.addi %rem3A_1592, %add3A_1605 : vector<16xi32>
    %select_n3A_1607 = arith.select %and3A_1604, %add3A_1606, %rem3A_1592 : vector<16xi1>, vector<16xi32>
    %add3A_1608 = arith.addi %mul3A_1582, %select_n3A_1607 : vector<16xi32>
    %mul3A_1609 = arith.constant 128 : i32
    %mul3A_1610 = vector.broadcast %mul3A_1609 : i32 to vector<16xi32>
    %mul3A_1611 = arith.muli %iota3A, %mul3A_1610 : vector<16xi32>
    %add3A_1612 = arith.constant 13 : i32
    %add3A_1613 = vector.broadcast %add3A_1612 : i32 to vector<16xi32>
    %add3A_1614 = arith.addi %iota3A, %add3A_1613 : vector<16xi32>
    %jit3A_1615 = arith.constant 16 : i32
    %eq3A_1616 = arith.constant 0 : i32
    %eq3A_1617 = arith.cmpi eq, %jit3A_1615, %eq3A_1616 : i32
    %jit3A_1618 = arith.constant 1 : i32
    %select_n3A_1619 = arith.select %eq3A_1617, %jit3A_1618, %jit3A_1615 : i32
    %rem3A_1620 = vector.broadcast %select_n3A_1619 : i32 to vector<16xi32>
    %rem3A_1621 = arith.remsi %add3A_1614, %rem3A_1620 : vector<16xi32>
    %ne3A_1622 = arith.constant 0 : i32
    %ne3A_1623 = vector.broadcast %ne3A_1622 : i32 to vector<16xi32>
    %ne3A_1624 = arith.cmpi ne, %rem3A_1621, %ne3A_1623 : vector<16xi32>
    %lt3A_1625 = arith.constant 0 : i32
    %lt3A_1626 = vector.broadcast %lt3A_1625 : i32 to vector<16xi32>
    %lt3A_1627 = arith.cmpi slt, %rem3A_1621, %lt3A_1626 : vector<16xi32>
    %lt3A_1628 = arith.constant 0 : i32
    %lt3A_1629 = arith.cmpi slt, %select_n3A_1619, %lt3A_1628 : i32
    %ne3A_1630 = vector.broadcast %lt3A_1629 : i1 to vector<16xi1>
    %ne3A_1631 = vector.broadcast %ne3A_1630 : vector<16xi1> to vector<16xi1>
    %ne3A_1632 = arith.xori %lt3A_1627, %ne3A_1631 : vector<16xi1>
    %and3A_1633 = arith.andi %ne3A_1632, %ne3A_1624 : vector<16xi1>
    %add3A_1634 = vector.broadcast %select_n3A_1619 : i32 to vector<16xi32>
    %add3A_1635 = arith.addi %rem3A_1621, %add3A_1634 : vector<16xi32>
    %select_n3A_1636 = arith.select %and3A_1633, %add3A_1635, %rem3A_1621 : vector<16xi1>, vector<16xi32>
    %add3A_1637 = arith.addi %mul3A_1611, %select_n3A_1636 : vector<16xi32>
    %mul3A_1638 = arith.constant 128 : i32
    %mul3A_1639 = vector.broadcast %mul3A_1638 : i32 to vector<16xi32>
    %mul3A_1640 = arith.muli %iota3A, %mul3A_1639 : vector<16xi32>
    %add3A_1641 = arith.constant 14 : i32
    %add3A_1642 = vector.broadcast %add3A_1641 : i32 to vector<16xi32>
    %add3A_1643 = arith.addi %iota3A, %add3A_1642 : vector<16xi32>
    %jit3A_1644 = arith.constant 16 : i32
    %eq3A_1645 = arith.constant 0 : i32
    %eq3A_1646 = arith.cmpi eq, %jit3A_1644, %eq3A_1645 : i32
    %jit3A_1647 = arith.constant 1 : i32
    %select_n3A_1648 = arith.select %eq3A_1646, %jit3A_1647, %jit3A_1644 : i32
    %rem3A_1649 = vector.broadcast %select_n3A_1648 : i32 to vector<16xi32>
    %rem3A_1650 = arith.remsi %add3A_1643, %rem3A_1649 : vector<16xi32>
    %ne3A_1651 = arith.constant 0 : i32
    %ne3A_1652 = vector.broadcast %ne3A_1651 : i32 to vector<16xi32>
    %ne3A_1653 = arith.cmpi ne, %rem3A_1650, %ne3A_1652 : vector<16xi32>
    %lt3A_1654 = arith.constant 0 : i32
    %lt3A_1655 = vector.broadcast %lt3A_1654 : i32 to vector<16xi32>
    %lt3A_1656 = arith.cmpi slt, %rem3A_1650, %lt3A_1655 : vector<16xi32>
    %lt3A_1657 = arith.constant 0 : i32
    %lt3A_1658 = arith.cmpi slt, %select_n3A_1648, %lt3A_1657 : i32
    %ne3A_1659 = vector.broadcast %lt3A_1658 : i1 to vector<16xi1>
    %ne3A_1660 = vector.broadcast %ne3A_1659 : vector<16xi1> to vector<16xi1>
    %ne3A_1661 = arith.xori %lt3A_1656, %ne3A_1660 : vector<16xi1>
    %and3A_1662 = arith.andi %ne3A_1661, %ne3A_1653 : vector<16xi1>
    %add3A_1663 = vector.broadcast %select_n3A_1648 : i32 to vector<16xi32>
    %add3A_1664 = arith.addi %rem3A_1650, %add3A_1663 : vector<16xi32>
    %select_n3A_1665 = arith.select %and3A_1662, %add3A_1664, %rem3A_1650 : vector<16xi1>, vector<16xi32>
    %add3A_1666 = arith.addi %mul3A_1640, %select_n3A_1665 : vector<16xi32>
    %mul3A_1667 = arith.constant 128 : i32
    %mul3A_1668 = vector.broadcast %mul3A_1667 : i32 to vector<16xi32>
    %mul3A_1669 = arith.muli %iota3A, %mul3A_1668 : vector<16xi32>
    %add3A_1670 = arith.constant 15 : i32
    %add3A_1671 = vector.broadcast %add3A_1670 : i32 to vector<16xi32>
    %add3A_1672 = arith.addi %iota3A, %add3A_1671 : vector<16xi32>
    %jit3A_1673 = arith.constant 16 : i32
    %eq3A_1674 = arith.constant 0 : i32
    %eq3A_1675 = arith.cmpi eq, %jit3A_1673, %eq3A_1674 : i32
    %jit3A_1676 = arith.constant 1 : i32
    %select_n3A_1677 = arith.select %eq3A_1675, %jit3A_1676, %jit3A_1673 : i32
    %rem3A_1678 = vector.broadcast %select_n3A_1677 : i32 to vector<16xi32>
    %rem3A_1679 = arith.remsi %add3A_1672, %rem3A_1678 : vector<16xi32>
    %ne3A_1680 = arith.constant 0 : i32
    %ne3A_1681 = vector.broadcast %ne3A_1680 : i32 to vector<16xi32>
    %ne3A_1682 = arith.cmpi ne, %rem3A_1679, %ne3A_1681 : vector<16xi32>
    %lt3A_1683 = arith.constant 0 : i32
    %lt3A_1684 = vector.broadcast %lt3A_1683 : i32 to vector<16xi32>
    %lt3A_1685 = arith.cmpi slt, %rem3A_1679, %lt3A_1684 : vector<16xi32>
    %lt3A_1686 = arith.constant 0 : i32
    %lt3A_1687 = arith.cmpi slt, %select_n3A_1677, %lt3A_1686 : i32
    %ne3A_1688 = vector.broadcast %lt3A_1687 : i1 to vector<16xi1>
    %ne3A_1689 = vector.broadcast %ne3A_1688 : vector<16xi1> to vector<16xi1>
    %ne3A_1690 = arith.xori %lt3A_1685, %ne3A_1689 : vector<16xi1>
    %and3A_1691 = arith.andi %ne3A_1690, %ne3A_1682 : vector<16xi1>
    %add3A_1692 = vector.broadcast %select_n3A_1677 : i32 to vector<16xi32>
    %add3A_1693 = arith.addi %rem3A_1679, %add3A_1692 : vector<16xi32>
    %select_n3A_1694 = arith.select %and3A_1691, %add3A_1693, %rem3A_1679 : vector<16xi1>, vector<16xi32>
    %add3A_1695 = arith.addi %mul3A_1669, %select_n3A_1694 : vector<16xi32>
    tpu.enqueue_dma source(%arg12 : memref<4096xf32, #tpu.memory_space<vmem>>) target(%arg6 : memref<4096xf32, #tpu.memory_space<hbm>>) target_semaphore(%arg16 : memref<!tpu.dma_semaphore, #tpu.memory_space<semaphore_mem>>)
    tpu.enqueue_dma source(%arg13 : memref<4096xf32, #tpu.memory_space<vmem>>) target(%arg6 : memref<4096xf32, #tpu.memory_space<hbm>>) target_semaphore(%arg17 : memref<!tpu.dma_semaphore, #tpu.memory_space<semaphore_mem>>)
    %min3A = arith.constant 0 : i32
    %min3A_1696 = arith.constant 19 : i32
    %min3A_1697 = arith.minsi %min3A, %min3A_1696 : i32
    %mul3A_1698 = arith.constant 10 : i32
    %mul3A_1699 = arith.muli %min3A_1697, %mul3A_1698 : i32
    %scan3A = arith.constant 0 : i32
    %scan3A_1700 = arith.constant 0 : i32
    %scan3A_1701 = arith.constant 128 : i32
    %scan3A_1702 = arith.addi %scan3A_1700, %scan3A_1701 : i32
    %scan3A_1703 = arith.constant 1 : i32
    scf.for %scan3A_1729 = %scan3A_1700 to %scan3A_1702 step %scan3A_1703  : i32 {
      %get3A_1730 = arith.index_cast %scan3A_1729 : i32 to index
      %get3A_1731 = memref.load %arg9[%get3A_1730] : memref<128xi32, #tpu.memory_space<smem>>
      %add3A_1732 = arith.addi %get3A_1731, %mul3A_1699 : i32
      %mul3A_1733 = arith.constant 32 : i32
      %mul3A_1734 = arith.muli %add3A_1732, %mul3A_1733 : i32
      %mul3A_1735 = arith.constant 10 : i32
      %mul3A_1736 = arith.muli %scan3A_1729, %mul3A_1735 : i32
      %mul3A_1737 = arith.constant 32 : i32
      %mul3A_1738 = arith.muli %mul3A_1736, %mul3A_1737 : i32
      %dma_start3A = tpu.memref_slice %arg10[%mul3A_1738] : memref<40960xf32, #tpu.memory_space<vmem>> -> memref<320xf32, #tpu.memory_space<vmem>>
      %dma_start3A_1739 = tpu.memref_slice %arg4[%mul3A_1734] : memref<3206400xf32, #tpu.memory_space<hbm>> -> memref<320xf32, #tpu.memory_space<hbm>>
      %dma_start3A_1740 = tpu.memref_slice %arg10[%mul3A_1738] : memref<40960xf32, #tpu.memory_space<vmem>> -> memref<320xf32, #tpu.memory_space<vmem>>
      %dma_start3A_1741 = tpu.memref_slice %arg4[%mul3A_1734] : memref<3206400xf32, #tpu.memory_space<hbm>> -> memref<320xf32, #tpu.memory_space<hbm>>
      tpu.enqueue_dma source(%dma_start3A_1741 : memref<320xf32, #tpu.memory_space<hbm>>) target(%dma_start3A_1740 : memref<320xf32, #tpu.memory_space<vmem>>) target_semaphore(%arg14 : memref<!tpu.dma_semaphore, #tpu.memory_space<semaphore_mem>>)
    }
    %scan3A_1704 = arith.constant 128 : i32
    %min3A_1705 = arith.constant 1 : i32
    %min3A_1706 = arith.constant 19 : i32
    %min3A_1707 = arith.minsi %min3A_1705, %min3A_1706 : i32
    %mul3A_1708 = arith.constant 10 : i32
    %mul3A_1709 = arith.muli %min3A_1707, %mul3A_1708 : i32
    %scan3A_1710 = arith.constant 0 : i32
    %scan3A_1711 = arith.constant 0 : i32
    %scan3A_1712 = arith.constant 128 : i32
    %scan3A_1713 = arith.addi %scan3A_1711, %scan3A_1712 : i32
    %scan3A_1714 = arith.constant 1 : i32
    scf.for %scan3A_1729 = %scan3A_1711 to %scan3A_1713 step %scan3A_1714  : i32 {
      %get3A_1730 = arith.index_cast %scan3A_1729 : i32 to index
      %get3A_1731 = memref.load %arg9[%get3A_1730] : memref<128xi32, #tpu.memory_space<smem>>
      %add3A_1732 = arith.addi %get3A_1731, %mul3A_1709 : i32
      %mul3A_1733 = arith.constant 32 : i32
      %mul3A_1734 = arith.muli %add3A_1732, %mul3A_1733 : i32
      %mul3A_1735 = arith.constant 10 : i32
      %mul3A_1736 = arith.muli %scan3A_1729, %mul3A_1735 : i32
      %mul3A_1737 = arith.constant 32 : i32
      %mul3A_1738 = arith.muli %mul3A_1736, %mul3A_1737 : i32
      %dma_start3A = tpu.memref_slice %arg11[%mul3A_1738] : memref<40960xf32, #tpu.memory_space<vmem>> -> memref<320xf32, #tpu.memory_space<vmem>>
      %dma_start3A_1739 = tpu.memref_slice %arg4[%mul3A_1734] : memref<3206400xf32, #tpu.memory_space<hbm>> -> memref<320xf32, #tpu.memory_space<hbm>>
      %dma_start3A_1740 = tpu.memref_slice %arg11[%mul3A_1738] : memref<40960xf32, #tpu.memory_space<vmem>> -> memref<320xf32, #tpu.memory_space<vmem>>
      %dma_start3A_1741 = tpu.memref_slice %arg4[%mul3A_1734] : memref<3206400xf32, #tpu.memory_space<hbm>> -> memref<320xf32, #tpu.memory_space<hbm>>
      tpu.enqueue_dma source(%dma_start3A_1741 : memref<320xf32, #tpu.memory_space<hbm>>) target(%dma_start3A_1740 : memref<320xf32, #tpu.memory_space<vmem>>) target_semaphore(%arg15 : memref<!tpu.dma_semaphore, #tpu.memory_space<semaphore_mem>>)
    }
    %scan3A_1715 = arith.constant 128 : i32
    %scan3A_1716 = arith.constant 0 : i32
    %scan3A_1717 = arith.constant 0 : i32
    %scan3A_1718 = arith.constant 10 : i32
    %scan3A_1719 = arith.addi %scan3A_1717, %scan3A_1718 : i32
    %scan3A_1720 = arith.constant 1 : i32
    scf.for %scan3A_1729 = %scan3A_1717 to %scan3A_1719 step %scan3A_1720  : i32 {
      %mul3A_1730 = arith.constant 2 : i32
      %mul3A_1731 = arith.muli %mul3A_1730, %scan3A_1729 : i32
      %add3A_1732 = arith.constant 0 : i32
      %add3A_1733 = arith.addi %mul3A_1731, %add3A_1732 : i32
      %dma_wait3A_1734 = arith.constant 0 : i32
      %dma_wait3A_1735 = tpu.memref_slice %arg4[%dma_wait3A_1734] : memref<3206400xf32, #tpu.memory_space<hbm>> -> memref<40960xf32, #tpu.memory_space<hbm>>
      %dma_wait3A_1736 = arith.constant 0 : i32
      %dma_wait3A_1737 = tpu.memref_slice %arg4[%dma_wait3A_1736] : memref<3206400xf32, #tpu.memory_space<hbm>> -> memref<40960xf32, #tpu.memory_space<hbm>>
      tpu.wait_dma2 semaphore(%arg14 : memref<!tpu.dma_semaphore, #tpu.memory_space<semaphore_mem>>) src(%dma_wait3A_1737 : memref<40960xf32, #tpu.memory_space<hbm>>) dst(%arg10 : memref<40960xf32, #tpu.memory_space<vmem>>)
      %scan3A_1738 = arith.constant 0 : i32
      %scan3A_1739 = arith.constant 0 : i32
      %scan3A_1740 = arith.constant 5 : i32
      %scan3A_1741 = arith.addi %scan3A_1739, %scan3A_1740 : i32
      %scan3A_1742 = arith.constant 1 : i32
      scf.for %scan3A_1782 = %scan3A_1739 to %scan3A_1741 step %scan3A_1742  : i32 {
        %mul3A_1783 = arith.constant 2 : i32
        %mul3A_1784 = arith.muli %mul3A_1783, %scan3A_1782 : i32
        %add3A_1785 = arith.constant 0 : i32
        %add3A_1786 = arith.addi %mul3A_1784, %add3A_1785 : i32
        tpu.wait_dma2 semaphore(%arg16 : memref<!tpu.dma_semaphore, #tpu.memory_space<semaphore_mem>>) src(%arg6 : memref<4096xf32, #tpu.memory_space<hbm>>) dst(%arg12 : memref<4096xf32, #tpu.memory_space<vmem>>)
        %scan3A_1787 = arith.constant 0 : i32
        %scan3A_1788 = arith.constant 0 : i32
        %scan3A_1789 = arith.constant 8 : i32
        %scan3A_1790 = arith.addi %scan3A_1788, %scan3A_1789 : i32
        %scan3A_1791 = arith.constant 1 : i32
        scf.for %scan3A_1920 = %scan3A_1788 to %scan3A_1790 step %scan3A_1791  : i32 {
          %mul3A_1921 = arith.constant 16 : i32
          %mul3A_1922 = arith.muli %scan3A_1920, %mul3A_1921 : i32
          %mul3A_1923 = arith.constant 10 : i32
          %mul3A_1924 = arith.muli %mul3A_1922, %mul3A_1923 : i32
          %mul3A_1925 = arith.constant 32 : i32
          %mul3A_1926 = arith.muli %mul3A_1924, %mul3A_1925 : i32
          %mul3A_1927 = arith.constant 32 : i32
          %mul3A_1928 = arith.muli %add3A_1786, %mul3A_1927 : i32
          %add3A_1929 = arith.addi %mul3A_1926, %mul3A_1928 : i32
          %add3A_1930 = arith.constant 0 : i32
          %add3A_1931 = arith.addi %add3A_1929, %add3A_1930 : i32
          %mul3A_1932 = arith.constant 16 : i32
          %mul3A_1933 = arith.muli %scan3A_1920, %mul3A_1932 : i32
          %add3A_1934 = arith.constant 0 : i32
          %add3A_1935 = arith.addi %add3A_1934, %mul3A_1933 : i32
          %mul3A_1936 = arith.constant 16 : i32
          %mul3A_1937 = arith.muli %scan3A_1920, %mul3A_1936 : i32
          %mul3A_1938 = arith.constant 10 : i32
          %mul3A_1939 = arith.muli %mul3A_1937, %mul3A_1938 : i32
          %mul3A_1940 = arith.constant 32 : i32
          %mul3A_1941 = arith.muli %mul3A_1939, %mul3A_1940 : i32
          %mul3A_1942 = arith.constant 32 : i32
          %mul3A_1943 = arith.muli %add3A_1786, %mul3A_1942 : i32
          %add3A_1944 = arith.addi %mul3A_1941, %mul3A_1943 : i32
          %add3A_1945 = arith.constant 16 : i32
          %add3A_1946 = arith.addi %add3A_1944, %add3A_1945 : i32
          %mul3A_1947 = arith.constant 16 : i32
          %mul3A_1948 = arith.muli %scan3A_1920, %mul3A_1947 : i32
          %add3A_1949 = arith.constant 2048 : i32
          %add3A_1950 = arith.addi %add3A_1949, %mul3A_1948 : i32
          %add3A_1951 = vector.broadcast %add3A_1931 : i32 to vector<16xi32>
          %add3A_1952 = arith.addi %add3A_796, %add3A_1951 : vector<16xi32>
          %gather3A = tpu.vector_load_idx %arg10[%add3A_1952] : memref<40960xf32, #tpu.memory_space<vmem>>[vector<16xi32>], vector<16xf32>,
          %add3A_1953 = vector.broadcast %add3A_1931 : i32 to vector<16xi32>
          %add3A_1954 = arith.addi %add3A_825, %add3A_1953 : vector<16xi32>
          %gather3A_1955 = tpu.vector_load_idx %arg10[%add3A_1954] : memref<40960xf32, #tpu.memory_space<vmem>>[vector<16xi32>], vector<16xf32>,
          %add3A_1956 = vector.broadcast %add3A_1931 : i32 to vector<16xi32>
          %add3A_1957 = arith.addi %add3A_854, %add3A_1956 : vector<16xi32>
          %gather3A_1958 = tpu.vector_load_idx %arg10[%add3A_1957] : memref<40960xf32, #tpu.memory_space<vmem>>[vector<16xi32>], vector<16xf32>,
          %add3A_1959 = vector.broadcast %add3A_1931 : i32 to vector<16xi32>
          %add3A_1960 = arith.addi %add3A_883, %add3A_1959 : vector<16xi32>
          %gather3A_1961 = tpu.vector_load_idx %arg10[%add3A_1960] : memref<40960xf32, #tpu.memory_space<vmem>>[vector<16xi32>], vector<16xf32>,
          %add3A_1962 = vector.broadcast %add3A_1931 : i32 to vector<16xi32>
          %add3A_1963 = arith.addi %add3A_912, %add3A_1962 : vector<16xi32>
          %gather3A_1964 = tpu.vector_load_idx %arg10[%add3A_1963] : memref<40960xf32, #tpu.memory_space<vmem>>[vector<16xi32>], vector<16xf32>,
          %add3A_1965 = vector.broadcast %add3A_1931 : i32 to vector<16xi32>
          %add3A_1966 = arith.addi %add3A_941, %add3A_1965 : vector<16xi32>
          %gather3A_1967 = tpu.vector_load_idx %arg10[%add3A_1966] : memref<40960xf32, #tpu.memory_space<vmem>>[vector<16xi32>], vector<16xf32>,
          %add3A_1968 = vector.broadcast %add3A_1931 : i32 to vector<16xi32>
          %add3A_1969 = arith.addi %add3A_970, %add3A_1968 : vector<16xi32>
          %gather3A_1970 = tpu.vector_load_idx %arg10[%add3A_1969] : memref<40960xf32, #tpu.memory_space<vmem>>[vector<16xi32>], vector<16xf32>,
          %add3A_1971 = vector.broadcast %add3A_1931 : i32 to vector<16xi32>
          %add3A_1972 = arith.addi %add3A_999, %add3A_1971 : vector<16xi32>
          %gather3A_1973 = tpu.vector_load_idx %arg10[%add3A_1972] : memref<40960xf32, #tpu.memory_space<vmem>>[vector<16xi32>], vector<16xf32>,
          %add3A_1974 = vector.broadcast %add3A_1931 : i32 to vector<16xi32>
          %add3A_1975 = arith.addi %add3A_1028, %add3A_1974 : vector<16xi32>
          %gather3A_1976 = tpu.vector_load_idx %arg10[%add3A_1975] : memref<40960xf32, #tpu.memory_space<vmem>>[vector<16xi32>], vector<16xf32>,
          %add3A_1977 = vector.broadcast %add3A_1935 : i32 to vector<16xi32>
          %add3A_1978 = arith.addi %add3A_1260, %add3A_1977 : vector<16xi32>
          tpu.vector_store_idx %arg12[%add3A_1978], %gather3A : memref<4096xf32, #tpu.memory_space<vmem>>[vector<16xi32>], vector<16xf32>,
          %add3A_1979 = vector.broadcast %add3A_1931 : i32 to vector<16xi32>
          %add3A_1980 = arith.addi %add3A_1057, %add3A_1979 : vector<16xi32>
          %gather3A_1981 = tpu.vector_load_idx %arg10[%add3A_1980] : memref<40960xf32, #tpu.memory_space<vmem>>[vector<16xi32>], vector<16xf32>,
          %add3A_1982 = vector.broadcast %add3A_1935 : i32 to vector<16xi32>
          %add3A_1983 = arith.addi %add3A_1289, %add3A_1982 : vector<16xi32>
          tpu.vector_store_idx %arg12[%add3A_1983], %gather3A_1955 : memref<4096xf32, #tpu.memory_space<vmem>>[vector<16xi32>], vector<16xf32>,
          %add3A_1984 = vector.broadcast %add3A_1931 : i32 to vector<16xi32>
          %add3A_1985 = arith.addi %add3A_1086, %add3A_1984 : vector<16xi32>
          %gather3A_1986 = tpu.vector_load_idx %arg10[%add3A_1985] : memref<40960xf32, #tpu.memory_space<vmem>>[vector<16xi32>], vector<16xf32>,
          %add3A_1987 = vector.broadcast %add3A_1935 : i32 to vector<16xi32>
          %add3A_1988 = arith.addi %add3A_1318, %add3A_1987 : vector<16xi32>
          tpu.vector_store_idx %arg12[%add3A_1988], %gather3A_1958 : memref<4096xf32, #tpu.memory_space<vmem>>[vector<16xi32>], vector<16xf32>,
          %add3A_1989 = vector.broadcast %add3A_1931 : i32 to vector<16xi32>
          %add3A_1990 = arith.addi %add3A_1115, %add3A_1989 : vector<16xi32>
          %gather3A_1991 = tpu.vector_load_idx %arg10[%add3A_1990] : memref<40960xf32, #tpu.memory_space<vmem>>[vector<16xi32>], vector<16xf32>,
          %add3A_1992 = vector.broadcast %add3A_1935 : i32 to vector<16xi32>
          %add3A_1993 = arith.addi %add3A_1347, %add3A_1992 : vector<16xi32>
          tpu.vector_store_idx %arg12[%add3A_1993], %gather3A_1961 : memref<4096xf32, #tpu.memory_space<vmem>>[vector<16xi32>], vector<16xf32>,
          %add3A_1994 = vector.broadcast %add3A_1931 : i32 to vector<16xi32>
          %add3A_1995 = arith.addi %add3A_1144, %add3A_1994 : vector<16xi32>
          %gather3A_1996 = tpu.vector_load_idx %arg10[%add3A_1995] : memref<40960xf32, #tpu.memory_space<vmem>>[vector<16xi32>], vector<16xf32>,
          %add3A_1997 = vector.broadcast %add3A_1935 : i32 to vector<16xi32>
          %add3A_1998 = arith.addi %add3A_1376, %add3A_1997 : vector<16xi32>
          tpu.vector_store_idx %arg12[%add3A_1998], %gather3A_1964 : memref<4096xf32, #tpu.memory_space<vmem>>[vector<16xi32>], vector<16xf32>,
          %add3A_1999 = vector.broadcast %add3A_1931 : i32 to vector<16xi32>
          %add3A_2000 = arith.addi %add3A_1173, %add3A_1999 : vector<16xi32>
          %gather3A_2001 = tpu.vector_load_idx %arg10[%add3A_2000] : memref<40960xf32, #tpu.memory_space<vmem>>[vector<16xi32>], vector<16xf32>,
          %add3A_2002 = vector.broadcast %add3A_1935 : i32 to vector<16xi32>
          %add3A_2003 = arith.addi %add3A_1405, %add3A_2002 : vector<16xi32>
          tpu.vector_store_idx %arg12[%add3A_2003], %gather3A_1967 : memref<4096xf32, #tpu.memory_space<vmem>>[vector<16xi32>], vector<16xf32>,
          %add3A_2004 = vector.broadcast %add3A_1931 : i32 to vector<16xi32>
          %add3A_2005 = arith.addi %add3A_1202, %add3A_2004 : vector<16xi32>
          %gather3A_2006 = tpu.vector_load_idx %arg10[%add3A_2005] : memref<40960xf32, #tpu.memory_space<vmem>>[vector<16xi32>], vector<16xf32>,
          %add3A_2007 = vector.broadcast %add3A_1935 : i32 to vector<16xi32>
          %add3A_2008 = arith.addi %add3A_1434, %add3A_2007 : vector<16xi32>
          tpu.vector_store_idx %arg12[%add3A_2008], %gather3A_1970 : memref<4096xf32, #tpu.memory_space<vmem>>[vector<16xi32>], vector<16xf32>,
          %add3A_2009 = vector.broadcast %add3A_1931 : i32 to vector<16xi32>
          %add3A_2010 = arith.addi %add3A_1231, %add3A_2009 : vector<16xi32>
          %gather3A_2011 = tpu.vector_load_idx %arg10[%add3A_2010] : memref<40960xf32, #tpu.memory_space<vmem>>[vector<16xi32>], vector<16xf32>,
          %add3A_2012 = vector.broadcast %add3A_1935 : i32 to vector<16xi32>
          %add3A_2013 = arith.addi %add3A_1463, %add3A_2012 : vector<16xi32>
          tpu.vector_store_idx %arg12[%add3A_2013], %gather3A_1973 : memref<4096xf32, #tpu.memory_space<vmem>>[vector<16xi32>], vector<16xf32>,
          %add3A_2014 = vector.broadcast %add3A_1946 : i32 to vector<16xi32>
          %add3A_2015 = arith.addi %add3A_796, %add3A_2014 : vector<16xi32>
          %gather3A_2016 = tpu.vector_load_idx %arg10[%add3A_2015] : memref<40960xf32, #tpu.memory_space<vmem>>[vector<16xi32>], vector<16xf32>,
          %add3A_2017 = vector.broadcast %add3A_1935 : i32 to vector<16xi32>
          %add3A_2018 = arith.addi %add3A_1492, %add3A_2017 : vector<16xi32>
          tpu.vector_store_idx %arg12[%add3A_2018], %gather3A_1976 : memref<4096xf32, #tpu.memory_space<vmem>>[vector<16xi32>], vector<16xf32>,
          %add3A_2019 = vector.broadcast %add3A_1946 : i32 to vector<16xi32>
          %add3A_2020 = arith.addi %add3A_825, %add3A_2019 : vector<16xi32>
          %gather3A_2021 = tpu.vector_load_idx %arg10[%add3A_2020] : memref<40960xf32, #tpu.memory_space<vmem>>[vector<16xi32>], vector<16xf32>,
          %add3A_2022 = vector.broadcast %add3A_1935 : i32 to vector<16xi32>
          %add3A_2023 = arith.addi %add3A_1521, %add3A_2022 : vector<16xi32>
          tpu.vector_store_idx %arg12[%add3A_2023], %gather3A_1981 : memref<4096xf32, #tpu.memory_space<vmem>>[vector<16xi32>], vector<16xf32>,
          %add3A_2024 = vector.broadcast %add3A_1946 : i32 to vector<16xi32>
          %add3A_2025 = arith.addi %add3A_854, %add3A_2024 : vector<16xi32>
          %gather3A_2026 = tpu.vector_load_idx %arg10[%add3A_2025] : memref<40960xf32, #tpu.memory_space<vmem>>[vector<16xi32>], vector<16xf32>,
          %add3A_2027 = vector.broadcast %add3A_1935 : i32 to vector<16xi32>
          %add3A_2028 = arith.addi %add3A_1550, %add3A_2027 : vector<16xi32>
          tpu.vector_store_idx %arg12[%add3A_2028], %gather3A_1986 : memref<4096xf32, #tpu.memory_space<vmem>>[vector<16xi32>], vector<16xf32>,
          %add3A_2029 = vector.broadcast %add3A_1946 : i32 to vector<16xi32>
          %add3A_2030 = arith.addi %add3A_883, %add3A_2029 : vector<16xi32>
          %gather3A_2031 = tpu.vector_load_idx %arg10[%add3A_2030] : memref<40960xf32, #tpu.memory_space<vmem>>[vector<16xi32>], vector<16xf32>,
          %add3A_2032 = vector.broadcast %add3A_1935 : i32 to vector<16xi32>
          %add3A_2033 = arith.addi %add3A_1579, %add3A_2032 : vector<16xi32>
          tpu.vector_store_idx %arg12[%add3A_2033], %gather3A_1991 : memref<4096xf32, #tpu.memory_space<vmem>>[vector<16xi32>], vector<16xf32>,
          %add3A_2034 = vector.broadcast %add3A_1946 : i32 to vector<16xi32>
          %add3A_2035 = arith.addi %add3A_912, %add3A_2034 : vector<16xi32>
          %gather3A_2036 = tpu.vector_load_idx %arg10[%add3A_2035] : memref<40960xf32, #tpu.memory_space<vmem>>[vector<16xi32>], vector<16xf32>,
          %add3A_2037 = vector.broadcast %add3A_1935 : i32 to vector<16xi32>
          %add3A_2038 = arith.addi %add3A_1608, %add3A_2037 : vector<16xi32>
          tpu.vector_store_idx %arg12[%add3A_2038], %gather3A_1996 : memref<4096xf32, #tpu.memory_space<vmem>>[vector<16xi32>], vector<16xf32>,
          %add3A_2039 = vector.broadcast %add3A_1946 : i32 to vector<16xi32>
          %add3A_2040 = arith.addi %add3A_941, %add3A_2039 : vector<16xi32>
          %gather3A_2041 = tpu.vector_load_idx %arg10[%add3A_2040] : memref<40960xf32, #tpu.memory_space<vmem>>[vector<16xi32>], vector<16xf32>,
          %add3A_2042 = vector.broadcast %add3A_1935 : i32 to vector<16xi32>
          %add3A_2043 = arith.addi %add3A_1637, %add3A_2042 : vector<16xi32>
          tpu.vector_store_idx %arg12[%add3A_2043], %gather3A_2001 : memref<4096xf32, #tpu.memory_space<vmem>>[vector<16xi32>], vector<16xf32>,
          %add3A_2044 = vector.broadcast %add3A_1946 : i32 to vector<16xi32>
          %add3A_2045 = arith.addi %add3A_970, %add3A_2044 : vector<16xi32>
          %gather3A_2046 = tpu.vector_load_idx %arg10[%add3A_2045] : memref<40960xf32, #tpu.memory_space<vmem>>[vector<16xi32>], vector<16xf32>,
          %add3A_2047 = vector.broadcast %add3A_1935 : i32 to vector<16xi32>
          %add3A_2048 = arith.addi %add3A_1666, %add3A_2047 : vector<16xi32>
          tpu.vector_store_idx %arg12[%add3A_2048], %gather3A_2006 : memref<4096xf32, #tpu.memory_space<vmem>>[vector<16xi32>], vector<16xf32>,
          %add3A_2049 = vector.broadcast %add3A_1946 : i32 to vector<16xi32>
          %add3A_2050 = arith.addi %add3A_999, %add3A_2049 : vector<16xi32>
          %gather3A_2051 = tpu.vector_load_idx %arg10[%add3A_2050] : memref<40960xf32, #tpu.memory_space<vmem>>[vector<16xi32>], vector<16xf32>,
          %add3A_2052 = vector.broadcast %add3A_1935 : i32 to vector<16xi32>
          %add3A_2053 = arith.addi %add3A_1695, %add3A_2052 : vector<16xi32>
          tpu.vector_store_idx %arg12[%add3A_2053], %gather3A_2011 : memref<4096xf32, #tpu.memory_space<vmem>>[vector<16xi32>], vector<16xf32>,
          %add3A_2054 = vector.broadcast %add3A_1946 : i32 to vector<16xi32>
          %add3A_2055 = arith.addi %add3A_1028, %add3A_2054 : vector<16xi32>
          %gather3A_2056 = tpu.vector_load_idx %arg10[%add3A_2055] : memref<40960xf32, #tpu.memory_space<vmem>>[vector<16xi32>], vector<16xf32>,
          %add3A_2057 = vector.broadcast %add3A_1950 : i32 to vector<16xi32>
          %add3A_2058 = arith.addi %add3A_1260, %add3A_2057 : vector<16xi32>
          tpu.vector_store_idx %arg12[%add3A_2058], %gather3A_2016 : memref<4096xf32, #tpu.memory_space<vmem>>[vector<16xi32>], vector<16xf32>,
          %add3A_2059 = vector.broadcast %add3A_1946 : i32 to vector<16xi32>
          %add3A_2060 = arith.addi %add3A_1057, %add3A_2059 : vector<16xi32>
          %gather3A_2061 = tpu.vector_load_idx %arg10[%add3A_2060] : memref<40960xf32, #tpu.memory_space<vmem>>[vector<16xi32>], vector<16xf32>,
          %add3A_2062 = vector.broadcast %add3A_1950 : i32 to vector<16xi32>
          %add3A_2063 = arith.addi %add3A_1289, %add3A_2062 : vector<16xi32>
          tpu.vector_store_idx %arg12[%add3A_2063], %gather3A_2021 : memref<4096xf32, #tpu.memory_space<vmem>>[vector<16xi32>], vector<16xf32>,
          %add3A_2064 = vector.broadcast %add3A_1946 : i32 to vector<16xi32>
          %add3A_2065 = arith.addi %add3A_1086, %add3A_2064 : vector<16xi32>
          %gather3A_2066 = tpu.vector_load_idx %arg10[%add3A_2065] : memref<40960xf32, #tpu.memory_space<vmem>>[vector<16xi32>], vector<16xf32>,
          %add3A_2067 = vector.broadcast %add3A_1950 : i32 to vector<16xi32>
          %add3A_2068 = arith.addi %add3A_1318, %add3A_2067 : vector<16xi32>
          tpu.vector_store_idx %arg12[%add3A_2068], %gather3A_2026 : memref<4096xf32, #tpu.memory_space<vmem>>[vector<16xi32>], vector<16xf32>,
          %add3A_2069 = vector.broadcast %add3A_1946 : i32 to vector<16xi32>
          %add3A_2070 = arith.addi %add3A_1115, %add3A_2069 : vector<16xi32>
          %gather3A_2071 = tpu.vector_load_idx %arg10[%add3A_2070] : memref<40960xf32, #tpu.memory_space<vmem>>[vector<16xi32>], vector<16xf32>,
          %add3A_2072 = vector.broadcast %add3A_1950 : i32 to vector<16xi32>
          %add3A_2073 = arith.addi %add3A_1347, %add3A_2072 : vector<16xi32>
          tpu.vector_store_idx %arg12[%add3A_2073], %gather3A_2031 : memref<4096xf32, #tpu.memory_space<vmem>>[vector<16xi32>], vector<16xf32>,
          %add3A_2074 = vector.broadcast %add3A_1946 : i32 to vector<16xi32>
          %add3A_2075 = arith.addi %add3A_1144, %add3A_2074 : vector<16xi32>
          %gather3A_2076 = tpu.vector_load_idx %arg10[%add3A_2075] : memref<40960xf32, #tpu.memory_space<vmem>>[vector<16xi32>], vector<16xf32>,
          %add3A_2077 = vector.broadcast %add3A_1950 : i32 to vector<16xi32>
          %add3A_2078 = arith.addi %add3A_1376, %add3A_2077 : vector<16xi32>
          tpu.vector_store_idx %arg12[%add3A_2078], %gather3A_2036 : memref<4096xf32, #tpu.memory_space<vmem>>[vector<16xi32>], vector<16xf32>,
          %add3A_2079 = vector.broadcast %add3A_1946 : i32 to vector<16xi32>
          %add3A_2080 = arith.addi %add3A_1173, %add3A_2079 : vector<16xi32>
          %gather3A_2081 = tpu.vector_load_idx %arg10[%add3A_2080] : memref<40960xf32, #tpu.memory_space<vmem>>[vector<16xi32>], vector<16xf32>,
          %add3A_2082 = vector.broadcast %add3A_1950 : i32 to vector<16xi32>
          %add3A_2083 = arith.addi %add3A_1405, %add3A_2082 : vector<16xi32>
          tpu.vector_store_idx %arg12[%add3A_2083], %gather3A_2041 : memref<4096xf32, #tpu.memory_space<vmem>>[vector<16xi32>], vector<16xf32>,
          %add3A_2084 = vector.broadcast %add3A_1946 : i32 to vector<16xi32>
          %add3A_2085 = arith.addi %add3A_1202, %add3A_2084 : vector<16xi32>
          %gather3A_2086 = tpu.vector_load_idx %arg10[%add3A_2085] : memref<40960xf32, #tpu.memory_space<vmem>>[vector<16xi32>], vector<16xf32>,
          %add3A_2087 = vector.broadcast %add3A_1950 : i32 to vector<16xi32>
          %add3A_2088 = arith.addi %add3A_1434, %add3A_2087 : vector<16xi32>
          tpu.vector_store_idx %arg12[%add3A_2088], %gather3A_2046 : memref<4096xf32, #tpu.memory_space<vmem>>[vector<16xi32>], vector<16xf32>,
          %add3A_2089 = vector.broadcast %add3A_1946 : i32 to vector<16xi32>
          %add3A_2090 = arith.addi %add3A_1231, %add3A_2089 : vector<16xi32>
          %gather3A_2091 = tpu.vector_load_idx %arg10[%add3A_2090] : memref<40960xf32, #tpu.memory_space<vmem>>[vector<16xi32>], vector<16xf32>,
          %add3A_2092 = vector.broadcast %add3A_1950 : i32 to vector<16xi32>
          %add3A_2093 = arith.addi %add3A_1463, %add3A_2092 : vector<16xi32>
          tpu.vector_store_idx %arg12[%add3A_2093], %gather3A_2051 : memref<4096xf32, #tpu.memory_space<vmem>>[vector<16xi32>], vector<16xf32>,
          %add3A_2094 = vector.broadcast %add3A_1950 : i32 to vector<16xi32>
          %add3A_2095 = arith.addi %add3A_1492, %add3A_2094 : vector<16xi32>
          tpu.vector_store_idx %arg12[%add3A_2095], %gather3A_2056 : memref<4096xf32, #tpu.memory_space<vmem>>[vector<16xi32>], vector<16xf32>,
          %add3A_2096 = vector.broadcast %add3A_1950 : i32 to vector<16xi32>
          %add3A_2097 = arith.addi %add3A_1521, %add3A_2096 : vector<16xi32>
          tpu.vector_store_idx %arg12[%add3A_2097], %gather3A_2061 : memref<4096xf32, #tpu.memory_space<vmem>>[vector<16xi32>], vector<16xf32>,
          %add3A_2098 = vector.broadcast %add3A_1950 : i32 to vector<16xi32>
          %add3A_2099 = arith.addi %add3A_1550, %add3A_2098 : vector<16xi32>
          tpu.vector_store_idx %arg12[%add3A_2099], %gather3A_2066 : memref<4096xf32, #tpu.memory_space<vmem>>[vector<16xi32>], vector<16xf32>,
          %add3A_2100 = vector.broadcast %add3A_1950 : i32 to vector<16xi32>
          %add3A_2101 = arith.addi %add3A_1579, %add3A_2100 : vector<16xi32>
          tpu.vector_store_idx %arg12[%add3A_2101], %gather3A_2071 : memref<4096xf32, #tpu.memory_space<vmem>>[vector<16xi32>], vector<16xf32>,
          %add3A_2102 = vector.broadcast %add3A_1950 : i32 to vector<16xi32>
          %add3A_2103 = arith.addi %add3A_1608, %add3A_2102 : vector<16xi32>
          tpu.vector_store_idx %arg12[%add3A_2103], %gather3A_2076 : memref<4096xf32, #tpu.memory_space<vmem>>[vector<16xi32>], vector<16xf32>,
          %add3A_2104 = vector.broadcast %add3A_1950 : i32 to vector<16xi32>
          %add3A_2105 = arith.addi %add3A_1637, %add3A_2104 : vector<16xi32>
          tpu.vector_store_idx %arg12[%add3A_2105], %gather3A_2081 : memref<4096xf32, #tpu.memory_space<vmem>>[vector<16xi32>], vector<16xf32>,
          %add3A_2106 = vector.broadcast %add3A_1950 : i32 to vector<16xi32>
          %add3A_2107 = arith.addi %add3A_1666, %add3A_2106 : vector<16xi32>
          tpu.vector_store_idx %arg12[%add3A_2107], %gather3A_2086 : memref<4096xf32, #tpu.memory_space<vmem>>[vector<16xi32>], vector<16xf32>,
          %add3A_2108 = vector.broadcast %add3A_1950 : i32 to vector<16xi32>
          %add3A_2109 = arith.addi %add3A_1695, %add3A_2108 : vector<16xi32>
          tpu.vector_store_idx %arg12[%add3A_2109], %gather3A_2091 : memref<4096xf32, #tpu.memory_space<vmem>>[vector<16xi32>], vector<16xf32>,
        }
        %scan3A_1792 = arith.constant 8 : i32
        %mul3A_1793 = arith.constant 10 : i32
        %mul3A_1794 = arith.muli %add3A_1733, %mul3A_1793 : i32
        %add3A_1795 = arith.addi %mul3A_1794, %add3A_1786 : i32
        %add3A_1796 = arith.constant 0 : i32
        %add3A_1797 = arith.addi %add3A_1796, %add3A : i32
        %mul3A_1798 = arith.constant 8 : i32
        %mul3A_1799 = arith.muli %add3A_1797, %mul3A_1798 : i32
        %mul3A_1800 = arith.constant 128 : i32
        %mul3A_1801 = arith.muli %mul3A_1799, %mul3A_1800 : i32
        %dma_start3A = arith.constant 0 : i32
        %dma_start3A_1802 = tpu.memref_slice %arg12[%dma_start3A] : memref<4096xf32, #tpu.memory_space<vmem>> -> memref<1024xf32, #tpu.memory_space<vmem>>
        %dma_start3A_1803 = tpu.memref_slice %arg5[%add3A_1795, %mul3A_1801] : memref<200x131072xf32, #tpu.memory_space<hbm>> -> memref<1x1024xf32, #tpu.memory_space<hbm>>
        %dma_start3A_1804 = tpu.memref_squeeze %dma_start3A_1803 : memref<1x1024xf32, #tpu.memory_space<hbm>> -> memref<1024xf32, #tpu.memory_space<hbm>>
        %dma_start3A_1805 = tpu.memref_slice %arg5[%add3A_1795, %mul3A_1801] : memref<200x131072xf32, #tpu.memory_space<hbm>> -> memref<1x1024xf32, #tpu.memory_space<hbm>>
        %dma_start3A_1806 = tpu.memref_squeeze %dma_start3A_1805 : memref<1x1024xf32, #tpu.memory_space<hbm>> -> memref<1024xf32, #tpu.memory_space<hbm>>
        %dma_start3A_1807 = arith.constant 0 : i32
        %dma_start3A_1808 = tpu.memref_slice %arg12[%dma_start3A_1807] : memref<4096xf32, #tpu.memory_space<vmem>> -> memref<1024xf32, #tpu.memory_space<vmem>>
        tpu.enqueue_dma source(%dma_start3A_1808 : memref<1024xf32, #tpu.memory_space<vmem>>) target(%dma_start3A_1806 : memref<1024xf32, #tpu.memory_space<hbm>>) target_semaphore(%arg16 : memref<!tpu.dma_semaphore, #tpu.memory_space<semaphore_mem>>)
        %add3A_1809 = arith.constant 32 : i32
        %add3A_1810 = arith.addi %add3A_1809, %add3A : i32
        %mul3A_1811 = arith.constant 8 : i32
        %mul3A_1812 = arith.muli %add3A_1810, %mul3A_1811 : i32
        %mul3A_1813 = arith.constant 128 : i32
        %mul3A_1814 = arith.muli %mul3A_1812, %mul3A_1813 : i32
        %dma_start3A_1815 = arith.constant 1024 : i32
        %dma_start3A_1816 = tpu.memref_slice %arg12[%dma_start3A_1815] : memref<4096xf32, #tpu.memory_space<vmem>> -> memref<1024xf32, #tpu.memory_space<vmem>>
        %dma_start3A_1817 = tpu.memref_slice %arg5[%add3A_1795, %mul3A_1814] : memref<200x131072xf32, #tpu.memory_space<hbm>> -> memref<1x1024xf32, #tpu.memory_space<hbm>>
        %dma_start3A_1818 = tpu.memref_squeeze %dma_start3A_1817 : memref<1x1024xf32, #tpu.memory_space<hbm>> -> memref<1024xf32, #tpu.memory_space<hbm>>
        %dma_start3A_1819 = tpu.memref_slice %arg5[%add3A_1795, %mul3A_1814] : memref<200x131072xf32, #tpu.memory_space<hbm>> -> memref<1x1024xf32, #tpu.memory_space<hbm>>
        %dma_start3A_1820 = tpu.memref_squeeze %dma_start3A_1819 : memref<1x1024xf32, #tpu.memory_space<hbm>> -> memref<1024xf32, #tpu.memory_space<hbm>>
        %dma_start3A_1821 = arith.constant 1024 : i32
        %dma_start3A_1822 = tpu.memref_slice %arg12[%dma_start3A_1821] : memref<4096xf32, #tpu.memory_space<vmem>> -> memref<1024xf32, #tpu.memory_space<vmem>>
        tpu.enqueue_dma source(%dma_start3A_1822 : memref<1024xf32, #tpu.memory_space<vmem>>) target(%dma_start3A_1820 : memref<1024xf32, #tpu.memory_space<hbm>>) target_semaphore(%arg16 : memref<!tpu.dma_semaphore, #tpu.memory_space<semaphore_mem>>)
        %add3A_1823 = arith.constant 64 : i32
        %add3A_1824 = arith.addi %add3A_1823, %add3A : i32
        %mul3A_1825 = arith.constant 8 : i32
        %mul3A_1826 = arith.muli %add3A_1824, %mul3A_1825 : i32
        %mul3A_1827 = arith.constant 128 : i32
        %mul3A_1828 = arith.muli %mul3A_1826, %mul3A_1827 : i32
        %dma_start3A_1829 = arith.constant 2048 : i32
        %dma_start3A_1830 = tpu.memref_slice %arg12[%dma_start3A_1829] : memref<4096xf32, #tpu.memory_space<vmem>> -> memref<1024xf32, #tpu.memory_space<vmem>>
        %dma_start3A_1831 = tpu.memref_slice %arg5[%add3A_1795, %mul3A_1828] : memref<200x131072xf32, #tpu.memory_space<hbm>> -> memref<1x1024xf32, #tpu.memory_space<hbm>>
        %dma_start3A_1832 = tpu.memref_squeeze %dma_start3A_1831 : memref<1x1024xf32, #tpu.memory_space<hbm>> -> memref<1024xf32, #tpu.memory_space<hbm>>
        %dma_start3A_1833 = tpu.memref_slice %arg5[%add3A_1795, %mul3A_1828] : memref<200x131072xf32, #tpu.memory_space<hbm>> -> memref<1x1024xf32, #tpu.memory_space<hbm>>
        %dma_start3A_1834 = tpu.memref_squeeze %dma_start3A_1833 : memref<1x1024xf32, #tpu.memory_space<hbm>> -> memref<1024xf32, #tpu.memory_space<hbm>>
        %dma_start3A_1835 = arith.constant 2048 : i32
        %dma_start3A_1836 = tpu.memref_slice %arg12[%dma_start3A_1835] : memref<4096xf32, #tpu.memory_space<vmem>> -> memref<1024xf32, #tpu.memory_space<vmem>>
        tpu.enqueue_dma source(%dma_start3A_1836 : memref<1024xf32, #tpu.memory_space<vmem>>) target(%dma_start3A_1834 : memref<1024xf32, #tpu.memory_space<hbm>>) target_semaphore(%arg16 : memref<!tpu.dma_semaphore, #tpu.memory_space<semaphore_mem>>)
        %add3A_1837 = arith.constant 96 : i32
        %add3A_1838 = arith.addi %add3A_1837, %add3A : i32
        %mul3A_1839 = arith.constant 8 : i32
        %mul3A_1840 = arith.muli %add3A_1838, %mul3A_1839 : i32
        %mul3A_1841 = arith.constant 128 : i32
        %mul3A_1842 = arith.muli %mul3A_1840, %mul3A_1841 : i32
        %dma_start3A_1843 = arith.constant 3072 : i32
        %dma_start3A_1844 = tpu.memref_slice %arg12[%dma_start3A_1843] : memref<4096xf32, #tpu.memory_space<vmem>> -> memref<1024xf32, #tpu.memory_space<vmem>>
        %dma_start3A_1845 = tpu.memref_slice %arg5[%add3A_1795, %mul3A_1842] : memref<200x131072xf32, #tpu.memory_space<hbm>> -> memref<1x1024xf32, #tpu.memory_space<hbm>>
        %dma_start3A_1846 = tpu.memref_squeeze %dma_start3A_1845 : memref<1x1024xf32, #tpu.memory_space<hbm>> -> memref<1024xf32, #tpu.memory_space<hbm>>
        %dma_start3A_1847 = tpu.memref_slice %arg5[%add3A_1795, %mul3A_1842] : memref<200x131072xf32, #tpu.memory_space<hbm>> -> memref<1x1024xf32, #tpu.memory_space<hbm>>
        %dma_start3A_1848 = tpu.memref_squeeze %dma_start3A_1847 : memref<1x1024xf32, #tpu.memory_space<hbm>> -> memref<1024xf32, #tpu.memory_space<hbm>>
        %dma_start3A_1849 = arith.constant 3072 : i32
        %dma_start3A_1850 = tpu.memref_slice %arg12[%dma_start3A_1849] : memref<4096xf32, #tpu.memory_space<vmem>> -> memref<1024xf32, #tpu.memory_space<vmem>>
        tpu.enqueue_dma source(%dma_start3A_1850 : memref<1024xf32, #tpu.memory_space<vmem>>) target(%dma_start3A_1848 : memref<1024xf32, #tpu.memory_space<hbm>>) target_semaphore(%arg16 : memref<!tpu.dma_semaphore, #tpu.memory_space<semaphore_mem>>)
        %mul3A_1851 = arith.constant 2 : i32
        %mul3A_1852 = arith.muli %mul3A_1851, %scan3A_1782 : i32
        %add3A_1853 = arith.constant 1 : i32
        %add3A_1854 = arith.addi %mul3A_1852, %add3A_1853 : i32
        tpu.wait_dma2 semaphore(%arg17 : memref<!tpu.dma_semaphore, #tpu.memory_space<semaphore_mem>>) src(%arg6 : memref<4096xf32, #tpu.memory_space<hbm>>) dst(%arg13 : memref<4096xf32, #tpu.memory_space<vmem>>)
        %scan3A_1855 = arith.constant 0 : i32
        %scan3A_1856 = arith.constant 0 : i32
        %scan3A_1857 = arith.constant 8 : i32
        %scan3A_1858 = arith.addi %scan3A_1856, %scan3A_1857 : i32
        %scan3A_1859 = arith.constant 1 : i32
        scf.for %scan3A_1920 = %scan3A_1856 to %scan3A_1858 step %scan3A_1859  : i32 {
          %mul3A_1921 = arith.constant 16 : i32
          %mul3A_1922 = arith.muli %scan3A_1920, %mul3A_1921 : i32
          %mul3A_1923 = arith.constant 10 : i32
          %mul3A_1924 = arith.muli %mul3A_1922, %mul3A_1923 : i32
          %mul3A_1925 = arith.constant 32 : i32
          %mul3A_1926 = arith.muli %mul3A_1924, %mul3A_1925 : i32
          %mul3A_1927 = arith.constant 32 : i32
          %mul3A_1928 = arith.muli %add3A_1854, %mul3A_1927 : i32
          %add3A_1929 = arith.addi %mul3A_1926, %mul3A_1928 : i32
          %add3A_1930 = arith.constant 0 : i32
          %add3A_1931 = arith.addi %add3A_1929, %add3A_1930 : i32
          %mul3A_1932 = arith.constant 16 : i32
          %mul3A_1933 = arith.muli %scan3A_1920, %mul3A_1932 : i32
          %add3A_1934 = arith.constant 0 : i32
          %add3A_1935 = arith.addi %add3A_1934, %mul3A_1933 : i32
          %mul3A_1936 = arith.constant 16 : i32
          %mul3A_1937 = arith.muli %scan3A_1920, %mul3A_1936 : i32
          %mul3A_1938 = arith.constant 10 : i32
          %mul3A_1939 = arith.muli %mul3A_1937, %mul3A_1938 : i32
          %mul3A_1940 = arith.constant 32 : i32
          %mul3A_1941 = arith.muli %mul3A_1939, %mul3A_1940 : i32
          %mul3A_1942 = arith.constant 32 : i32
          %mul3A_1943 = arith.muli %add3A_1854, %mul3A_1942 : i32
          %add3A_1944 = arith.addi %mul3A_1941, %mul3A_1943 : i32
          %add3A_1945 = arith.constant 16 : i32
          %add3A_1946 = arith.addi %add3A_1944, %add3A_1945 : i32
          %mul3A_1947 = arith.constant 16 : i32
          %mul3A_1948 = arith.muli %scan3A_1920, %mul3A_1947 : i32
          %add3A_1949 = arith.constant 2048 : i32
          %add3A_1950 = arith.addi %add3A_1949, %mul3A_1948 : i32
          %add3A_1951 = vector.broadcast %add3A_1931 : i32 to vector<16xi32>
          %add3A_1952 = arith.addi %add3A_796, %add3A_1951 : vector<16xi32>
          %gather3A = tpu.vector_load_idx %arg10[%add3A_1952] : memref<40960xf32, #tpu.memory_space<vmem>>[vector<16xi32>], vector<16xf32>,
          %add3A_1953 = vector.broadcast %add3A_1931 : i32 to vector<16xi32>
          %add3A_1954 = arith.addi %add3A_825, %add3A_1953 : vector<16xi32>
          %gather3A_1955 = tpu.vector_load_idx %arg10[%add3A_1954] : memref<40960xf32, #tpu.memory_space<vmem>>[vector<16xi32>], vector<16xf32>,
          %add3A_1956 = vector.broadcast %add3A_1931 : i32 to vector<16xi32>
          %add3A_1957 = arith.addi %add3A_854, %add3A_1956 : vector<16xi32>
          %gather3A_1958 = tpu.vector_load_idx %arg10[%add3A_1957] : memref<40960xf32, #tpu.memory_space<vmem>>[vector<16xi32>], vector<16xf32>,
          %add3A_1959 = vector.broadcast %add3A_1931 : i32 to vector<16xi32>
          %add3A_1960 = arith.addi %add3A_883, %add3A_1959 : vector<16xi32>
          %gather3A_1961 = tpu.vector_load_idx %arg10[%add3A_1960] : memref<40960xf32, #tpu.memory_space<vmem>>[vector<16xi32>], vector<16xf32>,
          %add3A_1962 = vector.broadcast %add3A_1931 : i32 to vector<16xi32>
          %add3A_1963 = arith.addi %add3A_912, %add3A_1962 : vector<16xi32>
          %gather3A_1964 = tpu.vector_load_idx %arg10[%add3A_1963] : memref<40960xf32, #tpu.memory_space<vmem>>[vector<16xi32>], vector<16xf32>,
          %add3A_1965 = vector.broadcast %add3A_1931 : i32 to vector<16xi32>
          %add3A_1966 = arith.addi %add3A_941, %add3A_1965 : vector<16xi32>
          %gather3A_1967 = tpu.vector_load_idx %arg10[%add3A_1966] : memref<40960xf32, #tpu.memory_space<vmem>>[vector<16xi32>], vector<16xf32>,
          %add3A_1968 = vector.broadcast %add3A_1931 : i32 to vector<16xi32>
          %add3A_1969 = arith.addi %add3A_970, %add3A_1968 : vector<16xi32>
          %gather3A_1970 = tpu.vector_load_idx %arg10[%add3A_1969] : memref<40960xf32, #tpu.memory_space<vmem>>[vector<16xi32>], vector<16xf32>,
          %add3A_1971 = vector.broadcast %add3A_1931 : i32 to vector<16xi32>
          %add3A_1972 = arith.addi %add3A_999, %add3A_1971 : vector<16xi32>
          %gather3A_1973 = tpu.vector_load_idx %arg10[%add3A_1972] : memref<40960xf32, #tpu.memory_space<vmem>>[vector<16xi32>], vector<16xf32>,
          %add3A_1974 = vector.broadcast %add3A_1931 : i32 to vector<16xi32>
          %add3A_1975 = arith.addi %add3A_1028, %add3A_1974 : vector<16xi32>
          %gather3A_1976 = tpu.vector_load_idx %arg10[%add3A_1975] : memref<40960xf32, #tpu.memory_space<vmem>>[vector<16xi32>], vector<16xf32>,
          %add3A_1977 = vector.broadcast %add3A_1935 : i32 to vector<16xi32>
          %add3A_1978 = arith.addi %add3A_1260, %add3A_1977 : vector<16xi32>
          tpu.vector_store_idx %arg13[%add3A_1978], %gather3A : memref<4096xf32, #tpu.memory_space<vmem>>[vector<16xi32>], vector<16xf32>,
          %add3A_1979 = vector.broadcast %add3A_1931 : i32 to vector<16xi32>
          %add3A_1980 = arith.addi %add3A_1057, %add3A_1979 : vector<16xi32>
          %gather3A_1981 = tpu.vector_load_idx %arg10[%add3A_1980] : memref<40960xf32, #tpu.memory_space<vmem>>[vector<16xi32>], vector<16xf32>,
          %add3A_1982 = vector.broadcast %add3A_1935 : i32 to vector<16xi32>
          %add3A_1983 = arith.addi %add3A_1289, %add3A_1982 : vector<16xi32>
          tpu.vector_store_idx %arg13[%add3A_1983], %gather3A_1955 : memref<4096xf32, #tpu.memory_space<vmem>>[vector<16xi32>], vector<16xf32>,
          %add3A_1984 = vector.broadcast %add3A_1931 : i32 to vector<16xi32>
          %add3A_1985 = arith.addi %add3A_1086, %add3A_1984 : vector<16xi32>
          %gather3A_1986 = tpu.vector_load_idx %arg10[%add3A_1985] : memref<40960xf32, #tpu.memory_space<vmem>>[vector<16xi32>], vector<16xf32>,
          %add3A_1987 = vector.broadcast %add3A_1935 : i32 to vector<16xi32>
          %add3A_1988 = arith.addi %add3A_1318, %add3A_1987 : vector<16xi32>
          tpu.vector_store_idx %arg13[%add3A_1988], %gather3A_1958 : memref<4096xf32, #tpu.memory_space<vmem>>[vector<16xi32>], vector<16xf32>,
          %add3A_1989 = vector.broadcast %add3A_1931 : i32 to vector<16xi32>
          %add3A_1990 = arith.addi %add3A_1115, %add3A_1989 : vector<16xi32>
          %gather3A_1991 = tpu.vector_load_idx %arg10[%add3A_1990] : memref<40960xf32, #tpu.memory_space<vmem>>[vector<16xi32>], vector<16xf32>,
          %add3A_1992 = vector.broadcast %add3A_1935 : i32 to vector<16xi32>
          %add3A_1993 = arith.addi %add3A_1347, %add3A_1992 : vector<16xi32>
          tpu.vector_store_idx %arg13[%add3A_1993], %gather3A_1961 : memref<4096xf32, #tpu.memory_space<vmem>>[vector<16xi32>], vector<16xf32>,
          %add3A_1994 = vector.broadcast %add3A_1931 : i32 to vector<16xi32>
          %add3A_1995 = arith.addi %add3A_1144, %add3A_1994 : vector<16xi32>
          %gather3A_1996 = tpu.vector_load_idx %arg10[%add3A_1995] : memref<40960xf32, #tpu.memory_space<vmem>>[vector<16xi32>], vector<16xf32>,
          %add3A_1997 = vector.broadcast %add3A_1935 : i32 to vector<16xi32>
          %add3A_1998 = arith.addi %add3A_1376, %add3A_1997 : vector<16xi32>
          tpu.vector_store_idx %arg13[%add3A_1998], %gather3A_1964 : memref<4096xf32, #tpu.memory_space<vmem>>[vector<16xi32>], vector<16xf32>,
          %add3A_1999 = vector.broadcast %add3A_1931 : i32 to vector<16xi32>
          %add3A_2000 = arith.addi %add3A_1173, %add3A_1999 : vector<16xi32>
          %gather3A_2001 = tpu.vector_load_idx %arg10[%add3A_2000] : memref<40960xf32, #tpu.memory_space<vmem>>[vector<16xi32>], vector<16xf32>,
          %add3A_2002 = vector.broadcast %add3A_1935 : i32 to vector<16xi32>
          %add3A_2003 = arith.addi %add3A_1405, %add3A_2002 : vector<16xi32>
          tpu.vector_store_idx %arg13[%add3A_2003], %gather3A_1967 : memref<4096xf32, #tpu.memory_space<vmem>>[vector<16xi32>], vector<16xf32>,
          %add3A_2004 = vector.broadcast %add3A_1931 : i32 to vector<16xi32>
          %add3A_2005 = arith.addi %add3A_1202, %add3A_2004 : vector<16xi32>
          %gather3A_2006 = tpu.vector_load_idx %arg10[%add3A_2005] : memref<40960xf32, #tpu.memory_space<vmem>>[vector<16xi32>], vector<16xf32>,
          %add3A_2007 = vector.broadcast %add3A_1935 : i32 to vector<16xi32>
          %add3A_2008 = arith.addi %add3A_1434, %add3A_2007 : vector<16xi32>
          tpu.vector_store_idx %arg13[%add3A_2008], %gather3A_1970 : memref<4096xf32, #tpu.memory_space<vmem>>[vector<16xi32>], vector<16xf32>,
          %add3A_2009 = vector.broadcast %add3A_1931 : i32 to vector<16xi32>
          %add3A_2010 = arith.addi %add3A_1231, %add3A_2009 : vector<16xi32>
          %gather3A_2011 = tpu.vector_load_idx %arg10[%add3A_2010] : memref<40960xf32, #tpu.memory_space<vmem>>[vector<16xi32>], vector<16xf32>,
          %add3A_2012 = vector.broadcast %add3A_1935 : i32 to vector<16xi32>
          %add3A_2013 = arith.addi %add3A_1463, %add3A_2012 : vector<16xi32>
          tpu.vector_store_idx %arg13[%add3A_2013], %gather3A_1973 : memref<4096xf32, #tpu.memory_space<vmem>>[vector<16xi32>], vector<16xf32>,
          %add3A_2014 = vector.broadcast %add3A_1946 : i32 to vector<16xi32>
          %add3A_2015 = arith.addi %add3A_796, %add3A_2014 : vector<16xi32>
          %gather3A_2016 = tpu.vector_load_idx %arg10[%add3A_2015] : memref<40960xf32, #tpu.memory_space<vmem>>[vector<16xi32>], vector<16xf32>,
          %add3A_2017 = vector.broadcast %add3A_1935 : i32 to vector<16xi32>
          %add3A_2018 = arith.addi %add3A_1492, %add3A_2017 : vector<16xi32>
          tpu.vector_store_idx %arg13[%add3A_2018], %gather3A_1976 : memref<4096xf32, #tpu.memory_space<vmem>>[vector<16xi32>], vector<16xf32>,
          %add3A_2019 = vector.broadcast %add3A_1946 : i32 to vector<16xi32>
          %add3A_2020 = arith.addi %add3A_825, %add3A_2019 : vector<16xi32>
          %gather3A_2021 = tpu.vector_load_idx %arg10[%add3A_2020] : memref<40960xf32, #tpu.memory_space<vmem>>[vector<16xi32>], vector<16xf32>,
          %add3A_2022 = vector.broadcast %add3A_1935 : i32 to vector<16xi32>
          %add3A_2023 = arith.addi %add3A_1521, %add3A_2022 : vector<16xi32>
          tpu.vector_store_idx %arg13[%add3A_2023], %gather3A_1981 : memref<4096xf32, #tpu.memory_space<vmem>>[vector<16xi32>], vector<16xf32>,
          %add3A_2024 = vector.broadcast %add3A_1946 : i32 to vector<16xi32>
          %add3A_2025 = arith.addi %add3A_854, %add3A_2024 : vector<16xi32>
          %gather3A_2026 = tpu.vector_load_idx %arg10[%add3A_2025] : memref<40960xf32, #tpu.memory_space<vmem>>[vector<16xi32>], vector<16xf32>,
          %add3A_2027 = vector.broadcast %add3A_1935 : i32 to vector<16xi32>
          %add3A_2028 = arith.addi %add3A_1550, %add3A_2027 : vector<16xi32>
          tpu.vector_store_idx %arg13[%add3A_2028], %gather3A_1986 : memref<4096xf32, #tpu.memory_space<vmem>>[vector<16xi32>], vector<16xf32>,
          %add3A_2029 = vector.broadcast %add3A_1946 : i32 to vector<16xi32>
          %add3A_2030 = arith.addi %add3A_883, %add3A_2029 : vector<16xi32>
          %gather3A_2031 = tpu.vector_load_idx %arg10[%add3A_2030] : memref<40960xf32, #tpu.memory_space<vmem>>[vector<16xi32>], vector<16xf32>,
          %add3A_2032 = vector.broadcast %add3A_1935 : i32 to vector<16xi32>
          %add3A_2033 = arith.addi %add3A_1579, %add3A_2032 : vector<16xi32>
          tpu.vector_store_idx %arg13[%add3A_2033], %gather3A_1991 : memref<4096xf32, #tpu.memory_space<vmem>>[vector<16xi32>], vector<16xf32>,
          %add3A_2034 = vector.broadcast %add3A_1946 : i32 to vector<16xi32>
          %add3A_2035 = arith.addi %add3A_912, %add3A_2034 : vector<16xi32>
          %gather3A_2036 = tpu.vector_load_idx %arg10[%add3A_2035] : memref<40960xf32, #tpu.memory_space<vmem>>[vector<16xi32>], vector<16xf32>,
          %add3A_2037 = vector.broadcast %add3A_1935 : i32 to vector<16xi32>
          %add3A_2038 = arith.addi %add3A_1608, %add3A_2037 : vector<16xi32>
          tpu.vector_store_idx %arg13[%add3A_2038], %gather3A_1996 : memref<4096xf32, #tpu.memory_space<vmem>>[vector<16xi32>], vector<16xf32>,
          %add3A_2039 = vector.broadcast %add3A_1946 : i32 to vector<16xi32>
          %add3A_2040 = arith.addi %add3A_941, %add3A_2039 : vector<16xi32>
          %gather3A_2041 = tpu.vector_load_idx %arg10[%add3A_2040] : memref<40960xf32, #tpu.memory_space<vmem>>[vector<16xi32>], vector<16xf32>,
          %add3A_2042 = vector.broadcast %add3A_1935 : i32 to vector<16xi32>
          %add3A_2043 = arith.addi %add3A_1637, %add3A_2042 : vector<16xi32>
          tpu.vector_store_idx %arg13[%add3A_2043], %gather3A_2001 : memref<4096xf32, #tpu.memory_space<vmem>>[vector<16xi32>], vector<16xf32>,
          %add3A_2044 = vector.broadcast %add3A_1946 : i32 to vector<16xi32>
          %add3A_2045 = arith.addi %add3A_970, %add3A_2044 : vector<16xi32>
          %gather3A_2046 = tpu.vector_load_idx %arg10[%add3A_2045] : memref<40960xf32, #tpu.memory_space<vmem>>[vector<16xi32>], vector<16xf32>,
          %add3A_2047 = vector.broadcast %add3A_1935 : i32 to vector<16xi32>
          %add3A_2048 = arith.addi %add3A_1666, %add3A_2047 : vector<16xi32>
          tpu.vector_store_idx %arg13[%add3A_2048], %gather3A_2006 : memref<4096xf32, #tpu.memory_space<vmem>>[vector<16xi32>], vector<16xf32>,
          %add3A_2049 = vector.broadcast %add3A_1946 : i32 to vector<16xi32>
          %add3A_2050 = arith.addi %add3A_999, %add3A_2049 : vector<16xi32>
          %gather3A_2051 = tpu.vector_load_idx %arg10[%add3A_2050] : memref<40960xf32, #tpu.memory_space<vmem>>[vector<16xi32>], vector<16xf32>,
          %add3A_2052 = vector.broadcast %add3A_1935 : i32 to vector<16xi32>
          %add3A_2053 = arith.addi %add3A_1695, %add3A_2052 : vector<16xi32>
          tpu.vector_store_idx %arg13[%add3A_2053], %gather3A_2011 : memref<4096xf32, #tpu.memory_space<vmem>>[vector<16xi32>], vector<16xf32>,
          %add3A_2054 = vector.broadcast %add3A_1946 : i32 to vector<16xi32>
          %add3A_2055 = arith.addi %add3A_1028, %add3A_2054 : vector<16xi32>
          %gather3A_2056 = tpu.vector_load_idx %arg10[%add3A_2055] : memref<40960xf32, #tpu.memory_space<vmem>>[vector<16xi32>], vector<16xf32>,
          %add3A_2057 = vector.broadcast %add3A_1950 : i32 to vector<16xi32>
          %add3A_2058 = arith.addi %add3A_1260, %add3A_2057 : vector<16xi32>
          tpu.vector_store_idx %arg13[%add3A_2058], %gather3A_2016 : memref<4096xf32, #tpu.memory_space<vmem>>[vector<16xi32>], vector<16xf32>,
          %add3A_2059 = vector.broadcast %add3A_1946 : i32 to vector<16xi32>
          %add3A_2060 = arith.addi %add3A_1057, %add3A_2059 : vector<16xi32>
          %gather3A_2061 = tpu.vector_load_idx %arg10[%add3A_2060] : memref<40960xf32, #tpu.memory_space<vmem>>[vector<16xi32>], vector<16xf32>,
          %add3A_2062 = vector.broadcast %add3A_1950 : i32 to vector<16xi32>
          %add3A_2063 = arith.addi %add3A_1289, %add3A_2062 : vector<16xi32>
          tpu.vector_store_idx %arg13[%add3A_2063], %gather3A_2021 : memref<4096xf32, #tpu.memory_space<vmem>>[vector<16xi32>], vector<16xf32>,
          %add3A_2064 = vector.broadcast %add3A_1946 : i32 to vector<16xi32>
          %add3A_2065 = arith.addi %add3A_1086, %add3A_2064 : vector<16xi32>
          %gather3A_2066 = tpu.vector_load_idx %arg10[%add3A_2065] : memref<40960xf32, #tpu.memory_space<vmem>>[vector<16xi32>], vector<16xf32>,
          %add3A_2067 = vector.broadcast %add3A_1950 : i32 to vector<16xi32>
          %add3A_2068 = arith.addi %add3A_1318, %add3A_2067 : vector<16xi32>
          tpu.vector_store_idx %arg13[%add3A_2068], %gather3A_2026 : memref<4096xf32, #tpu.memory_space<vmem>>[vector<16xi32>], vector<16xf32>,
          %add3A_2069 = vector.broadcast %add3A_1946 : i32 to vector<16xi32>
          %add3A_2070 = arith.addi %add3A_1115, %add3A_2069 : vector<16xi32>
          %gather3A_2071 = tpu.vector_load_idx %arg10[%add3A_2070] : memref<40960xf32, #tpu.memory_space<vmem>>[vector<16xi32>], vector<16xf32>,
          %add3A_2072 = vector.broadcast %add3A_1950 : i32 to vector<16xi32>
          %add3A_2073 = arith.addi %add3A_1347, %add3A_2072 : vector<16xi32>
          tpu.vector_store_idx %arg13[%add3A_2073], %gather3A_2031 : memref<4096xf32, #tpu.memory_space<vmem>>[vector<16xi32>], vector<16xf32>,
          %add3A_2074 = vector.broadcast %add3A_1946 : i32 to vector<16xi32>
          %add3A_2075 = arith.addi %add3A_1144, %add3A_2074 : vector<16xi32>
          %gather3A_2076 = tpu.vector_load_idx %arg10[%add3A_2075] : memref<40960xf32, #tpu.memory_space<vmem>>[vector<16xi32>], vector<16xf32>,
          %add3A_2077 = vector.broadcast %add3A_1950 : i32 to vector<16xi32>
          %add3A_2078 = arith.addi %add3A_1376, %add3A_2077 : vector<16xi32>
          tpu.vector_store_idx %arg13[%add3A_2078], %gather3A_2036 : memref<4096xf32, #tpu.memory_space<vmem>>[vector<16xi32>], vector<16xf32>,
          %add3A_2079 = vector.broadcast %add3A_1946 : i32 to vector<16xi32>
          %add3A_2080 = arith.addi %add3A_1173, %add3A_2079 : vector<16xi32>
          %gather3A_2081 = tpu.vector_load_idx %arg10[%add3A_2080] : memref<40960xf32, #tpu.memory_space<vmem>>[vector<16xi32>], vector<16xf32>,
          %add3A_2082 = vector.broadcast %add3A_1950 : i32 to vector<16xi32>
          %add3A_2083 = arith.addi %add3A_1405, %add3A_2082 : vector<16xi32>
          tpu.vector_store_idx %arg13[%add3A_2083], %gather3A_2041 : memref<4096xf32, #tpu.memory_space<vmem>>[vector<16xi32>], vector<16xf32>,
          %add3A_2084 = vector.broadcast %add3A_1946 : i32 to vector<16xi32>
          %add3A_2085 = arith.addi %add3A_1202, %add3A_2084 : vector<16xi32>
          %gather3A_2086 = tpu.vector_load_idx %arg10[%add3A_2085] : memref<40960xf32, #tpu.memory_space<vmem>>[vector<16xi32>], vector<16xf32>,
          %add3A_2087 = vector.broadcast %add3A_1950 : i32 to vector<16xi32>
          %add3A_2088 = arith.addi %add3A_1434, %add3A_2087 : vector<16xi32>
          tpu.vector_store_idx %arg13[%add3A_2088], %gather3A_2046 : memref<4096xf32, #tpu.memory_space<vmem>>[vector<16xi32>], vector<16xf32>,
          %add3A_2089 = vector.broadcast %add3A_1946 : i32 to vector<16xi32>
          %add3A_2090 = arith.addi %add3A_1231, %add3A_2089 : vector<16xi32>
          %gather3A_2091 = tpu.vector_load_idx %arg10[%add3A_2090] : memref<40960xf32, #tpu.memory_space<vmem>>[vector<16xi32>], vector<16xf32>,
          %add3A_2092 = vector.broadcast %add3A_1950 : i32 to vector<16xi32>
          %add3A_2093 = arith.addi %add3A_1463, %add3A_2092 : vector<16xi32>
          tpu.vector_store_idx %arg13[%add3A_2093], %gather3A_2051 : memref<4096xf32, #tpu.memory_space<vmem>>[vector<16xi32>], vector<16xf32>,
          %add3A_2094 = vector.broadcast %add3A_1950 : i32 to vector<16xi32>
          %add3A_2095 = arith.addi %add3A_1492, %add3A_2094 : vector<16xi32>
          tpu.vector_store_idx %arg13[%add3A_2095], %gather3A_2056 : memref<4096xf32, #tpu.memory_space<vmem>>[vector<16xi32>], vector<16xf32>,
          %add3A_2096 = vector.broadcast %add3A_1950 : i32 to vector<16xi32>
          %add3A_2097 = arith.addi %add3A_1521, %add3A_2096 : vector<16xi32>
          tpu.vector_store_idx %arg13[%add3A_2097], %gather3A_2061 : memref<4096xf32, #tpu.memory_space<vmem>>[vector<16xi32>], vector<16xf32>,
          %add3A_2098 = vector.broadcast %add3A_1950 : i32 to vector<16xi32>
          %add3A_2099 = arith.addi %add3A_1550, %add3A_2098 : vector<16xi32>
          tpu.vector_store_idx %arg13[%add3A_2099], %gather3A_2066 : memref<4096xf32, #tpu.memory_space<vmem>>[vector<16xi32>], vector<16xf32>,
          %add3A_2100 = vector.broadcast %add3A_1950 : i32 to vector<16xi32>
          %add3A_2101 = arith.addi %add3A_1579, %add3A_2100 : vector<16xi32>
          tpu.vector_store_idx %arg13[%add3A_2101], %gather3A_2071 : memref<4096xf32, #tpu.memory_space<vmem>>[vector<16xi32>], vector<16xf32>,
          %add3A_2102 = vector.broadcast %add3A_1950 : i32 to vector<16xi32>
          %add3A_2103 = arith.addi %add3A_1608, %add3A_2102 : vector<16xi32>
          tpu.vector_store_idx %arg13[%add3A_2103], %gather3A_2076 : memref<4096xf32, #tpu.memory_space<vmem>>[vector<16xi32>], vector<16xf32>,
          %add3A_2104 = vector.broadcast %add3A_1950 : i32 to vector<16xi32>
          %add3A_2105 = arith.addi %add3A_1637, %add3A_2104 : vector<16xi32>
          tpu.vector_store_idx %arg13[%add3A_2105], %gather3A_2081 : memref<4096xf32, #tpu.memory_space<vmem>>[vector<16xi32>], vector<16xf32>,
          %add3A_2106 = vector.broadcast %add3A_1950 : i32 to vector<16xi32>
          %add3A_2107 = arith.addi %add3A_1666, %add3A_2106 : vector<16xi32>
          tpu.vector_store_idx %arg13[%add3A_2107], %gather3A_2086 : memref<4096xf32, #tpu.memory_space<vmem>>[vector<16xi32>], vector<16xf32>,
          %add3A_2108 = vector.broadcast %add3A_1950 : i32 to vector<16xi32>
          %add3A_2109 = arith.addi %add3A_1695, %add3A_2108 : vector<16xi32>
          tpu.vector_store_idx %arg13[%add3A_2109], %gather3A_2091 : memref<4096xf32, #tpu.memory_space<vmem>>[vector<16xi32>], vector<16xf32>,
        }
        %scan3A_1860 = arith.constant 8 : i32
        %mul3A_1861 = arith.constant 10 : i32
        %mul3A_1862 = arith.muli %add3A_1733, %mul3A_1861 : i32
        %add3A_1863 = arith.addi %mul3A_1862, %add3A_1854 : i32
        %add3A_1864 = arith.constant 0 : i32
        %add3A_1865 = arith.addi %add3A_1864, %add3A : i32
        %mul3A_1866 = arith.constant 8 : i32
        %mul3A_1867 = arith.muli %add3A_1865, %mul3A_1866 : i32
        %mul3A_1868 = arith.constant 128 : i32
        %mul3A_1869 = arith.muli %mul3A_1867, %mul3A_1868 : i32
        %dma_start3A_1870 = arith.constant 0 : i32
        %dma_start3A_1871 = tpu.memref_slice %arg13[%dma_start3A_1870] : memref<4096xf32, #tpu.memory_space<vmem>> -> memref<1024xf32, #tpu.memory_space<vmem>>
        %dma_start3A_1872 = tpu.memref_slice %arg5[%add3A_1863, %mul3A_1869] : memref<200x131072xf32, #tpu.memory_space<hbm>> -> memref<1x1024xf32, #tpu.memory_space<hbm>>
        %dma_start3A_1873 = tpu.memref_squeeze %dma_start3A_1872 : memref<1x1024xf32, #tpu.memory_space<hbm>> -> memref<1024xf32, #tpu.memory_space<hbm>>
        %dma_start3A_1874 = tpu.memref_slice %arg5[%add3A_1863, %mul3A_1869] : memref<200x131072xf32, #tpu.memory_space<hbm>> -> memref<1x1024xf32, #tpu.memory_space<hbm>>
        %dma_start3A_1875 = tpu.memref_squeeze %dma_start3A_1874 : memref<1x1024xf32, #tpu.memory_space<hbm>> -> memref<1024xf32, #tpu.memory_space<hbm>>
        %dma_start3A_1876 = arith.constant 0 : i32
        %dma_start3A_1877 = tpu.memref_slice %arg13[%dma_start3A_1876] : memref<4096xf32, #tpu.memory_space<vmem>> -> memref<1024xf32, #tpu.memory_space<vmem>>
        tpu.enqueue_dma source(%dma_start3A_1877 : memref<1024xf32, #tpu.memory_space<vmem>>) target(%dma_start3A_1875 : memref<1024xf32, #tpu.memory_space<hbm>>) target_semaphore(%arg17 : memref<!tpu.dma_semaphore, #tpu.memory_space<semaphore_mem>>)
        %add3A_1878 = arith.constant 32 : i32
        %add3A_1879 = arith.addi %add3A_1878, %add3A : i32
        %mul3A_1880 = arith.constant 8 : i32
        %mul3A_1881 = arith.muli %add3A_1879, %mul3A_1880 : i32
        %mul3A_1882 = arith.constant 128 : i32
        %mul3A_1883 = arith.muli %mul3A_1881, %mul3A_1882 : i32
        %dma_start3A_1884 = arith.constant 1024 : i32
        %dma_start3A_1885 = tpu.memref_slice %arg13[%dma_start3A_1884] : memref<4096xf32, #tpu.memory_space<vmem>> -> memref<1024xf32, #tpu.memory_space<vmem>>
        %dma_start3A_1886 = tpu.memref_slice %arg5[%add3A_1863, %mul3A_1883] : memref<200x131072xf32, #tpu.memory_space<hbm>> -> memref<1x1024xf32, #tpu.memory_space<hbm>>
        %dma_start3A_1887 = tpu.memref_squeeze %dma_start3A_1886 : memref<1x1024xf32, #tpu.memory_space<hbm>> -> memref<1024xf32, #tpu.memory_space<hbm>>
        %dma_start3A_1888 = tpu.memref_slice %arg5[%add3A_1863, %mul3A_1883] : memref<200x131072xf32, #tpu.memory_space<hbm>> -> memref<1x1024xf32, #tpu.memory_space<hbm>>
        %dma_start3A_1889 = tpu.memref_squeeze %dma_start3A_1888 : memref<1x1024xf32, #tpu.memory_space<hbm>> -> memref<1024xf32, #tpu.memory_space<hbm>>
        %dma_start3A_1890 = arith.constant 1024 : i32
        %dma_start3A_1891 = tpu.memref_slice %arg13[%dma_start3A_1890] : memref<4096xf32, #tpu.memory_space<vmem>> -> memref<1024xf32, #tpu.memory_space<vmem>>
        tpu.enqueue_dma source(%dma_start3A_1891 : memref<1024xf32, #tpu.memory_space<vmem>>) target(%dma_start3A_1889 : memref<1024xf32, #tpu.memory_space<hbm>>) target_semaphore(%arg17 : memref<!tpu.dma_semaphore, #tpu.memory_space<semaphore_mem>>)
        %add3A_1892 = arith.constant 64 : i32
        %add3A_1893 = arith.addi %add3A_1892, %add3A : i32
        %mul3A_1894 = arith.constant 8 : i32
        %mul3A_1895 = arith.muli %add3A_1893, %mul3A_1894 : i32
        %mul3A_1896 = arith.constant 128 : i32
        %mul3A_1897 = arith.muli %mul3A_1895, %mul3A_1896 : i32
        %dma_start3A_1898 = arith.constant 2048 : i32
        %dma_start3A_1899 = tpu.memref_slice %arg13[%dma_start3A_1898] : memref<4096xf32, #tpu.memory_space<vmem>> -> memref<1024xf32, #tpu.memory_space<vmem>>
        %dma_start3A_1900 = tpu.memref_slice %arg5[%add3A_1863, %mul3A_1897] : memref<200x131072xf32, #tpu.memory_space<hbm>> -> memref<1x1024xf32, #tpu.memory_space<hbm>>
        %dma_start3A_1901 = tpu.memref_squeeze %dma_start3A_1900 : memref<1x1024xf32, #tpu.memory_space<hbm>> -> memref<1024xf32, #tpu.memory_space<hbm>>
        %dma_start3A_1902 = tpu.memref_slice %arg5[%add3A_1863, %mul3A_1897] : memref<200x131072xf32, #tpu.memory_space<hbm>> -> memref<1x1024xf32, #tpu.memory_space<hbm>>
        %dma_start3A_1903 = tpu.memref_squeeze %dma_start3A_1902 : memref<1x1024xf32, #tpu.memory_space<hbm>> -> memref<1024xf32, #tpu.memory_space<hbm>>
        %dma_start3A_1904 = arith.constant 2048 : i32
        %dma_start3A_1905 = tpu.memref_slice %arg13[%dma_start3A_1904] : memref<4096xf32, #tpu.memory_space<vmem>> -> memref<1024xf32, #tpu.memory_space<vmem>>
        tpu.enqueue_dma source(%dma_start3A_1905 : memref<1024xf32, #tpu.memory_space<vmem>>) target(%dma_start3A_1903 : memref<1024xf32, #tpu.memory_space<hbm>>) target_semaphore(%arg17 : memref<!tpu.dma_semaphore, #tpu.memory_space<semaphore_mem>>)
        %add3A_1906 = arith.constant 96 : i32
        %add3A_1907 = arith.addi %add3A_1906, %add3A : i32
        %mul3A_1908 = arith.constant 8 : i32
        %mul3A_1909 = arith.muli %add3A_1907, %mul3A_1908 : i32
        %mul3A_1910 = arith.constant 128 : i32
        %mul3A_1911 = arith.muli %mul3A_1909, %mul3A_1910 : i32
        %dma_start3A_1912 = arith.constant 3072 : i32
        %dma_start3A_1913 = tpu.memref_slice %arg13[%dma_start3A_1912] : memref<4096xf32, #tpu.memory_space<vmem>> -> memref<1024xf32, #tpu.memory_space<vmem>>
        %dma_start3A_1914 = tpu.memref_slice %arg5[%add3A_1863, %mul3A_1911] : memref<200x131072xf32, #tpu.memory_space<hbm>> -> memref<1x1024xf32, #tpu.memory_space<hbm>>
        %dma_start3A_1915 = tpu.memref_squeeze %dma_start3A_1914 : memref<1x1024xf32, #tpu.memory_space<hbm>> -> memref<1024xf32, #tpu.memory_space<hbm>>
        %dma_start3A_1916 = tpu.memref_slice %arg5[%add3A_1863, %mul3A_1911] : memref<200x131072xf32, #tpu.memory_space<hbm>> -> memref<1x1024xf32, #tpu.memory_space<hbm>>
        %dma_start3A_1917 = tpu.memref_squeeze %dma_start3A_1916 : memref<1x1024xf32, #tpu.memory_space<hbm>> -> memref<1024xf32, #tpu.memory_space<hbm>>
        %dma_start3A_1918 = arith.constant 3072 : i32
        %dma_start3A_1919 = tpu.memref_slice %arg13[%dma_start3A_1918] : memref<4096xf32, #tpu.memory_space<vmem>> -> memref<1024xf32, #tpu.memory_space<vmem>>
        tpu.enqueue_dma source(%dma_start3A_1919 : memref<1024xf32, #tpu.memory_space<vmem>>) target(%dma_start3A_1917 : memref<1024xf32, #tpu.memory_space<hbm>>) target_semaphore(%arg17 : memref<!tpu.dma_semaphore, #tpu.memory_space<semaphore_mem>>)
      }
      %scan3A_1743 = arith.constant 5 : i32
      %add3A_1744 = arith.constant 2 : i32
      %add3A_1745 = arith.addi %add3A_1733, %add3A_1744 : i32
      %min3A_1746 = arith.constant 19 : i32
      %min3A_1747 = arith.minsi %add3A_1745, %min3A_1746 : i32
      %mul3A_1748 = arith.constant 10 : i32
      %mul3A_1749 = arith.muli %min3A_1747, %mul3A_1748 : i32
      %scan3A_1750 = arith.constant 0 : i32
      %scan3A_1751 = arith.constant 0 : i32
      %scan3A_1752 = arith.constant 128 : i32
      %scan3A_1753 = arith.addi %scan3A_1751, %scan3A_1752 : i32
      %scan3A_1754 = arith.constant 1 : i32
      scf.for %scan3A_1782 = %scan3A_1751 to %scan3A_1753 step %scan3A_1754  : i32 {
        %get3A_1783 = arith.index_cast %scan3A_1782 : i32 to index
        %get3A_1784 = memref.load %arg9[%get3A_1783] : memref<128xi32, #tpu.memory_space<smem>>
        %add3A_1785 = arith.addi %get3A_1784, %mul3A_1749 : i32
        %mul3A_1786 = arith.constant 32 : i32
        %mul3A_1787 = arith.muli %add3A_1785, %mul3A_1786 : i32
        %mul3A_1788 = arith.constant 10 : i32
        %mul3A_1789 = arith.muli %scan3A_1782, %mul3A_1788 : i32
        %mul3A_1790 = arith.constant 32 : i32
        %mul3A_1791 = arith.muli %mul3A_1789, %mul3A_1790 : i32
        %dma_start3A = tpu.memref_slice %arg10[%mul3A_1791] : memref<40960xf32, #tpu.memory_space<vmem>> -> memref<320xf32, #tpu.memory_space<vmem>>
        %dma_start3A_1792 = tpu.memref_slice %arg4[%mul3A_1787] : memref<3206400xf32, #tpu.memory_space<hbm>> -> memref<320xf32, #tpu.memory_space<hbm>>
        %dma_start3A_1793 = tpu.memref_slice %arg10[%mul3A_1791] : memref<40960xf32, #tpu.memory_space<vmem>> -> memref<320xf32, #tpu.memory_space<vmem>>
        %dma_start3A_1794 = tpu.memref_slice %arg4[%mul3A_1787] : memref<3206400xf32, #tpu.memory_space<hbm>> -> memref<320xf32, #tpu.memory_space<hbm>>
        tpu.enqueue_dma source(%dma_start3A_1794 : memref<320xf32, #tpu.memory_space<hbm>>) target(%dma_start3A_1793 : memref<320xf32, #tpu.memory_space<vmem>>) target_semaphore(%arg14 : memref<!tpu.dma_semaphore, #tpu.memory_space<semaphore_mem>>)
      }
      %scan3A_1755 = arith.constant 128 : i32
      %mul3A_1756 = arith.constant 2 : i32
      %mul3A_1757 = arith.muli %mul3A_1756, %scan3A_1729 : i32
      %add3A_1758 = arith.constant 1 : i32
      %add3A_1759 = arith.addi %mul3A_1757, %add3A_1758 : i32
      %dma_wait3A_1760 = arith.constant 0 : i32
      %dma_wait3A_1761 = tpu.memref_slice %arg4[%dma_wait3A_1760] : memref<3206400xf32, #tpu.memory_space<hbm>> -> memref<40960xf32, #tpu.memory_space<hbm>>
      %dma_wait3A_1762 = arith.constant 0 : i32
      %dma_wait3A_1763 = tpu.memref_slice %arg4[%dma_wait3A_1762] : memref<3206400xf32, #tpu.memory_space<hbm>> -> memref<40960xf32, #tpu.memory_space<hbm>>
      tpu.wait_dma2 semaphore(%arg15 : memref<!tpu.dma_semaphore, #tpu.memory_space<semaphore_mem>>) src(%dma_wait3A_1763 : memref<40960xf32, #tpu.memory_space<hbm>>) dst(%arg11 : memref<40960xf32, #tpu.memory_space<vmem>>)
      %scan3A_1764 = arith.constant 0 : i32
      %scan3A_1765 = arith.constant 0 : i32
      %scan3A_1766 = arith.constant 5 : i32
      %scan3A_1767 = arith.addi %scan3A_1765, %scan3A_1766 : i32
      %scan3A_1768 = arith.constant 1 : i32
      scf.for %scan3A_1782 = %scan3A_1765 to %scan3A_1767 step %scan3A_1768  : i32 {
        %mul3A_1783 = arith.constant 2 : i32
        %mul3A_1784 = arith.muli %mul3A_1783, %scan3A_1782 : i32
        %add3A_1785 = arith.constant 0 : i32
        %add3A_1786 = arith.addi %mul3A_1784, %add3A_1785 : i32
        tpu.wait_dma2 semaphore(%arg16 : memref<!tpu.dma_semaphore, #tpu.memory_space<semaphore_mem>>) src(%arg6 : memref<4096xf32, #tpu.memory_space<hbm>>) dst(%arg12 : memref<4096xf32, #tpu.memory_space<vmem>>)
        %scan3A_1787 = arith.constant 0 : i32
        %scan3A_1788 = arith.constant 0 : i32
        %scan3A_1789 = arith.constant 8 : i32
        %scan3A_1790 = arith.addi %scan3A_1788, %scan3A_1789 : i32
        %scan3A_1791 = arith.constant 1 : i32
        scf.for %scan3A_1920 = %scan3A_1788 to %scan3A_1790 step %scan3A_1791  : i32 {
          %mul3A_1921 = arith.constant 16 : i32
          %mul3A_1922 = arith.muli %scan3A_1920, %mul3A_1921 : i32
          %mul3A_1923 = arith.constant 10 : i32
          %mul3A_1924 = arith.muli %mul3A_1922, %mul3A_1923 : i32
          %mul3A_1925 = arith.constant 32 : i32
          %mul3A_1926 = arith.muli %mul3A_1924, %mul3A_1925 : i32
          %mul3A_1927 = arith.constant 32 : i32
          %mul3A_1928 = arith.muli %add3A_1786, %mul3A_1927 : i32
          %add3A_1929 = arith.addi %mul3A_1926, %mul3A_1928 : i32
          %add3A_1930 = arith.constant 0 : i32
          %add3A_1931 = arith.addi %add3A_1929, %add3A_1930 : i32
          %mul3A_1932 = arith.constant 16 : i32
          %mul3A_1933 = arith.muli %scan3A_1920, %mul3A_1932 : i32
          %add3A_1934 = arith.constant 0 : i32
          %add3A_1935 = arith.addi %add3A_1934, %mul3A_1933 : i32
          %mul3A_1936 = arith.constant 16 : i32
          %mul3A_1937 = arith.muli %scan3A_1920, %mul3A_1936 : i32
          %mul3A_1938 = arith.constant 10 : i32
          %mul3A_1939 = arith.muli %mul3A_1937, %mul3A_1938 : i32
          %mul3A_1940 = arith.constant 32 : i32
          %mul3A_1941 = arith.muli %mul3A_1939, %mul3A_1940 : i32
          %mul3A_1942 = arith.constant 32 : i32
          %mul3A_1943 = arith.muli %add3A_1786, %mul3A_1942 : i32
          %add3A_1944 = arith.addi %mul3A_1941, %mul3A_1943 : i32
          %add3A_1945 = arith.constant 16 : i32
          %add3A_1946 = arith.addi %add3A_1944, %add3A_1945 : i32
          %mul3A_1947 = arith.constant 16 : i32
          %mul3A_1948 = arith.muli %scan3A_1920, %mul3A_1947 : i32
          %add3A_1949 = arith.constant 2048 : i32
          %add3A_1950 = arith.addi %add3A_1949, %mul3A_1948 : i32
          %add3A_1951 = vector.broadcast %add3A_1931 : i32 to vector<16xi32>
          %add3A_1952 = arith.addi %add3A_796, %add3A_1951 : vector<16xi32>
          %gather3A = tpu.vector_load_idx %arg11[%add3A_1952] : memref<40960xf32, #tpu.memory_space<vmem>>[vector<16xi32>], vector<16xf32>,
          %add3A_1953 = vector.broadcast %add3A_1931 : i32 to vector<16xi32>
          %add3A_1954 = arith.addi %add3A_825, %add3A_1953 : vector<16xi32>
          %gather3A_1955 = tpu.vector_load_idx %arg11[%add3A_1954] : memref<40960xf32, #tpu.memory_space<vmem>>[vector<16xi32>], vector<16xf32>,
          %add3A_1956 = vector.broadcast %add3A_1931 : i32 to vector<16xi32>
          %add3A_1957 = arith.addi %add3A_854, %add3A_1956 : vector<16xi32>
          %gather3A_1958 = tpu.vector_load_idx %arg11[%add3A_1957] : memref<40960xf32, #tpu.memory_space<vmem>>[vector<16xi32>], vector<16xf32>,
          %add3A_1959 = vector.broadcast %add3A_1931 : i32 to vector<16xi32>
          %add3A_1960 = arith.addi %add3A_883, %add3A_1959 : vector<16xi32>
          %gather3A_1961 = tpu.vector_load_idx %arg11[%add3A_1960] : memref<40960xf32, #tpu.memory_space<vmem>>[vector<16xi32>], vector<16xf32>,
          %add3A_1962 = vector.broadcast %add3A_1931 : i32 to vector<16xi32>
          %add3A_1963 = arith.addi %add3A_912, %add3A_1962 : vector<16xi32>
          %gather3A_1964 = tpu.vector_load_idx %arg11[%add3A_1963] : memref<40960xf32, #tpu.memory_space<vmem>>[vector<16xi32>], vector<16xf32>,
          %add3A_1965 = vector.broadcast %add3A_1931 : i32 to vector<16xi32>
          %add3A_1966 = arith.addi %add3A_941, %add3A_1965 : vector<16xi32>
          %gather3A_1967 = tpu.vector_load_idx %arg11[%add3A_1966] : memref<40960xf32, #tpu.memory_space<vmem>>[vector<16xi32>], vector<16xf32>,
          %add3A_1968 = vector.broadcast %add3A_1931 : i32 to vector<16xi32>
          %add3A_1969 = arith.addi %add3A_970, %add3A_1968 : vector<16xi32>
          %gather3A_1970 = tpu.vector_load_idx %arg11[%add3A_1969] : memref<40960xf32, #tpu.memory_space<vmem>>[vector<16xi32>], vector<16xf32>,
          %add3A_1971 = vector.broadcast %add3A_1931 : i32 to vector<16xi32>
          %add3A_1972 = arith.addi %add3A_999, %add3A_1971 : vector<16xi32>
          %gather3A_1973 = tpu.vector_load_idx %arg11[%add3A_1972] : memref<40960xf32, #tpu.memory_space<vmem>>[vector<16xi32>], vector<16xf32>,
          %add3A_1974 = vector.broadcast %add3A_1931 : i32 to vector<16xi32>
          %add3A_1975 = arith.addi %add3A_1028, %add3A_1974 : vector<16xi32>
          %gather3A_1976 = tpu.vector_load_idx %arg11[%add3A_1975] : memref<40960xf32, #tpu.memory_space<vmem>>[vector<16xi32>], vector<16xf32>,
          %add3A_1977 = vector.broadcast %add3A_1935 : i32 to vector<16xi32>
          %add3A_1978 = arith.addi %add3A_1260, %add3A_1977 : vector<16xi32>
          tpu.vector_store_idx %arg12[%add3A_1978], %gather3A : memref<4096xf32, #tpu.memory_space<vmem>>[vector<16xi32>], vector<16xf32>,
          %add3A_1979 = vector.broadcast %add3A_1931 : i32 to vector<16xi32>
          %add3A_1980 = arith.addi %add3A_1057, %add3A_1979 : vector<16xi32>
          %gather3A_1981 = tpu.vector_load_idx %arg11[%add3A_1980] : memref<40960xf32, #tpu.memory_space<vmem>>[vector<16xi32>], vector<16xf32>,
          %add3A_1982 = vector.broadcast %add3A_1935 : i32 to vector<16xi32>
          %add3A_1983 = arith.addi %add3A_1289, %add3A_1982 : vector<16xi32>
          tpu.vector_store_idx %arg12[%add3A_1983], %gather3A_1955 : memref<4096xf32, #tpu.memory_space<vmem>>[vector<16xi32>], vector<16xf32>,
          %add3A_1984 = vector.broadcast %add3A_1931 : i32 to vector<16xi32>
          %add3A_1985 = arith.addi %add3A_1086, %add3A_1984 : vector<16xi32>
          %gather3A_1986 = tpu.vector_load_idx %arg11[%add3A_1985] : memref<40960xf32, #tpu.memory_space<vmem>>[vector<16xi32>], vector<16xf32>,
          %add3A_1987 = vector.broadcast %add3A_1935 : i32 to vector<16xi32>
          %add3A_1988 = arith.addi %add3A_1318, %add3A_1987 : vector<16xi32>
          tpu.vector_store_idx %arg12[%add3A_1988], %gather3A_1958 : memref<4096xf32, #tpu.memory_space<vmem>>[vector<16xi32>], vector<16xf32>,
          %add3A_1989 = vector.broadcast %add3A_1931 : i32 to vector<16xi32>
          %add3A_1990 = arith.addi %add3A_1115, %add3A_1989 : vector<16xi32>
          %gather3A_1991 = tpu.vector_load_idx %arg11[%add3A_1990] : memref<40960xf32, #tpu.memory_space<vmem>>[vector<16xi32>], vector<16xf32>,
          %add3A_1992 = vector.broadcast %add3A_1935 : i32 to vector<16xi32>
          %add3A_1993 = arith.addi %add3A_1347, %add3A_1992 : vector<16xi32>
          tpu.vector_store_idx %arg12[%add3A_1993], %gather3A_1961 : memref<4096xf32, #tpu.memory_space<vmem>>[vector<16xi32>], vector<16xf32>,
          %add3A_1994 = vector.broadcast %add3A_1931 : i32 to vector<16xi32>
          %add3A_1995 = arith.addi %add3A_1144, %add3A_1994 : vector<16xi32>
          %gather3A_1996 = tpu.vector_load_idx %arg11[%add3A_1995] : memref<40960xf32, #tpu.memory_space<vmem>>[vector<16xi32>], vector<16xf32>,
          %add3A_1997 = vector.broadcast %add3A_1935 : i32 to vector<16xi32>
          %add3A_1998 = arith.addi %add3A_1376, %add3A_1997 : vector<16xi32>
          tpu.vector_store_idx %arg12[%add3A_1998], %gather3A_1964 : memref<4096xf32, #tpu.memory_space<vmem>>[vector<16xi32>], vector<16xf32>,
          %add3A_1999 = vector.broadcast %add3A_1931 : i32 to vector<16xi32>
          %add3A_2000 = arith.addi %add3A_1173, %add3A_1999 : vector<16xi32>
          %gather3A_2001 = tpu.vector_load_idx %arg11[%add3A_2000] : memref<40960xf32, #tpu.memory_space<vmem>>[vector<16xi32>], vector<16xf32>,
          %add3A_2002 = vector.broadcast %add3A_1935 : i32 to vector<16xi32>
          %add3A_2003 = arith.addi %add3A_1405, %add3A_2002 : vector<16xi32>
          tpu.vector_store_idx %arg12[%add3A_2003], %gather3A_1967 : memref<4096xf32, #tpu.memory_space<vmem>>[vector<16xi32>], vector<16xf32>,
          %add3A_2004 = vector.broadcast %add3A_1931 : i32 to vector<16xi32>
          %add3A_2005 = arith.addi %add3A_1202, %add3A_2004 : vector<16xi32>
          %gather3A_2006 = tpu.vector_load_idx %arg11[%add3A_2005] : memref<40960xf32, #tpu.memory_space<vmem>>[vector<16xi32>], vector<16xf32>,
          %add3A_2007 = vector.broadcast %add3A_1935 : i32 to vector<16xi32>
          %add3A_2008 = arith.addi %add3A_1434, %add3A_2007 : vector<16xi32>
          tpu.vector_store_idx %arg12[%add3A_2008], %gather3A_1970 : memref<4096xf32, #tpu.memory_space<vmem>>[vector<16xi32>], vector<16xf32>,
          %add3A_2009 = vector.broadcast %add3A_1931 : i32 to vector<16xi32>
          %add3A_2010 = arith.addi %add3A_1231, %add3A_2009 : vector<16xi32>
          %gather3A_2011 = tpu.vector_load_idx %arg11[%add3A_2010] : memref<40960xf32, #tpu.memory_space<vmem>>[vector<16xi32>], vector<16xf32>,
          %add3A_2012 = vector.broadcast %add3A_1935 : i32 to vector<16xi32>
          %add3A_2013 = arith.addi %add3A_1463, %add3A_2012 : vector<16xi32>
          tpu.vector_store_idx %arg12[%add3A_2013], %gather3A_1973 : memref<4096xf32, #tpu.memory_space<vmem>>[vector<16xi32>], vector<16xf32>,
          %add3A_2014 = vector.broadcast %add3A_1946 : i32 to vector<16xi32>
          %add3A_2015 = arith.addi %add3A_796, %add3A_2014 : vector<16xi32>
          %gather3A_2016 = tpu.vector_load_idx %arg11[%add3A_2015] : memref<40960xf32, #tpu.memory_space<vmem>>[vector<16xi32>], vector<16xf32>,
          %add3A_2017 = vector.broadcast %add3A_1935 : i32 to vector<16xi32>
          %add3A_2018 = arith.addi %add3A_1492, %add3A_2017 : vector<16xi32>
          tpu.vector_store_idx %arg12[%add3A_2018], %gather3A_1976 : memref<4096xf32, #tpu.memory_space<vmem>>[vector<16xi32>], vector<16xf32>,
          %add3A_2019 = vector.broadcast %add3A_1946 : i32 to vector<16xi32>
          %add3A_2020 = arith.addi %add3A_825, %add3A_2019 : vector<16xi32>
          %gather3A_2021 = tpu.vector_load_idx %arg11[%add3A_2020] : memref<40960xf32, #tpu.memory_space<vmem>>[vector<16xi32>], vector<16xf32>,
          %add3A_2022 = vector.broadcast %add3A_1935 : i32 to vector<16xi32>
          %add3A_2023 = arith.addi %add3A_1521, %add3A_2022 : vector<16xi32>
          tpu.vector_store_idx %arg12[%add3A_2023], %gather3A_1981 : memref<4096xf32, #tpu.memory_space<vmem>>[vector<16xi32>], vector<16xf32>,
          %add3A_2024 = vector.broadcast %add3A_1946 : i32 to vector<16xi32>
          %add3A_2025 = arith.addi %add3A_854, %add3A_2024 : vector<16xi32>
          %gather3A_2026 = tpu.vector_load_idx %arg11[%add3A_2025] : memref<40960xf32, #tpu.memory_space<vmem>>[vector<16xi32>], vector<16xf32>,
          %add3A_2027 = vector.broadcast %add3A_1935 : i32 to vector<16xi32>
          %add3A_2028 = arith.addi %add3A_1550, %add3A_2027 : vector<16xi32>
          tpu.vector_store_idx %arg12[%add3A_2028], %gather3A_1986 : memref<4096xf32, #tpu.memory_space<vmem>>[vector<16xi32>], vector<16xf32>,
          %add3A_2029 = vector.broadcast %add3A_1946 : i32 to vector<16xi32>
          %add3A_2030 = arith.addi %add3A_883, %add3A_2029 : vector<16xi32>
          %gather3A_2031 = tpu.vector_load_idx %arg11[%add3A_2030] : memref<40960xf32, #tpu.memory_space<vmem>>[vector<16xi32>], vector<16xf32>,
          %add3A_2032 = vector.broadcast %add3A_1935 : i32 to vector<16xi32>
          %add3A_2033 = arith.addi %add3A_1579, %add3A_2032 : vector<16xi32>
          tpu.vector_store_idx %arg12[%add3A_2033], %gather3A_1991 : memref<4096xf32, #tpu.memory_space<vmem>>[vector<16xi32>], vector<16xf32>,
          %add3A_2034 = vector.broadcast %add3A_1946 : i32 to vector<16xi32>
          %add3A_2035 = arith.addi %add3A_912, %add3A_2034 : vector<16xi32>
          %gather3A_2036 = tpu.vector_load_idx %arg11[%add3A_2035] : memref<40960xf32, #tpu.memory_space<vmem>>[vector<16xi32>], vector<16xf32>,
          %add3A_2037 = vector.broadcast %add3A_1935 : i32 to vector<16xi32>
          %add3A_2038 = arith.addi %add3A_1608, %add3A_2037 : vector<16xi32>
          tpu.vector_store_idx %arg12[%add3A_2038], %gather3A_1996 : memref<4096xf32, #tpu.memory_space<vmem>>[vector<16xi32>], vector<16xf32>,
          %add3A_2039 = vector.broadcast %add3A_1946 : i32 to vector<16xi32>
          %add3A_2040 = arith.addi %add3A_941, %add3A_2039 : vector<16xi32>
          %gather3A_2041 = tpu.vector_load_idx %arg11[%add3A_2040] : memref<40960xf32, #tpu.memory_space<vmem>>[vector<16xi32>], vector<16xf32>,
          %add3A_2042 = vector.broadcast %add3A_1935 : i32 to vector<16xi32>
          %add3A_2043 = arith.addi %add3A_1637, %add3A_2042 : vector<16xi32>
          tpu.vector_store_idx %arg12[%add3A_2043], %gather3A_2001 : memref<4096xf32, #tpu.memory_space<vmem>>[vector<16xi32>], vector<16xf32>,
          %add3A_2044 = vector.broadcast %add3A_1946 : i32 to vector<16xi32>
          %add3A_2045 = arith.addi %add3A_970, %add3A_2044 : vector<16xi32>
          %gather3A_2046 = tpu.vector_load_idx %arg11[%add3A_2045] : memref<40960xf32, #tpu.memory_space<vmem>>[vector<16xi32>], vector<16xf32>,
          %add3A_2047 = vector.broadcast %add3A_1935 : i32 to vector<16xi32>
          %add3A_2048 = arith.addi %add3A_1666, %add3A_2047 : vector<16xi32>
          tpu.vector_store_idx %arg12[%add3A_2048], %gather3A_2006 : memref<4096xf32, #tpu.memory_space<vmem>>[vector<16xi32>], vector<16xf32>,
          %add3A_2049 = vector.broadcast %add3A_1946 : i32 to vector<16xi32>
          %add3A_2050 = arith.addi %add3A_999, %add3A_2049 : vector<16xi32>
          %gather3A_2051 = tpu.vector_load_idx %arg11[%add3A_2050] : memref<40960xf32, #tpu.memory_space<vmem>>[vector<16xi32>], vector<16xf32>,
          %add3A_2052 = vector.broadcast %add3A_1935 : i32 to vector<16xi32>
          %add3A_2053 = arith.addi %add3A_1695, %add3A_2052 : vector<16xi32>
          tpu.vector_store_idx %arg12[%add3A_2053], %gather3A_2011 : memref<4096xf32, #tpu.memory_space<vmem>>[vector<16xi32>], vector<16xf32>,
          %add3A_2054 = vector.broadcast %add3A_1946 : i32 to vector<16xi32>
          %add3A_2055 = arith.addi %add3A_1028, %add3A_2054 : vector<16xi32>
          %gather3A_2056 = tpu.vector_load_idx %arg11[%add3A_2055] : memref<40960xf32, #tpu.memory_space<vmem>>[vector<16xi32>], vector<16xf32>,
          %add3A_2057 = vector.broadcast %add3A_1950 : i32 to vector<16xi32>
          %add3A_2058 = arith.addi %add3A_1260, %add3A_2057 : vector<16xi32>
          tpu.vector_store_idx %arg12[%add3A_2058], %gather3A_2016 : memref<4096xf32, #tpu.memory_space<vmem>>[vector<16xi32>], vector<16xf32>,
          %add3A_2059 = vector.broadcast %add3A_1946 : i32 to vector<16xi32>
          %add3A_2060 = arith.addi %add3A_1057, %add3A_2059 : vector<16xi32>
          %gather3A_2061 = tpu.vector_load_idx %arg11[%add3A_2060] : memref<40960xf32, #tpu.memory_space<vmem>>[vector<16xi32>], vector<16xf32>,
          %add3A_2062 = vector.broadcast %add3A_1950 : i32 to vector<16xi32>
          %add3A_2063 = arith.addi %add3A_1289, %add3A_2062 : vector<16xi32>
          tpu.vector_store_idx %arg12[%add3A_2063], %gather3A_2021 : memref<4096xf32, #tpu.memory_space<vmem>>[vector<16xi32>], vector<16xf32>,
          %add3A_2064 = vector.broadcast %add3A_1946 : i32 to vector<16xi32>
          %add3A_2065 = arith.addi %add3A_1086, %add3A_2064 : vector<16xi32>
          %gather3A_2066 = tpu.vector_load_idx %arg11[%add3A_2065] : memref<40960xf32, #tpu.memory_space<vmem>>[vector<16xi32>], vector<16xf32>,
          %add3A_2067 = vector.broadcast %add3A_1950 : i32 to vector<16xi32>
          %add3A_2068 = arith.addi %add3A_1318, %add3A_2067 : vector<16xi32>
          tpu.vector_store_idx %arg12[%add3A_2068], %gather3A_2026 : memref<4096xf32, #tpu.memory_space<vmem>>[vector<16xi32>], vector<16xf32>,
          %add3A_2069 = vector.broadcast %add3A_1946 : i32 to vector<16xi32>
          %add3A_2070 = arith.addi %add3A_1115, %add3A_2069 : vector<16xi32>
          %gather3A_2071 = tpu.vector_load_idx %arg11[%add3A_2070] : memref<40960xf32, #tpu.memory_space<vmem>>[vector<16xi32>], vector<16xf32>,
          %add3A_2072 = vector.broadcast %add3A_1950 : i32 to vector<16xi32>
          %add3A_2073 = arith.addi %add3A_1347, %add3A_2072 : vector<16xi32>
          tpu.vector_store_idx %arg12[%add3A_2073], %gather3A_2031 : memref<4096xf32, #tpu.memory_space<vmem>>[vector<16xi32>], vector<16xf32>,
          %add3A_2074 = vector.broadcast %add3A_1946 : i32 to vector<16xi32>
          %add3A_2075 = arith.addi %add3A_1144, %add3A_2074 : vector<16xi32>
          %gather3A_2076 = tpu.vector_load_idx %arg11[%add3A_2075] : memref<40960xf32, #tpu.memory_space<vmem>>[vector<16xi32>], vector<16xf32>,
          %add3A_2077 = vector.broadcast %add3A_1950 : i32 to vector<16xi32>
          %add3A_2078 = arith.addi %add3A_1376, %add3A_2077 : vector<16xi32>
          tpu.vector_store_idx %arg12[%add3A_2078], %gather3A_2036 : memref<4096xf32, #tpu.memory_space<vmem>>[vector<16xi32>], vector<16xf32>,
          %add3A_2079 = vector.broadcast %add3A_1946 : i32 to vector<16xi32>
          %add3A_2080 = arith.addi %add3A_1173, %add3A_2079 : vector<16xi32>
          %gather3A_2081 = tpu.vector_load_idx %arg11[%add3A_2080] : memref<40960xf32, #tpu.memory_space<vmem>>[vector<16xi32>], vector<16xf32>,
          %add3A_2082 = vector.broadcast %add3A_1950 : i32 to vector<16xi32>
          %add3A_2083 = arith.addi %add3A_1405, %add3A_2082 : vector<16xi32>
          tpu.vector_store_idx %arg12[%add3A_2083], %gather3A_2041 : memref<4096xf32, #tpu.memory_space<vmem>>[vector<16xi32>], vector<16xf32>,
          %add3A_2084 = vector.broadcast %add3A_1946 : i32 to vector<16xi32>
          %add3A_2085 = arith.addi %add3A_1202, %add3A_2084 : vector<16xi32>
          %gather3A_2086 = tpu.vector_load_idx %arg11[%add3A_2085] : memref<40960xf32, #tpu.memory_space<vmem>>[vector<16xi32>], vector<16xf32>,
          %add3A_2087 = vector.broadcast %add3A_1950 : i32 to vector<16xi32>
          %add3A_2088 = arith.addi %add3A_1434, %add3A_2087 : vector<16xi32>
          tpu.vector_store_idx %arg12[%add3A_2088], %gather3A_2046 : memref<4096xf32, #tpu.memory_space<vmem>>[vector<16xi32>], vector<16xf32>,
          %add3A_2089 = vector.broadcast %add3A_1946 : i32 to vector<16xi32>
          %add3A_2090 = arith.addi %add3A_1231, %add3A_2089 : vector<16xi32>
          %gather3A_2091 = tpu.vector_load_idx %arg11[%add3A_2090] : memref<40960xf32, #tpu.memory_space<vmem>>[vector<16xi32>], vector<16xf32>,
          %add3A_2092 = vector.broadcast %add3A_1950 : i32 to vector<16xi32>
          %add3A_2093 = arith.addi %add3A_1463, %add3A_2092 : vector<16xi32>
          tpu.vector_store_idx %arg12[%add3A_2093], %gather3A_2051 : memref<4096xf32, #tpu.memory_space<vmem>>[vector<16xi32>], vector<16xf32>,
          %add3A_2094 = vector.broadcast %add3A_1950 : i32 to vector<16xi32>
          %add3A_2095 = arith.addi %add3A_1492, %add3A_2094 : vector<16xi32>
          tpu.vector_store_idx %arg12[%add3A_2095], %gather3A_2056 : memref<4096xf32, #tpu.memory_space<vmem>>[vector<16xi32>], vector<16xf32>,
          %add3A_2096 = vector.broadcast %add3A_1950 : i32 to vector<16xi32>
          %add3A_2097 = arith.addi %add3A_1521, %add3A_2096 : vector<16xi32>
          tpu.vector_store_idx %arg12[%add3A_2097], %gather3A_2061 : memref<4096xf32, #tpu.memory_space<vmem>>[vector<16xi32>], vector<16xf32>,
          %add3A_2098 = vector.broadcast %add3A_1950 : i32 to vector<16xi32>
          %add3A_2099 = arith.addi %add3A_1550, %add3A_2098 : vector<16xi32>
          tpu.vector_store_idx %arg12[%add3A_2099], %gather3A_2066 : memref<4096xf32, #tpu.memory_space<vmem>>[vector<16xi32>], vector<16xf32>,
          %add3A_2100 = vector.broadcast %add3A_1950 : i32 to vector<16xi32>
          %add3A_2101 = arith.addi %add3A_1579, %add3A_2100 : vector<16xi32>
          tpu.vector_store_idx %arg12[%add3A_2101], %gather3A_2071 : memref<4096xf32, #tpu.memory_space<vmem>>[vector<16xi32>], vector<16xf32>,
          %add3A_2102 = vector.broadcast %add3A_1950 : i32 to vector<16xi32>
          %add3A_2103 = arith.addi %add3A_1608, %add3A_2102 : vector<16xi32>
          tpu.vector_store_idx %arg12[%add3A_2103], %gather3A_2076 : memref<4096xf32, #tpu.memory_space<vmem>>[vector<16xi32>], vector<16xf32>,
          %add3A_2104 = vector.broadcast %add3A_1950 : i32 to vector<16xi32>
          %add3A_2105 = arith.addi %add3A_1637, %add3A_2104 : vector<16xi32>
          tpu.vector_store_idx %arg12[%add3A_2105], %gather3A_2081 : memref<4096xf32, #tpu.memory_space<vmem>>[vector<16xi32>], vector<16xf32>,
          %add3A_2106 = vector.broadcast %add3A_1950 : i32 to vector<16xi32>
          %add3A_2107 = arith.addi %add3A_1666, %add3A_2106 : vector<16xi32>
          tpu.vector_store_idx %arg12[%add3A_2107], %gather3A_2086 : memref<4096xf32, #tpu.memory_space<vmem>>[vector<16xi32>], vector<16xf32>,
          %add3A_2108 = vector.broadcast %add3A_1950 : i32 to vector<16xi32>
          %add3A_2109 = arith.addi %add3A_1695, %add3A_2108 : vector<16xi32>
          tpu.vector_store_idx %arg12[%add3A_2109], %gather3A_2091 : memref<4096xf32, #tpu.memory_space<vmem>>[vector<16xi32>], vector<16xf32>,
        }
        %scan3A_1792 = arith.constant 8 : i32
        %mul3A_1793 = arith.constant 10 : i32
        %mul3A_1794 = arith.muli %add3A_1759, %mul3A_1793 : i32
        %add3A_1795 = arith.addi %mul3A_1794, %add3A_1786 : i32
        %add3A_1796 = arith.constant 0 : i32
        %add3A_1797 = arith.addi %add3A_1796, %add3A : i32
        %mul3A_1798 = arith.constant 8 : i32
        %mul3A_1799 = arith.muli %add3A_1797, %mul3A_1798 : i32
        %mul3A_1800 = arith.constant 128 : i32
        %mul3A_1801 = arith.muli %mul3A_1799, %mul3A_1800 : i32
        %dma_start3A = arith.constant 0 : i32
        %dma_start3A_1802 = tpu.memref_slice %arg12[%dma_start3A] : memref<4096xf32, #tpu.memory_space<vmem>> -> memref<1024xf32, #tpu.memory_space<vmem>>
        %dma_start3A_1803 = tpu.memref_slice %arg5[%add3A_1795, %mul3A_1801] : memref<200x131072xf32, #tpu.memory_space<hbm>> -> memref<1x1024xf32, #tpu.memory_space<hbm>>
        %dma_start3A_1804 = tpu.memref_squeeze %dma_start3A_1803 : memref<1x1024xf32, #tpu.memory_space<hbm>> -> memref<1024xf32, #tpu.memory_space<hbm>>
        %dma_start3A_1805 = tpu.memref_slice %arg5[%add3A_1795, %mul3A_1801] : memref<200x131072xf32, #tpu.memory_space<hbm>> -> memref<1x1024xf32, #tpu.memory_space<hbm>>
        %dma_start3A_1806 = tpu.memref_squeeze %dma_start3A_1805 : memref<1x1024xf32, #tpu.memory_space<hbm>> -> memref<1024xf32, #tpu.memory_space<hbm>>
        %dma_start3A_1807 = arith.constant 0 : i32
        %dma_start3A_1808 = tpu.memref_slice %arg12[%dma_start3A_1807] : memref<4096xf32, #tpu.memory_space<vmem>> -> memref<1024xf32, #tpu.memory_space<vmem>>
        tpu.enqueue_dma source(%dma_start3A_1808 : memref<1024xf32, #tpu.memory_space<vmem>>) target(%dma_start3A_1806 : memref<1024xf32, #tpu.memory_space<hbm>>) target_semaphore(%arg16 : memref<!tpu.dma_semaphore, #tpu.memory_space<semaphore_mem>>)
        %add3A_1809 = arith.constant 32 : i32
        %add3A_1810 = arith.addi %add3A_1809, %add3A : i32
        %mul3A_1811 = arith.constant 8 : i32
        %mul3A_1812 = arith.muli %add3A_1810, %mul3A_1811 : i32
        %mul3A_1813 = arith.constant 128 : i32
        %mul3A_1814 = arith.muli %mul3A_1812, %mul3A_1813 : i32
        %dma_start3A_1815 = arith.constant 1024 : i32
        %dma_start3A_1816 = tpu.memref_slice %arg12[%dma_start3A_1815] : memref<4096xf32, #tpu.memory_space<vmem>> -> memref<1024xf32, #tpu.memory_space<vmem>>
        %dma_start3A_1817 = tpu.memref_slice %arg5[%add3A_1795, %mul3A_1814] : memref<200x131072xf32, #tpu.memory_space<hbm>> -> memref<1x1024xf32, #tpu.memory_space<hbm>>
        %dma_start3A_1818 = tpu.memref_squeeze %dma_start3A_1817 : memref<1x1024xf32, #tpu.memory_space<hbm>> -> memref<1024xf32, #tpu.memory_space<hbm>>
        %dma_start3A_1819 = tpu.memref_slice %arg5[%add3A_1795, %mul3A_1814] : memref<200x131072xf32, #tpu.memory_space<hbm>> -> memref<1x1024xf32, #tpu.memory_space<hbm>>
        %dma_start3A_1820 = tpu.memref_squeeze %dma_start3A_1819 : memref<1x1024xf32, #tpu.memory_space<hbm>> -> memref<1024xf32, #tpu.memory_space<hbm>>
        %dma_start3A_1821 = arith.constant 1024 : i32
        %dma_start3A_1822 = tpu.memref_slice %arg12[%dma_start3A_1821] : memref<4096xf32, #tpu.memory_space<vmem>> -> memref<1024xf32, #tpu.memory_space<vmem>>
        tpu.enqueue_dma source(%dma_start3A_1822 : memref<1024xf32, #tpu.memory_space<vmem>>) target(%dma_start3A_1820 : memref<1024xf32, #tpu.memory_space<hbm>>) target_semaphore(%arg16 : memref<!tpu.dma_semaphore, #tpu.memory_space<semaphore_mem>>)
        %add3A_1823 = arith.constant 64 : i32
        %add3A_1824 = arith.addi %add3A_1823, %add3A : i32
        %mul3A_1825 = arith.constant 8 : i32
        %mul3A_1826 = arith.muli %add3A_1824, %mul3A_1825 : i32
        %mul3A_1827 = arith.constant 128 : i32
        %mul3A_1828 = arith.muli %mul3A_1826, %mul3A_1827 : i32
        %dma_start3A_1829 = arith.constant 2048 : i32
        %dma_start3A_1830 = tpu.memref_slice %arg12[%dma_start3A_1829] : memref<4096xf32, #tpu.memory_space<vmem>> -> memref<1024xf32, #tpu.memory_space<vmem>>
        %dma_start3A_1831 = tpu.memref_slice %arg5[%add3A_1795, %mul3A_1828] : memref<200x131072xf32, #tpu.memory_space<hbm>> -> memref<1x1024xf32, #tpu.memory_space<hbm>>
        %dma_start3A_1832 = tpu.memref_squeeze %dma_start3A_1831 : memref<1x1024xf32, #tpu.memory_space<hbm>> -> memref<1024xf32, #tpu.memory_space<hbm>>
        %dma_start3A_1833 = tpu.memref_slice %arg5[%add3A_1795, %mul3A_1828] : memref<200x131072xf32, #tpu.memory_space<hbm>> -> memref<1x1024xf32, #tpu.memory_space<hbm>>
        %dma_start3A_1834 = tpu.memref_squeeze %dma_start3A_1833 : memref<1x1024xf32, #tpu.memory_space<hbm>> -> memref<1024xf32, #tpu.memory_space<hbm>>
        %dma_start3A_1835 = arith.constant 2048 : i32
        %dma_start3A_1836 = tpu.memref_slice %arg12[%dma_start3A_1835] : memref<4096xf32, #tpu.memory_space<vmem>> -> memref<1024xf32, #tpu.memory_space<vmem>>
        tpu.enqueue_dma source(%dma_start3A_1836 : memref<1024xf32, #tpu.memory_space<vmem>>) target(%dma_start3A_1834 : memref<1024xf32, #tpu.memory_space<hbm>>) target_semaphore(%arg16 : memref<!tpu.dma_semaphore, #tpu.memory_space<semaphore_mem>>)
        %add3A_1837 = arith.constant 96 : i32
        %add3A_1838 = arith.addi %add3A_1837, %add3A : i32
        %mul3A_1839 = arith.constant 8 : i32
        %mul3A_1840 = arith.muli %add3A_1838, %mul3A_1839 : i32
        %mul3A_1841 = arith.constant 128 : i32
        %mul3A_1842 = arith.muli %mul3A_1840, %mul3A_1841 : i32
        %dma_start3A_1843 = arith.constant 3072 : i32
        %dma_start3A_1844 = tpu.memref_slice %arg12[%dma_start3A_1843] : memref<4096xf32, #tpu.memory_space<vmem>> -> memref<1024xf32, #tpu.memory_space<vmem>>
        %dma_start3A_1845 = tpu.memref_slice %arg5[%add3A_1795, %mul3A_1842] : memref<200x131072xf32, #tpu.memory_space<hbm>> -> memref<1x1024xf32, #tpu.memory_space<hbm>>
        %dma_start3A_1846 = tpu.memref_squeeze %dma_start3A_1845 : memref<1x1024xf32, #tpu.memory_space<hbm>> -> memref<1024xf32, #tpu.memory_space<hbm>>
        %dma_start3A_1847 = tpu.memref_slice %arg5[%add3A_1795, %mul3A_1842] : memref<200x131072xf32, #tpu.memory_space<hbm>> -> memref<1x1024xf32, #tpu.memory_space<hbm>>
        %dma_start3A_1848 = tpu.memref_squeeze %dma_start3A_1847 : memref<1x1024xf32, #tpu.memory_space<hbm>> -> memref<1024xf32, #tpu.memory_space<hbm>>
        %dma_start3A_1849 = arith.constant 3072 : i32
        %dma_start3A_1850 = tpu.memref_slice %arg12[%dma_start3A_1849] : memref<4096xf32, #tpu.memory_space<vmem>> -> memref<1024xf32, #tpu.memory_space<vmem>>
        tpu.enqueue_dma source(%dma_start3A_1850 : memref<1024xf32, #tpu.memory_space<vmem>>) target(%dma_start3A_1848 : memref<1024xf32, #tpu.memory_space<hbm>>) target_semaphore(%arg16 : memref<!tpu.dma_semaphore, #tpu.memory_space<semaphore_mem>>)
        %mul3A_1851 = arith.constant 2 : i32
        %mul3A_1852 = arith.muli %mul3A_1851, %scan3A_1782 : i32
        %add3A_1853 = arith.constant 1 : i32
        %add3A_1854 = arith.addi %mul3A_1852, %add3A_1853 : i32
        tpu.wait_dma2 semaphore(%arg17 : memref<!tpu.dma_semaphore, #tpu.memory_space<semaphore_mem>>) src(%arg6 : memref<4096xf32, #tpu.memory_space<hbm>>) dst(%arg13 : memref<4096xf32, #tpu.memory_space<vmem>>)
        %scan3A_1855 = arith.constant 0 : i32
        %scan3A_1856 = arith.constant 0 : i32
        %scan3A_1857 = arith.constant 8 : i32
        %scan3A_1858 = arith.addi %scan3A_1856, %scan3A_1857 : i32
        %scan3A_1859 = arith.constant 1 : i32
        scf.for %scan3A_1920 = %scan3A_1856 to %scan3A_1858 step %scan3A_1859  : i32 {
          %mul3A_1921 = arith.constant 16 : i32
          %mul3A_1922 = arith.muli %scan3A_1920, %mul3A_1921 : i32
          %mul3A_1923 = arith.constant 10 : i32
          %mul3A_1924 = arith.muli %mul3A_1922, %mul3A_1923 : i32
          %mul3A_1925 = arith.constant 32 : i32
          %mul3A_1926 = arith.muli %mul3A_1924, %mul3A_1925 : i32
          %mul3A_1927 = arith.constant 32 : i32
          %mul3A_1928 = arith.muli %add3A_1854, %mul3A_1927 : i32
          %add3A_1929 = arith.addi %mul3A_1926, %mul3A_1928 : i32
          %add3A_1930 = arith.constant 0 : i32
          %add3A_1931 = arith.addi %add3A_1929, %add3A_1930 : i32
          %mul3A_1932 = arith.constant 16 : i32
          %mul3A_1933 = arith.muli %scan3A_1920, %mul3A_1932 : i32
          %add3A_1934 = arith.constant 0 : i32
          %add3A_1935 = arith.addi %add3A_1934, %mul3A_1933 : i32
          %mul3A_1936 = arith.constant 16 : i32
          %mul3A_1937 = arith.muli %scan3A_1920, %mul3A_1936 : i32
          %mul3A_1938 = arith.constant 10 : i32
          %mul3A_1939 = arith.muli %mul3A_1937, %mul3A_1938 : i32
          %mul3A_1940 = arith.constant 32 : i32
          %mul3A_1941 = arith.muli %mul3A_1939, %mul3A_1940 : i32
          %mul3A_1942 = arith.constant 32 : i32
          %mul3A_1943 = arith.muli %add3A_1854, %mul3A_1942 : i32
          %add3A_1944 = arith.addi %mul3A_1941, %mul3A_1943 : i32
          %add3A_1945 = arith.constant 16 : i32
          %add3A_1946 = arith.addi %add3A_1944, %add3A_1945 : i32
          %mul3A_1947 = arith.constant 16 : i32
          %mul3A_1948 = arith.muli %scan3A_1920, %mul3A_1947 : i32
          %add3A_1949 = arith.constant 2048 : i32
          %add3A_1950 = arith.addi %add3A_1949, %mul3A_1948 : i32
          %add3A_1951 = vector.broadcast %add3A_1931 : i32 to vector<16xi32>
          %add3A_1952 = arith.addi %add3A_796, %add3A_1951 : vector<16xi32>
          %gather3A = tpu.vector_load_idx %arg11[%add3A_1952] : memref<40960xf32, #tpu.memory_space<vmem>>[vector<16xi32>], vector<16xf32>,
          %add3A_1953 = vector.broadcast %add3A_1931 : i32 to vector<16xi32>
          %add3A_1954 = arith.addi %add3A_825, %add3A_1953 : vector<16xi32>
          %gather3A_1955 = tpu.vector_load_idx %arg11[%add3A_1954] : memref<40960xf32, #tpu.memory_space<vmem>>[vector<16xi32>], vector<16xf32>,
          %add3A_1956 = vector.broadcast %add3A_1931 : i32 to vector<16xi32>
          %add3A_1957 = arith.addi %add3A_854, %add3A_1956 : vector<16xi32>
          %gather3A_1958 = tpu.vector_load_idx %arg11[%add3A_1957] : memref<40960xf32, #tpu.memory_space<vmem>>[vector<16xi32>], vector<16xf32>,
          %add3A_1959 = vector.broadcast %add3A_1931 : i32 to vector<16xi32>
          %add3A_1960 = arith.addi %add3A_883, %add3A_1959 : vector<16xi32>
          %gather3A_1961 = tpu.vector_load_idx %arg11[%add3A_1960] : memref<40960xf32, #tpu.memory_space<vmem>>[vector<16xi32>], vector<16xf32>,
          %add3A_1962 = vector.broadcast %add3A_1931 : i32 to vector<16xi32>
          %add3A_1963 = arith.addi %add3A_912, %add3A_1962 : vector<16xi32>
          %gather3A_1964 = tpu.vector_load_idx %arg11[%add3A_1963] : memref<40960xf32, #tpu.memory_space<vmem>>[vector<16xi32>], vector<16xf32>,
          %add3A_1965 = vector.broadcast %add3A_1931 : i32 to vector<16xi32>
          %add3A_1966 = arith.addi %add3A_941, %add3A_1965 : vector<16xi32>
          %gather3A_1967 = tpu.vector_load_idx %arg11[%add3A_1966] : memref<40960xf32, #tpu.memory_space<vmem>>[vector<16xi32>], vector<16xf32>,
          %add3A_1968 = vector.broadcast %add3A_1931 : i32 to vector<16xi32>
          %add3A_1969 = arith.addi %add3A_970, %add3A_1968 : vector<16xi32>
          %gather3A_1970 = tpu.vector_load_idx %arg11[%add3A_1969] : memref<40960xf32, #tpu.memory_space<vmem>>[vector<16xi32>], vector<16xf32>,
          %add3A_1971 = vector.broadcast %add3A_1931 : i32 to vector<16xi32>
          %add3A_1972 = arith.addi %add3A_999, %add3A_1971 : vector<16xi32>
          %gather3A_1973 = tpu.vector_load_idx %arg11[%add3A_1972] : memref<40960xf32, #tpu.memory_space<vmem>>[vector<16xi32>], vector<16xf32>,
          %add3A_1974 = vector.broadcast %add3A_1931 : i32 to vector<16xi32>
          %add3A_1975 = arith.addi %add3A_1028, %add3A_1974 : vector<16xi32>
          %gather3A_1976 = tpu.vector_load_idx %arg11[%add3A_1975] : memref<40960xf32, #tpu.memory_space<vmem>>[vector<16xi32>], vector<16xf32>,
          %add3A_1977 = vector.broadcast %add3A_1935 : i32 to vector<16xi32>
          %add3A_1978 = arith.addi %add3A_1260, %add3A_1977 : vector<16xi32>
          tpu.vector_store_idx %arg13[%add3A_1978], %gather3A : memref<4096xf32, #tpu.memory_space<vmem>>[vector<16xi32>], vector<16xf32>,
          %add3A_1979 = vector.broadcast %add3A_1931 : i32 to vector<16xi32>
          %add3A_1980 = arith.addi %add3A_1057, %add3A_1979 : vector<16xi32>
          %gather3A_1981 = tpu.vector_load_idx %arg11[%add3A_1980] : memref<40960xf32, #tpu.memory_space<vmem>>[vector<16xi32>], vector<16xf32>,
          %add3A_1982 = vector.broadcast %add3A_1935 : i32 to vector<16xi32>
          %add3A_1983 = arith.addi %add3A_1289, %add3A_1982 : vector<16xi32>
          tpu.vector_store_idx %arg13[%add3A_1983], %gather3A_1955 : memref<4096xf32, #tpu.memory_space<vmem>>[vector<16xi32>], vector<16xf32>,
          %add3A_1984 = vector.broadcast %add3A_1931 : i32 to vector<16xi32>
          %add3A_1985 = arith.addi %add3A_1086, %add3A_1984 : vector<16xi32>
          %gather3A_1986 = tpu.vector_load_idx %arg11[%add3A_1985] : memref<40960xf32, #tpu.memory_space<vmem>>[vector<16xi32>], vector<16xf32>,
          %add3A_1987 = vector.broadcast %add3A_1935 : i32 to vector<16xi32>
          %add3A_1988 = arith.addi %add3A_1318, %add3A_1987 : vector<16xi32>
          tpu.vector_store_idx %arg13[%add3A_1988], %gather3A_1958 : memref<4096xf32, #tpu.memory_space<vmem>>[vector<16xi32>], vector<16xf32>,
          %add3A_1989 = vector.broadcast %add3A_1931 : i32 to vector<16xi32>
          %add3A_1990 = arith.addi %add3A_1115, %add3A_1989 : vector<16xi32>
          %gather3A_1991 = tpu.vector_load_idx %arg11[%add3A_1990] : memref<40960xf32, #tpu.memory_space<vmem>>[vector<16xi32>], vector<16xf32>,
          %add3A_1992 = vector.broadcast %add3A_1935 : i32 to vector<16xi32>
          %add3A_1993 = arith.addi %add3A_1347, %add3A_1992 : vector<16xi32>
          tpu.vector_store_idx %arg13[%add3A_1993], %gather3A_1961 : memref<4096xf32, #tpu.memory_space<vmem>>[vector<16xi32>], vector<16xf32>,
          %add3A_1994 = vector.broadcast %add3A_1931 : i32 to vector<16xi32>
          %add3A_1995 = arith.addi %add3A_1144, %add3A_1994 : vector<16xi32>
          %gather3A_1996 = tpu.vector_load_idx %arg11[%add3A_1995] : memref<40960xf32, #tpu.memory_space<vmem>>[vector<16xi32>], vector<16xf32>,
          %add3A_1997 = vector.broadcast %add3A_1935 : i32 to vector<16xi32>
          %add3A_1998 = arith.addi %add3A_1376, %add3A_1997 : vector<16xi32>
          tpu.vector_store_idx %arg13[%add3A_1998], %gather3A_1964 : memref<4096xf32, #tpu.memory_space<vmem>>[vector<16xi32>], vector<16xf32>,
          %add3A_1999 = vector.broadcast %add3A_1931 : i32 to vector<16xi32>
          %add3A_2000 = arith.addi %add3A_1173, %add3A_1999 : vector<16xi32>
          %gather3A_2001 = tpu.vector_load_idx %arg11[%add3A_2000] : memref<40960xf32, #tpu.memory_space<vmem>>[vector<16xi32>], vector<16xf32>,
          %add3A_2002 = vector.broadcast %add3A_1935 : i32 to vector<16xi32>
          %add3A_2003 = arith.addi %add3A_1405, %add3A_2002 : vector<16xi32>
          tpu.vector_store_idx %arg13[%add3A_2003], %gather3A_1967 : memref<4096xf32, #tpu.memory_space<vmem>>[vector<16xi32>], vector<16xf32>,
          %add3A_2004 = vector.broadcast %add3A_1931 : i32 to vector<16xi32>
          %add3A_2005 = arith.addi %add3A_1202, %add3A_2004 : vector<16xi32>
          %gather3A_2006 = tpu.vector_load_idx %arg11[%add3A_2005] : memref<40960xf32, #tpu.memory_space<vmem>>[vector<16xi32>], vector<16xf32>,
          %add3A_2007 = vector.broadcast %add3A_1935 : i32 to vector<16xi32>
          %add3A_2008 = arith.addi %add3A_1434, %add3A_2007 : vector<16xi32>
          tpu.vector_store_idx %arg13[%add3A_2008], %gather3A_1970 : memref<4096xf32, #tpu.memory_space<vmem>>[vector<16xi32>], vector<16xf32>,
          %add3A_2009 = vector.broadcast %add3A_1931 : i32 to vector<16xi32>
          %add3A_2010 = arith.addi %add3A_1231, %add3A_2009 : vector<16xi32>
          %gather3A_2011 = tpu.vector_load_idx %arg11[%add3A_2010] : memref<40960xf32, #tpu.memory_space<vmem>>[vector<16xi32>], vector<16xf32>,
          %add3A_2012 = vector.broadcast %add3A_1935 : i32 to vector<16xi32>
          %add3A_2013 = arith.addi %add3A_1463, %add3A_2012 : vector<16xi32>
          tpu.vector_store_idx %arg13[%add3A_2013], %gather3A_1973 : memref<4096xf32, #tpu.memory_space<vmem>>[vector<16xi32>], vector<16xf32>,
          %add3A_2014 = vector.broadcast %add3A_1946 : i32 to vector<16xi32>
          %add3A_2015 = arith.addi %add3A_796, %add3A_2014 : vector<16xi32>
          %gather3A_2016 = tpu.vector_load_idx %arg11[%add3A_2015] : memref<40960xf32, #tpu.memory_space<vmem>>[vector<16xi32>], vector<16xf32>,
          %add3A_2017 = vector.broadcast %add3A_1935 : i32 to vector<16xi32>
          %add3A_2018 = arith.addi %add3A_1492, %add3A_2017 : vector<16xi32>
          tpu.vector_store_idx %arg13[%add3A_2018], %gather3A_1976 : memref<4096xf32, #tpu.memory_space<vmem>>[vector<16xi32>], vector<16xf32>,
          %add3A_2019 = vector.broadcast %add3A_1946 : i32 to vector<16xi32>
          %add3A_2020 = arith.addi %add3A_825, %add3A_2019 : vector<16xi32>
          %gather3A_2021 = tpu.vector_load_idx %arg11[%add3A_2020] : memref<40960xf32, #tpu.memory_space<vmem>>[vector<16xi32>], vector<16xf32>,
          %add3A_2022 = vector.broadcast %add3A_1935 : i32 to vector<16xi32>
          %add3A_2023 = arith.addi %add3A_1521, %add3A_2022 : vector<16xi32>
          tpu.vector_store_idx %arg13[%add3A_2023], %gather3A_1981 : memref<4096xf32, #tpu.memory_space<vmem>>[vector<16xi32>], vector<16xf32>,
          %add3A_2024 = vector.broadcast %add3A_1946 : i32 to vector<16xi32>
          %add3A_2025 = arith.addi %add3A_854, %add3A_2024 : vector<16xi32>
          %gather3A_2026 = tpu.vector_load_idx %arg11[%add3A_2025] : memref<40960xf32, #tpu.memory_space<vmem>>[vector<16xi32>], vector<16xf32>,
          %add3A_2027 = vector.broadcast %add3A_1935 : i32 to vector<16xi32>
          %add3A_2028 = arith.addi %add3A_1550, %add3A_2027 : vector<16xi32>
          tpu.vector_store_idx %arg13[%add3A_2028], %gather3A_1986 : memref<4096xf32, #tpu.memory_space<vmem>>[vector<16xi32>], vector<16xf32>,
          %add3A_2029 = vector.broadcast %add3A_1946 : i32 to vector<16xi32>
          %add3A_2030 = arith.addi %add3A_883, %add3A_2029 : vector<16xi32>
          %gather3A_2031 = tpu.vector_load_idx %arg11[%add3A_2030] : memref<40960xf32, #tpu.memory_space<vmem>>[vector<16xi32>], vector<16xf32>,
          %add3A_2032 = vector.broadcast %add3A_1935 : i32 to vector<16xi32>
          %add3A_2033 = arith.addi %add3A_1579, %add3A_2032 : vector<16xi32>
          tpu.vector_store_idx %arg13[%add3A_2033], %gather3A_1991 : memref<4096xf32, #tpu.memory_space<vmem>>[vector<16xi32>], vector<16xf32>,
          %add3A_2034 = vector.broadcast %add3A_1946 : i32 to vector<16xi32>
          %add3A_2035 = arith.addi %add3A_912, %add3A_2034 : vector<16xi32>
          %gather3A_2036 = tpu.vector_load_idx %arg11[%add3A_2035] : memref<40960xf32, #tpu.memory_space<vmem>>[vector<16xi32>], vector<16xf32>,
          %add3A_2037 = vector.broadcast %add3A_1935 : i32 to vector<16xi32>
          %add3A_2038 = arith.addi %add3A_1608, %add3A_2037 : vector<16xi32>
          tpu.vector_store_idx %arg13[%add3A_2038], %gather3A_1996 : memref<4096xf32, #tpu.memory_space<vmem>>[vector<16xi32>], vector<16xf32>,
          %add3A_2039 = vector.broadcast %add3A_1946 : i32 to vector<16xi32>
          %add3A_2040 = arith.addi %add3A_941, %add3A_2039 : vector<16xi32>
          %gather3A_2041 = tpu.vector_load_idx %arg11[%add3A_2040] : memref<40960xf32, #tpu.memory_space<vmem>>[vector<16xi32>], vector<16xf32>,
          %add3A_2042 = vector.broadcast %add3A_1935 : i32 to vector<16xi32>
          %add3A_2043 = arith.addi %add3A_1637, %add3A_2042 : vector<16xi32>
          tpu.vector_store_idx %arg13[%add3A_2043], %gather3A_2001 : memref<4096xf32, #tpu.memory_space<vmem>>[vector<16xi32>], vector<16xf32>,
          %add3A_2044 = vector.broadcast %add3A_1946 : i32 to vector<16xi32>
          %add3A_2045 = arith.addi %add3A_970, %add3A_2044 : vector<16xi32>
          %gather3A_2046 = tpu.vector_load_idx %arg11[%add3A_2045] : memref<40960xf32, #tpu.memory_space<vmem>>[vector<16xi32>], vector<16xf32>,
          %add3A_2047 = vector.broadcast %add3A_1935 : i32 to vector<16xi32>
          %add3A_2048 = arith.addi %add3A_1666, %add3A_2047 : vector<16xi32>
          tpu.vector_store_idx %arg13[%add3A_2048], %gather3A_2006 : memref<4096xf32, #tpu.memory_space<vmem>>[vector<16xi32>], vector<16xf32>,
          %add3A_2049 = vector.broadcast %add3A_1946 : i32 to vector<16xi32>
          %add3A_2050 = arith.addi %add3A_999, %add3A_2049 : vector<16xi32>
          %gather3A_2051 = tpu.vector_load_idx %arg11[%add3A_2050] : memref<40960xf32, #tpu.memory_space<vmem>>[vector<16xi32>], vector<16xf32>,
          %add3A_2052 = vector.broadcast %add3A_1935 : i32 to vector<16xi32>
          %add3A_2053 = arith.addi %add3A_1695, %add3A_2052 : vector<16xi32>
          tpu.vector_store_idx %arg13[%add3A_2053], %gather3A_2011 : memref<4096xf32, #tpu.memory_space<vmem>>[vector<16xi32>], vector<16xf32>,
          %add3A_2054 = vector.broadcast %add3A_1946 : i32 to vector<16xi32>
          %add3A_2055 = arith.addi %add3A_1028, %add3A_2054 : vector<16xi32>
          %gather3A_2056 = tpu.vector_load_idx %arg11[%add3A_2055] : memref<40960xf32, #tpu.memory_space<vmem>>[vector<16xi32>], vector<16xf32>,
          %add3A_2057 = vector.broadcast %add3A_1950 : i32 to vector<16xi32>
          %add3A_2058 = arith.addi %add3A_1260, %add3A_2057 : vector<16xi32>
          tpu.vector_store_idx %arg13[%add3A_2058], %gather3A_2016 : memref<4096xf32, #tpu.memory_space<vmem>>[vector<16xi32>], vector<16xf32>,
          %add3A_2059 = vector.broadcast %add3A_1946 : i32 to vector<16xi32>
          %add3A_2060 = arith.addi %add3A_1057, %add3A_2059 : vector<16xi32>
          %gather3A_2061 = tpu.vector_load_idx %arg11[%add3A_2060] : memref<40960xf32, #tpu.memory_space<vmem>>[vector<16xi32>], vector<16xf32>,
          %add3A_2062 = vector.broadcast %add3A_1950 : i32 to vector<16xi32>
          %add3A_2063 = arith.addi %add3A_1289, %add3A_2062 : vector<16xi32>
          tpu.vector_store_idx %arg13[%add3A_2063], %gather3A_2021 : memref<4096xf32, #tpu.memory_space<vmem>>[vector<16xi32>], vector<16xf32>,
          %add3A_2064 = vector.broadcast %add3A_1946 : i32 to vector<16xi32>
          %add3A_2065 = arith.addi %add3A_1086, %add3A_2064 : vector<16xi32>
          %gather3A_2066 = tpu.vector_load_idx %arg11[%add3A_2065] : memref<40960xf32, #tpu.memory_space<vmem>>[vector<16xi32>], vector<16xf32>,
          %add3A_2067 = vector.broadcast %add3A_1950 : i32 to vector<16xi32>
          %add3A_2068 = arith.addi %add3A_1318, %add3A_2067 : vector<16xi32>
          tpu.vector_store_idx %arg13[%add3A_2068], %gather3A_2026 : memref<4096xf32, #tpu.memory_space<vmem>>[vector<16xi32>], vector<16xf32>,
          %add3A_2069 = vector.broadcast %add3A_1946 : i32 to vector<16xi32>
          %add3A_2070 = arith.addi %add3A_1115, %add3A_2069 : vector<16xi32>
          %gather3A_2071 = tpu.vector_load_idx %arg11[%add3A_2070] : memref<40960xf32, #tpu.memory_space<vmem>>[vector<16xi32>], vector<16xf32>,
          %add3A_2072 = vector.broadcast %add3A_1950 : i32 to vector<16xi32>
          %add3A_2073 = arith.addi %add3A_1347, %add3A_2072 : vector<16xi32>
          tpu.vector_store_idx %arg13[%add3A_2073], %gather3A_2031 : memref<4096xf32, #tpu.memory_space<vmem>>[vector<16xi32>], vector<16xf32>,
          %add3A_2074 = vector.broadcast %add3A_1946 : i32 to vector<16xi32>
          %add3A_2075 = arith.addi %add3A_1144, %add3A_2074 : vector<16xi32>
          %gather3A_2076 = tpu.vector_load_idx %arg11[%add3A_2075] : memref<40960xf32, #tpu.memory_space<vmem>>[vector<16xi32>], vector<16xf32>,
          %add3A_2077 = vector.broadcast %add3A_1950 : i32 to vector<16xi32>
          %add3A_2078 = arith.addi %add3A_1376, %add3A_2077 : vector<16xi32>
          tpu.vector_store_idx %arg13[%add3A_2078], %gather3A_2036 : memref<4096xf32, #tpu.memory_space<vmem>>[vector<16xi32>], vector<16xf32>,
          %add3A_2079 = vector.broadcast %add3A_1946 : i32 to vector<16xi32>
          %add3A_2080 = arith.addi %add3A_1173, %add3A_2079 : vector<16xi32>
          %gather3A_2081 = tpu.vector_load_idx %arg11[%add3A_2080] : memref<40960xf32, #tpu.memory_space<vmem>>[vector<16xi32>], vector<16xf32>,
          %add3A_2082 = vector.broadcast %add3A_1950 : i32 to vector<16xi32>
          %add3A_2083 = arith.addi %add3A_1405, %add3A_2082 : vector<16xi32>
          tpu.vector_store_idx %arg13[%add3A_2083], %gather3A_2041 : memref<4096xf32, #tpu.memory_space<vmem>>[vector<16xi32>], vector<16xf32>,
          %add3A_2084 = vector.broadcast %add3A_1946 : i32 to vector<16xi32>
          %add3A_2085 = arith.addi %add3A_1202, %add3A_2084 : vector<16xi32>
          %gather3A_2086 = tpu.vector_load_idx %arg11[%add3A_2085] : memref<40960xf32, #tpu.memory_space<vmem>>[vector<16xi32>], vector<16xf32>,
          %add3A_2087 = vector.broadcast %add3A_1950 : i32 to vector<16xi32>
          %add3A_2088 = arith.addi %add3A_1434, %add3A_2087 : vector<16xi32>
          tpu.vector_store_idx %arg13[%add3A_2088], %gather3A_2046 : memref<4096xf32, #tpu.memory_space<vmem>>[vector<16xi32>], vector<16xf32>,
          %add3A_2089 = vector.broadcast %add3A_1946 : i32 to vector<16xi32>
          %add3A_2090 = arith.addi %add3A_1231, %add3A_2089 : vector<16xi32>
          %gather3A_2091 = tpu.vector_load_idx %arg11[%add3A_2090] : memref<40960xf32, #tpu.memory_space<vmem>>[vector<16xi32>], vector<16xf32>,
          %add3A_2092 = vector.broadcast %add3A_1950 : i32 to vector<16xi32>
          %add3A_2093 = arith.addi %add3A_1463, %add3A_2092 : vector<16xi32>
          tpu.vector_store_idx %arg13[%add3A_2093], %gather3A_2051 : memref<4096xf32, #tpu.memory_space<vmem>>[vector<16xi32>], vector<16xf32>,
          %add3A_2094 = vector.broadcast %add3A_1950 : i32 to vector<16xi32>
          %add3A_2095 = arith.addi %add3A_1492, %add3A_2094 : vector<16xi32>
          tpu.vector_store_idx %arg13[%add3A_2095], %gather3A_2056 : memref<4096xf32, #tpu.memory_space<vmem>>[vector<16xi32>], vector<16xf32>,
          %add3A_2096 = vector.broadcast %add3A_1950 : i32 to vector<16xi32>
          %add3A_2097 = arith.addi %add3A_1521, %add3A_2096 : vector<16xi32>
          tpu.vector_store_idx %arg13[%add3A_2097], %gather3A_2061 : memref<4096xf32, #tpu.memory_space<vmem>>[vector<16xi32>], vector<16xf32>,
          %add3A_2098 = vector.broadcast %add3A_1950 : i32 to vector<16xi32>
          %add3A_2099 = arith.addi %add3A_1550, %add3A_2098 : vector<16xi32>
          tpu.vector_store_idx %arg13[%add3A_2099], %gather3A_2066 : memref<4096xf32, #tpu.memory_space<vmem>>[vector<16xi32>], vector<16xf32>,
          %add3A_2100 = vector.broadcast %add3A_1950 : i32 to vector<16xi32>
          %add3A_2101 = arith.addi %add3A_1579, %add3A_2100 : vector<16xi32>
          tpu.vector_store_idx %arg13[%add3A_2101], %gather3A_2071 : memref<4096xf32, #tpu.memory_space<vmem>>[vector<16xi32>], vector<16xf32>,
          %add3A_2102 = vector.broadcast %add3A_1950 : i32 to vector<16xi32>
          %add3A_2103 = arith.addi %add3A_1608, %add3A_2102 : vector<16xi32>
          tpu.vector_store_idx %arg13[%add3A_2103], %gather3A_2076 : memref<4096xf32, #tpu.memory_space<vmem>>[vector<16xi32>], vector<16xf32>,
          %add3A_2104 = vector.broadcast %add3A_1950 : i32 to vector<16xi32>
          %add3A_2105 = arith.addi %add3A_1637, %add3A_2104 : vector<16xi32>
          tpu.vector_store_idx %arg13[%add3A_2105], %gather3A_2081 : memref<4096xf32, #tpu.memory_space<vmem>>[vector<16xi32>], vector<16xf32>,
          %add3A_2106 = vector.broadcast %add3A_1950 : i32 to vector<16xi32>
          %add3A_2107 = arith.addi %add3A_1666, %add3A_2106 : vector<16xi32>
          tpu.vector_store_idx %arg13[%add3A_2107], %gather3A_2086 : memref<4096xf32, #tpu.memory_space<vmem>>[vector<16xi32>], vector<16xf32>,
          %add3A_2108 = vector.broadcast %add3A_1950 : i32 to vector<16xi32>
          %add3A_2109 = arith.addi %add3A_1695, %add3A_2108 : vector<16xi32>
          tpu.vector_store_idx %arg13[%add3A_2109], %gather3A_2091 : memref<4096xf32, #tpu.memory_space<vmem>>[vector<16xi32>], vector<16xf32>,
        }
        %scan3A_1860 = arith.constant 8 : i32
        %mul3A_1861 = arith.constant 10 : i32
        %mul3A_1862 = arith.muli %add3A_1759, %mul3A_1861 : i32
        %add3A_1863 = arith.addi %mul3A_1862, %add3A_1854 : i32
        %add3A_1864 = arith.constant 0 : i32
        %add3A_1865 = arith.addi %add3A_1864, %add3A : i32
        %mul3A_1866 = arith.constant 8 : i32
        %mul3A_1867 = arith.muli %add3A_1865, %mul3A_1866 : i32
        %mul3A_1868 = arith.constant 128 : i32
        %mul3A_1869 = arith.muli %mul3A_1867, %mul3A_1868 : i32
        %dma_start3A_1870 = arith.constant 0 : i32
        %dma_start3A_1871 = tpu.memref_slice %arg13[%dma_start3A_1870] : memref<4096xf32, #tpu.memory_space<vmem>> -> memref<1024xf32, #tpu.memory_space<vmem>>
        %dma_start3A_1872 = tpu.memref_slice %arg5[%add3A_1863, %mul3A_1869] : memref<200x131072xf32, #tpu.memory_space<hbm>> -> memref<1x1024xf32, #tpu.memory_space<hbm>>
        %dma_start3A_1873 = tpu.memref_squeeze %dma_start3A_1872 : memref<1x1024xf32, #tpu.memory_space<hbm>> -> memref<1024xf32, #tpu.memory_space<hbm>>
        %dma_start3A_1874 = tpu.memref_slice %arg5[%add3A_1863, %mul3A_1869] : memref<200x131072xf32, #tpu.memory_space<hbm>> -> memref<1x1024xf32, #tpu.memory_space<hbm>>
        %dma_start3A_1875 = tpu.memref_squeeze %dma_start3A_1874 : memref<1x1024xf32, #tpu.memory_space<hbm>> -> memref<1024xf32, #tpu.memory_space<hbm>>
        %dma_start3A_1876 = arith.constant 0 : i32
        %dma_start3A_1877 = tpu.memref_slice %arg13[%dma_start3A_1876] : memref<4096xf32, #tpu.memory_space<vmem>> -> memref<1024xf32, #tpu.memory_space<vmem>>
        tpu.enqueue_dma source(%dma_start3A_1877 : memref<1024xf32, #tpu.memory_space<vmem>>) target(%dma_start3A_1875 : memref<1024xf32, #tpu.memory_space<hbm>>) target_semaphore(%arg17 : memref<!tpu.dma_semaphore, #tpu.memory_space<semaphore_mem>>)
        %add3A_1878 = arith.constant 32 : i32
        %add3A_1879 = arith.addi %add3A_1878, %add3A : i32
        %mul3A_1880 = arith.constant 8 : i32
        %mul3A_1881 = arith.muli %add3A_1879, %mul3A_1880 : i32
        %mul3A_1882 = arith.constant 128 : i32
        %mul3A_1883 = arith.muli %mul3A_1881, %mul3A_1882 : i32
        %dma_start3A_1884 = arith.constant 1024 : i32
        %dma_start3A_1885 = tpu.memref_slice %arg13[%dma_start3A_1884] : memref<4096xf32, #tpu.memory_space<vmem>> -> memref<1024xf32, #tpu.memory_space<vmem>>
        %dma_start3A_1886 = tpu.memref_slice %arg5[%add3A_1863, %mul3A_1883] : memref<200x131072xf32, #tpu.memory_space<hbm>> -> memref<1x1024xf32, #tpu.memory_space<hbm>>
        %dma_start3A_1887 = tpu.memref_squeeze %dma_start3A_1886 : memref<1x1024xf32, #tpu.memory_space<hbm>> -> memref<1024xf32, #tpu.memory_space<hbm>>
        %dma_start3A_1888 = tpu.memref_slice %arg5[%add3A_1863, %mul3A_1883] : memref<200x131072xf32, #tpu.memory_space<hbm>> -> memref<1x1024xf32, #tpu.memory_space<hbm>>
        %dma_start3A_1889 = tpu.memref_squeeze %dma_start3A_1888 : memref<1x1024xf32, #tpu.memory_space<hbm>> -> memref<1024xf32, #tpu.memory_space<hbm>>
        %dma_start3A_1890 = arith.constant 1024 : i32
        %dma_start3A_1891 = tpu.memref_slice %arg13[%dma_start3A_1890] : memref<4096xf32, #tpu.memory_space<vmem>> -> memref<1024xf32, #tpu.memory_space<vmem>>
        tpu.enqueue_dma source(%dma_start3A_1891 : memref<1024xf32, #tpu.memory_space<vmem>>) target(%dma_start3A_1889 : memref<1024xf32, #tpu.memory_space<hbm>>) target_semaphore(%arg17 : memref<!tpu.dma_semaphore, #tpu.memory_space<semaphore_mem>>)
        %add3A_1892 = arith.constant 64 : i32
        %add3A_1893 = arith.addi %add3A_1892, %add3A : i32
        %mul3A_1894 = arith.constant 8 : i32
        %mul3A_1895 = arith.muli %add3A_1893, %mul3A_1894 : i32
        %mul3A_1896 = arith.constant 128 : i32
        %mul3A_1897 = arith.muli %mul3A_1895, %mul3A_1896 : i32
        %dma_start3A_1898 = arith.constant 2048 : i32
        %dma_start3A_1899 = tpu.memref_slice %arg13[%dma_start3A_1898] : memref<4096xf32, #tpu.memory_space<vmem>> -> memref<1024xf32, #tpu.memory_space<vmem>>
        %dma_start3A_1900 = tpu.memref_slice %arg5[%add3A_1863, %mul3A_1897] : memref<200x131072xf32, #tpu.memory_space<hbm>> -> memref<1x1024xf32, #tpu.memory_space<hbm>>
        %dma_start3A_1901 = tpu.memref_squeeze %dma_start3A_1900 : memref<1x1024xf32, #tpu.memory_space<hbm>> -> memref<1024xf32, #tpu.memory_space<hbm>>
        %dma_start3A_1902 = tpu.memref_slice %arg5[%add3A_1863, %mul3A_1897] : memref<200x131072xf32, #tpu.memory_space<hbm>> -> memref<1x1024xf32, #tpu.memory_space<hbm>>
        %dma_start3A_1903 = tpu.memref_squeeze %dma_start3A_1902 : memref<1x1024xf32, #tpu.memory_space<hbm>> -> memref<1024xf32, #tpu.memory_space<hbm>>
        %dma_start3A_1904 = arith.constant 2048 : i32
        %dma_start3A_1905 = tpu.memref_slice %arg13[%dma_start3A_1904] : memref<4096xf32, #tpu.memory_space<vmem>> -> memref<1024xf32, #tpu.memory_space<vmem>>
        tpu.enqueue_dma source(%dma_start3A_1905 : memref<1024xf32, #tpu.memory_space<vmem>>) target(%dma_start3A_1903 : memref<1024xf32, #tpu.memory_space<hbm>>) target_semaphore(%arg17 : memref<!tpu.dma_semaphore, #tpu.memory_space<semaphore_mem>>)
        %add3A_1906 = arith.constant 96 : i32
        %add3A_1907 = arith.addi %add3A_1906, %add3A : i32
        %mul3A_1908 = arith.constant 8 : i32
        %mul3A_1909 = arith.muli %add3A_1907, %mul3A_1908 : i32
        %mul3A_1910 = arith.constant 128 : i32
        %mul3A_1911 = arith.muli %mul3A_1909, %mul3A_1910 : i32
        %dma_start3A_1912 = arith.constant 3072 : i32
        %dma_start3A_1913 = tpu.memref_slice %arg13[%dma_start3A_1912] : memref<4096xf32, #tpu.memory_space<vmem>> -> memref<1024xf32, #tpu.memory_space<vmem>>
        %dma_start3A_1914 = tpu.memref_slice %arg5[%add3A_1863, %mul3A_1911] : memref<200x131072xf32, #tpu.memory_space<hbm>> -> memref<1x1024xf32, #tpu.memory_space<hbm>>
        %dma_start3A_1915 = tpu.memref_squeeze %dma_start3A_1914 : memref<1x1024xf32, #tpu.memory_space<hbm>> -> memref<1024xf32, #tpu.memory_space<hbm>>
        %dma_start3A_1916 = tpu.memref_slice %arg5[%add3A_1863, %mul3A_1911] : memref<200x131072xf32, #tpu.memory_space<hbm>> -> memref<1x1024xf32, #tpu.memory_space<hbm>>
        %dma_start3A_1917 = tpu.memref_squeeze %dma_start3A_1916 : memref<1x1024xf32, #tpu.memory_space<hbm>> -> memref<1024xf32, #tpu.memory_space<hbm>>
        %dma_start3A_1918 = arith.constant 3072 : i32
        %dma_start3A_1919 = tpu.memref_slice %arg13[%dma_start3A_1918] : memref<4096xf32, #tpu.memory_space<vmem>> -> memref<1024xf32, #tpu.memory_space<vmem>>
        tpu.enqueue_dma source(%dma_start3A_1919 : memref<1024xf32, #tpu.memory_space<vmem>>) target(%dma_start3A_1917 : memref<1024xf32, #tpu.memory_space<hbm>>) target_semaphore(%arg17 : memref<!tpu.dma_semaphore, #tpu.memory_space<semaphore_mem>>)
      }
      %scan3A_1769 = arith.constant 5 : i32
      %add3A_1770 = arith.constant 2 : i32
      %add3A_1771 = arith.addi %add3A_1759, %add3A_1770 : i32
      %min3A_1772 = arith.constant 19 : i32
      %min3A_1773 = arith.minsi %add3A_1771, %min3A_1772 : i32
      %mul3A_1774 = arith.constant 10 : i32
      %mul3A_1775 = arith.muli %min3A_1773, %mul3A_1774 : i32
      %scan3A_1776 = arith.constant 0 : i32
      %scan3A_1777 = arith.constant 0 : i32
      %scan3A_1778 = arith.constant 128 : i32
      %scan3A_1779 = arith.addi %scan3A_1777, %scan3A_1778 : i32
      %scan3A_1780 = arith.constant 1 : i32
      scf.for %scan3A_1782 = %scan3A_1777 to %scan3A_1779 step %scan3A_1780  : i32 {
        %get3A_1783 = arith.index_cast %scan3A_1782 : i32 to index
        %get3A_1784 = memref.load %arg9[%get3A_1783] : memref<128xi32, #tpu.memory_space<smem>>
        %add3A_1785 = arith.addi %get3A_1784, %mul3A_1775 : i32
        %mul3A_1786 = arith.constant 32 : i32
        %mul3A_1787 = arith.muli %add3A_1785, %mul3A_1786 : i32
        %mul3A_1788 = arith.constant 10 : i32
        %mul3A_1789 = arith.muli %scan3A_1782, %mul3A_1788 : i32
        %mul3A_1790 = arith.constant 32 : i32
        %mul3A_1791 = arith.muli %mul3A_1789, %mul3A_1790 : i32
        %dma_start3A = tpu.memref_slice %arg11[%mul3A_1791] : memref<40960xf32, #tpu.memory_space<vmem>> -> memref<320xf32, #tpu.memory_space<vmem>>
        %dma_start3A_1792 = tpu.memref_slice %arg4[%mul3A_1787] : memref<3206400xf32, #tpu.memory_space<hbm>> -> memref<320xf32, #tpu.memory_space<hbm>>
        %dma_start3A_1793 = tpu.memref_slice %arg11[%mul3A_1791] : memref<40960xf32, #tpu.memory_space<vmem>> -> memref<320xf32, #tpu.memory_space<vmem>>
        %dma_start3A_1794 = tpu.memref_slice %arg4[%mul3A_1787] : memref<3206400xf32, #tpu.memory_space<hbm>> -> memref<320xf32, #tpu.memory_space<hbm>>
        tpu.enqueue_dma source(%dma_start3A_1794 : memref<320xf32, #tpu.memory_space<hbm>>) target(%dma_start3A_1793 : memref<320xf32, #tpu.memory_space<vmem>>) target_semaphore(%arg15 : memref<!tpu.dma_semaphore, #tpu.memory_space<semaphore_mem>>)
      }
      %scan3A_1781 = arith.constant 128 : i32
    }
    %scan3A_1721 = arith.constant 10 : i32
    %dma_wait3A = arith.constant 0 : i32
    %dma_wait3A_1722 = tpu.memref_slice %arg4[%dma_wait3A] : memref<3206400xf32, #tpu.memory_space<hbm>> -> memref<40960xf32, #tpu.memory_space<hbm>>
    %dma_wait3A_1723 = arith.constant 0 : i32
    %dma_wait3A_1724 = tpu.memref_slice %arg4[%dma_wait3A_1723] : memref<3206400xf32, #tpu.memory_space<hbm>> -> memref<40960xf32, #tpu.memory_space<hbm>>
    tpu.wait_dma2 semaphore(%arg14 : memref<!tpu.dma_semaphore, #tpu.memory_space<semaphore_mem>>) src(%dma_wait3A_1724 : memref<40960xf32, #tpu.memory_space<hbm>>) dst(%arg10 : memref<40960xf32, #tpu.memory_space<vmem>>)
    %dma_wait3A_1725 = arith.constant 0 : i32
    %dma_wait3A_1726 = tpu.memref_slice %arg4[%dma_wait3A_1725] : memref<3206400xf32, #tpu.memory_space<hbm>> -> memref<40960xf32, #tpu.memory_space<hbm>>
    %dma_wait3A_1727 = arith.constant 0 : i32
    %dma_wait3A_1728 = tpu.memref_slice %arg4[%dma_wait3A_1727] : memref<3206400xf32, #tpu.memory_space<hbm>> -> memref<40960xf32, #tpu.memory_space<hbm>>
    tpu.wait_dma2 semaphore(%arg15 : memref<!tpu.dma_semaphore, #tpu.memory_space<semaphore_mem>>) src(%dma_wait3A_1728 : memref<40960xf32, #tpu.memory_space<hbm>>) dst(%arg11 : memref<40960xf32, #tpu.memory_space<vmem>>)
    tpu.wait_dma2 semaphore(%arg16 : memref<!tpu.dma_semaphore, #tpu.memory_space<semaphore_mem>>) src(%arg6 : memref<4096xf32, #tpu.memory_space<hbm>>) dst(%arg12 : memref<4096xf32, #tpu.memory_space<vmem>>)
    tpu.wait_dma2 semaphore(%arg17 : memref<!tpu.dma_semaphore, #tpu.memory_space<semaphore_mem>>) src(%arg6 : memref<4096xf32, #tpu.memory_space<hbm>>) dst(%arg13 : memref<4096xf32, #tpu.memory_space<vmem>>)
    return
  }
}

</mosaic_0001>

<sc_bundles>
// kernel: kernel.3.cloned.1.call-start
scs
__scs_entry_jumppad:
0x0: {  	(pc) =	sbr.rel $0x88, $3  }
0x1: {  	(tag) =	ssettag $0x0;
	lr =	simm.s32 $0x1  }
0x2: {  	[smem:$0x3F9E] =	sst lr;
	_ =	strace $0xD0000000  }
0x3: {  	_ = 	snop  }
0x4: {  	_ = 	snop  }
0x5: {  	_ = 	snop  }
0x6: {  	_ = 	snop  }
0x7: {  	_ = 	snop  }
__scs_overlays_trampoline_lowered:
0x8: {  	[smem:$0x3FAD] =	sst s0  }
0x9: {  	[smem:$0x3FAE] =	sst s1  }
0xa: {  	[smem:$0x3FAF] =	sst s2  }
0xb: {  	[smem:$0x3FB0] =	sst s3  }
0xc: {  	[smem:$0x3FB1] =	sst s4  }
0xd: {  	[smem:$0x3FB2] =	sst s5  }
0xe: {  	[smem:$0x3FB3] =	sst s6  }
0xf: {  	[smem:$0x3FB4] =	sst s7  }
0x10: {  	[smem:$0x3FB5] =	sst s8  }
0x11: {  	[smem:$0x3FB6] =	sst s9;
	s0 =	simm.s32 @!p0 $0x0  }
0x12: {  	s1 =	sld [smem:$0x3F9C];
	s0 =	simm.s32 @p0 $0x1  }
0x13: {  	[smem:$0x3FB7] =	sst s0;
	s0 =	simm.s32 @!p1 $0x0  }
0x14: {  	s2 =	sld [smem:$0x3F9B];
	s0 =	simm.s32 @p1 $0x1  }
0x15: {  	[smem:$0x3FB8] =	sst s0;
	s0 =	simm.s32 @!p2 $0x0  }
0x16: {  	s3 =	sld [smem:$0x3FDB];
	s0 =	simm.s32 @p2 $0x1  }
0x17: {  	s4 =	simm.s32 $0x1BF5;
	[smem:$0x3FBA] =	sst s0  }
0x18: {  	s0 =	sld [smem:$0x3F9D];
	_ =	swait.ge [sflag:s4], $0x0  }
0x19: {  	s7 =	sld [smem:$0x3F9E]  }
0x1a: {  	s8 =	sadd.s32 $0xFFFFE003, lr  }
0x1b: {  	s9 =	sadd.s32 $0xFFFFFEF7, lr;
	s5 =	simm.s32 $0xFFFFFFFF;
	p2 =	slt.u32 s8, $0xFFFFF086  }
0x1c: {  	p1 =	slt.u32 s9, $0xF7A;
	s5 =	simm.s32 @!p2 $0x0  }
0x1d: {  	s5 =	simm.s32 @p1 $0x1;
	p0 =	seq.s32 s7, s2  }
0x1e: {  	s7 =	smul.u32 @!p0 $0xF7A, s2;
	p2 =	seq.s32 @!p0 s5, $0x0  }
0x1f: {  	s9 =	smul.u32 $0xF7A, s1;
	s8 =	simm.s32 @!p0 $0x1BF5;
	p2 =	por !p2, p0  }
0x20: {  	[sflag:s8] =	ssyncset.s32 @!p0 $0xFFFFF086;
	s6 =	sadd.s32 @!p0 s3, s7;
	s7 =	simm.s32 @!p0 $0x108  }
0x21: {  	s3 =	sadd.s32 s3, s9;
	s6 =	sadd.s32 @!p0 $0x88, s6;
	s7 =	simm.s32 @p2 $0x1082  }
0x22: {  	[simem:s7], [sflag:s8] =	dma.local @!p0 [hbm:s6], $0xF7A  }
0x23: {  	s9 =	sor.u32 $0xD0000000, s2;
	s6 =	simm.s32 $0x108;
	_ =	swait.ge @!p0 [sflag:s8], $0x0  }
0x24: {  	s3 =	sadd.s32 $0x88, s3;
	s6 =	simm.s32 @!p1 $0x1082;
	[sflag:s4] =	ssyncset.s32 $0xFFFFF086  }
0x25: {  	[simem:s6], [sflag:s4] =	dma.local [hbm:s3], $0xF7A  }
0x26: {  	[smem:$0x3F9E] =	sst s1;
	(tag) =	ssettag s2;
	_ =	strace s9  }
0x27: {  	s1 =	sld [smem:$0x3FAE]  }
0x28: {  	s2 =	sld [smem:$0x3FAF]  }
0x29: {  	s4 =	sld [smem:$0x3FB1]  }
0x2a: {  	p0 =	seq.s32 s5, $0x0;
	s5 =	sld [smem:$0x3FB2]  }
0x2b: {  	s6 =	sld [smem:$0x3FB3]  }
0x2c: {  	s7 =	sld [smem:$0x3FB4]  }
0x2d: {  	s3 =	simm.s32 $0x108;
	s8 =	sld [smem:$0x3FB5]  }
0x2e: {  	s3 =	simm.s32 @!p0 $0x1082;
	s9 =	sld [smem:$0x3FB6]  }
0x2f: {  	lr =	sadd.s32 s0, s3;
	s0 =	sld [smem:$0x3FAD]  }
0x30: {  	s3 =	sld [smem:$0x3FB0]  }
0x31: {  	[smem:$0x3FB9] =	sst s10  }
0x32: {  	s10 =	sld [smem:$0x3FB7];
	_ =	sdelay $0x3  }
0x33: {  	p0 =	seq.s32 s10, $0x1;
	s10 =	sld [smem:$0x3FB9];
	_ =	sdelay $0x3  }
0x34: {  	[smem:$0x3FB9] =	sst s10  }
0x35: {  	s10 =	sld [smem:$0x3FB8];
	_ =	sdelay $0x3  }
0x36: {  	p1 =	seq.s32 s10, $0x1;
	s10 =	sld [smem:$0x3FB9];
	_ =	sdelay $0x3  }
0x37: {  	[smem:$0x3FB9] =	sst s10  }
0x38: {  	s10 =	sld [smem:$0x3FBA]  }
0x39: {  	_ = 	snop;
	(pc) =	sbr.ind lr, $3  }
0x3a: {  	_ = 	snop  }
0x3b: {  	_ = 	snop  }
0x3c: {  	p2 =	seq.s32 s10, $0x1;
	s10 =	sld [smem:$0x3FB9]  }
0x3d: {  	_ =	shalt  }
0x3e: {  	_ =	shalt  }
0x3f: {  	_ =	shalt  }
0x40: {  	_ =	shalt  }
0x41: {  	_ =	shalt  }
0x42: {  	_ =	shalt  }
0x43: {  	_ =	shalt  }
0x44: {  	_ =	shalt  }
0x45: {  	_ =	shalt  }
0x46: {  	_ =	shalt  }
0x47: {  	_ =	shalt  }
0x48: {  	_ =	shalt  }
0x49: {  	_ =	shalt  }
0x4a: {  	_ =	shalt  }
0x4b: {  	_ =	shalt  }
0x4c: {  	_ =	shalt  }
0x4d: {  	_ =	shalt  }
0x4e: {  	_ =	shalt  }
0x4f: {  	_ =	shalt  }
0x50: {  	_ =	shalt  }
0x51: {  	_ =	shalt  }
0x52: {  	_ =	shalt  }
0x53: {  	_ =	shalt  }
0x54: {  	_ =	shalt  }
0x55: {  	_ =	shalt  }
0x56: {  	_ =	shalt  }
0x57: {  	_ =	shalt  }
0x58: {  	_ =	shalt  }
0x59: {  	_ =	shalt  }
0x5a: {  	_ =	shalt  }
0x5b: {  	_ =	shalt  }
0x5c: {  	_ =	shalt  }
0x5d: {  	_ =	shalt  }
0x5e: {  	_ =	shalt  }
0x5f: {  	_ =	shalt  }
0x60: {  	_ =	shalt  }
0x61: {  	_ =	shalt  }
0x62: {  	_ =	shalt  }
0x63: {  	_ =	shalt  }
0x64: {  	_ =	shalt  }
0x65: {  	_ =	shalt  }
0x66: {  	_ =	shalt  }
0x67: {  	_ =	shalt  }
0x68: {  	_ =	shalt  }
0x69: {  	_ =	shalt  }
0x6a: {  	_ =	shalt  }
0x6b: {  	_ =	shalt  }
0x6c: {  	_ =	shalt  }
0x6d: {  	_ =	shalt  }
0x6e: {  	_ =	shalt  }
0x6f: {  	_ =	shalt  }
0x70: {  	_ =	shalt  }
0x71: {  	_ =	shalt  }
0x72: {  	_ =	shalt  }
0x73: {  	_ =	shalt  }
0x74: {  	_ =	shalt  }
0x75: {  	_ =	shalt  }
0x76: {  	_ =	shalt  }
0x77: {  	_ =	shalt  }
0x78: {  	_ =	shalt  }
0x79: {  	_ =	shalt  }
0x7a: {  	_ =	shalt  }
0x7b: {  	_ =	shalt  }
0x7c: {  	_ =	shalt  }
0x7d: {  	_ =	shalt  }
0x7e: {  	_ =	shalt  }
0x7f: {  	_ =	shalt  }
0x80: {  	_ =	shalt  }
0x81: {  	_ =	shalt  }
0x82: {  	_ =	shalt  }
0x83: {  	_ =	shalt  }
0x84: {  	_ =	shalt  }
0x85: {  	_ =	shalt  }
0x86: {  	_ =	shalt  }
0x87: {  	_ =	shalt  }
.Lfunc_end0:
.L_simem_size_0:
called_computation_lowered:
.L_overlay_start_0:
0x88: {  	s2 =	sld [smem:$0x3FD9]  }
0x89: {  	s3 =	sld [smem:$0x3FFE];
	_ =	sdelay $0x1  }
0x8a: {  	s1 =	srdreg.scid  }
0x8b: {  	s0 =	sand.u32 $0x1, s1  }
0x8c: {  	s17 =	sshll.u32 s0, $0xA;
	s2 =	sadd.s32 s3, s2  }
0x8d: {  	s2 =	sadd.s32 s2, s17  }
0x8e: {  	[smem:$0x3FC5] =	sst s2  }
0x8f: {  	_ = 	snop  }
0x90: {  	s2 =	sld [smem:$0x3FC9]  }
0x91: {  	s18 =	sld [smem:$0x3FD0];
	(tm) =	ssettm $0x1  }
0x92: {  	s4 =	sld [smem:$0x3FFB];
	_ =	sdelay $0x3  }
0x93: {  	_ =	strace s4  }
0x94: {  	s4 =	sld [smem:$0x3FFC];
	_ =	sdelay $0x3  }
0x95: {  	_ =	strace s4  }
0x96: {  	s4 =	sld [smem:$0x3FFD];
	_ =	sdelay $0x3  }
0x97: {  	_ =	strace s4  }
0x98: {  	_ =	strace $0x8FFFFFFF  }
0x99: {  	s19 =	sld [smem:$0x3FDB];
	_ =	sdelay $0x1  }
0x9a: {  	s5 =	simm.s32 $_scs_section_size  }
0x9b: {  	s6 =	simm.s32 $_size__tile_overlayer_lowered;
	s7 =	simm.s32 $_tile_overlayer_lowered  }
0x9c: {  	s22 =	simm.s32 $0x1BFF;
	s21 =	sshll.u32 s7, $0x1;
	s4 =	sadd.s32 s5, s19  }
0x9d: {  	s8 =	simm.s32 $0x0;
	s20 =	sshll.u32 s6, $0x1;
	s6 =	sadd.s32 s21, s4  }
0x9e: {  	[timem:s8], [sflag:s22] =	dma.local [hbm:s6], s20  }
0x9f: {  	_ =	swait.ge [sflag:s22], s20  }
0xa0: {  	s5 =	ssub.s32 $0x0, s20;
	[sflag:s22] =	ssyncset.done $0x0  }
0xa1: {  	[sflag:s22] =	ssyncadd.s32 s5;
	_ =	sdelay $0x1  }
0xa2: {  	s23 =	simm.s32 $0x1B8B  }
0xa3: {  	_ =	swait.ge [sflag:s23], $0x1  }
0xa4: {  	[sflag:s23] =	ssyncset.done $0x0  }
0xa5: {  	s25 =	simm.s32 $0x1B8E;
	s24 =	sld [smem:$0x3FFE];
	[sflag:s23] =	ssyncadd.s32 $0xFFFFFFFF  }
0xa6: {  	s26 =	simm.s32 $execute0_lowered;
	[smem:$0x3FD2] =	sst s25  }
0xa7: {  	s6 =	sshll.u32 s26, $0x1;
	_ =	strace $0x80000046;
	[dreg:$0x1] =	wrdreg $0xFFFFFFFF  }
0xa8: {  	s28 =	simm.s32 $_size_execute0_lowered;
	s4 =	sadd.s32 s4, s6;
	[dreg:$0x0] =	wrdreg $0x0  }
0xa9: {  	s6 =	sshll.u32 s28, $0x1;
	[dreg:$0x2] =	wrdreg s4  }
0xaa: {  	[dreg:$0x3] =	wrdreg s6  }
0xab: {  	[dreg:$0x4] =	wrdreg $0xC0  }
0xac: {  	_ =	task [dreg:s8], $0x5FFFF  }
0xad: {  	[dreg:$0x1] =	wrdreg $0xFFFFFFFF  }
0xae: {  	[dreg:$0x0] =	wrdreg $0x60  }
0xaf: {  	[dreg:$0x2] =	wrdreg s2  }
0xb0: {  	[dreg:$0x3] =	wrdreg s24  }
0xb1: {  	[dreg:$0x4] =	wrdreg s18  }
0xb2: {  	[dreg:$0x5] =	wrdreg $0x9  }
0xb3: {  	_ =	task.clear_ibuf [dreg:s8], $0x6FFFF;
	_ =	strace $0x90000046  }
0xb4: {  	s29 =	simm.s32 $0x9;
	_ =	strace $0x80000048  }
0xb5: {  	_ =	swait.ge [sflag:s29], $0x1  }
0xb6: {  	[sflag:s29] =	ssyncadd.s32 $0xFFFFFFFF  }
0xb7: {  	_ =	strace $0x90000048  }
0xb8: {  	_ =	sfence  }
0xb9: {  	s30 =	sld [smem:$0x0];
	_ =	sdelay $0x2  }
0xba: {  	s31 =	sshll.u32 s1, $0xD;
	s1 =	sshrl.u32 s1, $0x2  }
0xbb: {  	s3 =	sand.u32 $0x4000, s31;
	s1 =	sadd.s32 s1, s30  }
0xbc: {  	s0 =	sor.u32 s3, s0;
	s1 =	sshll.u32 s1, $0x11  }
0xbd: {  	s0 =	sor.u32 s1, s0  }
0xbe: {  	s0 =	sadd.s32 $0x8F2B, s0  }
0xbf: {  	[sflag:s0] =	ssyncadd.remote.s32 $0x1  }
0xc0: {  	_ =	sfence.sel $0xFFFF  }
0xc1: {  	[dreg:$0x0] =	wrdreg $0xFFFFFFFF;
	(pc) =	sbr.abs _section_cstart, $3  }
0xc2: {  	[dreg:$0x1] =	wrdreg $0xFFFFFFFF  }
0xc3: {  	_ =	task.clear_ibuf [dreg:s8], $0x2FFFF;
	_ =	strace $0x9FFFFFFF  }
0xc4: {  	(tm) =	ssettm $0x7FFFFFFF  }
0xc5: {  	_ =	shalt  }
tec
execute0_lowered:
.L_overlay_start_1:
0x0: {  	(tag) =	ssettag $0x1  }
0x1: {  	vm14 =	vcmask $0x300  }
0x2: {  	v0 =	vimm.s32 $0xF;
	vm13 =	vcmask $0x704;
	vm12 =	vcmask $0xB08  }
0x3: {  	vm11 =	vcmask $0xF0C;
	vm10 =	vcmask $0x1310;
	v10 =	vlaneseq.u32  }
0x4: {  	vm9 =	vcmask $0x1714;
	vm8 =	vcmask $0x1B18;
	vm4 =	vcmask $0x1F1C  }
0x5: {  	v3 =	vimm.s32 $0x14F;
	v4 =	vimm.s32 $0x28F;
	vm0 =	vcmask $0x2320  }
0x6: {  	vm1 =	vcmask $0x2724;
	vm2 =	vcmask $0x2B28;
	vm3 =	vcmask $0x2F2C  }
0x7: {  	vm5 =	vcmask $0x3330;
	vm6 =	vcmask $0x3734;
	vm7 =	vcmask $0x3B38  }
0x8: {  	v5 =	vimm.s32 $0x3CF;
	v6 =	vimm.s32 $0x50F;
	v7 =	vimm.s32 $0x64F  }
0x9: {  	v8 =	vimm.s32 $0x78F;
	v9 =	vimm.s32 $0x8CF;
	v11 =	vimm.s32 $0xA0F  }
0xa: {  	v12 =	vimm.s32 $0x780;
	v13 =	vimm.s32 $0xB4F;
	v14 =	vimm.s32 $0x781  }
0xb: {  	v15 =	vimm.s32 $0xC8F;
	v16 =	vimm.s32 $0x782;
	v17 =	vimm.s32 $0xDCF  }
0xc: {  	v18 =	vimm.s32 $0x783;
	v19 =	vimm.s32 $0xF0F;
	v20 =	vimm.s32 $0x784  }
0xd: {  	v21 =	vimm.s32 $0x104F;
	v22 =	vimm.s32 $0x785;
	v23 =	vimm.s32 $0x118F  }
0xe: {  	v24 =	vimm.s32 $0x786;
	v25 =	vimm.s32 $0x787;
	v26 =	vimm.s32 $0x788  }
0xf: {  	v27 =	vimm.s32 $0x789;
	v28 =	vimm.s32 $0x78A;
	v29 =	vimm.s32 $0x78B  }
0x10: {  	v30 =	vimm.s32 $0x78C;
	v31 =	vimm.s32 $0x78D;
	v32 =	vimm.s32 $0x78E  }
0x11: {  	v0 =	vsel vm14, $0x140, v0;
	v3 =	vsel vm14, $0x280, v3;
	v4 =	vsel vm14, $0x3C0, v4  }
0x12: {  	v5 =	vsel vm14, $0x500, v5;
	v6 =	vsel vm14, $0x640, v6;
	v7 =	vsel vm14, $0x780, v7  }
0x13: {  	v8 =	vsel vm14, $0x8C0, v8;
	v9 =	vsel vm14, $0xA00, v9;
	v11 =	vsel vm14, $0xB40, v11  }
0x14: {  	v12 =	vsel vm14, $0x1, v12;
	v13 =	vsel vm14, $0xC80, v13;
	v14 =	vsel vm14, $0x2, v14  }
0x15: {  	v15 =	vsel vm14, $0xDC0, v15;
	v16 =	vsel vm14, $0x3, v16;
	v17 =	vsel vm14, $0xF00, v17  }
0x16: {  	v18 =	vsel vm14, $0x4, v18;
	v19 =	vsel vm14, $0x1040, v19;
	v20 =	vsel vm14, $0x5, v20  }
0x17: {  	v21 =	vsel vm14, $0x1180, v21;
	v22 =	vsel vm14, $0x6, v22;
	v23 =	vsel vm14, $0x12C0, v23  }
0x18: {  	v24 =	vsel vm14, $0x7, v24;
	v25 =	vsel vm14, $0x8, v25;
	v26 =	vsel vm14, $0x9, v26  }
0x19: {  	v27 =	vsel vm14, $0xA, v27;
	v28 =	vsel vm14, $0xB, v28;
	v29 =	vsel vm14, $0xC, v29  }
0x1a: {  	v30 =	vsel vm14, $0xD, v30;
	v31 =	vsel vm14, $0xE, v31;
	v32 =	vsel vm14, $0xF, v32  }
0x1b: {  	v0 =	vsel vm13, $0x281, v0;
	v3 =	vsel vm13, $0x3C1, v3;
	v4 =	vsel vm13, $0x501, v4  }
0x1c: {  	v5 =	vsel vm13, $0x641, v5;
	v6 =	vsel vm13, $0x781, v6;
	v7 =	vsel vm13, $0x8C1, v7  }
0x1d: {  	v8 =	vsel vm13, $0xA01, v8;
	v9 =	vsel vm13, $0xB41, v9;
	v11 =	vsel vm13, $0xC81, v11  }
0x1e: {  	v12 =	vsel vm13, $0x82, v12;
	v13 =	vsel vm13, $0xDC1, v13;
	v14 =	vsel vm13, $0x83, v14  }
0x1f: {  	v15 =	vsel vm13, $0xF01, v15;
	v16 =	vsel vm13, $0x84, v16;
	v17 =	vsel vm13, $0x1041, v17  }
0x20: {  	v18 =	vsel vm13, $0x85, v18;
	v19 =	vsel vm13, $0x1181, v19;
	v20 =	vsel vm13, $0x86, v20  }
0x21: {  	v21 =	vsel vm13, $0x12C1, v21;
	v22 =	vsel vm13, $0x87, v22;
	v23 =	vsel vm13, $0x1, v23  }
0x22: {  	v24 =	vsel vm13, $0x88, v24;
	v25 =	vsel vm13, $0x89, v25;
	v26 =	vsel vm13, $0x8A, v26  }
0x23: {  	v27 =	vsel vm13, $0x8B, v27;
	v28 =	vsel vm13, $0x8C, v28;
	v29 =	vsel vm13, $0x8D, v29  }
0x24: {  	v30 =	vsel vm13, $0x8E, v30;
	v31 =	vsel vm13, $0x8F, v31;
	v32 =	vsel vm13, $0x80, v32  }
0x25: {  	v0 =	vsel vm12, $0x3C2, v0;
	v3 =	vsel vm12, $0x502, v3;
	v4 =	vsel vm12, $0x642, v4  }
0x26: {  	v5 =	vsel vm12, $0x782, v5;
	v6 =	vsel vm12, $0x8C2, v6;
	v7 =	vsel vm12, $0xA02, v7  }
0x27: {  	v8 =	vsel vm12, $0xB42, v8;
	v9 =	vsel vm12, $0xC82, v9;
	v11 =	vsel vm12, $0xDC2, v11  }
0x28: {  	v12 =	vsel vm12, $0x103, v12;
	v13 =	vsel vm12, $0xF02, v13;
	v14 =	vsel vm12, $0x104, v14  }
0x29: {  	v15 =	vsel vm12, $0x1042, v15;
	v16 =	vsel vm12, $0x105, v16;
	v17 =	vsel vm12, $0x1182, v17  }
0x2a: {  	v18 =	vsel vm12, $0x106, v18;
	v19 =	vsel vm12, $0x12C2, v19;
	v20 =	vsel vm12, $0x107, v20  }
0x2b: {  	v21 =	vsel vm12, $0x2, v21;
	v22 =	vsel vm12, $0x108, v22;
	v23 =	vsel vm12, $0x142, v23  }
0x2c: {  	v24 =	vsel vm12, $0x109, v24;
	v25 =	vsel vm12, $0x10A, v25;
	v26 =	vsel vm12, $0x10B, v26  }
0x2d: {  	v27 =	vsel vm12, $0x10C, v27;
	v28 =	vsel vm12, $0x10D, v28;
	v29 =	vsel vm12, $0x10E, v29  }
0x2e: {  	v30 =	vsel vm12, $0x10F, v30;
	v31 =	vsel vm12, $0x100, v31;
	v32 =	vsel vm12, $0x101, v32  }
0x2f: {  	v0 =	vsel vm11, $0x503, v0;
	v3 =	vsel vm11, $0x643, v3;
	v4 =	vsel vm11, $0x783, v4  }
0x30: {  	v5 =	vsel vm11, $0x8C3, v5;
	v6 =	vsel vm11, $0xA03, v6;
	v7 =	vsel vm11, $0xB43, v7  }
0x31: {  	v8 =	vsel vm11, $0xC83, v8;
	v9 =	vsel vm11, $0xDC3, v9;
	v11 =	vsel vm11, $0xF03, v11  }
0x32: {  	v12 =	vsel vm11, $0x184, v12;
	v13 =	vsel vm11, $0x1043, v13;
	v14 =	vsel vm11, $0x185, v14  }
0x33: {  	v15 =	vsel vm11, $0x1183, v15;
	v16 =	vsel vm11, $0x186, v16;
	v17 =	vsel vm11, $0x12C3, v17  }
0x34: {  	v18 =	vsel vm11, $0x187, v18;
	v19 =	vsel vm11, $0x3, v19;
	v20 =	vsel vm11, $0x188, v20  }
0x35: {  	v21 =	vsel vm11, $0x143, v21;
	v22 =	vsel vm11, $0x189, v22;
	v23 =	vsel vm11, $0x283, v23  }
0x36: {  	v24 =	vsel vm11, $0x18A, v24;
	v25 =	vsel vm11, $0x18B, v25;
	v26 =	vsel vm11, $0x18C, v26  }
0x37: {  	v27 =	vsel vm11, $0x18D, v27;
	v28 =	vsel vm11, $0x18E, v28;
	v29 =	vsel vm11, $0x18F, v29  }
0x38: {  	v30 =	vsel vm11, $0x180, v30;
	v31 =	vsel vm11, $0x181, v31;
	v32 =	vsel vm11, $0x182, v32  }
0x39: {  	v1 =	vsel vm10, $0x644, v0;
	v0 =	vmul.u32 $0x141, v10;
	v3 =	vsel vm10, $0x784, v3  }
0x3a: {  	v4 =	vsel vm10, $0x8C4, v4;
	v5 =	vsel vm10, $0xA04, v5;
	v6 =	vsel vm10, $0xB44, v6  }
0x3b: {  	v7 =	vsel vm10, $0xC84, v7;
	v8 =	vsel vm10, $0xDC4, v8;
	v9 =	vsel vm10, $0xF04, v9  }
0x3c: {  	v11 =	vsel vm10, $0x1044, v11;
	v12 =	vsel vm10, $0x205, v12;
	v13 =	vsel vm10, $0x1184, v13  }
0x3d: {  	v14 =	vsel vm10, $0x206, v14;
	v15 =	vsel vm10, $0x12C4, v15;
	v16 =	vsel vm10, $0x207, v16  }
0x3e: {  	v17 =	vsel vm10, $0x4, v17;
	v18 =	vsel vm10, $0x208, v18;
	v19 =	vsel vm10, $0x144, v19  }
0x3f: {  	v20 =	vsel vm10, $0x209, v20;
	v21 =	vsel vm10, $0x284, v21;
	v22 =	vsel vm10, $0x20A, v22  }
0x40: {  	v23 =	vsel vm10, $0x3C4, v23;
	v24 =	vsel vm10, $0x20B, v24;
	v25 =	vsel vm10, $0x20C, v25  }
0x41: {  	v26 =	vsel vm10, $0x20D, v26;
	v27 =	vsel vm10, $0x20E, v27;
	v28 =	vsel vm10, $0x20F, v28  }
0x42: {  	v29 =	vsel vm10, $0x200, v29;
	v30 =	vsel vm10, $0x201, v30;
	v31 =	vsel vm10, $0x202, v31  }
0x43: {  	v32 =	vsel vm10, $0x203, v32;
	v2 =	vsel vm9, $0x785, v1;
	v1 =	vand.u32 $0x7, v10  }
0x44: {  	v3 =	vsel vm9, $0x8C5, v3;
	v4 =	vsel vm9, $0xA05, v4;
	v5 =	vsel vm9, $0xB45, v5  }
0x45: {  	v6 =	vsel vm9, $0xC85, v6;
	v7 =	vsel vm9, $0xDC5, v7;
	v8 =	vsel vm9, $0xF05, v8  }
0x46: {  	v9 =	vsel vm9, $0x1045, v9;
	v11 =	vsel vm9, $0x1185, v11;
	v10 =	vmul.u32 $0x81, v10  }
0x47: {  	v12 =	vsel vm9, $0x286, v12;
	v13 =	vsel vm9, $0x12C5, v13;
	v14 =	vsel vm9, $0x287, v14  }
0x48: {  	v15 =	vsel vm9, $0x5, v15;
	v16 =	vsel vm9, $0x288, v16;
	v17 =	vsel vm9, $0x145, v17  }
0x49: {  	v18 =	vsel vm9, $0x289, v18;
	v19 =	vsel vm9, $0x285, v19;
	v20 =	vsel vm9, $0x28A, v20  }
0x4a: {  	v21 =	vsel vm9, $0x3C5, v21;
	v22 =	vsel vm9, $0x28B, v22;
	v23 =	vsel vm9, $0x505, v23  }
0x4b: {  	v24 =	vsel vm9, $0x28C, v24;
	v25 =	vsel vm9, $0x28D, v25;
	v26 =	vsel vm9, $0x28E, v26  }
0x4c: {  	v27 =	vsel vm9, $0x28F, v27;
	v28 =	vsel vm9, $0x280, v28;
	v29 =	vsel vm9, $0x281, v29  }
0x4d: {  	v30 =	vsel vm9, $0x282, v30;
	v31 =	vsel vm9, $0x283, v31;
	v32 =	vsel vm9, $0x284, v32  }
0x4e: {  	v2 =	vsel vm8, $0x8C6, v2;
	v3 =	vsel vm8, $0xA06, v3;
	v4 =	vsel vm8, $0xB46, v4  }
0x4f: {  	v5 =	vsel vm8, $0xC86, v5;
	v6 =	vsel vm8, $0xDC6, v6;
	v7 =	vsel vm8, $0xF06, v7  }
0x50: {  	v8 =	vsel vm8, $0x1046, v8;
	v9 =	vsel vm8, $0x1186, v9;
	v11 =	vsel vm8, $0x12C6, v11  }
0x51: {  	v12 =	vsel vm8, $0x307, v12;
	v13 =	vsel vm8, $0x6, v13;
	v14 =	vsel vm8, $0x308, v14  }
0x52: {  	v15 =	vsel vm8, $0x146, v15;
	v16 =	vsel vm8, $0x309, v16;
	v17 =	vsel vm8, $0x286, v17  }
0x53: {  	v18 =	vsel vm8, $0x30A, v18;
	v19 =	vsel vm8, $0x3C6, v19;
	v20 =	vsel vm8, $0x30B, v20  }
0x54: {  	v21 =	vsel vm8, $0x506, v21;
	v22 =	vsel vm8, $0x30C, v22;
	v23 =	vsel vm8, $0x646, v23  }
0x55: {  	v24 =	vsel vm8, $0x30D, v24;
	v25 =	vsel vm8, $0x30E, v25;
	v26 =	vsel vm8, $0x30F, v26  }
0x56: {  	v27 =	vsel vm8, $0x300, v27;
	v28 =	vsel vm8, $0x301, v28;
	v29 =	vsel vm8, $0x302, v29  }
0x57: {  	v30 =	vsel vm8, $0x303, v30;
	v31 =	vsel vm8, $0x304, v31;
	v32 =	vsel vm8, $0x305, v32  }
0x58: {  	v2 =	vsel vm4, $0xA07, v2;
	v3 =	vsel vm4, $0xB47, v3;
	v4 =	vsel vm4, $0xC87, v4  }
0x59: {  	v5 =	vsel vm4, $0xDC7, v5;
	v6 =	vsel vm4, $0xF07, v6;
	v7 =	vsel vm4, $0x1047, v7  }
0x5a: {  	v8 =	vsel vm4, $0x1187, v8;
	v9 =	vsel vm4, $0x12C7, v9;
	v11 =	vsel vm4, $0x7, v11  }
0x5b: {  	v12 =	vsel vm4, $0x388, v12;
	v13 =	vsel vm4, $0x147, v13;
	v14 =	vsel vm4, $0x389, v14  }
0x5c: {  	v15 =	vsel vm4, $0x287, v15;
	v16 =	vsel vm4, $0x38A, v16;
	v17 =	vsel vm4, $0x3C7, v17  }
0x5d: {  	v18 =	vsel vm4, $0x38B, v18;
	v19 =	vsel vm4, $0x507, v19;
	v20 =	vsel vm4, $0x38C, v20  }
0x5e: {  	v21 =	vsel vm4, $0x647, v21;
	v22 =	vsel vm4, $0x38D, v22;
	v23 =	vsel vm4, $0x787, v23  }
0x5f: {  	v24 =	vsel vm4, $0x38E, v24;
	v25 =	vsel vm4, $0x38F, v25;
	v26 =	vsel vm4, $0x380, v26  }
0x60: {  	v27 =	vsel vm4, $0x381, v27;
	v28 =	vsel vm4, $0x382, v28;
	v29 =	vsel vm4, $0x383, v29  }
0x61: {  	v30 =	vsel vm4, $0x384, v30;
	v31 =	vsel vm4, $0x385, v31;
	v32 =	vsel vm4, $0x386, v32  }
0x62: {  	v2 =	vsel vm0, $0xB48, v2;
	v3 =	vsel vm0, $0xC88, v3;
	v4 =	vsel vm0, $0xDC8, v4  }
0x63: {  	v5 =	vsel vm0, $0xF08, v5;
	v6 =	vsel vm0, $0x1048, v6;
	v7 =	vsel vm0, $0x1188, v7  }
0x64: {  	v8 =	vsel vm0, $0x12C8, v8;
	v9 =	vsel vm0, $0x8, v9;
	v11 =	vsel vm0, $0x148, v11  }
0x65: {  	v12 =	vsel vm0, $0x409, v12;
	v13 =	vsel vm0, $0x288, v13;
	v14 =	vsel vm0, $0x40A, v14  }
0x66: {  	v15 =	vsel vm0, $0x3C8, v15;
	v16 =	vsel vm0, $0x40B, v16;
	v17 =	vsel vm0, $0x508, v17  }
0x67: {  	v18 =	vsel vm0, $0x40C, v18;
	v19 =	vsel vm0, $0x648, v19;
	v20 =	vsel vm0, $0x40D, v20  }
0x68: {  	v21 =	vsel vm0, $0x788, v21;
	v22 =	vsel vm0, $0x40E, v22;
	v23 =	vsel vm0, $0x8C8, v23  }
0x69: {  	v24 =	vsel vm0, $0x40F, v24;
	v25 =	vsel vm0, $0x400, v25;
	v26 =	vsel vm0, $0x401, v26  }
0x6a: {  	v27 =	vsel vm0, $0x402, v27;
	v28 =	vsel vm0, $0x403, v28;
	v29 =	vsel vm0, $0x404, v29  }
0x6b: {  	v30 =	vsel vm0, $0x405, v30;
	v31 =	vsel vm0, $0x406, v31;
	v32 =	vsel vm0, $0x407, v32  }
0x6c: {  	v2 =	vsel vm1, $0xC89, v2;
	v3 =	vsel vm1, $0xDC9, v3;
	v4 =	vsel vm1, $0xF09, v4  }
0x6d: {  	v5 =	vsel vm1, $0x1049, v5;
	v6 =	vsel vm1, $0x1189, v6;
	v7 =	vsel vm1, $0x12C9, v7  }
0x6e: {  	v8 =	vsel vm1, $0x9, v8;
	v9 =	vsel vm1, $0x149, v9;
	v11 =	vsel vm1, $0x289, v11  }
0x6f: {  	v12 =	vsel vm1, $0x48A, v12;
	v13 =	vsel vm1, $0x3C9, v13;
	v14 =	vsel vm1, $0x48B, v14  }
0x70: {  	v15 =	vsel vm1, $0x509, v15;
	v16 =	vsel vm1, $0x48C, v16;
	v17 =	vsel vm1, $0x649, v17  }
0x71: {  	v18 =	vsel vm1, $0x48D, v18;
	v19 =	vsel vm1, $0x789, v19;
	v20 =	vsel vm1, $0x48E, v20  }
0x72: {  	v21 =	vsel vm1, $0x8C9, v21;
	v22 =	vsel vm1, $0x48F, v22;
	v23 =	vsel vm1, $0xA09, v23  }
0x73: {  	v24 =	vsel vm1, $0x480, v24;
	v25 =	vsel vm1, $0x481, v25;
	v26 =	vsel vm1, $0x482, v26  }
0x74: {  	v27 =	vsel vm1, $0x483, v27;
	v28 =	vsel vm1, $0x484, v28;
	v29 =	vsel vm1, $0x485, v29  }
0x75: {  	v30 =	vsel vm1, $0x486, v30;
	v31 =	vsel vm1, $0x487, v31;
	v32 =	vsel vm1, $0x488, v32  }
0x76: {  	v2 =	vsel vm2, $0xDCA, v2;
	v3 =	vsel vm2, $0xF0A, v3;
	v4 =	vsel vm2, $0x104A, v4  }
0x77: {  	v5 =	vsel vm2, $0x118A, v5;
	v6 =	vsel vm2, $0x12CA, v6;
	v7 =	vsel vm2, $0xA, v7  }
0x78: {  	v8 =	vsel vm2, $0x14A, v8;
	v9 =	vsel vm2, $0x28A, v9;
	v11 =	vsel vm2, $0x3CA, v11  }
0x79: {  	v12 =	vsel vm2, $0x50B, v12;
	v13 =	vsel vm2, $0x50A, v13;
	v14 =	vsel vm2, $0x50C, v14  }
0x7a: {  	v15 =	vsel vm2, $0x64A, v15;
	v16 =	vsel vm2, $0x50D, v16;
	v17 =	vsel vm2, $0x78A, v17  }
0x7b: {  	v18 =	vsel vm2, $0x50E, v18;
	v19 =	vsel vm2, $0x8CA, v19;
	v20 =	vsel vm2, $0x50F, v20  }
0x7c: {  	v21 =	vsel vm2, $0xA0A, v21;
	v22 =	vsel vm2, $0x500, v22;
	v23 =	vsel vm2, $0xB4A, v23  }
0x7d: {  	v24 =	vsel vm2, $0x501, v24;
	v25 =	vsel vm2, $0x502, v25;
	v26 =	vsel vm2, $0x503, v26  }
0x7e: {  	v27 =	vsel vm2, $0x504, v27;
	v28 =	vsel vm2, $0x505, v28;
	v29 =	vsel vm2, $0x506, v29  }
0x7f: {  	v30 =	vsel vm2, $0x507, v30;
	v31 =	vsel vm2, $0x508, v31;
	v32 =	vsel vm2, $0x509, v32  }
0x80: {  	v2 =	vsel vm3, $0xF0B, v2;
	v3 =	vsel vm3, $0x104B, v3;
	v4 =	vsel vm3, $0x118B, v4  }
0x81: {  	v5 =	vsel vm3, $0x12CB, v5;
	v6 =	vsel vm3, $0xB, v6;
	v7 =	vsel vm3, $0x14B, v7  }
0x82: {  	v8 =	vsel vm3, $0x28B, v8;
	v9 =	vsel vm3, $0x3CB, v9;
	v11 =	vsel vm3, $0x50B, v11  }
0x83: {  	v12 =	vsel vm3, $0x58C, v12;
	v13 =	vsel vm3, $0x64B, v13;
	v14 =	vsel vm3, $0x58D, v14  }
0x84: {  	v15 =	vsel vm3, $0x78B, v15;
	v16 =	vsel vm3, $0x58E, v16;
	v17 =	vsel vm3, $0x8CB, v17  }
0x85: {  	v18 =	vsel vm3, $0x58F, v18;
	v19 =	vsel vm3, $0xA0B, v19;
	v20 =	vsel vm3, $0x580, v20  }
0x86: {  	v21 =	vsel vm3, $0xB4B, v21;
	v22 =	vsel vm3, $0x581, v22;
	v23 =	vsel vm3, $0xC8B, v23  }
0x87: {  	v24 =	vsel vm3, $0x582, v24;
	v25 =	vsel vm3, $0x583, v25;
	v26 =	vsel vm3, $0x584, v26  }
0x88: {  	v27 =	vsel vm3, $0x585, v27;
	v28 =	vsel vm3, $0x586, v28;
	v29 =	vsel vm3, $0x587, v29  }
0x89: {  	v30 =	vsel vm3, $0x588, v30;
	v31 =	vsel vm3, $0x589, v31;
	v32 =	vsel vm3, $0x58A, v32  }
0x8a: {  	v2 =	vsel vm5, $0x104C, v2;
	v3 =	vsel vm5, $0x118C, v3;
	v4 =	vsel vm5, $0x12CC, v4  }
0x8b: {  	v5 =	vsel vm5, $0xC, v5;
	v6 =	vsel vm5, $0x14C, v6;
	v7 =	vsel vm5, $0x28C, v7  }
0x8c: {  	v8 =	vsel vm5, $0x3CC, v8;
	v9 =	vsel vm5, $0x50C, v9;
	v11 =	vsel vm5, $0x64C, v11  }
0x8d: {  	v12 =	vsel vm5, $0x60D, v12;
	v13 =	vsel vm5, $0x78C, v13;
	v14 =	vsel vm5, $0x60E, v14  }
0x8e: {  	v15 =	vsel vm5, $0x8CC, v15;
	v16 =	vsel vm5, $0x60F, v16;
	v17 =	vsel vm5, $0xA0C, v17  }
0x8f: {  	v18 =	vsel vm5, $0x600, v18;
	v19 =	vsel vm5, $0xB4C, v19;
	v20 =	vsel vm5, $0x601, v20  }
0x90: {  	v21 =	vsel vm5, $0xC8C, v21;
	v22 =	vsel vm5, $0x602, v22;
	v23 =	vsel vm5, $0xDCC, v23  }
0x91: {  	v24 =	vsel vm5, $0x603, v24;
	v25 =	vsel vm5, $0x604, v25;
	v26 =	vsel vm5, $0x605, v26  }
0x92: {  	v27 =	vsel vm5, $0x606, v27;
	v28 =	vsel vm5, $0x607, v28;
	v29 =	vsel vm5, $0x608, v29  }
0x93: {  	v30 =	vsel vm5, $0x609, v30;
	v31 =	vsel vm5, $0x60A, v31;
	v32 =	vsel vm5, $0x60B, v32  }
0x94: {  	v2 =	vsel vm6, $0x118D, v2;
	v3 =	vsel vm6, $0x12CD, v3;
	v4 =	vsel vm6, $0xD, v4  }
0x95: {  	v5 =	vsel vm6, $0x14D, v5;
	v6 =	vsel vm6, $0x28D, v6;
	v7 =	vsel vm6, $0x3CD, v7  }
0x96: {  	v8 =	vsel vm6, $0x50D, v8;
	v9 =	vsel vm6, $0x64D, v9;
	v11 =	vsel vm6, $0x78D, v11  }
0x97: {  	v12 =	vsel vm6, $0x68E, v12;
	v13 =	vsel vm6, $0x8CD, v13;
	v14 =	vsel vm6, $0x68F, v14  }
0x98: {  	s0 =	rddreg [dreg:$0x0];
	v15 =	vsel vm6, $0xA0D, v15;
	v16 =	vsel vm6, $0x680, v16;
	v17 =	vsel vm6, $0xB4D, v17  }
0x99: {  	s3 =	rddreg [dreg:$0x1];
	v18 =	vsel vm6, $0x681, v18;
	v19 =	vsel vm6, $0xC8D, v19;
	v20 =	vsel vm6, $0x682, v20  }
0x9a: {  	s1 =	rddreg [dreg:$0x2];
	s2 =	simm.s32 $0x0;
	v21 =	vsel vm6, $0xDCD, v21;
	v22 =	vsel vm6, $0x683, v22;
	v23 =	vsel vm6, $0xF0D, v23  }
0x9b: {  	s4 =	srdreg.scid;
	s5 =	stileid.u32;
	s15 =	simm.s32 $0x14090;
	v24 =	vsel vm6, $0x684, v24;
	v25 =	vsel vm6, $0x685, v25;
	v26 =	vsel vm6, $0x686, v26  }
0x9c: {  	s16 =	simm.s32 $0x15090;
	s17 =	simm.s32 $0x1;
	s18 =	simm.s32 $0x3;
	v27 =	vsel vm6, $0x687, v27;
	v28 =	vsel vm6, $0x688, v28;
	v29 =	vsel vm6, $0x689, v29  }
0x9d: {  	s19 =	simm.s32 $0x90;
	s20 =	simm.s32 $0x14490;
	s21 =	simm.s32 $0x14890;
	v30 =	vsel vm6, $0x68A, v30;
	v31 =	vsel vm6, $0x68B, v31;
	v32 =	vsel vm6, $0x68C, v32  }
0x9e: {  	s22 =	simm.s32 $0x14C90;
	s23 =	simm.s32 $0x4;
	s24 =	simm.s32 $0x15490;
	v2 =	vsel vm7, $0x12CE, v2;
	v3 =	vsel vm7, $0xE, v3;
	v4 =	vsel vm7, $0x14E, v4  }
0x9f: {  	s25 =	simm.s32 $0x15890;
	s28 =	simm.s32 $0x2;
	s29 =	simm.s32 $0xA090;
	v5 =	vsel vm7, $0x28E, v5;
	v6 =	vsel vm7, $0x3CE, v6;
	v7 =	vsel vm7, $0x50E, v7  }
0xa0: {  	s12 =	simm.s32 $0x0;
	[smem:$0x7FF] =	sst s2;
	s6 =	sadd.s32 $0x62A00, s3;
	v8 =	vsel vm7, $0x64E, v8;
	v9 =	vsel vm7, $0x78E, v9;
	v11 =	vsel vm7, $0x8CE, v11  }
0xa1: {  	s4 =	sand.u32 $0x1, s4;
	s26 =	sshll.u32 s5, $0x1;
	s5 =	sadd.s32 $0xC00, s3;
	v12 =	vsel vm7, $0x70F, v12;
	v13 =	vsel vm7, $0xA0E, v13;
	v14 =	vsel vm7, $0x700, v14  }
0xa2: {  	s3 =	sadd.s32 $0x62C00, s3;
	_ =	strace $0x80000047;
	[dreg:$0x4] =	wrdreg s6;
	v15 =	vsel vm7, $0xB4E, v15;
	v16 =	vsel vm7, $0x701, v16;
	v17 =	vsel vm7, $0xC8E, v17  }
0xa3: {  	s7 =	ssub.s32 $0x2, s4;
	s4 =	sor.u32 s4, s26;
	[dreg:$0x5] =	wrdreg s3;
	v18 =	vsel vm7, $0x702, v18;
	v19 =	vsel vm7, $0xDCE, v19;
	v20 =	vsel vm7, $0x703, v20  }
0xa4: {  	s26 =	simm.s32 $0x15C90;
	s30 =	sshrl.u32 s7, $0x1;
	s6 =	sshll.u32 s4, $0x4;
	v21 =	vsel vm7, $0xF0E, v21;
	v22 =	vsel vm7, $0x704, v22;
	v23 =	vsel vm7, $0x104E, v23  }
0xa5: {  	s8 =	sshll.u32 s4, $0xA;
	s3 =	ssub.s32 s7, s30;
	s0 =	sadd.s32 s0, s6;
	v24 =	vsel vm7, $0x705, v24;
	v25 =	vsel vm7, $0x706, v25;
	v26 =	vsel vm7, $0x707, v26  }
0xa6: {  	s9 =	sor.u32 $0x8000, s8;
	[dreg:$0x6] =	wrdreg s0;
	s31 =	smax.u32 s3, $0x1;
	v27 =	vsel vm7, $0x708, v27;
	v28 =	vsel vm7, $0x709, v28;
	v29 =	vsel vm7, $0x70A, v29  }
0xa7: {  	s10 =	sor.u32 $0x10000, s8;
	s11 =	sor.u32 $0x18000, s8;
	[dreg:$0x7] =	wrdreg s31;
	v30 =	vsel vm7, $0x70B, v30;
	v31 =	vsel vm7, $0x70C, v31;
	v32 =	vsel vm7, $0x70D, v32  }
.LBB2_1:
0xa8: {  	s0 =	rddreg [dreg:$0x6];
	s3 =	simm.s32 $0x5  }
0xa9: {  	[tilespmem:s2], [sflag:$0x5] =	stream.linear.gather [hbm4b:s0+s2], $0x80, $0x38;
	[tilespmem:$0x16090] =	vst v63  }
0xaa: {  	_ =	swait.ge [sflag:s3], $0x80  }
0xab: {  	[sflag:s3] =	ssyncset.done $0x0  }
0xac: {  	s4 =	simm.s32 $0x80;
	s13 =	rddreg [dreg:$0x4];
	[sflag:s3] =	ssyncadd.s32 $0xFFFFFF80  }
0xad: {  	[tilespmem:s4], [sflag:$0x5] =	stream.linear.gather [hbm4b:s13+s2], $0x10, $0x38;
	[tilespmem:$0x16090] =	vst v63  }
0xae: {  	_ =	swait.ge [sflag:s3], $0x10  }
0xaf: {  	[sflag:s3] =	ssyncset.done $0x0  }
0xb0: {  	[sflag:s3] =	ssyncadd.s32 $0xFFFFFFF0  }
0xb1: {  	v33 =	vld [tilespmem:$0x80]  }
0xb2: {  	v34 =	vld [tilespmem:$0x0];
	_ =	sdelay $0x4  }
0xb3: {  	v34 =	vadd.s32 v33, v34  }
0xb4: {  	vm0 =	vgt.s32 v34, $0x1869F;
	v35 =	vadd.s32 $0xFFFE7960, v34  }
0xb5: {  	v34 =	vsel vm0, v35, v34  }
0xb6: {  	vm0 =	vlt.s32 v34, $0x0;
	v35 =	vadd.s32 $0x186A0, v34  }
0xb7: {  	v34 =	vsel vm0, v35, v34  }
0xb8: {  	(v2sf) =	vpush v34, $0x0  }
0xb9: {  	(v2sf) =	vpush v34, $0x1  }
0xba: {  	(v2sf) =	vpush v34, $0x2  }
0xbb: {  	(v2sf) =	vpush v34, $0x3  }
0xbc: {  	(v2sf) =	vpush v34, $0x4  }
0xbd: {  	(v2sf) =	vpush v34, $0x5  }
0xbe: {  	v46 =	vld [tilespmem:$0x10];
	(v2sf) =	vpush v34, $0x6  }
0xbf: {  	(v2sf) =	vpush v34, $0x7  }
0xc0: {  	(v2sf) =	vpush v34, $0x8  }
0xc1: {  	(v2sf) =	vpush v34, $0x9  }
0xc2: {  	(v2sf) =	vpush v34, $0xA  }
0xc3: {  	v35 =	vadd.s32 v33, v46;
	(v2sf) =	vpush v34, $0xB  }
0xc4: {  	vm9 =	vgt.s32 v35, $0x1869F;
	v36 =	vadd.s32 $0xFFFE7960, v35;
	(v2sf) =	vpush v34, $0xC  }
0xc5: {  	v35 =	vsel vm9, v36, v35;
	(v2sf) =	vpush v34, $0xD  }
0xc6: {  	vm0 =	vlt.s32 v35, $0x0;
	v36 =	vadd.s32 $0x186A0, v35;
	(v2sf) =	vpush v34, $0xE  }
0xc7: {  	v47 =	vsel vm0, v36, v35;
	s14 =	spop (v2sf);
	(v2sf) =	vpush v34, $0xF  }
0xc8: {  	[smem:$0x0] =	sst s14;
	s30 =	spop (v2sf);
	(v2sf) =	vpush v47, $0x0  }
0xc9: {  	[smem:$0x1] =	sst s30;
	s31 =	spop (v2sf);
	(v2sf) =	vpush v47, $0x1  }
0xca: {  	[smem:$0x2] =	sst s31;
	s3 =	spop (v2sf);
	(v2sf) =	vpush v47, $0x2  }
0xcb: {  	[smem:$0x3] =	sst s3;
	s4 =	spop (v2sf);
	(v2sf) =	vpush v47, $0x3  }
0xcc: {  	[smem:$0x4] =	sst s4;
	s6 =	spop (v2sf);
	(v2sf) =	vpush v47, $0x4  }
0xcd: {  	[smem:$0x5] =	sst s6;
	s7 =	spop (v2sf);
	(v2sf) =	vpush v47, $0x5  }
0xce: {  	v48 =	vld [tilespmem:$0x20];
	[smem:$0x6] =	sst s7;
	s13 =	spop (v2sf);
	(v2sf) =	vpush v47, $0x6  }
0xcf: {  	[smem:$0x7] =	sst s13;
	s14 =	spop (v2sf);
	(v2sf) =	vpush v47, $0x7  }
0xd0: {  	[smem:$0x8] =	sst s14;
	s30 =	spop (v2sf);
	(v2sf) =	vpush v47, $0x8  }
0xd1: {  	[smem:$0x9] =	sst s30;
	s31 =	spop (v2sf);
	(v2sf) =	vpush v47, $0x9  }
0xd2: {  	[smem:$0xA] =	sst s31;
	s3 =	spop (v2sf);
	(v2sf) =	vpush v47, $0xA  }
0xd3: {  	v35 =	vadd.s32 v33, v48;
	[smem:$0xB] =	sst s3;
	s4 =	spop (v2sf);
	(v2sf) =	vpush v47, $0xB  }
0xd4: {  	vm10 =	vgt.s32 v35, $0x1869F;
	v49 =	vadd.s32 $0xFFFE7960, v35;
	[smem:$0xC] =	sst s4;
	s6 =	spop (v2sf);
	(v2sf) =	vpush v47, $0xC  }
0xd5: {  	v35 =	vsel vm10, v49, v35;
	[smem:$0xD] =	sst s6;
	s7 =	spop (v2sf);
	(v2sf) =	vpush v47, $0xD  }
0xd6: {  	vm0 =	vlt.s32 v35, $0x0;
	v36 =	vadd.s32 $0x186A0, v35;
	[smem:$0xE] =	sst s7;
	s13 =	spop (v2sf);
	(v2sf) =	vpush v47, $0xE  }
0xd7: {  	v50 =	vsel vm0, v36, v35;
	[smem:$0xF] =	sst s13;
	s14 =	spop (v2sf);
	(v2sf) =	vpush v47, $0xF  }
0xd8: {  	[smem:$0x10] =	sst s14;
	s30 =	spop (v2sf);
	(v2sf) =	vpush v50, $0x0  }
0xd9: {  	[smem:$0x11] =	sst s30;
	s31 =	spop (v2sf);
	(v2sf) =	vpush v50, $0x1  }
0xda: {  	[smem:$0x12] =	sst s31;
	s3 =	spop (v2sf);
	(v2sf) =	vpush v50, $0x2  }
0xdb: {  	[smem:$0x13] =	sst s3;
	s4 =	spop (v2sf);
	(v2sf) =	vpush v50, $0x3  }
0xdc: {  	[smem:$0x14] =	sst s4;
	s6 =	spop (v2sf);
	(v2sf) =	vpush v50, $0x4  }
0xdd: {  	[smem:$0x15] =	sst s6;
	s7 =	spop (v2sf);
	(v2sf) =	vpush v50, $0x5  }
0xde: {  	v51 =	vld [tilespmem:$0x30];
	[smem:$0x16] =	sst s7;
	s13 =	spop (v2sf);
	(v2sf) =	vpush v50, $0x6  }
0xdf: {  	[smem:$0x17] =	sst s13;
	s14 =	spop (v2sf);
	(v2sf) =	vpush v50, $0x7  }
0xe0: {  	[smem:$0x18] =	sst s14;
	s30 =	spop (v2sf);
	(v2sf) =	vpush v50, $0x8  }
0xe1: {  	[smem:$0x19] =	sst s30;
	s31 =	spop (v2sf);
	(v2sf) =	vpush v50, $0x9  }
0xe2: {  	[smem:$0x1A] =	sst s31;
	s3 =	spop (v2sf);
	(v2sf) =	vpush v50, $0xA  }
0xe3: {  	v35 =	vadd.s32 v33, v51;
	[smem:$0x1B] =	sst s3;
	s4 =	spop (v2sf);
	(v2sf) =	vpush v50, $0xB  }
0xe4: {  	vm11 =	vgt.s32 v35, $0x1869F;
	v52 =	vadd.s32 $0xFFFE7960, v35;
	[smem:$0x1C] =	sst s4;
	s6 =	spop (v2sf);
	(v2sf) =	vpush v50, $0xC  }
0xe5: {  	v35 =	vsel vm11, v52, v35;
	[smem:$0x1D] =	sst s6;
	s7 =	spop (v2sf);
	(v2sf) =	vpush v50, $0xD  }
0xe6: {  	vm0 =	vlt.s32 v35, $0x0;
	v36 =	vadd.s32 $0x186A0, v35;
	[smem:$0x1E] =	sst s7;
	s13 =	spop (v2sf);
	(v2sf) =	vpush v50, $0xE  }
0xe7: {  	v53 =	vsel vm0, v36, v35;
	[smem:$0x1F] =	sst s13;
	s14 =	spop (v2sf);
	(v2sf) =	vpush v50, $0xF  }
0xe8: {  	[smem:$0x20] =	sst s14;
	s30 =	spop (v2sf);
	(v2sf) =	vpush v53, $0x0  }
0xe9: {  	[smem:$0x21] =	sst s30;
	s31 =	spop (v2sf);
	(v2sf) =	vpush v53, $0x1  }
0xea: {  	[smem:$0x22] =	sst s31;
	s3 =	spop (v2sf);
	(v2sf) =	vpush v53, $0x2  }
0xeb: {  	[smem:$0x23] =	sst s3;
	s4 =	spop (v2sf);
	(v2sf) =	vpush v53, $0x3  }
0xec: {  	[smem:$0x24] =	sst s4;
	s6 =	spop (v2sf);
	(v2sf) =	vpush v53, $0x4  }
0xed: {  	[smem:$0x25] =	sst s6;
	s7 =	spop (v2sf);
	(v2sf) =	vpush v53, $0x5  }
0xee: {  	v54 =	vld [tilespmem:$0x40];
	[smem:$0x26] =	sst s7;
	s13 =	spop (v2sf);
	(v2sf) =	vpush v53, $0x6  }
0xef: {  	[smem:$0x27] =	sst s13;
	s14 =	spop (v2sf);
	(v2sf) =	vpush v53, $0x7  }
0xf0: {  	[smem:$0x28] =	sst s14;
	s30 =	spop (v2sf);
	(v2sf) =	vpush v53, $0x8  }
0xf1: {  	[smem:$0x29] =	sst s30;
	s31 =	spop (v2sf);
	(v2sf) =	vpush v53, $0x9  }
0xf2: {  	[smem:$0x2A] =	sst s31;
	s3 =	spop (v2sf);
	(v2sf) =	vpush v53, $0xA  }
0xf3: {  	v35 =	vadd.s32 v33, v54;
	[smem:$0x2B] =	sst s3;
	s4 =	spop (v2sf);
	(v2sf) =	vpush v53, $0xB  }
0xf4: {  	vm12 =	vgt.s32 v35, $0x1869F;
	v55 =	vadd.s32 $0xFFFE7960, v35;
	[smem:$0x2C] =	sst s4;
	s6 =	spop (v2sf);
	(v2sf) =	vpush v53, $0xC  }
0xf5: {  	v35 =	vsel vm12, v55, v35;
	[smem:$0x2D] =	sst s6;
	s7 =	spop (v2sf);
	(v2sf) =	vpush v53, $0xD  }
0xf6: {  	vm0 =	vlt.s32 v35, $0x0;
	v36 =	vadd.s32 $0x186A0, v35;
	[smem:$0x2E] =	sst s7;
	s13 =	spop (v2sf);
	(v2sf) =	vpush v53, $0xE  }
0xf7: {  	v56 =	vsel vm0, v36, v35;
	[smem:$0x2F] =	sst s13;
	s14 =	spop (v2sf);
	(v2sf) =	vpush v53, $0xF  }
0xf8: {  	[smem:$0x30] =	sst s14;
	s30 =	spop (v2sf);
	(v2sf) =	vpush v56, $0x0  }
0xf9: {  	[smem:$0x31] =	sst s30;
	s31 =	spop (v2sf);
	(v2sf) =	vpush v56, $0x1  }
0xfa: {  	[smem:$0x32] =	sst s31;
	s3 =	spop (v2sf);
	(v2sf) =	vpush v56, $0x2  }
0xfb: {  	[smem:$0x33] =	sst s3;
	s4 =	spop (v2sf);
	(v2sf) =	vpush v56, $0x3  }
0xfc: {  	[smem:$0x34] =	sst s4;
	s6 =	spop (v2sf);
	(v2sf) =	vpush v56, $0x4  }
0xfd: {  	[smem:$0x35] =	sst s6;
	s7 =	spop (v2sf);
	(v2sf) =	vpush v56, $0x5  }
0xfe: {  	v57 =	vld [tilespmem:$0x50];
	[smem:$0x36] =	sst s7;
	s13 =	spop (v2sf);
	(v2sf) =	vpush v56, $0x6  }
0xff: {  	[smem:$0x37] =	sst s13;
	s14 =	spop (v2sf);
	(v2sf) =	vpush v56, $0x7  }
0x100: {  	[smem:$0x38] =	sst s14;
	s30 =	spop (v2sf);
	(v2sf) =	vpush v56, $0x8  }
0x101: {  	[smem:$0x39] =	sst s30;
	s31 =	spop (v2sf);
	(v2sf) =	vpush v56, $0x9  }
0x102: {  	[smem:$0x3A] =	sst s31;
	s3 =	spop (v2sf);
	(v2sf) =	vpush v56, $0xA  }
0x103: {  	v35 =	vadd.s32 v33, v57;
	[smem:$0x3B] =	sst s3;
	s4 =	spop (v2sf);
	(v2sf) =	vpush v56, $0xB  }
0x104: {  	vm13 =	vgt.s32 v35, $0x1869F;
	v58 =	vadd.s32 $0xFFFE7960, v35;
	[smem:$0x3C] =	sst s4;
	s6 =	spop (v2sf);
	(v2sf) =	vpush v56, $0xC  }
0x105: {  	v35 =	vsel vm13, v58, v35;
	[smem:$0x3D] =	sst s6;
	s7 =	spop (v2sf);
	(v2sf) =	vpush v56, $0xD  }
0x106: {  	vm0 =	vlt.s32 v35, $0x0;
	v36 =	vadd.s32 $0x186A0, v35;
	[smem:$0x3E] =	sst s7;
	s13 =	spop (v2sf);
	(v2sf) =	vpush v56, $0xE  }
0x107: {  	v59 =	vsel vm0, v36, v35;
	[smem:$0x3F] =	sst s13;
	s14 =	spop (v2sf);
	(v2sf) =	vpush v56, $0xF  }
0x108: {  	[smem:$0x40] =	sst s14;
	s30 =	spop (v2sf);
	(v2sf) =	vpush v59, $0x0  }
0x109: {  	[smem:$0x41] =	sst s30;
	s31 =	spop (v2sf);
	(v2sf) =	vpush v59, $0x1  }
0x10a: {  	[smem:$0x42] =	sst s31;
	s3 =	spop (v2sf);
	(v2sf) =	vpush v59, $0x2  }
0x10b: {  	[smem:$0x43] =	sst s3;
	s4 =	spop (v2sf);
	(v2sf) =	vpush v59, $0x3  }
0x10c: {  	[smem:$0x44] =	sst s4;
	s6 =	spop (v2sf);
	(v2sf) =	vpush v59, $0x4  }
0x10d: {  	[smem:$0x45] =	sst s6;
	s7 =	spop (v2sf);
	(v2sf) =	vpush v59, $0x5  }
0x10e: {  	v60 =	vld [tilespmem:$0x60];
	[smem:$0x46] =	sst s7;
	s13 =	spop (v2sf);
	(v2sf) =	vpush v59, $0x6  }
0x10f: {  	[smem:$0x47] =	sst s13;
	s14 =	spop (v2sf);
	(v2sf) =	vpush v59, $0x7  }
0x110: {  	[smem:$0x48] =	sst s14;
	s30 =	spop (v2sf);
	(v2sf) =	vpush v59, $0x8  }
0x111: {  	[smem:$0x49] =	sst s30;
	s31 =	spop (v2sf);
	(v2sf) =	vpush v59, $0x9  }
0x112: {  	[smem:$0x4A] =	sst s31;
	s3 =	spop (v2sf);
	(v2sf) =	vpush v59, $0xA  }
0x113: {  	v35 =	vadd.s32 v33, v60;
	[smem:$0x4B] =	sst s3;
	s4 =	spop (v2sf);
	(v2sf) =	vpush v59, $0xB  }
0x114: {  	vm14 =	vgt.s32 v35, $0x1869F;
	v61 =	vadd.s32 $0xFFFE7960, v35;
	[smem:$0x4C] =	sst s4;
	s6 =	spop (v2sf);
	(v2sf) =	vpush v59, $0xC  }
0x115: {  	v35 =	vsel vm14, v61, v35;
	[smem:$0x4D] =	sst s6;
	s7 =	spop (v2sf);
	(v2sf) =	vpush v59, $0xD  }
0x116: {  	vm0 =	vlt.s32 v35, $0x0;
	v36 =	vadd.s32 $0x186A0, v35;
	[smem:$0x4E] =	sst s7;
	s13 =	spop (v2sf);
	(v2sf) =	vpush v59, $0xE  }
0x117: {  	v62 =	vsel vm0, v36, v35;
	(v2sf) =	vpush v59, $0xF;
	s14 =	spop (v2sf);
	[smem:$0x4F] =	sst s13  }
0x118: {  	[smem:$0x50] =	sst s14;
	s30 =	spop (v2sf);
	(v2sf) =	vpush v62, $0x0  }
0x119: {  	[smem:$0x51] =	sst s30;
	s31 =	spop (v2sf);
	(v2sf) =	vpush v62, $0x1  }
0x11a: {  	[smem:$0x52] =	sst s31;
	s3 =	spop (v2sf);
	(v2sf) =	vpush v62, $0x2  }
0x11b: {  	[smem:$0x53] =	sst s3;
	s4 =	spop (v2sf);
	(v2sf) =	vpush v62, $0x3  }
0x11c: {  	[smem:$0x54] =	sst s4;
	s6 =	spop (v2sf);
	(v2sf) =	vpush v62, $0x4  }
0x11d: {  	[smem:$0x55] =	sst s6;
	s7 =	spop (v2sf);
	(v2sf) =	vpush v62, $0x5  }
0x11e: {  	v63 =	vld [tilespmem:$0x70];
	[smem:$0x56] =	sst s7;
	s13 =	spop (v2sf);
	(v2sf) =	vpush v62, $0x6  }
0x11f: {  	[smem:$0x57] =	sst s13;
	s14 =	spop (v2sf);
	(v2sf) =	vpush v62, $0x7  }
0x120: {  	[smem:$0x58] =	sst s14;
	s30 =	spop (v2sf);
	(v2sf) =	vpush v62, $0x8  }
0x121: {  	[smem:$0x59] =	sst s30;
	s31 =	spop (v2sf);
	(v2sf) =	vpush v62, $0x9  }
0x122: {  	[smem:$0x5A] =	sst s31;
	s3 =	spop (v2sf);
	(v2sf) =	vpush v62, $0xA  }
0x123: {  	v33 =	vadd.s32 v33, v63;
	[smem:$0x5B] =	sst s3;
	s4 =	spop (v2sf);
	(v2sf) =	vpush v62, $0xB  }
0x124: {  	vm15 =	vgt.s32 v33, $0x1869F;
	v35 =	vadd.s32 $0xFFFE7960, v33;
	[smem:$0x5C] =	sst s4;
	s6 =	spop (v2sf);
	(v2sf) =	vpush v62, $0xC  }
0x125: {  	v33 =	vsel vm15, v35, v33;
	[smem:$0x5D] =	sst s6;
	s7 =	spop (v2sf);
	(v2sf) =	vpush v62, $0xD  }
0x126: {  	vm0 =	vlt.s32 v33, $0x0;
	v35 =	vadd.s32 $0x186A0, v33;
	[smem:$0x5E] =	sst s7;
	s13 =	spop (v2sf);
	(v2sf) =	vpush v62, $0xE  }
0x127: {  	v33 =	vsel vm0, v35, v33;
	[smem:$0x5F] =	sst s13;
	s14 =	spop (v2sf);
	(v2sf) =	vpush v62, $0xF  }
0x128: {  	[smem:$0x60] =	sst s14;
	s30 =	spop (v2sf);
	(v2sf) =	vpush v33, $0x0  }
0x129: {  	[smem:$0x61] =	sst s30;
	s31 =	spop (v2sf);
	(v2sf) =	vpush v33, $0x1  }
0x12a: {  	[smem:$0x62] =	sst s31;
	s3 =	spop (v2sf);
	(v2sf) =	vpush v33, $0x2  }
0x12b: {  	[smem:$0x63] =	sst s3;
	s4 =	spop (v2sf);
	(v2sf) =	vpush v33, $0x3  }
0x12c: {  	[smem:$0x64] =	sst s4;
	s6 =	spop (v2sf);
	(v2sf) =	vpush v33, $0x4  }
0x12d: {  	[smem:$0x65] =	sst s6;
	s7 =	spop (v2sf);
	(v2sf) =	vpush v33, $0x5  }
0x12e: {  	[smem:$0x66] =	sst s7;
	s13 =	spop (v2sf);
	(v2sf) =	vpush v33, $0x6  }
0x12f: {  	[smem:$0x67] =	sst s13;
	s14 =	spop (v2sf);
	(v2sf) =	vpush v33, $0x7  }
0x130: {  	[smem:$0x68] =	sst s14;
	s30 =	spop (v2sf);
	(v2sf) =	vpush v33, $0x8  }
0x131: {  	[smem:$0x69] =	sst s30;
	s31 =	spop (v2sf);
	(v2sf) =	vpush v33, $0x9  }
0x132: {  	[smem:$0x6A] =	sst s31;
	s3 =	spop (v2sf)  }
0x133: {  	(v2sf) =	vpush v33, $0xA;
	[smem:$0x6B] =	sst s3;
	s4 =	spop (v2sf)  }
0x134: {  	(v2sf) =	vpush v33, $0xB;
	[smem:$0x6C] =	sst s4;
	s6 =	spop (v2sf)  }
0x135: {  	[smem:$0x6D] =	sst s6;
	s7 =	spop (v2sf)  }
0x136: {  	(v2sf) =	vpush v33, $0xC;
	[smem:$0x6E] =	sst s7;
	s13 =	spop (v2sf)  }
0x137: {  	(v2sf) =	vpush v33, $0xD;
	[smem:$0x6F] =	sst s13;
	s14 =	spop (v2sf)  }
0x138: {  	s30 =	spop (v2sf);
	[smem:$0x70] =	sst s14  }
0x139: {  	(v2sf) =	vpush v33, $0xE;
	s31 =	spop (v2sf);
	[smem:$0x71] =	sst s30  }
0x13a: {  	(v2sf) =	vpush v33, $0xF;
	s4 =	spop (v2sf);
	[smem:$0x72] =	sst s31  }
0x13b: {  	s6 =	spop (v2sf);
	[smem:$0x73] =	sst s4  }
0x13c: {  	s7 =	spop (v2sf);
	[smem:$0x74] =	sst s6  }
0x13d: {  	s13 =	spop (v2sf);
	[smem:$0x75] =	sst s7  }
0x13e: {  	s14 =	spop (v2sf);
	[smem:$0x76] =	sst s13  }
0x13f: {  	s30 =	spop (v2sf);
	[smem:$0x77] =	sst s14  }
0x140: {  	s31 =	spop (v2sf);
	[smem:$0x78] =	sst s30  }
0x141: {  	[smem:$0x79] =	sst s31  }
0x142: {  	s4 =	spop (v2sf);
	s31 =	rddreg [dreg:$0x5]  }
0x143: {  	s6 =	spop (v2sf);
	[smem:$0x7A] =	sst s4  }
0x144: {  	[hbm4b:s31+s2] =	stream.linear.scatter [tilespmem:s15], [sflag:$0x3], $0x1000, $0x38;
	[tilespmem:$0x16090] =	vst v63  }
0x145: {  	s7 =	spop (v2sf);
	[smem:$0x7B] =	sst s6  }
0x146: {  	s13 =	spop (v2sf);
	[smem:$0x7C] =	sst s7  }
0x147: {  	[hbm4b:s31+s2] =	stream.linear.scatter [tilespmem:s16], [sflag:$0x4], $0x1000, $0x38;
	[tilespmem:$0x16090] =	vst v63  }
0x148: {  	s14 =	spop (v2sf);
	[smem:$0x7D] =	sst s13  }
0x149: {  	[smem:$0x7E] =	sst s14;
	s30 =	spop (v2sf)  }
0x14a: {  	[smem:$0x7F] =	sst s30  }
0x14b: {  	s0 =	sld [smem:$0x0];
	_ =	sdelay $0x2  }
0x14c: {  	s0 =	sshll.u32 s0, $0x2  }
0x14d: {  	s0 =	sand.u32 $0x1FFFFFFC, s0  }
0x14e: {  	s3 =	sld [smem:$0x1];
	s0 =	sadd.s32 s5, s0  }
0x14f: {  	[tilespmem:s19], [sflag:$0x1] =	stream.linear.gather [hbm4b:s0+s2], $0x140, $0x38;
	[tilespmem:$0x16090] =	vst v63  }
0x150: {  	s4 =	simm.s32 $0x8;
	s0 =	simm.s32 $0x90  }
.LBB2_2:
0x151: {  	p0 =	sne.s32 s4, $0x1FC  }
.Ltmp0:
0x152: {  	_ = 	snop;
	(pc) =	sbr.rel @p0 .LBB2_2-.Ltmp0, $4  }
0x153: {  	s6 =	sshra.s32 s4, $0x2;
	s7 =	sshll.u32 s3, $0x2  }
0x154: {  	s0 =	sadd.s32 $0x140, s0;
	s31 =	simm.s32 $0x0;
	s30 =	sand.u32 $0x1FFFFFFC, s7  }
0x155: {  	s4 =	sadd.s32 $0x4, s4;
	s3 =	sld [smem:s6+$0x0];
	s6 =	sadd.s32 s5, s30  }
0x156: {  	[tilespmem:s0], [sflag:$0x1] =	stream.linear.gather [hbm4b:s6+s31], $0x140, $0x38;
	[tilespmem:$0x16090] =	vst v63  }
0x157: {  	_ = 	snop  }
0x158: {  	s3 =	sshll.u32 s3, $0x2  }
0x159: {  	s3 =	sand.u32 $0x1FFFFFFC, s3  }
0x15a: {  	s0 =	sadd.s32 $0x140, s0;
	p1 =	por $0x1, $0x1;
	s3 =	sadd.s32 s5, s3  }
0x15b: {  	[tilespmem:s0], [sflag:$0x1] =	stream.linear.gather [hbm4b:s3+s31], $0x140, $0x38;
	[tilespmem:$0x16090] =	vst v63  }
.Ltmp1:
0x15c: {  	_ = 	snop;
	(pc) =	sbr.rel @!p1 .LBB2_4-.Ltmp1, $3  }
0x15d: {  	s3 =	sld [smem:$0x0];
	_ =	sdelay $0x1  }
0x15e: {  	p0 =	por $0x0, $0x0  }
0x15f: {  	s0 =	simm.s32 $0xA090;
	[dreg:$0x8] =	wrdreg s12;
	s6 =	sshll.u32 s3, $0x5  }
0x160: {  	p1 =	por $0x1, $0x1  }
.Ltmp2:
0x161: {  	s3 =	sadd.s32 $0x140, s6;
	(pc) =	sbr.rel @!p1 .LBB2_6-.Ltmp2, $4  }
0x162: {  	s30 =	sld [smem:$0x1];
	s3 =	sshrl.u32 s3, $0x3  }
0x163: {  	s4 =	simm.s32 $0x8;
	s3 =	sadd.s32 s5, s3  }
0x164: {  	[tilespmem:s0], [sflag:$0x2] =	stream.linear.gather [hbm4b:s3+s31], $0x140, $0x38;
	[tilespmem:$0x16090] =	vst v63  }
0x165: {  	p0 =	por $0x1, $0x1;
	s6 =	sshll.u32 s30, $0x5;
	s3 =	simm.s32 $0xA090  }
.LBB2_7:
0x166: {  	s7 =	sshra.s32 s4, $0x2;
	s6 =	sadd.s32 $0x140, s6;
	p1 =	sne.s32 s4, $0x1FC  }
.Ltmp3:
0x167: {  	s4 =	sadd.s32 $0x4, s4;
	s6 =	sshrl.u32 s6, $0x3;
	(pc) =	sbr.rel @p1 .LBB2_7-.Ltmp3, $4  }
0x168: {  	s3 =	sadd.s32 $0x140, s3;
	s7 =	sld [smem:s7+$0x0];
	s6 =	sadd.s32 s5, s6  }
0x169: {  	[tilespmem:s3], [sflag:$0x2] =	stream.linear.gather [hbm4b:s6+s31], $0x140, $0x38;
	[tilespmem:$0x16090] =	vst v63  }
0x16a: {  	_ = 	snop  }
0x16b: {  	s6 =	sshll.u32 s7, $0x5  }
.LBB2_8:
0x16c: {  	s4 =	sadd.s32 $0x140, s6  }
0x16d: {  	s3 =	sadd.s32 @p0 $0x140, s3;
	s4 =	sshrl.u32 s4, $0x3  }
0x16e: {  	s0 =	smov.u32 @p0 s3;
	s4 =	sadd.s32 s5, s4  }
0x16f: {  	[tilespmem:s0], [sflag:$0x2] =	stream.linear.gather [hbm4b:s4+s31], $0x140, $0x38;
	[tilespmem:$0x16090] =	vst v63  }
.LBB2_9:
0x170: {  	_ =	swait.ge [sflag:s17], $0xA000  }
0x171: {  	s0 =	smul.u32 $0x14, s31;
	s3 =	simm.s32 $0x0;
	[sflag:s17] =	ssyncset.done $0x0  }
0x172: {  	s14 =	simm.s32 $0x10;
	s4 =	simm.s32 $0x30;
	[sflag:s17] =	ssyncadd.s32 $0xFFFF6000  }
.LBB2_10:
0x173: {  	_ =	swait.ge [sflag:s18], $0x1000  }
0x174: {  	[sflag:s18] =	ssyncset.done $0x0  }
0x175: {  	s6 =	smov.u32 s14;
	s7 =	simm.s32 $0x0;
	[sflag:s18] =	ssyncadd.s32 $0xFFFFF000  }
.LBB2_11:
0x176: {  	s12 =	sadd.s32 $0xFFFFFFF0, s6  }
0x177: {  	v33 =	vadd.s32 s12, v0  }
0x178: {  	v43 =	vor.u32 s7, v10;
	v34 =	vadd.s32 s12, v2;
	v33 =	vand.u32 $0x1FFC8, v33  }
0x179: {  	v35 =	vadd.s32 s12, v3;
	v34 =	vand.u32 $0x1FFC8, v34;
	v33 =	vor.u32 v1, v33  }
0x17a: {  	v36 =	vadd.s32 s12, v4;
	v35 =	vand.u32 $0x1FFC8, v35;
	v34 =	vor.u32 v1, v34  }
0x17b: {  	v37 =	vadd.s32 s12, v5;
	v36 =	vand.u32 $0x1FFC8, v36;
	v35 =	vor.u32 v1, v35  }
0x17c: {  	v38 =	vadd.s32 s12, v6;
	v37 =	vand.u32 $0x1FFC8, v37;
	v36 =	vor.u32 v1, v36  }
0x17d: {  	v39 =	vadd.s32 s12, v7;
	v38 =	vand.u32 $0x1FFC8, v38;
	v37 =	vor.u32 v1, v37  }
0x17e: {  	v40 =	vadd.s32 s12, v8;
	v39 =	vand.u32 $0x1FFC8, v39;
	v38 =	vor.u32 v1, v38;
	v33 =	vld.idx.msk [tilespmem:v33+s19+$0x0], $0xffff  }
0x17f: {  	v41 =	vadd.s32 s12, v9;
	v40 =	vand.u32 $0x1FFC8, v40;
	v39 =	vor.u32 v1, v39;
	v34 =	vld.idx.msk [tilespmem:v34+s19+$0x0], $0xffff  }
0x180: {  	v45 =	vor.u32 s7, v12;
	v41 =	vand.u32 $0x1FFC8, v41;
	v40 =	vor.u32 v1, v40;
	v35 =	vld.idx.msk [tilespmem:v35+s19+$0x0], $0xffff  }
0x181: {  	v47 =	vor.u32 s7, v14;
	v61 =	vor.u32 s7, v16;
	v41 =	vor.u32 v1, v41;
	v36 =	vld.idx.msk [tilespmem:v36+s19+$0x0], $0xffff  }
0x182: {  	v48 =	vor.u32 s7, v18;
	v51 =	vor.u32 s7, v20;
	v42 =	vadd.s32 s12, v11;
	v37 =	vld.idx.msk [tilespmem:v37+s19+$0x0], $0xffff  }
0x183: {  	v54 =	vor.u32 s7, v22;
	v44 =	vadd.s32 s12, v13;
	v42 =	vand.u32 $0x1FFC8, v42;
	v38 =	vld.idx.msk [tilespmem:v38+s19+$0x0], $0xffff  }
0x184: {  	v46 =	vadd.s32 s12, v15;
	v44 =	vand.u32 $0x1FFC8, v44;
	v42 =	vor.u32 v1, v42;
	v39 =	vld.idx.msk [tilespmem:v39+s19+$0x0], $0xffff  }
0x185: {  	v60 =	vadd.s32 s12, v17;
	v46 =	vand.u32 $0x1FFC8, v46;
	v44 =	vor.u32 v1, v44;
	v40 =	vld.idx.msk [tilespmem:v40+s19+$0x0], $0xffff  }
0x186: {  	v56 =	vadd.s32 s6, v0;
	v59 =	vor.u32 v1, v46;
	v41 =	vld.idx.msk [tilespmem:v41+s19+$0x0], $0xffff;
	[tilespmem:v43+s15+$0x0] =	vst.idx.msk $0xffff, v33;
	v43 =	vand.u32 $0x1FFC8, v60  }
0x187: {  	v57 =	vor.u32 s7, v24;
	v63 =	vadd.s32 s12, v19;
	v62 =	vor.u32 v1, v43  }
0x188: {  	v50 =	vadd.s32 s12, v21;
	v53 =	vadd.s32 s12, v23;
	v43 =	vand.u32 $0x1FFC8, v63  }
0x189: {  	v60 =	vor.u32 s7, v25;
	v42 =	vld.idx.msk [tilespmem:v42+s19+$0x0], $0xffff;
	[tilespmem:v45+s15+$0x0] =	vst.idx.msk $0xffff, v34;
	v49 =	vor.u32 v1, v43;
	v43 =	vand.u32 $0x1FFC8, v50  }
0x18a: {  	v63 =	vor.u32 s7, v26;
	v44 =	vld.idx.msk [tilespmem:v44+s19+$0x0], $0xffff;
	[tilespmem:v47+s15+$0x0] =	vst.idx.msk $0xffff, v35;
	v52 =	vor.u32 v1, v43;
	v43 =	vand.u32 $0x1FFC8, v53  }
0x18b: {  	v33 =	vld.idx.msk [tilespmem:v59+s19+$0x0], $0xffff;
	[tilespmem:v61+s15+$0x0] =	vst.idx.msk $0xffff, v36;
	v59 =	vadd.s32 s6, v2;
	v55 =	vor.u32 v1, v43;
	v43 =	vand.u32 $0x7FFFFFD8, v56  }
0x18c: {  	v58 =	vor.u32 v1, v43;
	v43 =	vand.u32 $0x7FFFFFD8, v59;
	v34 =	vld.idx.msk [tilespmem:v62+s19+$0x0], $0xffff;
	v62 =	vadd.s32 s6, v3  }
0x18d: {  	v50 =	vor.u32 s7, v27;
	[tilespmem:v48+s15+$0x0] =	vst.idx.msk $0xffff, v37;
	v61 =	vor.u32 v1, v43;
	v43 =	vand.u32 $0x7FFFFFD8, v62  }
0x18e: {  	v53 =	vor.u32 s7, v28;
	v35 =	vld.idx.msk [tilespmem:v49+s19+$0x0], $0xffff;
	[tilespmem:v51+s15+$0x0] =	vst.idx.msk $0xffff, v38;
	v49 =	vadd.s32 s6, v4;
	v48 =	vor.u32 v1, v43  }
0x18f: {  	v56 =	vor.u32 s7, v29;
	v36 =	vld.idx.msk [tilespmem:v52+s19+$0x0], $0xffff;
	[tilespmem:v54+s15+$0x0] =	vst.idx.msk $0xffff, v39;
	v43 =	vand.u32 $0x7FFFFFD8, v49;
	v52 =	vadd.s32 s6, v5  }
0x190: {  	v37 =	vld.idx.msk [tilespmem:v55+s19+$0x0], $0xffff;
	[tilespmem:v57+s15+$0x0] =	vst.idx.msk $0xffff, v40;
	v51 =	vor.u32 v1, v43;
	v43 =	vand.u32 $0x7FFFFFD8, v52;
	v55 =	vadd.s32 s6, v6  }
0x191: {  	v57 =	vadd.s32 s6, v7;
	v38 =	vld.idx.msk [tilespmem:v58+s19+$0x0], $0xffff;
	[tilespmem:v60+s15+$0x0] =	vst.idx.msk $0xffff, v41;
	v54 =	vor.u32 v1, v43;
	v43 =	vand.u32 $0x7FFFFFD8, v55  }
0x192: {  	v58 =	vor.u32 s7, v30;
	v60 =	vadd.s32 s6, v8;
	v39 =	vld.idx.msk [tilespmem:v61+s19+$0x0], $0xffff;
	[tilespmem:v63+s15+$0x0] =	vst.idx.msk $0xffff, v42;
	v43 =	vor.u32 v1, v43  }
0x193: {  	s30 =	sadd.s32 $0x800, s7;
	v61 =	vor.u32 s7, v31;
	v63 =	vadd.s32 s6, v9;
	v40 =	vld.idx.msk [tilespmem:v48+s19+$0x0], $0xffff;
	[tilespmem:v50+s15+$0x0] =	vst.idx.msk $0xffff, v44;
	v44 =	vand.u32 $0x7FFFFFD8, v57  }
0x194: {  	v48 =	vor.u32 s7, v32;
	v50 =	vadd.s32 s6, v11;
	v57 =	vor.u32 s30, v14  }
0x195: {  	v41 =	vld.idx.msk [tilespmem:v51+s19+$0x0], $0xffff;
	v59 =	vor.u32 v1, v44;
	v44 =	vand.u32 $0x7FFFFFD8, v60;
	v51 =	vor.u32 s30, v10  }
0x196: {  	[tilespmem:v53+s15+$0x0] =	vst.idx.msk $0xffff, v33;
	v53 =	vadd.s32 s6, v13;
	v62 =	vor.u32 v1, v44;
	v44 =	vand.u32 $0x7FFFFFD8, v63  }
0x197: {  	v60 =	vor.u32 s30, v16;
	v49 =	vor.u32 v1, v44;
	v44 =	vand.u32 $0x7FFFFFD8, v50  }
0x198: {  	v42 =	vld.idx.msk [tilespmem:v54+s19+$0x0], $0xffff;
	[tilespmem:v56+s15+$0x0] =	vst.idx.msk $0xffff, v34;
	v54 =	vor.u32 s30, v12;
	v56 =	vadd.s32 s6, v15;
	v52 =	vor.u32 v1, v44  }
0x199: {  	v63 =	vor.u32 s30, v18;
	v43 =	vld.idx.msk [tilespmem:v43+s19+$0x0], $0xffff;
	[tilespmem:v58+s15+$0x0] =	vst.idx.msk $0xffff, v35;
	v50 =	vor.u32 s30, v20;
	v44 =	vand.u32 $0x7FFFFFD8, v53  }
0x19a: {  	v55 =	vor.u32 v1, v44;
	v44 =	vand.u32 $0x7FFFFFD8, v56;
	v33 =	vld.idx.msk [tilespmem:v59+s19+$0x0], $0xffff;
	[tilespmem:v61+s15+$0x0] =	vst.idx.msk $0xffff, v36;
	v59 =	vadd.s32 s6, v17  }
0x19b: {  	v58 =	vor.u32 v1, v44;
	v34 =	vld.idx.msk [tilespmem:v62+s19+$0x0], $0xffff;
	[tilespmem:v48+s15+$0x0] =	vst.idx.msk $0xffff, v37;
	v44 =	vand.u32 $0x7FFFFFD8, v59;
	v62 =	vadd.s32 s6, v19  }
0x19c: {  	v35 =	vld.idx.msk [tilespmem:v49+s19+$0x0], $0xffff;
	[tilespmem:v51+s15+$0x0] =	vst.idx.msk $0xffff, v38;
	v61 =	vor.u32 v1, v44;
	v44 =	vand.u32 $0x7FFFFFD8, v62;
	v49 =	vadd.s32 s6, v21  }
0x19d: {  	v36 =	vld.idx.msk [tilespmem:v52+s19+$0x0], $0xffff;
	v48 =	vor.u32 v1, v44;
	v44 =	vand.u32 $0x7FFFFFD8, v49;
	v52 =	vadd.s32 s6, v23  }
0x19e: {  	v53 =	vor.u32 s30, v22;
	[tilespmem:v54+s15+$0x0] =	vst.idx.msk $0xffff, v39;
	v51 =	vor.u32 v1, v44;
	v44 =	vand.u32 $0x7FFFFFD8, v52  }
0x19f: {  	v37 =	vld.idx.msk [tilespmem:v55+s19+$0x0], $0xffff;
	[tilespmem:v57+s15+$0x0] =	vst.idx.msk $0xffff, v40;
	v55 =	vor.u32 s30, v24;
	v54 =	vor.u32 v1, v44  }
0x1a0: {  	v56 =	vor.u32 s30, v25;
	v38 =	vld.idx.msk [tilespmem:v58+s19+$0x0], $0xffff;
	[tilespmem:v60+s15+$0x0] =	vst.idx.msk $0xffff, v41  }
0x1a1: {  	v57 =	vor.u32 s30, v26;
	v39 =	vld.idx.msk [tilespmem:v61+s19+$0x0], $0xffff;
	[tilespmem:v63+s15+$0x0] =	vst.idx.msk $0xffff, v42  }
0x1a2: {  	v58 =	vor.u32 s30, v27;
	v40 =	vld.idx.msk [tilespmem:v48+s19+$0x0], $0xffff;
	[tilespmem:v50+s15+$0x0] =	vst.idx.msk $0xffff, v43  }
0x1a3: {  	v59 =	vor.u32 s30, v28;
	v41 =	vld.idx.msk [tilespmem:v51+s19+$0x0], $0xffff;
	[tilespmem:v53+s15+$0x0] =	vst.idx.msk $0xffff, v33  }
0x1a4: {  	v60 =	vor.u32 s30, v29;
	v42 =	vld.idx.msk [tilespmem:v54+s19+$0x0], $0xffff;
	[tilespmem:v55+s15+$0x0] =	vst.idx.msk $0xffff, v34  }
0x1a5: {  	v61 =	vor.u32 s30, v30;
	[tilespmem:v56+s15+$0x0] =	vst.idx.msk $0xffff, v35  }
0x1a6: {  	v62 =	vor.u32 s30, v31;
	[tilespmem:v57+s15+$0x0] =	vst.idx.msk $0xffff, v36  }
0x1a7: {  	p0 =	sne.s32 s7, $0x70;
	v63 =	vor.u32 s30, v32;
	[tilespmem:v58+s15+$0x0] =	vst.idx.msk $0xffff, v37  }
.Ltmp4:
0x1a8: {  	[tilespmem:v59+s15+$0x0] =	vst.idx.msk $0xffff, v38;
	(pc) =	sbr.rel @p0 .LBB2_11-.Ltmp4, $4  }
0x1a9: {  	[tilespmem:v60+s15+$0x0] =	vst.idx.msk $0xffff, v39  }
0x1aa: {  	[tilespmem:v61+s15+$0x0] =	vst.idx.msk $0xffff, v40  }
0x1ab: {  	[tilespmem:v62+s15+$0x0] =	vst.idx.msk $0xffff, v41  }
0x1ac: {  	s7 =	sadd.s32 $0x10, s7;
	s6 =	sadd.s32 $0x1400, s6;
	[tilespmem:v63+s15+$0x0] =	vst.idx.msk $0xffff, v42  }
0x1ad: {  	s6 =	sshll.u32 s3, $0x1  }
0x1ae: {  	s6 =	sadd.s32 s0, s6  }
0x1af: {  	s6 =	sshll.u32 s6, $0x11  }
0x1b0: {  	s7 =	sor.u32 s8, s6  }
0x1b1: {  	s7 =	sshrl.u32 s7, $0x3  }
0x1b2: {  	s13 =	sor.u32 s9, s6;
	s12 =	sadd.s32 s1, s7;
	s7 =	simm.s32 $0x0  }
0x1b3: {  	[hbm4b:s12+s7] =	stream.linear.scatter [tilespmem:s15], [sflag:$0x3], $0x400, $0x38;
	[tilespmem:$0x16090] =	vst v63  }
0x1b4: {  	s12 =	sshrl.u32 s13, $0x3  }
0x1b5: {  	s30 =	sor.u32 s10, s6;
	s12 =	sadd.s32 s1, s12  }
0x1b6: {  	[hbm4b:s12+s7] =	stream.linear.scatter [tilespmem:s20], [sflag:$0x3], $0x400, $0x38;
	[tilespmem:$0x16090] =	vst v63  }
0x1b7: {  	s6 =	sor.u32 s11, s6;
	s12 =	sshrl.u32 s30, $0x3  }
0x1b8: {  	s6 =	sshrl.u32 s6, $0x3;
	s12 =	sadd.s32 s1, s12  }
0x1b9: {  	[hbm4b:s12+s7] =	stream.linear.scatter [tilespmem:s21], [sflag:$0x3], $0x400, $0x38;
	[tilespmem:$0x16090] =	vst v63  }
0x1ba: {  	s6 =	sadd.s32 s1, s6  }
0x1bb: {  	[hbm4b:s6+s7] =	stream.linear.scatter [tilespmem:s22], [sflag:$0x3], $0x400, $0x38;
	[tilespmem:$0x16090] =	vst v63  }
0x1bc: {  	_ =	swait.ge [sflag:s23], $0x1000  }
0x1bd: {  	[sflag:s23] =	ssyncset.done $0x0  }
0x1be: {  	s12 =	sshllo.u32 s3, $0x1;
	s6 =	smov.u32 s4;
	[sflag:s23] =	ssyncadd.s32 $0xFFFFF000  }
.LBB2_13:
0x1bf: {  	s13 =	sadd.s32 $0xFFFFFFF0, s6  }
0x1c0: {  	v33 =	vadd.s32 s13, v0  }
0x1c1: {  	v43 =	vor.u32 s7, v10;
	v34 =	vadd.s32 s13, v2;
	v33 =	vand.u32 $0x7FFFFFE8, v33  }
0x1c2: {  	v35 =	vadd.s32 s13, v3;
	v34 =	vand.u32 $0x7FFFFFE8, v34;
	v33 =	vor.u32 v1, v33  }
0x1c3: {  	v36 =	vadd.s32 s13, v4;
	v35 =	vand.u32 $0x7FFFFFE8, v35;
	v34 =	vor.u32 v1, v34  }
0x1c4: {  	v37 =	vadd.s32 s13, v5;
	v36 =	vand.u32 $0x7FFFFFE8, v36;
	v35 =	vor.u32 v1, v35  }
0x1c5: {  	v38 =	vadd.s32 s13, v6;
	v37 =	vand.u32 $0x7FFFFFE8, v37;
	v36 =	vor.u32 v1, v36  }
0x1c6: {  	v39 =	vadd.s32 s13, v7;
	v38 =	vand.u32 $0x7FFFFFE8, v38;
	v37 =	vor.u32 v1, v37  }
0x1c7: {  	v40 =	vadd.s32 s13, v8;
	v39 =	vand.u32 $0x7FFFFFE8, v39;
	v38 =	vor.u32 v1, v38;
	v33 =	vld.idx.msk [tilespmem:v33+s19+$0x0], $0xffff  }
0x1c8: {  	v41 =	vadd.s32 s13, v9;
	v40 =	vand.u32 $0x7FFFFFE8, v40;
	v39 =	vor.u32 v1, v39;
	v34 =	vld.idx.msk [tilespmem:v34+s19+$0x0], $0xffff  }
0x1c9: {  	v45 =	vor.u32 s7, v12;
	v41 =	vand.u32 $0x7FFFFFE8, v41;
	v40 =	vor.u32 v1, v40;
	v35 =	vld.idx.msk [tilespmem:v35+s19+$0x0], $0xffff  }
0x1ca: {  	v47 =	vor.u32 s7, v14;
	v61 =	vor.u32 s7, v16;
	v41 =	vor.u32 v1, v41;
	v36 =	vld.idx.msk [tilespmem:v36+s19+$0x0], $0xffff  }
0x1cb: {  	v48 =	vor.u32 s7, v18;
	v51 =	vor.u32 s7, v20;
	v42 =	vadd.s32 s13, v11;
	v37 =	vld.idx.msk [tilespmem:v37+s19+$0x0], $0xffff  }
0x1cc: {  	v54 =	vor.u32 s7, v22;
	v44 =	vadd.s32 s13, v13;
	v42 =	vand.u32 $0x7FFFFFE8, v42;
	v38 =	vld.idx.msk [tilespmem:v38+s19+$0x0], $0xffff  }
0x1cd: {  	v46 =	vadd.s32 s13, v15;
	v44 =	vand.u32 $0x7FFFFFE8, v44;
	v42 =	vor.u32 v1, v42;
	v39 =	vld.idx.msk [tilespmem:v39+s19+$0x0], $0xffff  }
0x1ce: {  	v60 =	vadd.s32 s13, v17;
	v46 =	vand.u32 $0x7FFFFFE8, v46;
	v44 =	vor.u32 v1, v44;
	v40 =	vld.idx.msk [tilespmem:v40+s19+$0x0], $0xffff  }
0x1cf: {  	v56 =	vadd.s32 s6, v0;
	v59 =	vor.u32 v1, v46;
	v41 =	vld.idx.msk [tilespmem:v41+s19+$0x0], $0xffff;
	[tilespmem:v43+s16+$0x0] =	vst.idx.msk $0xffff, v33;
	v43 =	vand.u32 $0x7FFFFFE8, v60  }
0x1d0: {  	v57 =	vor.u32 s7, v24;
	v63 =	vadd.s32 s13, v19;
	v62 =	vor.u32 v1, v43  }
0x1d1: {  	v50 =	vadd.s32 s13, v21;
	v53 =	vadd.s32 s13, v23;
	v43 =	vand.u32 $0x7FFFFFE8, v63  }
0x1d2: {  	v60 =	vor.u32 s7, v25;
	v42 =	vld.idx.msk [tilespmem:v42+s19+$0x0], $0xffff;
	[tilespmem:v45+s16+$0x0] =	vst.idx.msk $0xffff, v34;
	v49 =	vor.u32 v1, v43;
	v43 =	vand.u32 $0x7FFFFFE8, v50  }
0x1d3: {  	v63 =	vor.u32 s7, v26;
	v44 =	vld.idx.msk [tilespmem:v44+s19+$0x0], $0xffff;
	[tilespmem:v47+s16+$0x0] =	vst.idx.msk $0xffff, v35;
	v52 =	vor.u32 v1, v43;
	v43 =	vand.u32 $0x7FFFFFE8, v53  }
0x1d4: {  	v33 =	vld.idx.msk [tilespmem:v59+s19+$0x0], $0xffff;
	[tilespmem:v61+s16+$0x0] =	vst.idx.msk $0xffff, v36;
	v59 =	vadd.s32 s6, v2;
	v55 =	vor.u32 v1, v43;
	v43 =	vand.u32 $0xFFFFFFF8, v56  }
0x1d5: {  	v58 =	vor.u32 v1, v43;
	v43 =	vand.u32 $0xFFFFFFF8, v59;
	v34 =	vld.idx.msk [tilespmem:v62+s19+$0x0], $0xffff;
	v62 =	vadd.s32 s6, v3  }
0x1d6: {  	v50 =	vor.u32 s7, v27;
	[tilespmem:v48+s16+$0x0] =	vst.idx.msk $0xffff, v37;
	v61 =	vor.u32 v1, v43;
	v43 =	vand.u32 $0xFFFFFFF8, v62  }
0x1d7: {  	v53 =	vor.u32 s7, v28;
	v35 =	vld.idx.msk [tilespmem:v49+s19+$0x0], $0xffff;
	[tilespmem:v51+s16+$0x0] =	vst.idx.msk $0xffff, v38;
	v49 =	vadd.s32 s6, v4;
	v48 =	vor.u32 v1, v43  }
0x1d8: {  	v56 =	vor.u32 s7, v29;
	v36 =	vld.idx.msk [tilespmem:v52+s19+$0x0], $0xffff;
	[tilespmem:v54+s16+$0x0] =	vst.idx.msk $0xffff, v39;
	v43 =	vand.u32 $0xFFFFFFF8, v49;
	v52 =	vadd.s32 s6, v5  }
0x1d9: {  	v37 =	vld.idx.msk [tilespmem:v55+s19+$0x0], $0xffff;
	[tilespmem:v57+s16+$0x0] =	vst.idx.msk $0xffff, v40;
	v51 =	vor.u32 v1, v43;
	v43 =	vand.u32 $0xFFFFFFF8, v52;
	v55 =	vadd.s32 s6, v6  }
0x1da: {  	v57 =	vadd.s32 s6, v7;
	v38 =	vld.idx.msk [tilespmem:v58+s19+$0x0], $0xffff;
	[tilespmem:v60+s16+$0x0] =	vst.idx.msk $0xffff, v41;
	v54 =	vor.u32 v1, v43;
	v43 =	vand.u32 $0xFFFFFFF8, v55  }
0x1db: {  	v58 =	vor.u32 s7, v30;
	v60 =	vadd.s32 s6, v8;
	v39 =	vld.idx.msk [tilespmem:v61+s19+$0x0], $0xffff;
	[tilespmem:v63+s16+$0x0] =	vst.idx.msk $0xffff, v42;
	v43 =	vor.u32 v1, v43  }
0x1dc: {  	s30 =	sadd.s32 $0x800, s7;
	v61 =	vor.u32 s7, v31;
	v63 =	vadd.s32 s6, v9;
	v40 =	vld.idx.msk [tilespmem:v48+s19+$0x0], $0xffff;
	[tilespmem:v50+s16+$0x0] =	vst.idx.msk $0xffff, v44;
	v44 =	vand.u32 $0xFFFFFFF8, v57  }
0x1dd: {  	v48 =	vor.u32 s7, v32;
	v50 =	vadd.s32 s6, v11;
	v57 =	vor.u32 s30, v14  }
0x1de: {  	v41 =	vld.idx.msk [tilespmem:v51+s19+$0x0], $0xffff;
	v59 =	vor.u32 v1, v44;
	v44 =	vand.u32 $0xFFFFFFF8, v60;
	v51 =	vor.u32 s30, v10  }
0x1df: {  	[tilespmem:v53+s16+$0x0] =	vst.idx.msk $0xffff, v33;
	v53 =	vadd.s32 s6, v13;
	v62 =	vor.u32 v1, v44;
	v44 =	vand.u32 $0xFFFFFFF8, v63  }
0x1e0: {  	v60 =	vor.u32 s30, v16;
	v49 =	vor.u32 v1, v44;
	v44 =	vand.u32 $0xFFFFFFF8, v50  }
0x1e1: {  	v42 =	vld.idx.msk [tilespmem:v54+s19+$0x0], $0xffff;
	[tilespmem:v56+s16+$0x0] =	vst.idx.msk $0xffff, v34;
	v54 =	vor.u32 s30, v12;
	v56 =	vadd.s32 s6, v15;
	v52 =	vor.u32 v1, v44  }
0x1e2: {  	v63 =	vor.u32 s30, v18;
	v43 =	vld.idx.msk [tilespmem:v43+s19+$0x0], $0xffff;
	[tilespmem:v58+s16+$0x0] =	vst.idx.msk $0xffff, v35;
	v50 =	vor.u32 s30, v20;
	v44 =	vand.u32 $0xFFFFFFF8, v53  }
0x1e3: {  	v55 =	vor.u32 v1, v44;
	v44 =	vand.u32 $0xFFFFFFF8, v56;
	v33 =	vld.idx.msk [tilespmem:v59+s19+$0x0], $0xffff;
	[tilespmem:v61+s16+$0x0] =	vst.idx.msk $0xffff, v36;
	v59 =	vadd.s32 s6, v17  }
0x1e4: {  	v58 =	vor.u32 v1, v44;
	v34 =	vld.idx.msk [tilespmem:v62+s19+$0x0], $0xffff;
	[tilespmem:v48+s16+$0x0] =	vst.idx.msk $0xffff, v37;
	v44 =	vand.u32 $0xFFFFFFF8, v59;
	v62 =	vadd.s32 s6, v19  }
0x1e5: {  	v35 =	vld.idx.msk [tilespmem:v49+s19+$0x0], $0xffff;
	[tilespmem:v51+s16+$0x0] =	vst.idx.msk $0xffff, v38;
	v61 =	vor.u32 v1, v44;
	v44 =	vand.u32 $0xFFFFFFF8, v62;
	v49 =	vadd.s32 s6, v21  }
0x1e6: {  	v36 =	vld.idx.msk [tilespmem:v52+s19+$0x0], $0xffff;
	v48 =	vor.u32 v1, v44;
	v44 =	vand.u32 $0xFFFFFFF8, v49;
	v52 =	vadd.s32 s6, v23  }
0x1e7: {  	v53 =	vor.u32 s30, v22;
	[tilespmem:v54+s16+$0x0] =	vst.idx.msk $0xffff, v39;
	v51 =	vor.u32 v1, v44;
	v44 =	vand.u32 $0xFFFFFFF8, v52  }
0x1e8: {  	v37 =	vld.idx.msk [tilespmem:v55+s19+$0x0], $0xffff;
	[tilespmem:v57+s16+$0x0] =	vst.idx.msk $0xffff, v40;
	v55 =	vor.u32 s30, v24;
	v54 =	vor.u32 v1, v44  }
0x1e9: {  	v56 =	vor.u32 s30, v25;
	v38 =	vld.idx.msk [tilespmem:v58+s19+$0x0], $0xffff;
	[tilespmem:v60+s16+$0x0] =	vst.idx.msk $0xffff, v41  }
0x1ea: {  	v57 =	vor.u32 s30, v26;
	v39 =	vld.idx.msk [tilespmem:v61+s19+$0x0], $0xffff;
	[tilespmem:v63+s16+$0x0] =	vst.idx.msk $0xffff, v42  }
0x1eb: {  	v58 =	vor.u32 s30, v27;
	v40 =	vld.idx.msk [tilespmem:v48+s19+$0x0], $0xffff;
	[tilespmem:v50+s16+$0x0] =	vst.idx.msk $0xffff, v43  }
0x1ec: {  	v59 =	vor.u32 s30, v28;
	v41 =	vld.idx.msk [tilespmem:v51+s19+$0x0], $0xffff;
	[tilespmem:v53+s16+$0x0] =	vst.idx.msk $0xffff, v33  }
0x1ed: {  	v60 =	vor.u32 s30, v29;
	v42 =	vld.idx.msk [tilespmem:v54+s19+$0x0], $0xffff;
	[tilespmem:v55+s16+$0x0] =	vst.idx.msk $0xffff, v34  }
0x1ee: {  	v61 =	vor.u32 s30, v30;
	[tilespmem:v56+s16+$0x0] =	vst.idx.msk $0xffff, v35  }
0x1ef: {  	v62 =	vor.u32 s30, v31;
	[tilespmem:v57+s16+$0x0] =	vst.idx.msk $0xffff, v36  }
0x1f0: {  	p0 =	sne.s32 s7, $0x70;
	v63 =	vor.u32 s30, v32;
	[tilespmem:v58+s16+$0x0] =	vst.idx.msk $0xffff, v37  }
.Ltmp5:
0x1f1: {  	[tilespmem:v59+s16+$0x0] =	vst.idx.msk $0xffff, v38;
	(pc) =	sbr.rel @p0 .LBB2_13-.Ltmp5, $4  }
0x1f2: {  	[tilespmem:v60+s16+$0x0] =	vst.idx.msk $0xffff, v39  }
0x1f3: {  	[tilespmem:v61+s16+$0x0] =	vst.idx.msk $0xffff, v40  }
0x1f4: {  	[tilespmem:v62+s16+$0x0] =	vst.idx.msk $0xffff, v41  }
0x1f5: {  	s7 =	sadd.s32 $0x10, s7;
	s6 =	sadd.s32 $0x1400, s6;
	[tilespmem:v63+s16+$0x0] =	vst.idx.msk $0xffff, v42  }
0x1f6: {  	s6 =	sadd.s32 s0, s12  }
0x1f7: {  	s6 =	sshll.u32 s6, $0x11  }
0x1f8: {  	s7 =	sor.u32 s8, s6  }
0x1f9: {  	s7 =	sshrl.u32 s7, $0x3  }
0x1fa: {  	s13 =	sor.u32 s9, s6;
	s7 =	sadd.s32 s1, s7  }
0x1fb: {  	[hbm4b:s7+s2] =	stream.linear.scatter [tilespmem:s16], [sflag:$0x4], $0x400, $0x38;
	[tilespmem:$0x16090] =	vst v63  }
0x1fc: {  	s3 =	sadd.s32 $0x1, s3;
	s7 =	sshrl.u32 s13, $0x3  }
0x1fd: {  	p0 =	sne.s32 s3, $0x5;
	s30 =	sor.u32 s10, s6;
	s7 =	sadd.s32 s1, s7  }
0x1fe: {  	[hbm4b:s7+s2] =	stream.linear.scatter [tilespmem:s24], [sflag:$0x4], $0x400, $0x38;
	[tilespmem:$0x16090] =	vst v63  }
.Ltmp6:
0x1ff: {  	s6 =	sor.u32 s11, s6;
	s7 =	sshrl.u32 s30, $0x3;
	(pc) =	sbr.rel @p0 .LBB2_10-.Ltmp6, $4  }
0x200: {  	s6 =	sshrl.u32 s6, $0x3;
	s7 =	sadd.s32 s1, s7  }
0x201: {  	[hbm4b:s7+s2] =	stream.linear.scatter [tilespmem:s25], [sflag:$0x4], $0x400, $0x38;
	[tilespmem:$0x16090] =	vst v63  }
0x202: {  	s14 =	sadd.s32 $0x40, s14;
	s4 =	sadd.s32 $0x40, s4;
	s6 =	sadd.s32 s1, s6  }
0x203: {  	[hbm4b:s6+s2] =	stream.linear.scatter [tilespmem:s26], [sflag:$0x4], $0x400, $0x38;
	[tilespmem:$0x16090] =	vst v63  }
0x204: {  	s3 =	sshll.u32 s31, $0x1  }
0x205: {  	s4 =	smin.u32 s3, $0x11  }
0x206: {  	s7 =	sld [smem:$0x0];
	s4 =	smul.u32 $0xA, s4  }
0x207: {  	_ = 	snop  }
0x208: {  	s6 =	sadd.s32 $0x14, s4  }
0x209: {  	s4 =	sadd.s32 s7, s6  }
0x20a: {  	s4 =	sshll.u32 s4, $0x2  }
0x20b: {  	s12 =	sld [smem:$0x1];
	s30 =	sand.u32 $0x1FFFFFFC, s4  }
0x20c: {  	s4 =	simm.s32 $0x90;
	s7 =	sadd.s32 s5, s30  }
0x20d: {  	[tilespmem:s4], [sflag:$0x1] =	stream.linear.gather [hbm4b:s7+s2], $0x140, $0x38;
	[tilespmem:$0x16090] =	vst v63  }
0x20e: {  	s12 =	sadd.s32 s12, s6;
	s7 =	simm.s32 $0x8  }
.LBB2_16:
0x20f: {  	s13 =	sshra.s32 s7, $0x2;
	s12 =	sshll.u32 s12, $0x2;
	p0 =	sne.s32 s7, $0x1FC  }
.Ltmp7:
0x210: {  	s7 =	sadd.s32 $0x4, s7;
	s12 =	sand.u32 $0x1FFFFFFC, s12;
	(pc) =	sbr.rel @p0 .LBB2_16-.Ltmp7, $4  }
0x211: {  	s4 =	sadd.s32 $0x140, s4;
	s13 =	sld [smem:s13+$0x0];
	s12 =	sadd.s32 s5, s12  }
0x212: {  	[tilespmem:s4], [sflag:$0x1] =	stream.linear.gather [hbm4b:s12+s2], $0x140, $0x38;
	[tilespmem:$0x16090] =	vst v63  }
0x213: {  	_ = 	snop  }
0x214: {  	s12 =	sadd.s32 s13, s6  }
0x215: {  	s6 =	sshll.u32 s12, $0x2  }
0x216: {  	s6 =	sand.u32 $0x1FFFFFFC, s6  }
0x217: {  	s4 =	sadd.s32 $0x140, s4;
	s6 =	sadd.s32 s5, s6  }
0x218: {  	[tilespmem:s4], [sflag:$0x1] =	stream.linear.gather [hbm4b:s6+s2], $0x140, $0x38;
	[tilespmem:$0x16090] =	vst v63  }
0x219: {  	_ =	swait.ge [sflag:s28], $0xA000  }
0x21a: {  	s0 =	sadd.s32 $0xA, s0;
	s14 =	simm.s32 $0x0;
	[sflag:s28] =	ssyncset.done $0x0  }
0x21b: {  	s13 =	simm.s32 $0x30;
	s4 =	simm.s32 $0x10;
	[sflag:s28] =	ssyncadd.s32 $0xFFFF6000  }
.LBB2_18:
0x21c: {  	_ =	swait.ge [sflag:s18], $0x1000  }
0x21d: {  	[sflag:s18] =	ssyncset.done $0x0  }
0x21e: {  	s6 =	smov.u32 s4;
	s12 =	simm.s32 $0x0;
	[sflag:s18] =	ssyncadd.s32 $0xFFFFF000  }
.LBB2_19:
0x21f: {  	s7 =	sadd.s32 $0xFFFFFFF0, s6  }
0x220: {  	v33 =	vadd.s32 s7, v0  }
0x221: {  	v43 =	vor.u32 s12, v10;
	v34 =	vadd.s32 s7, v2;
	v33 =	vand.u32 $0x1FFC8, v33  }
0x222: {  	v35 =	vadd.s32 s7, v3;
	v34 =	vand.u32 $0x1FFC8, v34;
	v33 =	vor.u32 v1, v33  }
0x223: {  	v36 =	vadd.s32 s7, v4;
	v35 =	vand.u32 $0x1FFC8, v35;
	v34 =	vor.u32 v1, v34  }
0x224: {  	v37 =	vadd.s32 s7, v5;
	v36 =	vand.u32 $0x1FFC8, v36;
	v35 =	vor.u32 v1, v35  }
0x225: {  	v38 =	vadd.s32 s7, v6;
	v37 =	vand.u32 $0x1FFC8, v37;
	v36 =	vor.u32 v1, v36  }
0x226: {  	v39 =	vadd.s32 s7, v7;
	v38 =	vand.u32 $0x1FFC8, v38;
	v37 =	vor.u32 v1, v37  }
0x227: {  	v40 =	vadd.s32 s7, v8;
	v39 =	vand.u32 $0x1FFC8, v39;
	v38 =	vor.u32 v1, v38;
	v33 =	vld.idx.msk [tilespmem:v33+s29+$0x0], $0xffff  }
0x228: {  	v41 =	vadd.s32 s7, v9;
	v40 =	vand.u32 $0x1FFC8, v40;
	v39 =	vor.u32 v1, v39;
	v34 =	vld.idx.msk [tilespmem:v34+s29+$0x0], $0xffff  }
0x229: {  	v45 =	vor.u32 s12, v12;
	v41 =	vand.u32 $0x1FFC8, v41;
	v40 =	vor.u32 v1, v40;
	v35 =	vld.idx.msk [tilespmem:v35+s29+$0x0], $0xffff  }
0x22a: {  	v47 =	vor.u32 s12, v14;
	v61 =	vor.u32 s12, v16;
	v41 =	vor.u32 v1, v41;
	v36 =	vld.idx.msk [tilespmem:v36+s29+$0x0], $0xffff  }
0x22b: {  	v48 =	vor.u32 s12, v18;
	v51 =	vor.u32 s12, v20;
	v42 =	vadd.s32 s7, v11;
	v37 =	vld.idx.msk [tilespmem:v37+s29+$0x0], $0xffff  }
0x22c: {  	v54 =	vor.u32 s12, v22;
	v44 =	vadd.s32 s7, v13;
	v42 =	vand.u32 $0x1FFC8, v42;
	v38 =	vld.idx.msk [tilespmem:v38+s29+$0x0], $0xffff  }
0x22d: {  	v46 =	vadd.s32 s7, v15;
	v44 =	vand.u32 $0x1FFC8, v44;
	v42 =	vor.u32 v1, v42;
	v39 =	vld.idx.msk [tilespmem:v39+s29+$0x0], $0xffff  }
0x22e: {  	v60 =	vadd.s32 s7, v17;
	v46 =	vand.u32 $0x1FFC8, v46;
	v44 =	vor.u32 v1, v44;
	v40 =	vld.idx.msk [tilespmem:v40+s29+$0x0], $0xffff  }
0x22f: {  	v56 =	vadd.s32 s6, v0;
	v59 =	vor.u32 v1, v46;
	v41 =	vld.idx.msk [tilespmem:v41+s29+$0x0], $0xffff;
	[tilespmem:v43+s15+$0x0] =	vst.idx.msk $0xffff, v33;
	v43 =	vand.u32 $0x1FFC8, v60  }
0x230: {  	v57 =	vor.u32 s12, v24;
	v63 =	vadd.s32 s7, v19;
	v62 =	vor.u32 v1, v43  }
0x231: {  	v50 =	vadd.s32 s7, v21;
	v53 =	vadd.s32 s7, v23;
	v43 =	vand.u32 $0x1FFC8, v63  }
0x232: {  	v60 =	vor.u32 s12, v25;
	v42 =	vld.idx.msk [tilespmem:v42+s29+$0x0], $0xffff;
	[tilespmem:v45+s15+$0x0] =	vst.idx.msk $0xffff, v34;
	v49 =	vor.u32 v1, v43;
	v43 =	vand.u32 $0x1FFC8, v50  }
0x233: {  	v63 =	vor.u32 s12, v26;
	v44 =	vld.idx.msk [tilespmem:v44+s29+$0x0], $0xffff;
	[tilespmem:v47+s15+$0x0] =	vst.idx.msk $0xffff, v35;
	v52 =	vor.u32 v1, v43;
	v43 =	vand.u32 $0x1FFC8, v53  }
0x234: {  	v33 =	vld.idx.msk [tilespmem:v59+s29+$0x0], $0xffff;
	[tilespmem:v61+s15+$0x0] =	vst.idx.msk $0xffff, v36;
	v59 =	vadd.s32 s6, v2;
	v55 =	vor.u32 v1, v43;
	v43 =	vand.u32 $0x7FFFFFD8, v56  }
0x235: {  	v58 =	vor.u32 v1, v43;
	v43 =	vand.u32 $0x7FFFFFD8, v59;
	v34 =	vld.idx.msk [tilespmem:v62+s29+$0x0], $0xffff;
	v62 =	vadd.s32 s6, v3  }
0x236: {  	v50 =	vor.u32 s12, v27;
	[tilespmem:v48+s15+$0x0] =	vst.idx.msk $0xffff, v37;
	v61 =	vor.u32 v1, v43;
	v43 =	vand.u32 $0x7FFFFFD8, v62  }
0x237: {  	v53 =	vor.u32 s12, v28;
	v35 =	vld.idx.msk [tilespmem:v49+s29+$0x0], $0xffff;
	[tilespmem:v51+s15+$0x0] =	vst.idx.msk $0xffff, v38;
	v49 =	vadd.s32 s6, v4;
	v48 =	vor.u32 v1, v43  }
0x238: {  	v56 =	vor.u32 s12, v29;
	v36 =	vld.idx.msk [tilespmem:v52+s29+$0x0], $0xffff;
	[tilespmem:v54+s15+$0x0] =	vst.idx.msk $0xffff, v39;
	v43 =	vand.u32 $0x7FFFFFD8, v49;
	v52 =	vadd.s32 s6, v5  }
0x239: {  	v37 =	vld.idx.msk [tilespmem:v55+s29+$0x0], $0xffff;
	[tilespmem:v57+s15+$0x0] =	vst.idx.msk $0xffff, v40;
	v51 =	vor.u32 v1, v43;
	v43 =	vand.u32 $0x7FFFFFD8, v52;
	v55 =	vadd.s32 s6, v6  }
0x23a: {  	v57 =	vadd.s32 s6, v7;
	v38 =	vld.idx.msk [tilespmem:v58+s29+$0x0], $0xffff;
	[tilespmem:v60+s15+$0x0] =	vst.idx.msk $0xffff, v41;
	v54 =	vor.u32 v1, v43;
	v43 =	vand.u32 $0x7FFFFFD8, v55  }
0x23b: {  	v58 =	vor.u32 s12, v30;
	v60 =	vadd.s32 s6, v8;
	v39 =	vld.idx.msk [tilespmem:v61+s29+$0x0], $0xffff;
	[tilespmem:v63+s15+$0x0] =	vst.idx.msk $0xffff, v42;
	v43 =	vor.u32 v1, v43  }
0x23c: {  	s30 =	sadd.s32 $0x800, s12;
	v61 =	vor.u32 s12, v31;
	v63 =	vadd.s32 s6, v9;
	v40 =	vld.idx.msk [tilespmem:v48+s29+$0x0], $0xffff;
	[tilespmem:v50+s15+$0x0] =	vst.idx.msk $0xffff, v44;
	v44 =	vand.u32 $0x7FFFFFD8, v57  }
0x23d: {  	v48 =	vor.u32 s12, v32;
	v50 =	vadd.s32 s6, v11;
	v57 =	vor.u32 s30, v14  }
0x23e: {  	v41 =	vld.idx.msk [tilespmem:v51+s29+$0x0], $0xffff;
	v59 =	vor.u32 v1, v44;
	v44 =	vand.u32 $0x7FFFFFD8, v60;
	v51 =	vor.u32 s30, v10  }
0x23f: {  	[tilespmem:v53+s15+$0x0] =	vst.idx.msk $0xffff, v33;
	v53 =	vadd.s32 s6, v13;
	v62 =	vor.u32 v1, v44;
	v44 =	vand.u32 $0x7FFFFFD8, v63  }
0x240: {  	v60 =	vor.u32 s30, v16;
	v49 =	vor.u32 v1, v44;
	v44 =	vand.u32 $0x7FFFFFD8, v50  }
0x241: {  	v42 =	vld.idx.msk [tilespmem:v54+s29+$0x0], $0xffff;
	[tilespmem:v56+s15+$0x0] =	vst.idx.msk $0xffff, v34;
	v54 =	vor.u32 s30, v12;
	v56 =	vadd.s32 s6, v15;
	v52 =	vor.u32 v1, v44  }
0x242: {  	v63 =	vor.u32 s30, v18;
	v43 =	vld.idx.msk [tilespmem:v43+s29+$0x0], $0xffff;
	[tilespmem:v58+s15+$0x0] =	vst.idx.msk $0xffff, v35;
	v50 =	vor.u32 s30, v20;
	v44 =	vand.u32 $0x7FFFFFD8, v53  }
0x243: {  	v55 =	vor.u32 v1, v44;
	v44 =	vand.u32 $0x7FFFFFD8, v56;
	v33 =	vld.idx.msk [tilespmem:v59+s29+$0x0], $0xffff;
	[tilespmem:v61+s15+$0x0] =	vst.idx.msk $0xffff, v36;
	v59 =	vadd.s32 s6, v17  }
0x244: {  	v58 =	vor.u32 v1, v44;
	v34 =	vld.idx.msk [tilespmem:v62+s29+$0x0], $0xffff;
	[tilespmem:v48+s15+$0x0] =	vst.idx.msk $0xffff, v37;
	v44 =	vand.u32 $0x7FFFFFD8, v59;
	v62 =	vadd.s32 s6, v19  }
0x245: {  	v35 =	vld.idx.msk [tilespmem:v49+s29+$0x0], $0xffff;
	[tilespmem:v51+s15+$0x0] =	vst.idx.msk $0xffff, v38;
	v61 =	vor.u32 v1, v44;
	v44 =	vand.u32 $0x7FFFFFD8, v62;
	v49 =	vadd.s32 s6, v21  }
0x246: {  	v36 =	vld.idx.msk [tilespmem:v52+s29+$0x0], $0xffff;
	v48 =	vor.u32 v1, v44;
	v44 =	vand.u32 $0x7FFFFFD8, v49;
	v52 =	vadd.s32 s6, v23  }
0x247: {  	v53 =	vor.u32 s30, v22;
	[tilespmem:v54+s15+$0x0] =	vst.idx.msk $0xffff, v39;
	v51 =	vor.u32 v1, v44;
	v44 =	vand.u32 $0x7FFFFFD8, v52  }
0x248: {  	v37 =	vld.idx.msk [tilespmem:v55+s29+$0x0], $0xffff;
	[tilespmem:v57+s15+$0x0] =	vst.idx.msk $0xffff, v40;
	v55 =	vor.u32 s30, v24;
	v54 =	vor.u32 v1, v44  }
0x249: {  	v56 =	vor.u32 s30, v25;
	v38 =	vld.idx.msk [tilespmem:v58+s29+$0x0], $0xffff;
	[tilespmem:v60+s15+$0x0] =	vst.idx.msk $0xffff, v41  }
0x24a: {  	v57 =	vor.u32 s30, v26;
	v39 =	vld.idx.msk [tilespmem:v61+s29+$0x0], $0xffff;
	[tilespmem:v63+s15+$0x0] =	vst.idx.msk $0xffff, v42  }
0x24b: {  	v58 =	vor.u32 s30, v27;
	v40 =	vld.idx.msk [tilespmem:v48+s29+$0x0], $0xffff;
	[tilespmem:v50+s15+$0x0] =	vst.idx.msk $0xffff, v43  }
0x24c: {  	v59 =	vor.u32 s30, v28;
	v41 =	vld.idx.msk [tilespmem:v51+s29+$0x0], $0xffff;
	[tilespmem:v53+s15+$0x0] =	vst.idx.msk $0xffff, v33  }
0x24d: {  	v60 =	vor.u32 s30, v29;
	v42 =	vld.idx.msk [tilespmem:v54+s29+$0x0], $0xffff;
	[tilespmem:v55+s15+$0x0] =	vst.idx.msk $0xffff, v34  }
0x24e: {  	v61 =	vor.u32 s30, v30;
	[tilespmem:v56+s15+$0x0] =	vst.idx.msk $0xffff, v35  }
0x24f: {  	v62 =	vor.u32 s30, v31;
	[tilespmem:v57+s15+$0x0] =	vst.idx.msk $0xffff, v36  }
0x250: {  	p0 =	sne.s32 s12, $0x70;
	v63 =	vor.u32 s30, v32;
	[tilespmem:v58+s15+$0x0] =	vst.idx.msk $0xffff, v37  }
.Ltmp8:
0x251: {  	[tilespmem:v59+s15+$0x0] =	vst.idx.msk $0xffff, v38;
	(pc) =	sbr.rel @p0 .LBB2_19-.Ltmp8, $4  }
0x252: {  	[tilespmem:v60+s15+$0x0] =	vst.idx.msk $0xffff, v39  }
0x253: {  	[tilespmem:v61+s15+$0x0] =	vst.idx.msk $0xffff, v40  }
0x254: {  	[tilespmem:v62+s15+$0x0] =	vst.idx.msk $0xffff, v41  }
0x255: {  	s12 =	sadd.s32 $0x10, s12;
	s6 =	sadd.s32 $0x1400, s6;
	[tilespmem:v63+s15+$0x0] =	vst.idx.msk $0xffff, v42  }
0x256: {  	s6 =	sshll.u32 s14, $0x1  }
0x257: {  	s6 =	sadd.s32 s0, s6  }
0x258: {  	s6 =	sshll.u32 s6, $0x11  }
0x259: {  	s7 =	sor.u32 s8, s6  }
0x25a: {  	s7 =	sshrl.u32 s7, $0x3  }
0x25b: {  	s12 =	simm.s32 $0x0;
	s30 =	sor.u32 s9, s6;
	s7 =	sadd.s32 s1, s7  }
0x25c: {  	[hbm4b:s7+s12] =	stream.linear.scatter [tilespmem:s15], [sflag:$0x3], $0x400, $0x38;
	[tilespmem:$0x16090] =	vst v63  }
0x25d: {  	s7 =	sshrl.u32 s30, $0x3  }
0x25e: {  	s30 =	sor.u32 s10, s6;
	s7 =	sadd.s32 s1, s7  }
0x25f: {  	[hbm4b:s7+s12] =	stream.linear.scatter [tilespmem:s20], [sflag:$0x3], $0x400, $0x38;
	[tilespmem:$0x16090] =	vst v63  }
0x260: {  	s6 =	sor.u32 s11, s6;
	s7 =	sshrl.u32 s30, $0x3  }
0x261: {  	s6 =	sshrl.u32 s6, $0x3;
	s7 =	sadd.s32 s1, s7  }
0x262: {  	[hbm4b:s7+s12] =	stream.linear.scatter [tilespmem:s21], [sflag:$0x3], $0x400, $0x38;
	[tilespmem:$0x16090] =	vst v63  }
0x263: {  	s6 =	sadd.s32 s1, s6  }
0x264: {  	[hbm4b:s6+s12] =	stream.linear.scatter [tilespmem:s22], [sflag:$0x3], $0x400, $0x38;
	[tilespmem:$0x16090] =	vst v63  }
0x265: {  	_ =	swait.ge [sflag:s23], $0x1000  }
0x266: {  	[sflag:s23] =	ssyncset.done $0x0  }
0x267: {  	s7 =	smov.u32 s13;
	s6 =	sshllo.u32 s14, $0x1;
	[sflag:s23] =	ssyncadd.s32 $0xFFFFF000  }
.LBB2_21:
0x268: {  	s30 =	sadd.s32 $0xFFFFFFF0, s7  }
0x269: {  	v33 =	vadd.s32 s30, v0  }
0x26a: {  	v43 =	vor.u32 s12, v10;
	v34 =	vadd.s32 s30, v2;
	v33 =	vand.u32 $0x7FFFFFE8, v33  }
0x26b: {  	v35 =	vadd.s32 s30, v3;
	v34 =	vand.u32 $0x7FFFFFE8, v34;
	v33 =	vor.u32 v1, v33  }
0x26c: {  	v36 =	vadd.s32 s30, v4;
	v35 =	vand.u32 $0x7FFFFFE8, v35;
	v34 =	vor.u32 v1, v34  }
0x26d: {  	v37 =	vadd.s32 s30, v5;
	v36 =	vand.u32 $0x7FFFFFE8, v36;
	v35 =	vor.u32 v1, v35  }
0x26e: {  	v38 =	vadd.s32 s30, v6;
	v37 =	vand.u32 $0x7FFFFFE8, v37;
	v36 =	vor.u32 v1, v36  }
0x26f: {  	v39 =	vadd.s32 s30, v7;
	v38 =	vand.u32 $0x7FFFFFE8, v38;
	v37 =	vor.u32 v1, v37  }
0x270: {  	v40 =	vadd.s32 s30, v8;
	v39 =	vand.u32 $0x7FFFFFE8, v39;
	v38 =	vor.u32 v1, v38;
	v33 =	vld.idx.msk [tilespmem:v33+s29+$0x0], $0xffff  }
0x271: {  	v41 =	vadd.s32 s30, v9;
	v40 =	vand.u32 $0x7FFFFFE8, v40;
	v39 =	vor.u32 v1, v39;
	v34 =	vld.idx.msk [tilespmem:v34+s29+$0x0], $0xffff  }
0x272: {  	v45 =	vor.u32 s12, v12;
	v41 =	vand.u32 $0x7FFFFFE8, v41;
	v40 =	vor.u32 v1, v40;
	v35 =	vld.idx.msk [tilespmem:v35+s29+$0x0], $0xffff  }
0x273: {  	v47 =	vor.u32 s12, v14;
	v61 =	vor.u32 s12, v16;
	v41 =	vor.u32 v1, v41;
	v36 =	vld.idx.msk [tilespmem:v36+s29+$0x0], $0xffff  }
0x274: {  	v48 =	vor.u32 s12, v18;
	v51 =	vor.u32 s12, v20;
	v42 =	vadd.s32 s30, v11;
	v37 =	vld.idx.msk [tilespmem:v37+s29+$0x0], $0xffff  }
0x275: {  	v54 =	vor.u32 s12, v22;
	v44 =	vadd.s32 s30, v13;
	v42 =	vand.u32 $0x7FFFFFE8, v42;
	v38 =	vld.idx.msk [tilespmem:v38+s29+$0x0], $0xffff  }
0x276: {  	v46 =	vadd.s32 s30, v15;
	v44 =	vand.u32 $0x7FFFFFE8, v44;
	v42 =	vor.u32 v1, v42;
	v39 =	vld.idx.msk [tilespmem:v39+s29+$0x0], $0xffff  }
0x277: {  	v60 =	vadd.s32 s30, v17;
	v46 =	vand.u32 $0x7FFFFFE8, v46;
	v44 =	vor.u32 v1, v44;
	v40 =	vld.idx.msk [tilespmem:v40+s29+$0x0], $0xffff  }
0x278: {  	v56 =	vadd.s32 s7, v0;
	v59 =	vor.u32 v1, v46;
	v41 =	vld.idx.msk [tilespmem:v41+s29+$0x0], $0xffff;
	[tilespmem:v43+s16+$0x0] =	vst.idx.msk $0xffff, v33;
	v43 =	vand.u32 $0x7FFFFFE8, v60  }
0x279: {  	v57 =	vor.u32 s12, v24;
	v63 =	vadd.s32 s30, v19;
	v62 =	vor.u32 v1, v43  }
0x27a: {  	v50 =	vadd.s32 s30, v21;
	v53 =	vadd.s32 s30, v23;
	v43 =	vand.u32 $0x7FFFFFE8, v63  }
0x27b: {  	v60 =	vor.u32 s12, v25;
	v42 =	vld.idx.msk [tilespmem:v42+s29+$0x0], $0xffff;
	[tilespmem:v45+s16+$0x0] =	vst.idx.msk $0xffff, v34;
	v49 =	vor.u32 v1, v43;
	v43 =	vand.u32 $0x7FFFFFE8, v50  }
0x27c: {  	v63 =	vor.u32 s12, v26;
	v44 =	vld.idx.msk [tilespmem:v44+s29+$0x0], $0xffff;
	[tilespmem:v47+s16+$0x0] =	vst.idx.msk $0xffff, v35;
	v52 =	vor.u32 v1, v43;
	v43 =	vand.u32 $0x7FFFFFE8, v53  }
0x27d: {  	v33 =	vld.idx.msk [tilespmem:v59+s29+$0x0], $0xffff;
	[tilespmem:v61+s16+$0x0] =	vst.idx.msk $0xffff, v36;
	v59 =	vadd.s32 s7, v2;
	v55 =	vor.u32 v1, v43;
	v43 =	vand.u32 $0xFFFFFFF8, v56  }
0x27e: {  	v58 =	vor.u32 v1, v43;
	v43 =	vand.u32 $0xFFFFFFF8, v59;
	v34 =	vld.idx.msk [tilespmem:v62+s29+$0x0], $0xffff;
	v62 =	vadd.s32 s7, v3  }
0x27f: {  	v50 =	vor.u32 s12, v27;
	[tilespmem:v48+s16+$0x0] =	vst.idx.msk $0xffff, v37;
	v61 =	vor.u32 v1, v43;
	v43 =	vand.u32 $0xFFFFFFF8, v62  }
0x280: {  	v53 =	vor.u32 s12, v28;
	v35 =	vld.idx.msk [tilespmem:v49+s29+$0x0], $0xffff;
	[tilespmem:v51+s16+$0x0] =	vst.idx.msk $0xffff, v38;
	v49 =	vadd.s32 s7, v4;
	v48 =	vor.u32 v1, v43  }
0x281: {  	v56 =	vor.u32 s12, v29;
	v36 =	vld.idx.msk [tilespmem:v52+s29+$0x0], $0xffff;
	[tilespmem:v54+s16+$0x0] =	vst.idx.msk $0xffff, v39;
	v43 =	vand.u32 $0xFFFFFFF8, v49;
	v52 =	vadd.s32 s7, v5  }
0x282: {  	v37 =	vld.idx.msk [tilespmem:v55+s29+$0x0], $0xffff;
	[tilespmem:v57+s16+$0x0] =	vst.idx.msk $0xffff, v40;
	v51 =	vor.u32 v1, v43;
	v43 =	vand.u32 $0xFFFFFFF8, v52;
	v55 =	vadd.s32 s7, v6  }
0x283: {  	v57 =	vadd.s32 s7, v7;
	v38 =	vld.idx.msk [tilespmem:v58+s29+$0x0], $0xffff;
	[tilespmem:v60+s16+$0x0] =	vst.idx.msk $0xffff, v41;
	v54 =	vor.u32 v1, v43;
	v43 =	vand.u32 $0xFFFFFFF8, v55  }
0x284: {  	v58 =	vor.u32 s12, v30;
	v60 =	vadd.s32 s7, v8;
	v39 =	vld.idx.msk [tilespmem:v61+s29+$0x0], $0xffff;
	[tilespmem:v63+s16+$0x0] =	vst.idx.msk $0xffff, v42;
	v43 =	vor.u32 v1, v43  }
0x285: {  	s30 =	sadd.s32 $0x800, s12;
	v61 =	vor.u32 s12, v31;
	v63 =	vadd.s32 s7, v9;
	v40 =	vld.idx.msk [tilespmem:v48+s29+$0x0], $0xffff;
	[tilespmem:v50+s16+$0x0] =	vst.idx.msk $0xffff, v44;
	v44 =	vand.u32 $0xFFFFFFF8, v57  }
0x286: {  	v48 =	vor.u32 s12, v32;
	v50 =	vadd.s32 s7, v11;
	v57 =	vor.u32 s30, v14  }
0x287: {  	v41 =	vld.idx.msk [tilespmem:v51+s29+$0x0], $0xffff;
	v59 =	vor.u32 v1, v44;
	v44 =	vand.u32 $0xFFFFFFF8, v60;
	v51 =	vor.u32 s30, v10  }
0x288: {  	[tilespmem:v53+s16+$0x0] =	vst.idx.msk $0xffff, v33;
	v53 =	vadd.s32 s7, v13;
	v62 =	vor.u32 v1, v44;
	v44 =	vand.u32 $0xFFFFFFF8, v63  }
0x289: {  	v60 =	vor.u32 s30, v16;
	v49 =	vor.u32 v1, v44;
	v44 =	vand.u32 $0xFFFFFFF8, v50  }
0x28a: {  	v42 =	vld.idx.msk [tilespmem:v54+s29+$0x0], $0xffff;
	[tilespmem:v56+s16+$0x0] =	vst.idx.msk $0xffff, v34;
	v54 =	vor.u32 s30, v12;
	v56 =	vadd.s32 s7, v15;
	v52 =	vor.u32 v1, v44  }
0x28b: {  	v63 =	vor.u32 s30, v18;
	v43 =	vld.idx.msk [tilespmem:v43+s29+$0x0], $0xffff;
	[tilespmem:v58+s16+$0x0] =	vst.idx.msk $0xffff, v35;
	v50 =	vor.u32 s30, v20;
	v44 =	vand.u32 $0xFFFFFFF8, v53  }
0x28c: {  	v55 =	vor.u32 v1, v44;
	v44 =	vand.u32 $0xFFFFFFF8, v56;
	v33 =	vld.idx.msk [tilespmem:v59+s29+$0x0], $0xffff;
	[tilespmem:v61+s16+$0x0] =	vst.idx.msk $0xffff, v36;
	v59 =	vadd.s32 s7, v17  }
0x28d: {  	v58 =	vor.u32 v1, v44;
	v34 =	vld.idx.msk [tilespmem:v62+s29+$0x0], $0xffff;
	[tilespmem:v48+s16+$0x0] =	vst.idx.msk $0xffff, v37;
	v44 =	vand.u32 $0xFFFFFFF8, v59;
	v62 =	vadd.s32 s7, v19  }
0x28e: {  	v35 =	vld.idx.msk [tilespmem:v49+s29+$0x0], $0xffff;
	[tilespmem:v51+s16+$0x0] =	vst.idx.msk $0xffff, v38;
	v61 =	vor.u32 v1, v44;
	v44 =	vand.u32 $0xFFFFFFF8, v62;
	v49 =	vadd.s32 s7, v21  }
0x28f: {  	v36 =	vld.idx.msk [tilespmem:v52+s29+$0x0], $0xffff;
	v48 =	vor.u32 v1, v44;
	v44 =	vand.u32 $0xFFFFFFF8, v49;
	v52 =	vadd.s32 s7, v23  }
0x290: {  	v53 =	vor.u32 s30, v22;
	[tilespmem:v54+s16+$0x0] =	vst.idx.msk $0xffff, v39;
	v51 =	vor.u32 v1, v44;
	v44 =	vand.u32 $0xFFFFFFF8, v52  }
0x291: {  	v37 =	vld.idx.msk [tilespmem:v55+s29+$0x0], $0xffff;
	[tilespmem:v57+s16+$0x0] =	vst.idx.msk $0xffff, v40;
	v55 =	vor.u32 s30, v24;
	v54 =	vor.u32 v1, v44  }
0x292: {  	v56 =	vor.u32 s30, v25;
	v38 =	vld.idx.msk [tilespmem:v58+s29+$0x0], $0xffff;
	[tilespmem:v60+s16+$0x0] =	vst.idx.msk $0xffff, v41  }
0x293: {  	v57 =	vor.u32 s30, v26;
	v39 =	vld.idx.msk [tilespmem:v61+s29+$0x0], $0xffff;
	[tilespmem:v63+s16+$0x0] =	vst.idx.msk $0xffff, v42  }
0x294: {  	v58 =	vor.u32 s30, v27;
	v40 =	vld.idx.msk [tilespmem:v48+s29+$0x0], $0xffff;
	[tilespmem:v50+s16+$0x0] =	vst.idx.msk $0xffff, v43  }
0x295: {  	v59 =	vor.u32 s30, v28;
	v41 =	vld.idx.msk [tilespmem:v51+s29+$0x0], $0xffff;
	[tilespmem:v53+s16+$0x0] =	vst.idx.msk $0xffff, v33  }
0x296: {  	v60 =	vor.u32 s30, v29;
	v42 =	vld.idx.msk [tilespmem:v54+s29+$0x0], $0xffff;
	[tilespmem:v55+s16+$0x0] =	vst.idx.msk $0xffff, v34  }
0x297: {  	v61 =	vor.u32 s30, v30;
	[tilespmem:v56+s16+$0x0] =	vst.idx.msk $0xffff, v35  }
0x298: {  	v62 =	vor.u32 s30, v31;
	[tilespmem:v57+s16+$0x0] =	vst.idx.msk $0xffff, v36  }
0x299: {  	p0 =	sne.s32 s12, $0x70;
	v63 =	vor.u32 s30, v32;
	[tilespmem:v58+s16+$0x0] =	vst.idx.msk $0xffff, v37  }
.Ltmp9:
0x29a: {  	[tilespmem:v59+s16+$0x0] =	vst.idx.msk $0xffff, v38;
	(pc) =	sbr.rel @p0 .LBB2_21-.Ltmp9, $4  }
0x29b: {  	[tilespmem:v60+s16+$0x0] =	vst.idx.msk $0xffff, v39  }
0x29c: {  	[tilespmem:v61+s16+$0x0] =	vst.idx.msk $0xffff, v40  }
0x29d: {  	[tilespmem:v62+s16+$0x0] =	vst.idx.msk $0xffff, v41  }
0x29e: {  	s12 =	sadd.s32 $0x10, s12;
	s7 =	sadd.s32 $0x1400, s7;
	[tilespmem:v63+s16+$0x0] =	vst.idx.msk $0xffff, v42  }
0x29f: {  	s6 =	sadd.s32 s0, s6  }
0x2a0: {  	s6 =	sshll.u32 s6, $0x11  }
0x2a1: {  	s7 =	sor.u32 s8, s6  }
0x2a2: {  	s7 =	sshrl.u32 s7, $0x3  }
0x2a3: {  	s12 =	sor.u32 s9, s6;
	s7 =	sadd.s32 s1, s7  }
0x2a4: {  	[hbm4b:s7+s2] =	stream.linear.scatter [tilespmem:s16], [sflag:$0x4], $0x400, $0x38;
	[tilespmem:$0x16090] =	vst v63  }
0x2a5: {  	s14 =	sadd.s32 $0x1, s14;
	s7 =	sshrl.u32 s12, $0x3  }
0x2a6: {  	p0 =	sne.s32 s14, $0x5;
	s30 =	sor.u32 s10, s6;
	s7 =	sadd.s32 s1, s7  }
0x2a7: {  	[hbm4b:s7+s2] =	stream.linear.scatter [tilespmem:s24], [sflag:$0x4], $0x400, $0x38;
	[tilespmem:$0x16090] =	vst v63  }
.Ltmp10:
0x2a8: {  	s6 =	sor.u32 s11, s6;
	s7 =	sshrl.u32 s30, $0x3;
	(pc) =	sbr.rel @p0 .LBB2_18-.Ltmp10, $4  }
0x2a9: {  	s6 =	sshrl.u32 s6, $0x3;
	s7 =	sadd.s32 s1, s7  }
0x2aa: {  	[hbm4b:s7+s2] =	stream.linear.scatter [tilespmem:s25], [sflag:$0x4], $0x400, $0x38;
	[tilespmem:$0x16090] =	vst v63  }
0x2ab: {  	s4 =	sadd.s32 $0x40, s4;
	s13 =	sadd.s32 $0x40, s13;
	s6 =	sadd.s32 s1, s6  }
0x2ac: {  	[hbm4b:s6+s2] =	stream.linear.scatter [tilespmem:s26], [sflag:$0x4], $0x400, $0x38;
	[tilespmem:$0x16090] =	vst v63  }
0x2ad: {  	s0 =	smin.u32 s3, $0x10  }
0x2ae: {  	s4 =	sld [smem:$0x0];
	s0 =	smul.u32 $0xA, s0  }
0x2af: {  	_ = 	snop  }
0x2b0: {  	s3 =	sadd.s32 $0x1E, s0  }
0x2b1: {  	s0 =	sadd.s32 s4, s3  }
0x2b2: {  	s0 =	sshll.u32 s0, $0x2  }
0x2b3: {  	s6 =	sld [smem:$0x1];
	s30 =	sand.u32 $0x1FFFFFFC, s0  }
0x2b4: {  	s0 =	simm.s32 $0xA090;
	s4 =	sadd.s32 s5, s30  }
0x2b5: {  	[tilespmem:s0], [sflag:$0x2] =	stream.linear.gather [hbm4b:s4+s2], $0x140, $0x38;
	[tilespmem:$0x16090] =	vst v63  }
0x2b6: {  	s6 =	sadd.s32 s6, s3;
	s4 =	simm.s32 $0x8  }
.LBB2_24:
0x2b7: {  	s7 =	sshra.s32 s4, $0x2;
	s6 =	sshll.u32 s6, $0x2;
	p0 =	sne.s32 s4, $0x1FC  }
.Ltmp11:
0x2b8: {  	s4 =	sadd.s32 $0x4, s4;
	s6 =	sand.u32 $0x1FFFFFFC, s6;
	(pc) =	sbr.rel @p0 .LBB2_24-.Ltmp11, $4  }
0x2b9: {  	s0 =	sadd.s32 $0x140, s0;
	s7 =	sld [smem:s7+$0x0];
	s6 =	sadd.s32 s5, s6  }
0x2ba: {  	[tilespmem:s0], [sflag:$0x2] =	stream.linear.gather [hbm4b:s6+s2], $0x140, $0x38;
	[tilespmem:$0x16090] =	vst v63  }
0x2bb: {  	_ = 	snop  }
0x2bc: {  	s6 =	sadd.s32 s7, s3  }
0x2bd: {  	s31 =	sadd.s32 $0x1, s31  }
0x2be: {  	p0 =	sne.s32 s31, $0xA  }
.Ltmp12:
0x2bf: {  	_ = 	snop;
	(pc) =	sbr.rel @p0 .LBB2_9-.Ltmp12, $4  }
0x2c0: {  	s3 =	sshll.u32 s6, $0x2  }
0x2c1: {  	s3 =	sand.u32 $0x1FFFFFFC, s3  }
0x2c2: {  	s0 =	sadd.s32 $0x140, s0;
	s3 =	sadd.s32 s5, s3  }
0x2c3: {  	[tilespmem:s0], [sflag:$0x2] =	stream.linear.gather [hbm4b:s3+s2], $0x140, $0x38;
	[tilespmem:$0x16090] =	vst v63  }
0x2c4: {  	_ =	swait.ge [sflag:s17], $0xA000  }
0x2c5: {  	[sflag:s17] =	ssyncset.done $0x0  }
0x2c6: {  	[sflag:s17] =	ssyncadd.s32 $0xFFFF6000  }
0x2c7: {  	_ =	swait.ge [sflag:s28], $0xA000  }
0x2c8: {  	[sflag:s28] =	ssyncset.done $0x0  }
0x2c9: {  	[sflag:s28] =	ssyncadd.s32 $0xFFFF6000  }
0x2ca: {  	_ =	swait.ge [sflag:s18], $0x1000  }
0x2cb: {  	[sflag:s18] =	ssyncset.done $0x0  }
0x2cc: {  	[sflag:s18] =	ssyncadd.s32 $0xFFFFF000  }
0x2cd: {  	_ =	swait.ge [sflag:s23], $0x1000  }
0x2ce: {  	s12 =	rddreg [dreg:$0x8]  }
0x2cf: {  	s0 =	rddreg [dreg:$0x7];
	s12 =	sadd.s32 $0x1, s12  }
0x2d0: {  	p0 =	sne.s32 s12, s0  }
.Ltmp13:
0x2d1: {  	_ = 	snop;
	(pc) =	sbr.rel @p0 .LBB2_1-.Ltmp13, $4  }
.Ltmp14:
0x2d2: {  	_ = 	snop;
	(pc) =	sbr.rel @!p0 .LBB2_27-.Ltmp14, $4  }
0x2d3: {  	_ = 	snop  }
0x2d4: {  	[sflag:s23] =	ssyncset.done $0x0  }
0x2d5: {  	[sflag:s23] =	ssyncadd.s32 $0xFFFFF000  }
0x2d6: {  	_ = 	snop  }
.LBB2_4:
.Ltmp15:
0x2d7: {  	(pc) =	sbr.rel .LBB2_8-.Ltmp15, $2  }
0x2d8: {  	_ =	sdelay $0x2  }
0x2d9: {  	s3 =	simm.s32 $0xA090  }
.LBB2_6:
.Ltmp16:
0x2da: {  	(pc) =	sbr.rel .LBB2_8-.Ltmp16, $2  }
0x2db: {  	_ =	sdelay $0x2  }
0x2dc: {  	s3 =	simm.s32 $0xA090  }
.LBB2_27:
0x2dd: {  	_ =	sfence.sel $0x180000  }
0x2de: {  	[bflag:$0x0] =	sbarrier.arrive $0xFFFF  }
0x2df: {  	_ =	strace $0x90000047  }
0x2e0: {  	s0 =	stileid.u32;
	[bflag:$0x2] =	sbarrier.arrive $0xFFFF  }
0x2e1: {  	p0 =	sne.s32 s0, $0x0;
	s0 =	rddreg [dreg:$0x3]  }
0x2e2: {  	s0 =	sadd.s32 @!p0 $0x100000, s0  }
0x2e3: {  	[sflag:s0] =	ssyncadd.tile.s32 @!p0 $0x1;
	_ =	shalt  }
.Lfunc_end2:
_tile_overlayer_lowered:
.L_overlay_start_2:
0x2e4: {  	(tag) =	ssettag $0x2  }
0x2e5: {  	s0 =	rddreg [dreg:$0x0];
	s2 =	stileid.u32  }
0x2e6: {  	s1 =	rddreg [dreg:$0x1];
	p0 =	sne.s32 s2, $0x0  }
0x2e7: {  	s3 =	rddreg [dreg:$0x2];
	[bflag:$0x3] =	sbarrier.arrive $0xFFFF;
	s2 =	simm.s32 @!p0 $0x1C05  }
0x2e8: {  	[timem:s3], [sflag:s2] =	dma.local @!p0 [hbm:s0], s1  }
0x2e9: {  	s0 =	simm.s32 @!p0 $0x5  }
0x2ea: {  	_ =	swait.ge @!p0 [sflag:s0], s1  }
0x2eb: {  	s1 =	ssub.s32 @!p0 $0x0, s1;
	[sflag:s0] =	ssyncset.done @!p0 $0x0  }
0x2ec: {  	[sflag:s0] =	ssyncadd.s32 @!p0 s1  }
0x2ed: {  	[bflag:$0x3] =	sbarrier.arrive $0xFFFF  }
0x2ee: {  	_ =	shalt  }

</sc_bundles>
